<compile_context>
chip_gen: v7x
topology: tpu7x:2x2x1
jax: 0.10.2.dev20260603
libtpu: 0.0.44.dev20260713+nightly
codegen_flags: <defaults>
</compile_context>

<pallas_src>
import functools

import jax
import jax.numpy as jnp
from jax import lax
from jax.experimental import pallas as pl
from jax.experimental.pallas import tpu as pltpu
from jax.experimental.pallas import tpu_sc as plsc

_N = 10000
_E = 320000
_D = 128
_OUT = 6
_G = 64

_NC = 2
_NS = 16
_NW = _NC * _NS
_CHUNK = 128
_NCHUNKS = _E // _CHUNK
_CPW = _NCHUNKS // _NW
_EXTRA = _NCHUNKS - _CPW * _NW
_RPT = 632
_NPAD = _RPT * _NS


def _seg_sum_body(h_hbm, src_hbm, dst_hbm, zeros_hbm, out_hbm,
                  src_v, dst_v, rows_v, acc, sem):
    c = lax.axis_index("c")
    s = lax.axis_index("s")
    wid = s * _NC + c

    row0 = pl.multiple_of(s * _RPT, 8)
    pltpu.sync_copy(zeros_hbm, acc.at[pl.ds(row0, _RPT)])
    plsc.subcore_barrier()

    def do_chunk(ci, carry):
        off = pl.multiple_of(ci * _CHUNK, _CHUNK)
        pltpu.sync_copy(src_hbm.at[pl.ds(off, _CHUNK)], src_v)
        pltpu.sync_copy(dst_hbm.at[pl.ds(off, _CHUNK)], dst_v)
        pltpu.async_copy(h_hbm.at[src_v], rows_v, sem).wait()
        pltpu.sync_copy(rows_v, acc.at[dst_v], add=True)
        return carry

    lax.fori_loop(wid * _CPW, (wid + 1) * _CPW, do_chunk, 0)

    @pl.when(wid < _EXTRA)
    def _():
        do_chunk(_NW * _CPW + wid, 0)

    plsc.subcore_barrier()
    pltpu.sync_copy(acc.at[pl.ds(row0, _RPT)],
                    out_hbm.at[c, pl.ds(row0, _RPT)])


_seg_sum_built = []


def _seg_sum(*args):
    if not _seg_sum_built:
        _seg_sum_built.append(functools.partial(
            pl.kernel,
            out_type=jax.ShapeDtypeStruct((_NC, _NPAD, _D), jnp.float32),
            mesh=plsc.VectorSubcoreMesh(core_axis_name="c",
                                        subcore_axis_name="s"),
            scratch_types=[
                pltpu.VMEM((_CHUNK,), jnp.int32),
                pltpu.VMEM((_CHUNK,), jnp.int32),
                pltpu.VMEM((_CHUNK, _D), jnp.float32),
                pltpu.VMEM_SHARED((_NPAD, _D), jnp.float32),
                pltpu.SemaphoreType.DMA,
            ],
        )(_seg_sum_body))
    return _seg_sum_built[0](*args)


_BLK = 1000
_NB = _N // _BLK
_HALF = _NB // 2


def _layer_body(h_ref, agg_ref, w1_ref, b1_ref, gb_ref, w2_ref, b2_ref,
                out_ref, z_scr, st_scr):
    p = pl.program_id(0)
    j = pl.program_id(1)
    recip = jnp.float32(1.0 / _N)
    nvr = _BLK // 8

    def acc_vregs(row, x):
        acc = st_scr[pl.ds(row, 8), :]
        for k in range(nvr):
            acc = acc + x[k * 8:(k + 1) * 8, :]
        st_scr[pl.ds(row, 8), :] = acc
        return acc

    def tree8(a):
        b = a[0:4, :] + a[4:8, :]
        c = b[0:2, :] + b[2:4, :]
        return c[0:1, :] + c[1:2, :]

    @pl.when(p == 0)
    def _():
        u = h_ref[...] + agg_ref[0] + agg_ref[1]
        z = jnp.dot(u, w1_ref[...], preferred_element_type=jnp.float32)
        z = z + b1_ref[...]
        z_scr[pl.ds(j * _BLK, _BLK), :] = z

        @pl.when(j == 0)
        def _():
            st_scr[...] = jnp.zeros((24, _D), jnp.float32)

        acc_vregs(0, z)

    @pl.when(p == 1)
    def _():
        @pl.when(j == _HALF)
        def _():
            st_scr[8:16, :] = jnp.zeros((8, _D), jnp.float32)

        m = tree8(st_scr[0:8, :]) * recip
        d = z_scr[pl.ds(j * _BLK, _BLK), :] - m
        acc = acc_vregs(8, d * d)

        @pl.when(j == _HALF - 1)
        def _():
            st_scr[16:17, :] = tree8(acc)

        @pl.when(j == _NB - 1)
        def _():
            st_scr[17:18, :] = tree8(acc)

    @pl.when(p == 2)
    def _():
        m = tree8(st_scr[0:8, :]) * recip
        v = (st_scr[16:17, :] + st_scr[17:18, :]) * recip
        z = z_scr[pl.ds(j * _BLK, _BLK), :]
        zn = (z - m) / jnp.sqrt(v + 1e-5) * gb_ref[0:1, :] + gb_ref[1:2, :]
        zn = jnp.maximum(zn, 0.0)
        o = jnp.dot(zn, w2_ref[...], preferred_element_type=jnp.float32)
        o = o + b2_ref[...]
        out_ref[...] = jnp.maximum(o, 0.0)


_layer_tc = pl.pallas_call(
    _layer_body,
    grid=(3, _NB),
    in_specs=[
        pl.BlockSpec((_BLK, _D), lambda p, j: (jnp.where(p == 0, j, 0), 0)),
        pl.BlockSpec((_NC, _BLK, _D),
                     lambda p, j: (0, jnp.where(p == 0, j, 0), 0)),
        pl.BlockSpec((_D, _D), lambda p, j: (0, 0)),
        pl.BlockSpec((1, _D), lambda p, j: (0, 0)),
        pl.BlockSpec((2, _D), lambda p, j: (0, 0)),
        pl.BlockSpec((_D, _D), lambda p, j: (0, 0)),
        pl.BlockSpec((1, _D), lambda p, j: (0, 0)),
    ],
    out_specs=pl.BlockSpec((_BLK, _D),
                           lambda p, j: (jnp.where(p == 2, j, 0), 0)),
    out_shape=jax.ShapeDtypeStruct((_N, _D), jnp.float32),
    scratch_shapes=[
        pltpu.VMEM((_N, _D), jnp.float32),
        pltpu.VMEM((24, _D), jnp.float32),
    ],
)


def _head_body(x_ref, b_ref, w1_ref, b1_ref, w2_ref, b2_ref,
               out_ref, pool_scr):
    j = pl.program_id(0)
    bh = b_ref[0]
    g = lax.broadcasted_iota(jnp.int32, (_G, _BLK), 0)
    oh = (g == bh).astype(jnp.float32)
    part = jnp.dot(oh, x_ref[...], preferred_element_type=jnp.float32,
                   precision=lax.Precision.HIGHEST)

    @pl.when(j == 0)
    def _():
        pool_scr[...] = part

    @pl.when(j > 0)
    def _():
        pool_scr[...] = pool_scr[...] + part

    @pl.when(j == _NB - 1)
    def _():
        p1 = jnp.dot(pool_scr[...], w1_ref[...],
                     preferred_element_type=jnp.float32) + b1_ref[...]
        p1 = jnp.maximum(p1, 0.0)
        logits = jnp.dot(p1, w2_ref[...],
                         preferred_element_type=jnp.float32) + b2_ref[...]
        mx = jnp.max(logits, axis=-1, keepdims=True)
        e = jnp.exp(logits - mx)
        lse = jnp.log(jnp.sum(e, axis=-1, keepdims=True)) + mx
        out_ref[...] = logits - lse


_head_tc = pl.pallas_call(
    _head_body,
    grid=(_NB,),
    in_specs=[
        pl.BlockSpec((_BLK, _D), lambda j: (j, 0)),
        pl.BlockSpec((1, 1, _BLK), lambda j: (j, 0, 0)),
        pl.BlockSpec((_D, _D), lambda j: (0, 0)),
        pl.BlockSpec((1, _D), lambda j: (0, 0)),
        pl.BlockSpec((_D, _D), lambda j: (0, 0)),
        pl.BlockSpec((1, _D), lambda j: (0, 0)),
    ],
    out_specs=pl.BlockSpec((_G, _D), lambda j: (0, 0)),
    out_shape=jax.ShapeDtypeStruct((_G, _D), jnp.float32),
    scratch_shapes=[pltpu.VMEM((_G, _D), jnp.float32)],
)


def kernel(x, edge_index, batch, W1s, b1s, gammas, betas, W2s, b2s,
           lin1_W, lin1_b, lin2_W, lin2_b):
    src = edge_index[0]
    dst = edge_index[1]
    zeros = jnp.zeros((_RPT, _D), jnp.float32)

    h = x
    for i in range(5):
        agg = _seg_sum(h, src, dst, zeros)
        gb = jnp.stack([gammas[i], betas[i]])
        h = _layer_tc(h, agg, W1s[i], b1s[i].reshape(1, _D), gb,
                      W2s[i], b2s[i].reshape(1, _D))
    x1 = h

    batch3 = batch.reshape(_NB, 1, _BLK)
    w2p = jnp.zeros((_D, _D), jnp.float32).at[:, :_OUT].set(lin2_W)
    b2p = jnp.full((1, _D), -1e30, jnp.float32).at[0, :_OUT].set(lin2_b)
    logp = _head_tc(x1, batch3, lin1_W, lin1_b.reshape(1, _D), w2p, b2p)
    return (logp[:, :_OUT], x1)

# --- scband reference (transcript-rebuilt; emitter-appended) ---
"""Pipeline reference for scband-ginnet-59768764892006 (READ-ONLY COPY).

The authoritative reference and input builder live on the scoring server;
editing this copy changes nothing except your own understanding.
"""

import jax, jax.numpy as jnp
import numpy as np

N = 10000
E = 320000
D = 128
OUT = 6
G = 64


def setup_inputs(seed: int = 0) -> dict:
    key = jax.random.key(seed)
    ks = jax.random.split(key, 16)
    s = 1.0 / np.sqrt(D)
    inp = {
        "x": jax.random.normal(ks[0], (N, D), dtype=jnp.float32),
        "edge_index": jax.random.randint(ks[1], (2, E), 0, N, dtype=jnp.int32),
        "batch": jnp.sort(jax.random.randint(ks[2], (N,), 0, G, dtype=jnp.int32)),
        "W1s": jax.random.uniform(ks[3], (5, D, D), minval=-s, maxval=s, dtype=jnp.float32),
        "b1s": jax.random.uniform(ks[4], (5, D), minval=-s, maxval=s, dtype=jnp.float32),
        "gammas": jnp.ones((5, D), dtype=jnp.float32),
        "betas": jnp.zeros((5, D), dtype=jnp.float32),
        "W2s": jax.random.uniform(ks[5], (5, D, D), minval=-s, maxval=s, dtype=jnp.float32),
        "b2s": jax.random.uniform(ks[6], (5, D), minval=-s, maxval=s, dtype=jnp.float32),
        "lin1_W": jax.random.uniform(ks[7], (D, D), minval=-s, maxval=s, dtype=jnp.float32),
        "lin1_b": jax.random.uniform(ks[8], (D,), minval=-s, maxval=s, dtype=jnp.float32),
        "lin2_W": jax.random.uniform(ks[9], (D, OUT), minval=-s, maxval=s, dtype=jnp.float32),
        "lin2_b": jax.random.uniform(ks[10], (OUT,), minval=-s, maxval=s, dtype=jnp.float32),
    }
    return inp


def reference(x, edge_index, batch, W1s, b1s, gammas, betas, W2s, b2s, lin1_W, lin1_b, lin2_W, lin2_b):
    src = edge_index[0]
    dst = edge_index[1]
    h = x
    for i in range(5):
        # GINConv: mlp((1+eps)*x + sum_{j->i} x_j), eps=0 default
        agg = jax.ops.segment_sum(h[src], dst, num_segments=N)
        z = h + agg
        z = z @ W1s[i] + b1s[i]
        m = jnp.mean(z, axis=0)
        v = jnp.var(z, axis=0)
        z = (z - m) / jnp.sqrt(v + 1e-5) * gammas[i] + betas[i]
        z = jax.nn.relu(z)
        z = z @ W2s[i] + b2s[i]
        h = jax.nn.relu(z)
    x1 = h  # dropout is identity in eval mode
    pooled = jax.ops.segment_sum(x1, batch, num_segments=G)  # global_add_pool
    p = jax.nn.relu(pooled @ lin1_W + lin1_b)
    logits = p @ lin2_W + lin2_b
    return (jax.nn.log_softmax(logits, axis=-1), x1)

if __name__ == "__main__":
    import jax
    _d = setup_inputs()
    print(jax.jit(kernel)(*tuple(_d.values())))

</pallas_src>

<mosaic_0001>
#map = affine_map<(d0, d1) -> (0, 0)>
#map1 = affine_map<(d0, d1) -> (0)>
#map2 = affine_map<(d0, d1) -> (0, 0, 0)>
module attributes {stable_mosaic.version = 14 : i64} {
  func.func @_seg_sum_body(%arg0: i32, %arg1: i32, %arg2: memref<10000x128xf32, #tpu.memory_space<hbm>>, %arg3: memref<320000xi32, #tpu.memory_space<hbm>>, %arg4: memref<320000xi32, #tpu.memory_space<hbm>>, %arg5: memref<632x128xf32, #tpu.memory_space<hbm>>, %arg6: memref<2x10112x128xf32, #tpu.memory_space<hbm>>, %arg7: memref<128xi32, #tpu.memory_space<vmem>>, %arg8: memref<128xi32, #tpu.memory_space<vmem>>, %arg9: memref<128x128xf32, #tpu.memory_space<vmem>>, %arg10: memref<10112x128xf32, #tpu.memory_space<vmem_shared>>, %arg11: memref<!tpu.dma_semaphore, #tpu.memory_space<semaphore_mem>>) attributes {dimension_semantics = [#tpu.dimension_semantics<core_parallel>, #tpu.dimension_semantics<subcore_parallel>], iteration_bounds = array<i64: 2, 16>, scalar_prefetch = 0 : i64, scratch_operands = 5 : i64, tpu.core_type = #tpu.core_type<sc_vector_subcore>, window_params = [{transform_indices = #map}, {transform_indices = #map1}, {transform_indices = #map1}, {transform_indices = #map}, {transform_indices = #map2}]} {
    %mul3A = arith.constant 2 : i32
    %mul3A_0 = arith.muli %arg1, %mul3A : i32
    %add3A = arith.addi %mul3A_0, %arg0 : i32
    %mul3A_1 = arith.constant 632 : i32
    %mul3A_2 = arith.muli %arg1, %mul3A_1 : i32
    %multiple_of3A = tpu.assume_multiple %mul3A_2, 8 : i32
    "tpu.region"() ({
      %run_scoped3A = tpu.sem_alloc : memref<!tpu.dma_semaphore, #tpu.memory_space<semaphore_mem>>
      %dma_start3A = arith.constant 0 : i32
      %dma_start3A_20 = tpu.memref_slice %arg10[%multiple_of3A, %dma_start3A] : memref<10112x128xf32, #tpu.memory_space<vmem_shared>> -> memref<632x128xf32, #tpu.memory_space<vmem_shared>>
      tpu.enqueue_dma source(%arg5 : memref<632x128xf32, #tpu.memory_space<hbm>>) target(%dma_start3A_20 : memref<632x128xf32, #tpu.memory_space<vmem_shared>>) target_semaphore(%run_scoped3A : memref<!tpu.dma_semaphore, #tpu.memory_space<semaphore_mem>>)
      %dma_wait3A = arith.constant 0 : i32
      %dma_wait3A_21 = tpu.memref_slice %arg10[%multiple_of3A, %dma_wait3A] : memref<10112x128xf32, #tpu.memory_space<vmem_shared>> -> memref<632x128xf32, #tpu.memory_space<vmem_shared>>
      tpu.wait_dma2 semaphore(%run_scoped3A : memref<!tpu.dma_semaphore, #tpu.memory_space<semaphore_mem>>) src(%arg5 : memref<632x128xf32, #tpu.memory_space<hbm>>) dst(%dma_wait3A_21 : memref<632x128xf32, #tpu.memory_space<vmem_shared>>)
      tpu.yield
    }) : () -> ()
    %barrier3A = arith.constant 0 : index
    tpu.barrier barrier_id(%barrier3A)
    %mul3A_3 = arith.constant 78 : i32
    %mul3A_4 = arith.muli %add3A, %mul3A_3 : i32
    %add3A_5 = arith.constant 1 : i32
    %add3A_6 = arith.addi %add3A, %add3A_5 : i32
    %mul3A_7 = arith.constant 78 : i32
    %mul3A_8 = arith.muli %add3A_6, %mul3A_7 : i32
    %while3A = arith.constant 0 : i32
    %while3A_9 = arith.subi %mul3A_8, %mul3A_4 : i32
    %while3A_10 = arith.addi %mul3A_4, %while3A_9 : i32
    %while3A_11 = arith.constant 1 : i32
    %while3A_12 = arith.divsi %while3A_9, %while3A_11 : i32
    %while3A_13 = arith.muli %while3A_12, %while3A_11 : i32
    %while3A_14 = arith.addi %mul3A_4, %while3A_13 : i32
    %while3A_15 = arith.constant 1 : i32
    scf.for %while3A_20 = %mul3A_4 to %while3A_14 step %while3A_15  : i32 {
      %mul3A_21 = arith.constant 128 : i32
      %mul3A_22 = arith.muli %while3A_20, %mul3A_21 : i32
      %multiple_of3A_23 = tpu.assume_multiple %mul3A_22, 128 : i32
      "tpu.region"() ({
        %run_scoped3A = tpu.sem_alloc : memref<!tpu.dma_semaphore, #tpu.memory_space<semaphore_mem>>
        %dma_start3A_28 = tpu.memref_slice %arg3[%multiple_of3A_23] : memref<320000xi32, #tpu.memory_space<hbm>> -> memref<128xi32, #tpu.memory_space<hbm>>
        %dma_start3A_29 = tpu.memref_slice %arg3[%multiple_of3A_23] : memref<320000xi32, #tpu.memory_space<hbm>> -> memref<128xi32, #tpu.memory_space<hbm>>
        tpu.enqueue_dma source(%dma_start3A_29 : memref<128xi32, #tpu.memory_space<hbm>>) target(%arg7 : memref<128xi32, #tpu.memory_space<vmem>>) target_semaphore(%run_scoped3A : memref<!tpu.dma_semaphore, #tpu.memory_space<semaphore_mem>>)
        %dma_wait3A_30 = tpu.memref_slice %arg3[%multiple_of3A_23] : memref<320000xi32, #tpu.memory_space<hbm>> -> memref<128xi32, #tpu.memory_space<hbm>>
        %dma_wait3A_31 = tpu.memref_slice %arg3[%multiple_of3A_23] : memref<320000xi32, #tpu.memory_space<hbm>> -> memref<128xi32, #tpu.memory_space<hbm>>
        tpu.wait_dma2 semaphore(%run_scoped3A : memref<!tpu.dma_semaphore, #tpu.memory_space<semaphore_mem>>) src(%dma_wait3A_31 : memref<128xi32, #tpu.memory_space<hbm>>) dst(%arg7 : memref<128xi32, #tpu.memory_space<vmem>>)
        tpu.yield
      }) : () -> ()
      "tpu.region"() ({
        %run_scoped3A = tpu.sem_alloc : memref<!tpu.dma_semaphore, #tpu.memory_space<semaphore_mem>>
        %dma_start3A_28 = tpu.memref_slice %arg4[%multiple_of3A_23] : memref<320000xi32, #tpu.memory_space<hbm>> -> memref<128xi32, #tpu.memory_space<hbm>>
        %dma_start3A_29 = tpu.memref_slice %arg4[%multiple_of3A_23] : memref<320000xi32, #tpu.memory_space<hbm>> -> memref<128xi32, #tpu.memory_space<hbm>>
        tpu.enqueue_dma source(%dma_start3A_29 : memref<128xi32, #tpu.memory_space<hbm>>) target(%arg8 : memref<128xi32, #tpu.memory_space<vmem>>) target_semaphore(%run_scoped3A : memref<!tpu.dma_semaphore, #tpu.memory_space<semaphore_mem>>)
        %dma_wait3A_30 = tpu.memref_slice %arg4[%multiple_of3A_23] : memref<320000xi32, #tpu.memory_space<hbm>> -> memref<128xi32, #tpu.memory_space<hbm>>
        %dma_wait3A_31 = tpu.memref_slice %arg4[%multiple_of3A_23] : memref<320000xi32, #tpu.memory_space<hbm>> -> memref<128xi32, #tpu.memory_space<hbm>>
        tpu.wait_dma2 semaphore(%run_scoped3A : memref<!tpu.dma_semaphore, #tpu.memory_space<semaphore_mem>>) src(%dma_wait3A_31 : memref<128xi32, #tpu.memory_space<hbm>>) dst(%arg8 : memref<128xi32, #tpu.memory_space<vmem>>)
        tpu.yield
      }) : () -> ()
      %dma_start3A = arith.constant 0 : i32
      %dma_start3A_24 = arith.constant 0 : i32
      %dma_start3A_25 = tpu.memref_slice %arg2[%dma_start3A, %dma_start3A_24] : memref<10000x128xf32, #tpu.memory_space<hbm>> -> memref<10000x128xf32, #tpu.memory_space<hbm>>
      tpu.enqueue_indirect_dma source(%dma_start3A_25 : memref<10000x128xf32, #tpu.memory_space<hbm>>) target(%arg9 : memref<128x128xf32, #tpu.memory_space<vmem>>) offsets(%arg7 : memref<128xi32, #tpu.memory_space<vmem>>) semaphore(%arg11 : memref<!tpu.dma_semaphore, #tpu.memory_space<semaphore_mem>>)
      %dma_wait3A = arith.constant 0 : i32
      %dma_wait3A_26 = arith.constant 0 : i32
      %dma_wait3A_27 = tpu.memref_slice %arg2[%dma_wait3A, %dma_wait3A_26] : memref<10000x128xf32, #tpu.memory_space<hbm>> -> memref<10000x128xf32, #tpu.memory_space<hbm>>
      tpu.wait_indirect_dma semaphore(%arg11 : memref<!tpu.dma_semaphore, #tpu.memory_space<semaphore_mem>>) src(%dma_wait3A_27 : memref<10000x128xf32, #tpu.memory_space<hbm>>) dst(%arg9 : memref<128x128xf32, #tpu.memory_space<vmem>>)
      "tpu.region"() ({
        %run_scoped3A = tpu.sem_alloc : memref<!tpu.dma_semaphore, #tpu.memory_space<semaphore_mem>>
        %dma_start3A_28 = arith.constant 0 : i32
        %dma_start3A_29 = arith.constant 0 : i32
        %dma_start3A_30 = tpu.memref_slice %arg10[%dma_start3A_28, %dma_start3A_29] : memref<10112x128xf32, #tpu.memory_space<vmem_shared>> -> memref<10112x128xf32, #tpu.memory_space<vmem_shared>>
        tpu.enqueue_indirect_dma source(%arg9 : memref<128x128xf32, #tpu.memory_space<vmem>>) target(%dma_start3A_30 : memref<10112x128xf32, #tpu.memory_space<vmem_shared>>) offsets(%arg8 : memref<128xi32, #tpu.memory_space<vmem>>) semaphore(%run_scoped3A : memref<!tpu.dma_semaphore, #tpu.memory_space<semaphore_mem>>) {add = true}
        %dma_wait3A_31 = arith.constant 0 : i32
        %dma_wait3A_32 = arith.constant 0 : i32
        %dma_wait3A_33 = tpu.memref_slice %arg10[%dma_wait3A_31, %dma_wait3A_32] : memref<10112x128xf32, #tpu.memory_space<vmem_shared>> -> memref<10112x128xf32, #tpu.memory_space<vmem_shared>>
        tpu.wait_indirect_dma semaphore(%run_scoped3A : memref<!tpu.dma_semaphore, #tpu.memory_space<semaphore_mem>>) src(%arg9 : memref<128x128xf32, #tpu.memory_space<vmem>>) dst(%dma_wait3A_33 : memref<10112x128xf32, #tpu.memory_space<vmem_shared>>)
        tpu.yield
      }) : () -> ()
    }
    %while3A_16 = arith.constant 1 : i32
    scf.for %while3A_20 = %while3A_14 to %while3A_10 step %while3A_16  : i32 {
      %mul3A_21 = arith.constant 128 : i32
      %mul3A_22 = arith.muli %while3A_20, %mul3A_21 : i32
      %multiple_of3A_23 = tpu.assume_multiple %mul3A_22, 128 : i32
      "tpu.region"() ({
        %run_scoped3A = tpu.sem_alloc : memref<!tpu.dma_semaphore, #tpu.memory_space<semaphore_mem>>
        %dma_start3A_28 = tpu.memref_slice %arg3[%multiple_of3A_23] : memref<320000xi32, #tpu.memory_space<hbm>> -> memref<128xi32, #tpu.memory_space<hbm>>
        %dma_start3A_29 = tpu.memref_slice %arg3[%multiple_of3A_23] : memref<320000xi32, #tpu.memory_space<hbm>> -> memref<128xi32, #tpu.memory_space<hbm>>
        tpu.enqueue_dma source(%dma_start3A_29 : memref<128xi32, #tpu.memory_space<hbm>>) target(%arg7 : memref<128xi32, #tpu.memory_space<vmem>>) target_semaphore(%run_scoped3A : memref<!tpu.dma_semaphore, #tpu.memory_space<semaphore_mem>>)
        %dma_wait3A_30 = tpu.memref_slice %arg3[%multiple_of3A_23] : memref<320000xi32, #tpu.memory_space<hbm>> -> memref<128xi32, #tpu.memory_space<hbm>>
        %dma_wait3A_31 = tpu.memref_slice %arg3[%multiple_of3A_23] : memref<320000xi32, #tpu.memory_space<hbm>> -> memref<128xi32, #tpu.memory_space<hbm>>
        tpu.wait_dma2 semaphore(%run_scoped3A : memref<!tpu.dma_semaphore, #tpu.memory_space<semaphore_mem>>) src(%dma_wait3A_31 : memref<128xi32, #tpu.memory_space<hbm>>) dst(%arg7 : memref<128xi32, #tpu.memory_space<vmem>>)
        tpu.yield
      }) : () -> ()
      "tpu.region"() ({
        %run_scoped3A = tpu.sem_alloc : memref<!tpu.dma_semaphore, #tpu.memory_space<semaphore_mem>>
        %dma_start3A_28 = tpu.memref_slice %arg4[%multiple_of3A_23] : memref<320000xi32, #tpu.memory_space<hbm>> -> memref<128xi32, #tpu.memory_space<hbm>>
        %dma_start3A_29 = tpu.memref_slice %arg4[%multiple_of3A_23] : memref<320000xi32, #tpu.memory_space<hbm>> -> memref<128xi32, #tpu.memory_space<hbm>>
        tpu.enqueue_dma source(%dma_start3A_29 : memref<128xi32, #tpu.memory_space<hbm>>) target(%arg8 : memref<128xi32, #tpu.memory_space<vmem>>) target_semaphore(%run_scoped3A : memref<!tpu.dma_semaphore, #tpu.memory_space<semaphore_mem>>)
        %dma_wait3A_30 = tpu.memref_slice %arg4[%multiple_of3A_23] : memref<320000xi32, #tpu.memory_space<hbm>> -> memref<128xi32, #tpu.memory_space<hbm>>
        %dma_wait3A_31 = tpu.memref_slice %arg4[%multiple_of3A_23] : memref<320000xi32, #tpu.memory_space<hbm>> -> memref<128xi32, #tpu.memory_space<hbm>>
        tpu.wait_dma2 semaphore(%run_scoped3A : memref<!tpu.dma_semaphore, #tpu.memory_space<semaphore_mem>>) src(%dma_wait3A_31 : memref<128xi32, #tpu.memory_space<hbm>>) dst(%arg8 : memref<128xi32, #tpu.memory_space<vmem>>)
        tpu.yield
      }) : () -> ()
      %dma_start3A = arith.constant 0 : i32
      %dma_start3A_24 = arith.constant 0 : i32
      %dma_start3A_25 = tpu.memref_slice %arg2[%dma_start3A, %dma_start3A_24] : memref<10000x128xf32, #tpu.memory_space<hbm>> -> memref<10000x128xf32, #tpu.memory_space<hbm>>
      tpu.enqueue_indirect_dma source(%dma_start3A_25 : memref<10000x128xf32, #tpu.memory_space<hbm>>) target(%arg9 : memref<128x128xf32, #tpu.memory_space<vmem>>) offsets(%arg7 : memref<128xi32, #tpu.memory_space<vmem>>) semaphore(%arg11 : memref<!tpu.dma_semaphore, #tpu.memory_space<semaphore_mem>>)
      %dma_wait3A = arith.constant 0 : i32
      %dma_wait3A_26 = arith.constant 0 : i32
      %dma_wait3A_27 = tpu.memref_slice %arg2[%dma_wait3A, %dma_wait3A_26] : memref<10000x128xf32, #tpu.memory_space<hbm>> -> memref<10000x128xf32, #tpu.memory_space<hbm>>
      tpu.wait_indirect_dma semaphore(%arg11 : memref<!tpu.dma_semaphore, #tpu.memory_space<semaphore_mem>>) src(%dma_wait3A_27 : memref<10000x128xf32, #tpu.memory_space<hbm>>) dst(%arg9 : memref<128x128xf32, #tpu.memory_space<vmem>>)
      "tpu.region"() ({
        %run_scoped3A = tpu.sem_alloc : memref<!tpu.dma_semaphore, #tpu.memory_space<semaphore_mem>>
        %dma_start3A_28 = arith.constant 0 : i32
        %dma_start3A_29 = arith.constant 0 : i32
        %dma_start3A_30 = tpu.memref_slice %arg10[%dma_start3A_28, %dma_start3A_29] : memref<10112x128xf32, #tpu.memory_space<vmem_shared>> -> memref<10112x128xf32, #tpu.memory_space<vmem_shared>>
        tpu.enqueue_indirect_dma source(%arg9 : memref<128x128xf32, #tpu.memory_space<vmem>>) target(%dma_start3A_30 : memref<10112x128xf32, #tpu.memory_space<vmem_shared>>) offsets(%arg8 : memref<128xi32, #tpu.memory_space<vmem>>) semaphore(%run_scoped3A : memref<!tpu.dma_semaphore, #tpu.memory_space<semaphore_mem>>) {add = true}
        %dma_wait3A_31 = arith.constant 0 : i32
        %dma_wait3A_32 = arith.constant 0 : i32
        %dma_wait3A_33 = tpu.memref_slice %arg10[%dma_wait3A_31, %dma_wait3A_32] : memref<10112x128xf32, #tpu.memory_space<vmem_shared>> -> memref<10112x128xf32, #tpu.memory_space<vmem_shared>>
        tpu.wait_indirect_dma semaphore(%run_scoped3A : memref<!tpu.dma_semaphore, #tpu.memory_space<semaphore_mem>>) src(%arg9 : memref<128x128xf32, #tpu.memory_space<vmem>>) dst(%dma_wait3A_33 : memref<10112x128xf32, #tpu.memory_space<vmem_shared>>)
        tpu.yield
      }) : () -> ()
    }
    %lt3A = arith.constant 4 : i32
    %lt3A_17 = arith.cmpi slt, %add3A, %lt3A : i32
    %convert_element_type3A = arith.extui %lt3A_17 : i1 to i32
    %cond3A = arith.constant 0 : i32
    %cond3A_18 = arith.cmpi ne, %convert_element_type3A, %cond3A : i32
    scf.if %cond3A_18 {
      %add3A_20 = arith.constant 2496 : i32
      %add3A_21 = arith.addi %add3A_20, %add3A : i32
      %mul3A_22 = arith.constant 128 : i32
      %mul3A_23 = arith.muli %add3A_21, %mul3A_22 : i32
      %multiple_of3A_24 = tpu.assume_multiple %mul3A_23, 128 : i32
      "tpu.region"() ({
        %run_scoped3A = tpu.sem_alloc : memref<!tpu.dma_semaphore, #tpu.memory_space<semaphore_mem>>
        %dma_start3A_29 = tpu.memref_slice %arg3[%multiple_of3A_24] : memref<320000xi32, #tpu.memory_space<hbm>> -> memref<128xi32, #tpu.memory_space<hbm>>
        %dma_start3A_30 = tpu.memref_slice %arg3[%multiple_of3A_24] : memref<320000xi32, #tpu.memory_space<hbm>> -> memref<128xi32, #tpu.memory_space<hbm>>
        tpu.enqueue_dma source(%dma_start3A_30 : memref<128xi32, #tpu.memory_space<hbm>>) target(%arg7 : memref<128xi32, #tpu.memory_space<vmem>>) target_semaphore(%run_scoped3A : memref<!tpu.dma_semaphore, #tpu.memory_space<semaphore_mem>>)
        %dma_wait3A_31 = tpu.memref_slice %arg3[%multiple_of3A_24] : memref<320000xi32, #tpu.memory_space<hbm>> -> memref<128xi32, #tpu.memory_space<hbm>>
        %dma_wait3A_32 = tpu.memref_slice %arg3[%multiple_of3A_24] : memref<320000xi32, #tpu.memory_space<hbm>> -> memref<128xi32, #tpu.memory_space<hbm>>
        tpu.wait_dma2 semaphore(%run_scoped3A : memref<!tpu.dma_semaphore, #tpu.memory_space<semaphore_mem>>) src(%dma_wait3A_32 : memref<128xi32, #tpu.memory_space<hbm>>) dst(%arg7 : memref<128xi32, #tpu.memory_space<vmem>>)
        tpu.yield
      }) : () -> ()
      "tpu.region"() ({
        %run_scoped3A = tpu.sem_alloc : memref<!tpu.dma_semaphore, #tpu.memory_space<semaphore_mem>>
        %dma_start3A_29 = tpu.memref_slice %arg4[%multiple_of3A_24] : memref<320000xi32, #tpu.memory_space<hbm>> -> memref<128xi32, #tpu.memory_space<hbm>>
        %dma_start3A_30 = tpu.memref_slice %arg4[%multiple_of3A_24] : memref<320000xi32, #tpu.memory_space<hbm>> -> memref<128xi32, #tpu.memory_space<hbm>>
        tpu.enqueue_dma source(%dma_start3A_30 : memref<128xi32, #tpu.memory_space<hbm>>) target(%arg8 : memref<128xi32, #tpu.memory_space<vmem>>) target_semaphore(%run_scoped3A : memref<!tpu.dma_semaphore, #tpu.memory_space<semaphore_mem>>)
        %dma_wait3A_31 = tpu.memref_slice %arg4[%multiple_of3A_24] : memref<320000xi32, #tpu.memory_space<hbm>> -> memref<128xi32, #tpu.memory_space<hbm>>
        %dma_wait3A_32 = tpu.memref_slice %arg4[%multiple_of3A_24] : memref<320000xi32, #tpu.memory_space<hbm>> -> memref<128xi32, #tpu.memory_space<hbm>>
        tpu.wait_dma2 semaphore(%run_scoped3A : memref<!tpu.dma_semaphore, #tpu.memory_space<semaphore_mem>>) src(%dma_wait3A_32 : memref<128xi32, #tpu.memory_space<hbm>>) dst(%arg8 : memref<128xi32, #tpu.memory_space<vmem>>)
        tpu.yield
      }) : () -> ()
      %dma_start3A = arith.constant 0 : i32
      %dma_start3A_25 = arith.constant 0 : i32
      %dma_start3A_26 = tpu.memref_slice %arg2[%dma_start3A, %dma_start3A_25] : memref<10000x128xf32, #tpu.memory_space<hbm>> -> memref<10000x128xf32, #tpu.memory_space<hbm>>
      tpu.enqueue_indirect_dma source(%dma_start3A_26 : memref<10000x128xf32, #tpu.memory_space<hbm>>) target(%arg9 : memref<128x128xf32, #tpu.memory_space<vmem>>) offsets(%arg7 : memref<128xi32, #tpu.memory_space<vmem>>) semaphore(%arg11 : memref<!tpu.dma_semaphore, #tpu.memory_space<semaphore_mem>>)
      %dma_wait3A = arith.constant 0 : i32
      %dma_wait3A_27 = arith.constant 0 : i32
      %dma_wait3A_28 = tpu.memref_slice %arg2[%dma_wait3A, %dma_wait3A_27] : memref<10000x128xf32, #tpu.memory_space<hbm>> -> memref<10000x128xf32, #tpu.memory_space<hbm>>
      tpu.wait_indirect_dma semaphore(%arg11 : memref<!tpu.dma_semaphore, #tpu.memory_space<semaphore_mem>>) src(%dma_wait3A_28 : memref<10000x128xf32, #tpu.memory_space<hbm>>) dst(%arg9 : memref<128x128xf32, #tpu.memory_space<vmem>>)
      "tpu.region"() ({
        %run_scoped3A = tpu.sem_alloc : memref<!tpu.dma_semaphore, #tpu.memory_space<semaphore_mem>>
        %dma_start3A_29 = arith.constant 0 : i32
        %dma_start3A_30 = arith.constant 0 : i32
        %dma_start3A_31 = tpu.memref_slice %arg10[%dma_start3A_29, %dma_start3A_30] : memref<10112x128xf32, #tpu.memory_space<vmem_shared>> -> memref<10112x128xf32, #tpu.memory_space<vmem_shared>>
        tpu.enqueue_indirect_dma source(%arg9 : memref<128x128xf32, #tpu.memory_space<vmem>>) target(%dma_start3A_31 : memref<10112x128xf32, #tpu.memory_space<vmem_shared>>) offsets(%arg8 : memref<128xi32, #tpu.memory_space<vmem>>) semaphore(%run_scoped3A : memref<!tpu.dma_semaphore, #tpu.memory_space<semaphore_mem>>) {add = true}
        %dma_wait3A_32 = arith.constant 0 : i32
        %dma_wait3A_33 = arith.constant 0 : i32
        %dma_wait3A_34 = tpu.memref_slice %arg10[%dma_wait3A_32, %dma_wait3A_33] : memref<10112x128xf32, #tpu.memory_space<vmem_shared>> -> memref<10112x128xf32, #tpu.memory_space<vmem_shared>>
        tpu.wait_indirect_dma semaphore(%run_scoped3A : memref<!tpu.dma_semaphore, #tpu.memory_space<semaphore_mem>>) src(%arg9 : memref<128x128xf32, #tpu.memory_space<vmem>>) dst(%dma_wait3A_34 : memref<10112x128xf32, #tpu.memory_space<vmem_shared>>)
        tpu.yield
      }) : () -> ()
    } else {
    }
    %barrier3A_19 = arith.constant 0 : index
    tpu.barrier barrier_id(%barrier3A_19)
    "tpu.region"() ({
      %run_scoped3A = tpu.sem_alloc : memref<!tpu.dma_semaphore, #tpu.memory_space<semaphore_mem>>
      %dma_start3A = arith.constant 0 : i32
      %dma_start3A_20 = tpu.memref_slice %arg6[%arg0, %multiple_of3A, %dma_start3A] : memref<2x10112x128xf32, #tpu.memory_space<hbm>> -> memref<1x632x128xf32, #tpu.memory_space<hbm>>
      %dma_start3A_21 = tpu.memref_squeeze %dma_start3A_20 : memref<1x632x128xf32, #tpu.memory_space<hbm>> -> memref<632x128xf32, #tpu.memory_space<hbm>>
      %dma_start3A_22 = arith.constant 0 : i32
      %dma_start3A_23 = tpu.memref_slice %arg10[%multiple_of3A, %dma_start3A_22] : memref<10112x128xf32, #tpu.memory_space<vmem_shared>> -> memref<632x128xf32, #tpu.memory_space<vmem_shared>>
      tpu.enqueue_dma source(%dma_start3A_23 : memref<632x128xf32, #tpu.memory_space<vmem_shared>>) target(%dma_start3A_21 : memref<632x128xf32, #tpu.memory_space<hbm>>) target_semaphore(%run_scoped3A : memref<!tpu.dma_semaphore, #tpu.memory_space<semaphore_mem>>)
      %dma_wait3A = arith.constant 0 : i32
      %dma_wait3A_24 = tpu.memref_slice %arg6[%arg0, %multiple_of3A, %dma_wait3A] : memref<2x10112x128xf32, #tpu.memory_space<hbm>> -> memref<1x632x128xf32, #tpu.memory_space<hbm>>
      %dma_wait3A_25 = tpu.memref_squeeze %dma_wait3A_24 : memref<1x632x128xf32, #tpu.memory_space<hbm>> -> memref<632x128xf32, #tpu.memory_space<hbm>>
      %dma_wait3A_26 = arith.constant 0 : i32
      %dma_wait3A_27 = tpu.memref_slice %arg10[%multiple_of3A, %dma_wait3A_26] : memref<10112x128xf32, #tpu.memory_space<vmem_shared>> -> memref<632x128xf32, #tpu.memory_space<vmem_shared>>
      tpu.wait_dma2 semaphore(%run_scoped3A : memref<!tpu.dma_semaphore, #tpu.memory_space<semaphore_mem>>) src(%dma_wait3A_27 : memref<632x128xf32, #tpu.memory_space<vmem_shared>>) dst(%dma_wait3A_25 : memref<632x128xf32, #tpu.memory_space<hbm>>)
      tpu.yield
    }) : () -> ()
    return
  }
}

#map = affine_map<(d0, d1) -> (0, 0)>
#map1 = affine_map<(d0, d1) -> (0)>
#map2 = affine_map<(d0, d1) -> (0, 0, 0)>
module attributes {stable_mosaic.version = 14 : i64} {
  func.func @_seg_sum_body(%arg0: i32, %arg1: i32, %arg2: memref<10000x128xf32, #tpu.memory_space<hbm>>, %arg3: memref<320000xi32, #tpu.memory_space<hbm>>, %arg4: memref<320000xi32, #tpu.memory_space<hbm>>, %arg5: memref<632x128xf32, #tpu.memory_space<hbm>>, %arg6: memref<2x10112x128xf32, #tpu.memory_space<hbm>>, %arg7: memref<128xi32, #tpu.memory_space<vmem>>, %arg8: memref<128xi32, #tpu.memory_space<vmem>>, %arg9: memref<128x128xf32, #tpu.memory_space<vmem>>, %arg10: memref<10112x128xf32, #tpu.memory_space<vmem_shared>>, %arg11: memref<!tpu.dma_semaphore, #tpu.memory_space<semaphore_mem>>) attributes {dimension_semantics = [#tpu.dimension_semantics<core_parallel>, #tpu.dimension_semantics<subcore_parallel>], iteration_bounds = array<i64: 2, 16>, scalar_prefetch = 0 : i64, scratch_operands = 5 : i64, tpu.core_type = #tpu.core_type<sc_vector_subcore>, window_params = [{transform_indices = #map}, {transform_indices = #map1}, {transform_indices = #map1}, {transform_indices = #map}, {transform_indices = #map2}]} {
    %mul3A = arith.constant 2 : i32
    %mul3A_0 = arith.muli %arg1, %mul3A : i32
    %add3A = arith.addi %mul3A_0, %arg0 : i32
    %mul3A_1 = arith.constant 632 : i32
    %mul3A_2 = arith.muli %arg1, %mul3A_1 : i32
    %multiple_of3A = tpu.assume_multiple %mul3A_2, 8 : i32
    "tpu.region"() ({
      %run_scoped3A = tpu.sem_alloc : memref<!tpu.dma_semaphore, #tpu.memory_space<semaphore_mem>>
      %dma_start3A = arith.constant 0 : i32
      %dma_start3A_20 = tpu.memref_slice %arg10[%multiple_of3A, %dma_start3A] : memref<10112x128xf32, #tpu.memory_space<vmem_shared>> -> memref<632x128xf32, #tpu.memory_space<vmem_shared>>
      tpu.enqueue_dma source(%arg5 : memref<632x128xf32, #tpu.memory_space<hbm>>) target(%dma_start3A_20 : memref<632x128xf32, #tpu.memory_space<vmem_shared>>) target_semaphore(%run_scoped3A : memref<!tpu.dma_semaphore, #tpu.memory_space<semaphore_mem>>)
      %dma_wait3A = arith.constant 0 : i32
      %dma_wait3A_21 = tpu.memref_slice %arg10[%multiple_of3A, %dma_wait3A] : memref<10112x128xf32, #tpu.memory_space<vmem_shared>> -> memref<632x128xf32, #tpu.memory_space<vmem_shared>>
      tpu.wait_dma2 semaphore(%run_scoped3A : memref<!tpu.dma_semaphore, #tpu.memory_space<semaphore_mem>>) src(%arg5 : memref<632x128xf32, #tpu.memory_space<hbm>>) dst(%dma_wait3A_21 : memref<632x128xf32, #tpu.memory_space<vmem_shared>>)
      tpu.yield
    }) : () -> ()
    %barrier3A = arith.constant 0 : index
    tpu.barrier barrier_id(%barrier3A)
    %mul3A_3 = arith.constant 78 : i32
    %mul3A_4 = arith.muli %add3A, %mul3A_3 : i32
    %add3A_5 = arith.constant 1 : i32
    %add3A_6 = arith.addi %add3A, %add3A_5 : i32
    %mul3A_7 = arith.constant 78 : i32
    %mul3A_8 = arith.muli %add3A_6, %mul3A_7 : i32
    %while3A = arith.constant 0 : i32
    %while3A_9 = arith.subi %mul3A_8, %mul3A_4 : i32
    %while3A_10 = arith.addi %mul3A_4, %while3A_9 : i32
    %while3A_11 = arith.constant 1 : i32
    %while3A_12 = arith.divsi %while3A_9, %while3A_11 : i32
    %while3A_13 = arith.muli %while3A_12, %while3A_11 : i32
    %while3A_14 = arith.addi %mul3A_4, %while3A_13 : i32
    %while3A_15 = arith.constant 1 : i32
    scf.for %while3A_20 = %mul3A_4 to %while3A_14 step %while3A_15  : i32 {
      %mul3A_21 = arith.constant 128 : i32
      %mul3A_22 = arith.muli %while3A_20, %mul3A_21 : i32
      %multiple_of3A_23 = tpu.assume_multiple %mul3A_22, 128 : i32
      "tpu.region"() ({
        %run_scoped3A = tpu.sem_alloc : memref<!tpu.dma_semaphore, #tpu.memory_space<semaphore_mem>>
        %dma_start3A_28 = tpu.memref_slice %arg3[%multiple_of3A_23] : memref<320000xi32, #tpu.memory_space<hbm>> -> memref<128xi32, #tpu.memory_space<hbm>>
        %dma_start3A_29 = tpu.memref_slice %arg3[%multiple_of3A_23] : memref<320000xi32, #tpu.memory_space<hbm>> -> memref<128xi32, #tpu.memory_space<hbm>>
        tpu.enqueue_dma source(%dma_start3A_29 : memref<128xi32, #tpu.memory_space<hbm>>) target(%arg7 : memref<128xi32, #tpu.memory_space<vmem>>) target_semaphore(%run_scoped3A : memref<!tpu.dma_semaphore, #tpu.memory_space<semaphore_mem>>)
        %dma_wait3A_30 = tpu.memref_slice %arg3[%multiple_of3A_23] : memref<320000xi32, #tpu.memory_space<hbm>> -> memref<128xi32, #tpu.memory_space<hbm>>
        %dma_wait3A_31 = tpu.memref_slice %arg3[%multiple_of3A_23] : memref<320000xi32, #tpu.memory_space<hbm>> -> memref<128xi32, #tpu.memory_space<hbm>>
        tpu.wait_dma2 semaphore(%run_scoped3A : memref<!tpu.dma_semaphore, #tpu.memory_space<semaphore_mem>>) src(%dma_wait3A_31 : memref<128xi32, #tpu.memory_space<hbm>>) dst(%arg7 : memref<128xi32, #tpu.memory_space<vmem>>)
        tpu.yield
      }) : () -> ()
      "tpu.region"() ({
        %run_scoped3A = tpu.sem_alloc : memref<!tpu.dma_semaphore, #tpu.memory_space<semaphore_mem>>
        %dma_start3A_28 = tpu.memref_slice %arg4[%multiple_of3A_23] : memref<320000xi32, #tpu.memory_space<hbm>> -> memref<128xi32, #tpu.memory_space<hbm>>
        %dma_start3A_29 = tpu.memref_slice %arg4[%multiple_of3A_23] : memref<320000xi32, #tpu.memory_space<hbm>> -> memref<128xi32, #tpu.memory_space<hbm>>
        tpu.enqueue_dma source(%dma_start3A_29 : memref<128xi32, #tpu.memory_space<hbm>>) target(%arg8 : memref<128xi32, #tpu.memory_space<vmem>>) target_semaphore(%run_scoped3A : memref<!tpu.dma_semaphore, #tpu.memory_space<semaphore_mem>>)
        %dma_wait3A_30 = tpu.memref_slice %arg4[%multiple_of3A_23] : memref<320000xi32, #tpu.memory_space<hbm>> -> memref<128xi32, #tpu.memory_space<hbm>>
        %dma_wait3A_31 = tpu.memref_slice %arg4[%multiple_of3A_23] : memref<320000xi32, #tpu.memory_space<hbm>> -> memref<128xi32, #tpu.memory_space<hbm>>
        tpu.wait_dma2 semaphore(%run_scoped3A : memref<!tpu.dma_semaphore, #tpu.memory_space<semaphore_mem>>) src(%dma_wait3A_31 : memref<128xi32, #tpu.memory_space<hbm>>) dst(%arg8 : memref<128xi32, #tpu.memory_space<vmem>>)
        tpu.yield
      }) : () -> ()
      %dma_start3A = arith.constant 0 : i32
      %dma_start3A_24 = arith.constant 0 : i32
      %dma_start3A_25 = tpu.memref_slice %arg2[%dma_start3A, %dma_start3A_24] : memref<10000x128xf32, #tpu.memory_space<hbm>> -> memref<10000x128xf32, #tpu.memory_space<hbm>>
      tpu.enqueue_indirect_dma source(%dma_start3A_25 : memref<10000x128xf32, #tpu.memory_space<hbm>>) target(%arg9 : memref<128x128xf32, #tpu.memory_space<vmem>>) offsets(%arg7 : memref<128xi32, #tpu.memory_space<vmem>>) semaphore(%arg11 : memref<!tpu.dma_semaphore, #tpu.memory_space<semaphore_mem>>)
      %dma_wait3A = arith.constant 0 : i32
      %dma_wait3A_26 = arith.constant 0 : i32
      %dma_wait3A_27 = tpu.memref_slice %arg2[%dma_wait3A, %dma_wait3A_26] : memref<10000x128xf32, #tpu.memory_space<hbm>> -> memref<10000x128xf32, #tpu.memory_space<hbm>>
      tpu.wait_indirect_dma semaphore(%arg11 : memref<!tpu.dma_semaphore, #tpu.memory_space<semaphore_mem>>) src(%dma_wait3A_27 : memref<10000x128xf32, #tpu.memory_space<hbm>>) dst(%arg9 : memref<128x128xf32, #tpu.memory_space<vmem>>)
      "tpu.region"() ({
        %run_scoped3A = tpu.sem_alloc : memref<!tpu.dma_semaphore, #tpu.memory_space<semaphore_mem>>
        %dma_start3A_28 = arith.constant 0 : i32
        %dma_start3A_29 = arith.constant 0 : i32
        %dma_start3A_30 = tpu.memref_slice %arg10[%dma_start3A_28, %dma_start3A_29] : memref<10112x128xf32, #tpu.memory_space<vmem_shared>> -> memref<10112x128xf32, #tpu.memory_space<vmem_shared>>
        tpu.enqueue_indirect_dma source(%arg9 : memref<128x128xf32, #tpu.memory_space<vmem>>) target(%dma_start3A_30 : memref<10112x128xf32, #tpu.memory_space<vmem_shared>>) offsets(%arg8 : memref<128xi32, #tpu.memory_space<vmem>>) semaphore(%run_scoped3A : memref<!tpu.dma_semaphore, #tpu.memory_space<semaphore_mem>>) {add = true}
        %dma_wait3A_31 = arith.constant 0 : i32
        %dma_wait3A_32 = arith.constant 0 : i32
        %dma_wait3A_33 = tpu.memref_slice %arg10[%dma_wait3A_31, %dma_wait3A_32] : memref<10112x128xf32, #tpu.memory_space<vmem_shared>> -> memref<10112x128xf32, #tpu.memory_space<vmem_shared>>
        tpu.wait_indirect_dma semaphore(%run_scoped3A : memref<!tpu.dma_semaphore, #tpu.memory_space<semaphore_mem>>) src(%arg9 : memref<128x128xf32, #tpu.memory_space<vmem>>) dst(%dma_wait3A_33 : memref<10112x128xf32, #tpu.memory_space<vmem_shared>>)
        tpu.yield
      }) : () -> ()
    }
    %while3A_16 = arith.constant 1 : i32
    scf.for %while3A_20 = %while3A_14 to %while3A_10 step %while3A_16  : i32 {
      %mul3A_21 = arith.constant 128 : i32
      %mul3A_22 = arith.muli %while3A_20, %mul3A_21 : i32
      %multiple_of3A_23 = tpu.assume_multiple %mul3A_22, 128 : i32
      "tpu.region"() ({
        %run_scoped3A = tpu.sem_alloc : memref<!tpu.dma_semaphore, #tpu.memory_space<semaphore_mem>>
        %dma_start3A_28 = tpu.memref_slice %arg3[%multiple_of3A_23] : memref<320000xi32, #tpu.memory_space<hbm>> -> memref<128xi32, #tpu.memory_space<hbm>>
        %dma_start3A_29 = tpu.memref_slice %arg3[%multiple_of3A_23] : memref<320000xi32, #tpu.memory_space<hbm>> -> memref<128xi32, #tpu.memory_space<hbm>>
        tpu.enqueue_dma source(%dma_start3A_29 : memref<128xi32, #tpu.memory_space<hbm>>) target(%arg7 : memref<128xi32, #tpu.memory_space<vmem>>) target_semaphore(%run_scoped3A : memref<!tpu.dma_semaphore, #tpu.memory_space<semaphore_mem>>)
        %dma_wait3A_30 = tpu.memref_slice %arg3[%multiple_of3A_23] : memref<320000xi32, #tpu.memory_space<hbm>> -> memref<128xi32, #tpu.memory_space<hbm>>
        %dma_wait3A_31 = tpu.memref_slice %arg3[%multiple_of3A_23] : memref<320000xi32, #tpu.memory_space<hbm>> -> memref<128xi32, #tpu.memory_space<hbm>>
        tpu.wait_dma2 semaphore(%run_scoped3A : memref<!tpu.dma_semaphore, #tpu.memory_space<semaphore_mem>>) src(%dma_wait3A_31 : memref<128xi32, #tpu.memory_space<hbm>>) dst(%arg7 : memref<128xi32, #tpu.memory_space<vmem>>)
        tpu.yield
      }) : () -> ()
      "tpu.region"() ({
        %run_scoped3A = tpu.sem_alloc : memref<!tpu.dma_semaphore, #tpu.memory_space<semaphore_mem>>
        %dma_start3A_28 = tpu.memref_slice %arg4[%multiple_of3A_23] : memref<320000xi32, #tpu.memory_space<hbm>> -> memref<128xi32, #tpu.memory_space<hbm>>
        %dma_start3A_29 = tpu.memref_slice %arg4[%multiple_of3A_23] : memref<320000xi32, #tpu.memory_space<hbm>> -> memref<128xi32, #tpu.memory_space<hbm>>
        tpu.enqueue_dma source(%dma_start3A_29 : memref<128xi32, #tpu.memory_space<hbm>>) target(%arg8 : memref<128xi32, #tpu.memory_space<vmem>>) target_semaphore(%run_scoped3A : memref<!tpu.dma_semaphore, #tpu.memory_space<semaphore_mem>>)
        %dma_wait3A_30 = tpu.memref_slice %arg4[%multiple_of3A_23] : memref<320000xi32, #tpu.memory_space<hbm>> -> memref<128xi32, #tpu.memory_space<hbm>>
        %dma_wait3A_31 = tpu.memref_slice %arg4[%multiple_of3A_23] : memref<320000xi32, #tpu.memory_space<hbm>> -> memref<128xi32, #tpu.memory_space<hbm>>
        tpu.wait_dma2 semaphore(%run_scoped3A : memref<!tpu.dma_semaphore, #tpu.memory_space<semaphore_mem>>) src(%dma_wait3A_31 : memref<128xi32, #tpu.memory_space<hbm>>) dst(%arg8 : memref<128xi32, #tpu.memory_space<vmem>>)
        tpu.yield
      }) : () -> ()
      %dma_start3A = arith.constant 0 : i32
      %dma_start3A_24 = arith.constant 0 : i32
      %dma_start3A_25 = tpu.memref_slice %arg2[%dma_start3A, %dma_start3A_24] : memref<10000x128xf32, #tpu.memory_space<hbm>> -> memref<10000x128xf32, #tpu.memory_space<hbm>>
      tpu.enqueue_indirect_dma source(%dma_start3A_25 : memref<10000x128xf32, #tpu.memory_space<hbm>>) target(%arg9 : memref<128x128xf32, #tpu.memory_space<vmem>>) offsets(%arg7 : memref<128xi32, #tpu.memory_space<vmem>>) semaphore(%arg11 : memref<!tpu.dma_semaphore, #tpu.memory_space<semaphore_mem>>)
      %dma_wait3A = arith.constant 0 : i32
      %dma_wait3A_26 = arith.constant 0 : i32
      %dma_wait3A_27 = tpu.memref_slice %arg2[%dma_wait3A, %dma_wait3A_26] : memref<10000x128xf32, #tpu.memory_space<hbm>> -> memref<10000x128xf32, #tpu.memory_space<hbm>>
      tpu.wait_indirect_dma semaphore(%arg11 : memref<!tpu.dma_semaphore, #tpu.memory_space<semaphore_mem>>) src(%dma_wait3A_27 : memref<10000x128xf32, #tpu.memory_space<hbm>>) dst(%arg9 : memref<128x128xf32, #tpu.memory_space<vmem>>)
      "tpu.region"() ({
        %run_scoped3A = tpu.sem_alloc : memref<!tpu.dma_semaphore, #tpu.memory_space<semaphore_mem>>
        %dma_start3A_28 = arith.constant 0 : i32
        %dma_start3A_29 = arith.constant 0 : i32
        %dma_start3A_30 = tpu.memref_slice %arg10[%dma_start3A_28, %dma_start3A_29] : memref<10112x128xf32, #tpu.memory_space<vmem_shared>> -> memref<10112x128xf32, #tpu.memory_space<vmem_shared>>
        tpu.enqueue_indirect_dma source(%arg9 : memref<128x128xf32, #tpu.memory_space<vmem>>) target(%dma_start3A_30 : memref<10112x128xf32, #tpu.memory_space<vmem_shared>>) offsets(%arg8 : memref<128xi32, #tpu.memory_space<vmem>>) semaphore(%run_scoped3A : memref<!tpu.dma_semaphore, #tpu.memory_space<semaphore_mem>>) {add = true}
        %dma_wait3A_31 = arith.constant 0 : i32
        %dma_wait3A_32 = arith.constant 0 : i32
        %dma_wait3A_33 = tpu.memref_slice %arg10[%dma_wait3A_31, %dma_wait3A_32] : memref<10112x128xf32, #tpu.memory_space<vmem_shared>> -> memref<10112x128xf32, #tpu.memory_space<vmem_shared>>
        tpu.wait_indirect_dma semaphore(%run_scoped3A : memref<!tpu.dma_semaphore, #tpu.memory_space<semaphore_mem>>) src(%arg9 : memref<128x128xf32, #tpu.memory_space<vmem>>) dst(%dma_wait3A_33 : memref<10112x128xf32, #tpu.memory_space<vmem_shared>>)
        tpu.yield
      }) : () -> ()
    }
    %lt3A = arith.constant 4 : i32
    %lt3A_17 = arith.cmpi slt, %add3A, %lt3A : i32
    %convert_element_type3A = arith.extui %lt3A_17 : i1 to i32
    %cond3A = arith.constant 0 : i32
    %cond3A_18 = arith.cmpi ne, %convert_element_type3A, %cond3A : i32
    scf.if %cond3A_18 {
      %add3A_20 = arith.constant 2496 : i32
      %add3A_21 = arith.addi %add3A_20, %add3A : i32
      %mul3A_22 = arith.constant 128 : i32
      %mul3A_23 = arith.muli %add3A_21, %mul3A_22 : i32
      %multiple_of3A_24 = tpu.assume_multiple %mul3A_23, 128 : i32
      "tpu.region"() ({
        %run_scoped3A = tpu.sem_alloc : memref<!tpu.dma_semaphore, #tpu.memory_space<semaphore_mem>>
        %dma_start3A_29 = tpu.memref_slice %arg3[%multiple_of3A_24] : memref<320000xi32, #tpu.memory_space<hbm>> -> memref<128xi32, #tpu.memory_space<hbm>>
        %dma_start3A_30 = tpu.memref_slice %arg3[%multiple_of3A_24] : memref<320000xi32, #tpu.memory_space<hbm>> -> memref<128xi32, #tpu.memory_space<hbm>>
        tpu.enqueue_dma source(%dma_start3A_30 : memref<128xi32, #tpu.memory_space<hbm>>) target(%arg7 : memref<128xi32, #tpu.memory_space<vmem>>) target_semaphore(%run_scoped3A : memref<!tpu.dma_semaphore, #tpu.memory_space<semaphore_mem>>)
        %dma_wait3A_31 = tpu.memref_slice %arg3[%multiple_of3A_24] : memref<320000xi32, #tpu.memory_space<hbm>> -> memref<128xi32, #tpu.memory_space<hbm>>
        %dma_wait3A_32 = tpu.memref_slice %arg3[%multiple_of3A_24] : memref<320000xi32, #tpu.memory_space<hbm>> -> memref<128xi32, #tpu.memory_space<hbm>>
        tpu.wait_dma2 semaphore(%run_scoped3A : memref<!tpu.dma_semaphore, #tpu.memory_space<semaphore_mem>>) src(%dma_wait3A_32 : memref<128xi32, #tpu.memory_space<hbm>>) dst(%arg7 : memref<128xi32, #tpu.memory_space<vmem>>)
        tpu.yield
      }) : () -> ()
      "tpu.region"() ({
        %run_scoped3A = tpu.sem_alloc : memref<!tpu.dma_semaphore, #tpu.memory_space<semaphore_mem>>
        %dma_start3A_29 = tpu.memref_slice %arg4[%multiple_of3A_24] : memref<320000xi32, #tpu.memory_space<hbm>> -> memref<128xi32, #tpu.memory_space<hbm>>
        %dma_start3A_30 = tpu.memref_slice %arg4[%multiple_of3A_24] : memref<320000xi32, #tpu.memory_space<hbm>> -> memref<128xi32, #tpu.memory_space<hbm>>
        tpu.enqueue_dma source(%dma_start3A_30 : memref<128xi32, #tpu.memory_space<hbm>>) target(%arg8 : memref<128xi32, #tpu.memory_space<vmem>>) target_semaphore(%run_scoped3A : memref<!tpu.dma_semaphore, #tpu.memory_space<semaphore_mem>>)
        %dma_wait3A_31 = tpu.memref_slice %arg4[%multiple_of3A_24] : memref<320000xi32, #tpu.memory_space<hbm>> -> memref<128xi32, #tpu.memory_space<hbm>>
        %dma_wait3A_32 = tpu.memref_slice %arg4[%multiple_of3A_24] : memref<320000xi32, #tpu.memory_space<hbm>> -> memref<128xi32, #tpu.memory_space<hbm>>
        tpu.wait_dma2 semaphore(%run_scoped3A : memref<!tpu.dma_semaphore, #tpu.memory_space<semaphore_mem>>) src(%dma_wait3A_32 : memref<128xi32, #tpu.memory_space<hbm>>) dst(%arg8 : memref<128xi32, #tpu.memory_space<vmem>>)
        tpu.yield
      }) : () -> ()
      %dma_start3A = arith.constant 0 : i32
      %dma_start3A_25 = arith.constant 0 : i32
      %dma_start3A_26 = tpu.memref_slice %arg2[%dma_start3A, %dma_start3A_25] : memref<10000x128xf32, #tpu.memory_space<hbm>> -> memref<10000x128xf32, #tpu.memory_space<hbm>>
      tpu.enqueue_indirect_dma source(%dma_start3A_26 : memref<10000x128xf32, #tpu.memory_space<hbm>>) target(%arg9 : memref<128x128xf32, #tpu.memory_space<vmem>>) offsets(%arg7 : memref<128xi32, #tpu.memory_space<vmem>>) semaphore(%arg11 : memref<!tpu.dma_semaphore, #tpu.memory_space<semaphore_mem>>)
      %dma_wait3A = arith.constant 0 : i32
      %dma_wait3A_27 = arith.constant 0 : i32
      %dma_wait3A_28 = tpu.memref_slice %arg2[%dma_wait3A, %dma_wait3A_27] : memref<10000x128xf32, #tpu.memory_space<hbm>> -> memref<10000x128xf32, #tpu.memory_space<hbm>>
      tpu.wait_indirect_dma semaphore(%arg11 : memref<!tpu.dma_semaphore, #tpu.memory_space<semaphore_mem>>) src(%dma_wait3A_28 : memref<10000x128xf32, #tpu.memory_space<hbm>>) dst(%arg9 : memref<128x128xf32, #tpu.memory_space<vmem>>)
      "tpu.region"() ({
        %run_scoped3A = tpu.sem_alloc : memref<!tpu.dma_semaphore, #tpu.memory_space<semaphore_mem>>
        %dma_start3A_29 = arith.constant 0 : i32
        %dma_start3A_30 = arith.constant 0 : i32
        %dma_start3A_31 = tpu.memref_slice %arg10[%dma_start3A_29, %dma_start3A_30] : memref<10112x128xf32, #tpu.memory_space<vmem_shared>> -> memref<10112x128xf32, #tpu.memory_space<vmem_shared>>
        tpu.enqueue_indirect_dma source(%arg9 : memref<128x128xf32, #tpu.memory_space<vmem>>) target(%dma_start3A_31 : memref<10112x128xf32, #tpu.memory_space<vmem_shared>>) offsets(%arg8 : memref<128xi32, #tpu.memory_space<vmem>>) semaphore(%run_scoped3A : memref<!tpu.dma_semaphore, #tpu.memory_space<semaphore_mem>>) {add = true}
        %dma_wait3A_32 = arith.constant 0 : i32
        %dma_wait3A_33 = arith.constant 0 : i32
        %dma_wait3A_34 = tpu.memref_slice %arg10[%dma_wait3A_32, %dma_wait3A_33] : memref<10112x128xf32, #tpu.memory_space<vmem_shared>> -> memref<10112x128xf32, #tpu.memory_space<vmem_shared>>
        tpu.wait_indirect_dma semaphore(%run_scoped3A : memref<!tpu.dma_semaphore, #tpu.memory_space<semaphore_mem>>) src(%arg9 : memref<128x128xf32, #tpu.memory_space<vmem>>) dst(%dma_wait3A_34 : memref<10112x128xf32, #tpu.memory_space<vmem_shared>>)
        tpu.yield
      }) : () -> ()
    } else {
    }
    %barrier3A_19 = arith.constant 0 : index
    tpu.barrier barrier_id(%barrier3A_19)
    "tpu.region"() ({
      %run_scoped3A = tpu.sem_alloc : memref<!tpu.dma_semaphore, #tpu.memory_space<semaphore_mem>>
      %dma_start3A = arith.constant 0 : i32
      %dma_start3A_20 = tpu.memref_slice %arg6[%arg0, %multiple_of3A, %dma_start3A] : memref<2x10112x128xf32, #tpu.memory_space<hbm>> -> memref<1x632x128xf32, #tpu.memory_space<hbm>>
      %dma_start3A_21 = tpu.memref_squeeze %dma_start3A_20 : memref<1x632x128xf32, #tpu.memory_space<hbm>> -> memref<632x128xf32, #tpu.memory_space<hbm>>
      %dma_start3A_22 = arith.constant 0 : i32
      %dma_start3A_23 = tpu.memref_slice %arg10[%multiple_of3A, %dma_start3A_22] : memref<10112x128xf32, #tpu.memory_space<vmem_shared>> -> memref<632x128xf32, #tpu.memory_space<vmem_shared>>
      tpu.enqueue_dma source(%dma_start3A_23 : memref<632x128xf32, #tpu.memory_space<vmem_shared>>) target(%dma_start3A_21 : memref<632x128xf32, #tpu.memory_space<hbm>>) target_semaphore(%run_scoped3A : memref<!tpu.dma_semaphore, #tpu.memory_space<semaphore_mem>>)
      %dma_wait3A = arith.constant 0 : i32
      %dma_wait3A_24 = tpu.memref_slice %arg6[%arg0, %multiple_of3A, %dma_wait3A] : memref<2x10112x128xf32, #tpu.memory_space<hbm>> -> memref<1x632x128xf32, #tpu.memory_space<hbm>>
      %dma_wait3A_25 = tpu.memref_squeeze %dma_wait3A_24 : memref<1x632x128xf32, #tpu.memory_space<hbm>> -> memref<632x128xf32, #tpu.memory_space<hbm>>
      %dma_wait3A_26 = arith.constant 0 : i32
      %dma_wait3A_27 = tpu.memref_slice %arg10[%multiple_of3A, %dma_wait3A_26] : memref<10112x128xf32, #tpu.memory_space<vmem_shared>> -> memref<632x128xf32, #tpu.memory_space<vmem_shared>>
      tpu.wait_dma2 semaphore(%run_scoped3A : memref<!tpu.dma_semaphore, #tpu.memory_space<semaphore_mem>>) src(%dma_wait3A_27 : memref<632x128xf32, #tpu.memory_space<vmem_shared>>) dst(%dma_wait3A_25 : memref<632x128xf32, #tpu.memory_space<hbm>>)
      tpu.yield
    }) : () -> ()
    return
  }
}

#map = affine_map<(d0, d1) -> (0, 0)>
#map1 = affine_map<(d0, d1) -> (0)>
#map2 = affine_map<(d0, d1) -> (0, 0, 0)>
module attributes {stable_mosaic.version = 14 : i64} {
  func.func @_seg_sum_body(%arg0: i32, %arg1: i32, %arg2: memref<10000x128xf32, #tpu.memory_space<hbm>>, %arg3: memref<320000xi32, #tpu.memory_space<hbm>>, %arg4: memref<320000xi32, #tpu.memory_space<hbm>>, %arg5: memref<632x128xf32, #tpu.memory_space<hbm>>, %arg6: memref<2x10112x128xf32, #tpu.memory_space<hbm>>, %arg7: memref<128xi32, #tpu.memory_space<vmem>>, %arg8: memref<128xi32, #tpu.memory_space<vmem>>, %arg9: memref<128x128xf32, #tpu.memory_space<vmem>>, %arg10: memref<10112x128xf32, #tpu.memory_space<vmem_shared>>, %arg11: memref<!tpu.dma_semaphore, #tpu.memory_space<semaphore_mem>>) attributes {dimension_semantics = [#tpu.dimension_semantics<core_parallel>, #tpu.dimension_semantics<subcore_parallel>], iteration_bounds = array<i64: 2, 16>, scalar_prefetch = 0 : i64, scratch_operands = 5 : i64, tpu.core_type = #tpu.core_type<sc_vector_subcore>, window_params = [{transform_indices = #map}, {transform_indices = #map1}, {transform_indices = #map1}, {transform_indices = #map}, {transform_indices = #map2}]} {
    %mul3A = arith.constant 2 : i32
    %mul3A_0 = arith.muli %arg1, %mul3A : i32
    %add3A = arith.addi %mul3A_0, %arg0 : i32
    %mul3A_1 = arith.constant 632 : i32
    %mul3A_2 = arith.muli %arg1, %mul3A_1 : i32
    %multiple_of3A = tpu.assume_multiple %mul3A_2, 8 : i32
    "tpu.region"() ({
      %run_scoped3A = tpu.sem_alloc : memref<!tpu.dma_semaphore, #tpu.memory_space<semaphore_mem>>
      %dma_start3A = arith.constant 0 : i32
      %dma_start3A_20 = tpu.memref_slice %arg10[%multiple_of3A, %dma_start3A] : memref<10112x128xf32, #tpu.memory_space<vmem_shared>> -> memref<632x128xf32, #tpu.memory_space<vmem_shared>>
      tpu.enqueue_dma source(%arg5 : memref<632x128xf32, #tpu.memory_space<hbm>>) target(%dma_start3A_20 : memref<632x128xf32, #tpu.memory_space<vmem_shared>>) target_semaphore(%run_scoped3A : memref<!tpu.dma_semaphore, #tpu.memory_space<semaphore_mem>>)
      %dma_wait3A = arith.constant 0 : i32
      %dma_wait3A_21 = tpu.memref_slice %arg10[%multiple_of3A, %dma_wait3A] : memref<10112x128xf32, #tpu.memory_space<vmem_shared>> -> memref<632x128xf32, #tpu.memory_space<vmem_shared>>
      tpu.wait_dma2 semaphore(%run_scoped3A : memref<!tpu.dma_semaphore, #tpu.memory_space<semaphore_mem>>) src(%arg5 : memref<632x128xf32, #tpu.memory_space<hbm>>) dst(%dma_wait3A_21 : memref<632x128xf32, #tpu.memory_space<vmem_shared>>)
      tpu.yield
    }) : () -> ()
    %barrier3A = arith.constant 0 : index
    tpu.barrier barrier_id(%barrier3A)
    %mul3A_3 = arith.constant 78 : i32
    %mul3A_4 = arith.muli %add3A, %mul3A_3 : i32
    %add3A_5 = arith.constant 1 : i32
    %add3A_6 = arith.addi %add3A, %add3A_5 : i32
    %mul3A_7 = arith.constant 78 : i32
    %mul3A_8 = arith.muli %add3A_6, %mul3A_7 : i32
    %while3A = arith.constant 0 : i32
    %while3A_9 = arith.subi %mul3A_8, %mul3A_4 : i32
    %while3A_10 = arith.addi %mul3A_4, %while3A_9 : i32
    %while3A_11 = arith.constant 1 : i32
    %while3A_12 = arith.divsi %while3A_9, %while3A_11 : i32
    %while3A_13 = arith.muli %while3A_12, %while3A_11 : i32
    %while3A_14 = arith.addi %mul3A_4, %while3A_13 : i32
    %while3A_15 = arith.constant 1 : i32
    scf.for %while3A_20 = %mul3A_4 to %while3A_14 step %while3A_15  : i32 {
      %mul3A_21 = arith.constant 128 : i32
      %mul3A_22 = arith.muli %while3A_20, %mul3A_21 : i32
      %multiple_of3A_23 = tpu.assume_multiple %mul3A_22, 128 : i32
      "tpu.region"() ({
        %run_scoped3A = tpu.sem_alloc : memref<!tpu.dma_semaphore, #tpu.memory_space<semaphore_mem>>
        %dma_start3A_28 = tpu.memref_slice %arg3[%multiple_of3A_23] : memref<320000xi32, #tpu.memory_space<hbm>> -> memref<128xi32, #tpu.memory_space<hbm>>
        %dma_start3A_29 = tpu.memref_slice %arg3[%multiple_of3A_23] : memref<320000xi32, #tpu.memory_space<hbm>> -> memref<128xi32, #tpu.memory_space<hbm>>
        tpu.enqueue_dma source(%dma_start3A_29 : memref<128xi32, #tpu.memory_space<hbm>>) target(%arg7 : memref<128xi32, #tpu.memory_space<vmem>>) target_semaphore(%run_scoped3A : memref<!tpu.dma_semaphore, #tpu.memory_space<semaphore_mem>>)
        %dma_wait3A_30 = tpu.memref_slice %arg3[%multiple_of3A_23] : memref<320000xi32, #tpu.memory_space<hbm>> -> memref<128xi32, #tpu.memory_space<hbm>>
        %dma_wait3A_31 = tpu.memref_slice %arg3[%multiple_of3A_23] : memref<320000xi32, #tpu.memory_space<hbm>> -> memref<128xi32, #tpu.memory_space<hbm>>
        tpu.wait_dma2 semaphore(%run_scoped3A : memref<!tpu.dma_semaphore, #tpu.memory_space<semaphore_mem>>) src(%dma_wait3A_31 : memref<128xi32, #tpu.memory_space<hbm>>) dst(%arg7 : memref<128xi32, #tpu.memory_space<vmem>>)
        tpu.yield
      }) : () -> ()
      "tpu.region"() ({
        %run_scoped3A = tpu.sem_alloc : memref<!tpu.dma_semaphore, #tpu.memory_space<semaphore_mem>>
        %dma_start3A_28 = tpu.memref_slice %arg4[%multiple_of3A_23] : memref<320000xi32, #tpu.memory_space<hbm>> -> memref<128xi32, #tpu.memory_space<hbm>>
        %dma_start3A_29 = tpu.memref_slice %arg4[%multiple_of3A_23] : memref<320000xi32, #tpu.memory_space<hbm>> -> memref<128xi32, #tpu.memory_space<hbm>>
        tpu.enqueue_dma source(%dma_start3A_29 : memref<128xi32, #tpu.memory_space<hbm>>) target(%arg8 : memref<128xi32, #tpu.memory_space<vmem>>) target_semaphore(%run_scoped3A : memref<!tpu.dma_semaphore, #tpu.memory_space<semaphore_mem>>)
        %dma_wait3A_30 = tpu.memref_slice %arg4[%multiple_of3A_23] : memref<320000xi32, #tpu.memory_space<hbm>> -> memref<128xi32, #tpu.memory_space<hbm>>
        %dma_wait3A_31 = tpu.memref_slice %arg4[%multiple_of3A_23] : memref<320000xi32, #tpu.memory_space<hbm>> -> memref<128xi32, #tpu.memory_space<hbm>>
        tpu.wait_dma2 semaphore(%run_scoped3A : memref<!tpu.dma_semaphore, #tpu.memory_space<semaphore_mem>>) src(%dma_wait3A_31 : memref<128xi32, #tpu.memory_space<hbm>>) dst(%arg8 : memref<128xi32, #tpu.memory_space<vmem>>)
        tpu.yield
      }) : () -> ()
      %dma_start3A = arith.constant 0 : i32
      %dma_start3A_24 = arith.constant 0 : i32
      %dma_start3A_25 = tpu.memref_slice %arg2[%dma_start3A, %dma_start3A_24] : memref<10000x128xf32, #tpu.memory_space<hbm>> -> memref<10000x128xf32, #tpu.memory_space<hbm>>
      tpu.enqueue_indirect_dma source(%dma_start3A_25 : memref<10000x128xf32, #tpu.memory_space<hbm>>) target(%arg9 : memref<128x128xf32, #tpu.memory_space<vmem>>) offsets(%arg7 : memref<128xi32, #tpu.memory_space<vmem>>) semaphore(%arg11 : memref<!tpu.dma_semaphore, #tpu.memory_space<semaphore_mem>>)
      %dma_wait3A = arith.constant 0 : i32
      %dma_wait3A_26 = arith.constant 0 : i32
      %dma_wait3A_27 = tpu.memref_slice %arg2[%dma_wait3A, %dma_wait3A_26] : memref<10000x128xf32, #tpu.memory_space<hbm>> -> memref<10000x128xf32, #tpu.memory_space<hbm>>
      tpu.wait_indirect_dma semaphore(%arg11 : memref<!tpu.dma_semaphore, #tpu.memory_space<semaphore_mem>>) src(%dma_wait3A_27 : memref<10000x128xf32, #tpu.memory_space<hbm>>) dst(%arg9 : memref<128x128xf32, #tpu.memory_space<vmem>>)
      "tpu.region"() ({
        %run_scoped3A = tpu.sem_alloc : memref<!tpu.dma_semaphore, #tpu.memory_space<semaphore_mem>>
        %dma_start3A_28 = arith.constant 0 : i32
        %dma_start3A_29 = arith.constant 0 : i32
        %dma_start3A_30 = tpu.memref_slice %arg10[%dma_start3A_28, %dma_start3A_29] : memref<10112x128xf32, #tpu.memory_space<vmem_shared>> -> memref<10112x128xf32, #tpu.memory_space<vmem_shared>>
        tpu.enqueue_indirect_dma source(%arg9 : memref<128x128xf32, #tpu.memory_space<vmem>>) target(%dma_start3A_30 : memref<10112x128xf32, #tpu.memory_space<vmem_shared>>) offsets(%arg8 : memref<128xi32, #tpu.memory_space<vmem>>) semaphore(%run_scoped3A : memref<!tpu.dma_semaphore, #tpu.memory_space<semaphore_mem>>) {add = true}
        %dma_wait3A_31 = arith.constant 0 : i32
        %dma_wait3A_32 = arith.constant 0 : i32
        %dma_wait3A_33 = tpu.memref_slice %arg10[%dma_wait3A_31, %dma_wait3A_32] : memref<10112x128xf32, #tpu.memory_space<vmem_shared>> -> memref<10112x128xf32, #tpu.memory_space<vmem_shared>>
        tpu.wait_indirect_dma semaphore(%run_scoped3A : memref<!tpu.dma_semaphore, #tpu.memory_space<semaphore_mem>>) src(%arg9 : memref<128x128xf32, #tpu.memory_space<vmem>>) dst(%dma_wait3A_33 : memref<10112x128xf32, #tpu.memory_space<vmem_shared>>)
        tpu.yield
      }) : () -> ()
    }
    %while3A_16 = arith.constant 1 : i32
    scf.for %while3A_20 = %while3A_14 to %while3A_10 step %while3A_16  : i32 {
      %mul3A_21 = arith.constant 128 : i32
      %mul3A_22 = arith.muli %while3A_20, %mul3A_21 : i32
      %multiple_of3A_23 = tpu.assume_multiple %mul3A_22, 128 : i32
      "tpu.region"() ({
        %run_scoped3A = tpu.sem_alloc : memref<!tpu.dma_semaphore, #tpu.memory_space<semaphore_mem>>
        %dma_start3A_28 = tpu.memref_slice %arg3[%multiple_of3A_23] : memref<320000xi32, #tpu.memory_space<hbm>> -> memref<128xi32, #tpu.memory_space<hbm>>
        %dma_start3A_29 = tpu.memref_slice %arg3[%multiple_of3A_23] : memref<320000xi32, #tpu.memory_space<hbm>> -> memref<128xi32, #tpu.memory_space<hbm>>
        tpu.enqueue_dma source(%dma_start3A_29 : memref<128xi32, #tpu.memory_space<hbm>>) target(%arg7 : memref<128xi32, #tpu.memory_space<vmem>>) target_semaphore(%run_scoped3A : memref<!tpu.dma_semaphore, #tpu.memory_space<semaphore_mem>>)
        %dma_wait3A_30 = tpu.memref_slice %arg3[%multiple_of3A_23] : memref<320000xi32, #tpu.memory_space<hbm>> -> memref<128xi32, #tpu.memory_space<hbm>>
        %dma_wait3A_31 = tpu.memref_slice %arg3[%multiple_of3A_23] : memref<320000xi32, #tpu.memory_space<hbm>> -> memref<128xi32, #tpu.memory_space<hbm>>
        tpu.wait_dma2 semaphore(%run_scoped3A : memref<!tpu.dma_semaphore, #tpu.memory_space<semaphore_mem>>) src(%dma_wait3A_31 : memref<128xi32, #tpu.memory_space<hbm>>) dst(%arg7 : memref<128xi32, #tpu.memory_space<vmem>>)
        tpu.yield
      }) : () -> ()
      "tpu.region"() ({
        %run_scoped3A = tpu.sem_alloc : memref<!tpu.dma_semaphore, #tpu.memory_space<semaphore_mem>>
        %dma_start3A_28 = tpu.memref_slice %arg4[%multiple_of3A_23] : memref<320000xi32, #tpu.memory_space<hbm>> -> memref<128xi32, #tpu.memory_space<hbm>>
        %dma_start3A_29 = tpu.memref_slice %arg4[%multiple_of3A_23] : memref<320000xi32, #tpu.memory_space<hbm>> -> memref<128xi32, #tpu.memory_space<hbm>>
        tpu.enqueue_dma source(%dma_start3A_29 : memref<128xi32, #tpu.memory_space<hbm>>) target(%arg8 : memref<128xi32, #tpu.memory_space<vmem>>) target_semaphore(%run_scoped3A : memref<!tpu.dma_semaphore, #tpu.memory_space<semaphore_mem>>)
        %dma_wait3A_30 = tpu.memref_slice %arg4[%multiple_of3A_23] : memref<320000xi32, #tpu.memory_space<hbm>> -> memref<128xi32, #tpu.memory_space<hbm>>
        %dma_wait3A_31 = tpu.memref_slice %arg4[%multiple_of3A_23] : memref<320000xi32, #tpu.memory_space<hbm>> -> memref<128xi32, #tpu.memory_space<hbm>>
        tpu.wait_dma2 semaphore(%run_scoped3A : memref<!tpu.dma_semaphore, #tpu.memory_space<semaphore_mem>>) src(%dma_wait3A_31 : memref<128xi32, #tpu.memory_space<hbm>>) dst(%arg8 : memref<128xi32, #tpu.memory_space<vmem>>)
        tpu.yield
      }) : () -> ()
      %dma_start3A = arith.constant 0 : i32
      %dma_start3A_24 = arith.constant 0 : i32
      %dma_start3A_25 = tpu.memref_slice %arg2[%dma_start3A, %dma_start3A_24] : memref<10000x128xf32, #tpu.memory_space<hbm>> -> memref<10000x128xf32, #tpu.memory_space<hbm>>
      tpu.enqueue_indirect_dma source(%dma_start3A_25 : memref<10000x128xf32, #tpu.memory_space<hbm>>) target(%arg9 : memref<128x128xf32, #tpu.memory_space<vmem>>) offsets(%arg7 : memref<128xi32, #tpu.memory_space<vmem>>) semaphore(%arg11 : memref<!tpu.dma_semaphore, #tpu.memory_space<semaphore_mem>>)
      %dma_wait3A = arith.constant 0 : i32
      %dma_wait3A_26 = arith.constant 0 : i32
      %dma_wait3A_27 = tpu.memref_slice %arg2[%dma_wait3A, %dma_wait3A_26] : memref<10000x128xf32, #tpu.memory_space<hbm>> -> memref<10000x128xf32, #tpu.memory_space<hbm>>
      tpu.wait_indirect_dma semaphore(%arg11 : memref<!tpu.dma_semaphore, #tpu.memory_space<semaphore_mem>>) src(%dma_wait3A_27 : memref<10000x128xf32, #tpu.memory_space<hbm>>) dst(%arg9 : memref<128x128xf32, #tpu.memory_space<vmem>>)
      "tpu.region"() ({
        %run_scoped3A = tpu.sem_alloc : memref<!tpu.dma_semaphore, #tpu.memory_space<semaphore_mem>>
        %dma_start3A_28 = arith.constant 0 : i32
        %dma_start3A_29 = arith.constant 0 : i32
        %dma_start3A_30 = tpu.memref_slice %arg10[%dma_start3A_28, %dma_start3A_29] : memref<10112x128xf32, #tpu.memory_space<vmem_shared>> -> memref<10112x128xf32, #tpu.memory_space<vmem_shared>>
        tpu.enqueue_indirect_dma source(%arg9 : memref<128x128xf32, #tpu.memory_space<vmem>>) target(%dma_start3A_30 : memref<10112x128xf32, #tpu.memory_space<vmem_shared>>) offsets(%arg8 : memref<128xi32, #tpu.memory_space<vmem>>) semaphore(%run_scoped3A : memref<!tpu.dma_semaphore, #tpu.memory_space<semaphore_mem>>) {add = true}
        %dma_wait3A_31 = arith.constant 0 : i32
        %dma_wait3A_32 = arith.constant 0 : i32
        %dma_wait3A_33 = tpu.memref_slice %arg10[%dma_wait3A_31, %dma_wait3A_32] : memref<10112x128xf32, #tpu.memory_space<vmem_shared>> -> memref<10112x128xf32, #tpu.memory_space<vmem_shared>>
        tpu.wait_indirect_dma semaphore(%run_scoped3A : memref<!tpu.dma_semaphore, #tpu.memory_space<semaphore_mem>>) src(%arg9 : memref<128x128xf32, #tpu.memory_space<vmem>>) dst(%dma_wait3A_33 : memref<10112x128xf32, #tpu.memory_space<vmem_shared>>)
        tpu.yield
      }) : () -> ()
    }
    %lt3A = arith.constant 4 : i32
    %lt3A_17 = arith.cmpi slt, %add3A, %lt3A : i32
    %convert_element_type3A = arith.extui %lt3A_17 : i1 to i32
    %cond3A = arith.constant 0 : i32
    %cond3A_18 = arith.cmpi ne, %convert_element_type3A, %cond3A : i32
    scf.if %cond3A_18 {
      %add3A_20 = arith.constant 2496 : i32
      %add3A_21 = arith.addi %add3A_20, %add3A : i32
      %mul3A_22 = arith.constant 128 : i32
      %mul3A_23 = arith.muli %add3A_21, %mul3A_22 : i32
      %multiple_of3A_24 = tpu.assume_multiple %mul3A_23, 128 : i32
      "tpu.region"() ({
        %run_scoped3A = tpu.sem_alloc : memref<!tpu.dma_semaphore, #tpu.memory_space<semaphore_mem>>
        %dma_start3A_29 = tpu.memref_slice %arg3[%multiple_of3A_24] : memref<320000xi32, #tpu.memory_space<hbm>> -> memref<128xi32, #tpu.memory_space<hbm>>
        %dma_start3A_30 = tpu.memref_slice %arg3[%multiple_of3A_24] : memref<320000xi32, #tpu.memory_space<hbm>> -> memref<128xi32, #tpu.memory_space<hbm>>
        tpu.enqueue_dma source(%dma_start3A_30 : memref<128xi32, #tpu.memory_space<hbm>>) target(%arg7 : memref<128xi32, #tpu.memory_space<vmem>>) target_semaphore(%run_scoped3A : memref<!tpu.dma_semaphore, #tpu.memory_space<semaphore_mem>>)
        %dma_wait3A_31 = tpu.memref_slice %arg3[%multiple_of3A_24] : memref<320000xi32, #tpu.memory_space<hbm>> -> memref<128xi32, #tpu.memory_space<hbm>>
        %dma_wait3A_32 = tpu.memref_slice %arg3[%multiple_of3A_24] : memref<320000xi32, #tpu.memory_space<hbm>> -> memref<128xi32, #tpu.memory_space<hbm>>
        tpu.wait_dma2 semaphore(%run_scoped3A : memref<!tpu.dma_semaphore, #tpu.memory_space<semaphore_mem>>) src(%dma_wait3A_32 : memref<128xi32, #tpu.memory_space<hbm>>) dst(%arg7 : memref<128xi32, #tpu.memory_space<vmem>>)
        tpu.yield
      }) : () -> ()
      "tpu.region"() ({
        %run_scoped3A = tpu.sem_alloc : memref<!tpu.dma_semaphore, #tpu.memory_space<semaphore_mem>>
        %dma_start3A_29 = tpu.memref_slice %arg4[%multiple_of3A_24] : memref<320000xi32, #tpu.memory_space<hbm>> -> memref<128xi32, #tpu.memory_space<hbm>>
        %dma_start3A_30 = tpu.memref_slice %arg4[%multiple_of3A_24] : memref<320000xi32, #tpu.memory_space<hbm>> -> memref<128xi32, #tpu.memory_space<hbm>>
        tpu.enqueue_dma source(%dma_start3A_30 : memref<128xi32, #tpu.memory_space<hbm>>) target(%arg8 : memref<128xi32, #tpu.memory_space<vmem>>) target_semaphore(%run_scoped3A : memref<!tpu.dma_semaphore, #tpu.memory_space<semaphore_mem>>)
        %dma_wait3A_31 = tpu.memref_slice %arg4[%multiple_of3A_24] : memref<320000xi32, #tpu.memory_space<hbm>> -> memref<128xi32, #tpu.memory_space<hbm>>
        %dma_wait3A_32 = tpu.memref_slice %arg4[%multiple_of3A_24] : memref<320000xi32, #tpu.memory_space<hbm>> -> memref<128xi32, #tpu.memory_space<hbm>>
        tpu.wait_dma2 semaphore(%run_scoped3A : memref<!tpu.dma_semaphore, #tpu.memory_space<semaphore_mem>>) src(%dma_wait3A_32 : memref<128xi32, #tpu.memory_space<hbm>>) dst(%arg8 : memref<128xi32, #tpu.memory_space<vmem>>)
        tpu.yield
      }) : () -> ()
      %dma_start3A = arith.constant 0 : i32
      %dma_start3A_25 = arith.constant 0 : i32
      %dma_start3A_26 = tpu.memref_slice %arg2[%dma_start3A, %dma_start3A_25] : memref<10000x128xf32, #tpu.memory_space<hbm>> -> memref<10000x128xf32, #tpu.memory_space<hbm>>
      tpu.enqueue_indirect_dma source(%dma_start3A_26 : memref<10000x128xf32, #tpu.memory_space<hbm>>) target(%arg9 : memref<128x128xf32, #tpu.memory_space<vmem>>) offsets(%arg7 : memref<128xi32, #tpu.memory_space<vmem>>) semaphore(%arg11 : memref<!tpu.dma_semaphore, #tpu.memory_space<semaphore_mem>>)
      %dma_wait3A = arith.constant 0 : i32
      %dma_wait3A_27 = arith.constant 0 : i32
      %dma_wait3A_28 = tpu.memref_slice %arg2[%dma_wait3A, %dma_wait3A_27] : memref<10000x128xf32, #tpu.memory_space<hbm>> -> memref<10000x128xf32, #tpu.memory_space<hbm>>
      tpu.wait_indirect_dma semaphore(%arg11 : memref<!tpu.dma_semaphore, #tpu.memory_space<semaphore_mem>>) src(%dma_wait3A_28 : memref<10000x128xf32, #tpu.memory_space<hbm>>) dst(%arg9 : memref<128x128xf32, #tpu.memory_space<vmem>>)
      "tpu.region"() ({
        %run_scoped3A = tpu.sem_alloc : memref<!tpu.dma_semaphore, #tpu.memory_space<semaphore_mem>>
        %dma_start3A_29 = arith.constant 0 : i32
        %dma_start3A_30 = arith.constant 0 : i32
        %dma_start3A_31 = tpu.memref_slice %arg10[%dma_start3A_29, %dma_start3A_30] : memref<10112x128xf32, #tpu.memory_space<vmem_shared>> -> memref<10112x128xf32, #tpu.memory_space<vmem_shared>>
        tpu.enqueue_indirect_dma source(%arg9 : memref<128x128xf32, #tpu.memory_space<vmem>>) target(%dma_start3A_31 : memref<10112x128xf32, #tpu.memory_space<vmem_shared>>) offsets(%arg8 : memref<128xi32, #tpu.memory_space<vmem>>) semaphore(%run_scoped3A : memref<!tpu.dma_semaphore, #tpu.memory_space<semaphore_mem>>) {add = true}
        %dma_wait3A_32 = arith.constant 0 : i32
        %dma_wait3A_33 = arith.constant 0 : i32
        %dma_wait3A_34 = tpu.memref_slice %arg10[%dma_wait3A_32, %dma_wait3A_33] : memref<10112x128xf32, #tpu.memory_space<vmem_shared>> -> memref<10112x128xf32, #tpu.memory_space<vmem_shared>>
        tpu.wait_indirect_dma semaphore(%run_scoped3A : memref<!tpu.dma_semaphore, #tpu.memory_space<semaphore_mem>>) src(%arg9 : memref<128x128xf32, #tpu.memory_space<vmem>>) dst(%dma_wait3A_34 : memref<10112x128xf32, #tpu.memory_space<vmem_shared>>)
        tpu.yield
      }) : () -> ()
    } else {
    }
    %barrier3A_19 = arith.constant 0 : index
    tpu.barrier barrier_id(%barrier3A_19)
    "tpu.region"() ({
      %run_scoped3A = tpu.sem_alloc : memref<!tpu.dma_semaphore, #tpu.memory_space<semaphore_mem>>
      %dma_start3A = arith.constant 0 : i32
      %dma_start3A_20 = tpu.memref_slice %arg6[%arg0, %multiple_of3A, %dma_start3A] : memref<2x10112x128xf32, #tpu.memory_space<hbm>> -> memref<1x632x128xf32, #tpu.memory_space<hbm>>
      %dma_start3A_21 = tpu.memref_squeeze %dma_start3A_20 : memref<1x632x128xf32, #tpu.memory_space<hbm>> -> memref<632x128xf32, #tpu.memory_space<hbm>>
      %dma_start3A_22 = arith.constant 0 : i32
      %dma_start3A_23 = tpu.memref_slice %arg10[%multiple_of3A, %dma_start3A_22] : memref<10112x128xf32, #tpu.memory_space<vmem_shared>> -> memref<632x128xf32, #tpu.memory_space<vmem_shared>>
      tpu.enqueue_dma source(%dma_start3A_23 : memref<632x128xf32, #tpu.memory_space<vmem_shared>>) target(%dma_start3A_21 : memref<632x128xf32, #tpu.memory_space<hbm>>) target_semaphore(%run_scoped3A : memref<!tpu.dma_semaphore, #tpu.memory_space<semaphore_mem>>)
      %dma_wait3A = arith.constant 0 : i32
      %dma_wait3A_24 = tpu.memref_slice %arg6[%arg0, %multiple_of3A, %dma_wait3A] : memref<2x10112x128xf32, #tpu.memory_space<hbm>> -> memref<1x632x128xf32, #tpu.memory_space<hbm>>
      %dma_wait3A_25 = tpu.memref_squeeze %dma_wait3A_24 : memref<1x632x128xf32, #tpu.memory_space<hbm>> -> memref<632x128xf32, #tpu.memory_space<hbm>>
      %dma_wait3A_26 = arith.constant 0 : i32
      %dma_wait3A_27 = tpu.memref_slice %arg10[%multiple_of3A, %dma_wait3A_26] : memref<10112x128xf32, #tpu.memory_space<vmem_shared>> -> memref<632x128xf32, #tpu.memory_space<vmem_shared>>
      tpu.wait_dma2 semaphore(%run_scoped3A : memref<!tpu.dma_semaphore, #tpu.memory_space<semaphore_mem>>) src(%dma_wait3A_27 : memref<632x128xf32, #tpu.memory_space<vmem_shared>>) dst(%dma_wait3A_25 : memref<632x128xf32, #tpu.memory_space<hbm>>)
      tpu.yield
    }) : () -> ()
    return
  }
}

#map = affine_map<(d0, d1) -> (0, 0)>
#map1 = affine_map<(d0, d1) -> (0)>
#map2 = affine_map<(d0, d1) -> (0, 0, 0)>
module attributes {stable_mosaic.version = 14 : i64} {
  func.func @_seg_sum_body(%arg0: i32, %arg1: i32, %arg2: memref<10000x128xf32, #tpu.memory_space<hbm>>, %arg3: memref<320000xi32, #tpu.memory_space<hbm>>, %arg4: memref<320000xi32, #tpu.memory_space<hbm>>, %arg5: memref<632x128xf32, #tpu.memory_space<hbm>>, %arg6: memref<2x10112x128xf32, #tpu.memory_space<hbm>>, %arg7: memref<128xi32, #tpu.memory_space<vmem>>, %arg8: memref<128xi32, #tpu.memory_space<vmem>>, %arg9: memref<128x128xf32, #tpu.memory_space<vmem>>, %arg10: memref<10112x128xf32, #tpu.memory_space<vmem_shared>>, %arg11: memref<!tpu.dma_semaphore, #tpu.memory_space<semaphore_mem>>) attributes {dimension_semantics = [#tpu.dimension_semantics<core_parallel>, #tpu.dimension_semantics<subcore_parallel>], iteration_bounds = array<i64: 2, 16>, scalar_prefetch = 0 : i64, scratch_operands = 5 : i64, tpu.core_type = #tpu.core_type<sc_vector_subcore>, window_params = [{transform_indices = #map}, {transform_indices = #map1}, {transform_indices = #map1}, {transform_indices = #map}, {transform_indices = #map2}]} {
    %mul3A = arith.constant 2 : i32
    %mul3A_0 = arith.muli %arg1, %mul3A : i32
    %add3A = arith.addi %mul3A_0, %arg0 : i32
    %mul3A_1 = arith.constant 632 : i32
    %mul3A_2 = arith.muli %arg1, %mul3A_1 : i32
    %multiple_of3A = tpu.assume_multiple %mul3A_2, 8 : i32
    "tpu.region"() ({
      %run_scoped3A = tpu.sem_alloc : memref<!tpu.dma_semaphore, #tpu.memory_space<semaphore_mem>>
      %dma_start3A = arith.constant 0 : i32
      %dma_start3A_20 = tpu.memref_slice %arg10[%multiple_of3A, %dma_start3A] : memref<10112x128xf32, #tpu.memory_space<vmem_shared>> -> memref<632x128xf32, #tpu.memory_space<vmem_shared>>
      tpu.enqueue_dma source(%arg5 : memref<632x128xf32, #tpu.memory_space<hbm>>) target(%dma_start3A_20 : memref<632x128xf32, #tpu.memory_space<vmem_shared>>) target_semaphore(%run_scoped3A : memref<!tpu.dma_semaphore, #tpu.memory_space<semaphore_mem>>)
      %dma_wait3A = arith.constant 0 : i32
      %dma_wait3A_21 = tpu.memref_slice %arg10[%multiple_of3A, %dma_wait3A] : memref<10112x128xf32, #tpu.memory_space<vmem_shared>> -> memref<632x128xf32, #tpu.memory_space<vmem_shared>>
      tpu.wait_dma2 semaphore(%run_scoped3A : memref<!tpu.dma_semaphore, #tpu.memory_space<semaphore_mem>>) src(%arg5 : memref<632x128xf32, #tpu.memory_space<hbm>>) dst(%dma_wait3A_21 : memref<632x128xf32, #tpu.memory_space<vmem_shared>>)
      tpu.yield
    }) : () -> ()
    %barrier3A = arith.constant 0 : index
    tpu.barrier barrier_id(%barrier3A)
    %mul3A_3 = arith.constant 78 : i32
    %mul3A_4 = arith.muli %add3A, %mul3A_3 : i32
    %add3A_5 = arith.constant 1 : i32
    %add3A_6 = arith.addi %add3A, %add3A_5 : i32
    %mul3A_7 = arith.constant 78 : i32
    %mul3A_8 = arith.muli %add3A_6, %mul3A_7 : i32
    %while3A = arith.constant 0 : i32
    %while3A_9 = arith.subi %mul3A_8, %mul3A_4 : i32
    %while3A_10 = arith.addi %mul3A_4, %while3A_9 : i32
    %while3A_11 = arith.constant 1 : i32
    %while3A_12 = arith.divsi %while3A_9, %while3A_11 : i32
    %while3A_13 = arith.muli %while3A_12, %while3A_11 : i32
    %while3A_14 = arith.addi %mul3A_4, %while3A_13 : i32
    %while3A_15 = arith.constant 1 : i32
    scf.for %while3A_20 = %mul3A_4 to %while3A_14 step %while3A_15  : i32 {
      %mul3A_21 = arith.constant 128 : i32
      %mul3A_22 = arith.muli %while3A_20, %mul3A_21 : i32
      %multiple_of3A_23 = tpu.assume_multiple %mul3A_22, 128 : i32
      "tpu.region"() ({
        %run_scoped3A = tpu.sem_alloc : memref<!tpu.dma_semaphore, #tpu.memory_space<semaphore_mem>>
        %dma_start3A_28 = tpu.memref_slice %arg3[%multiple_of3A_23] : memref<320000xi32, #tpu.memory_space<hbm>> -> memref<128xi32, #tpu.memory_space<hbm>>
        %dma_start3A_29 = tpu.memref_slice %arg3[%multiple_of3A_23] : memref<320000xi32, #tpu.memory_space<hbm>> -> memref<128xi32, #tpu.memory_space<hbm>>
        tpu.enqueue_dma source(%dma_start3A_29 : memref<128xi32, #tpu.memory_space<hbm>>) target(%arg7 : memref<128xi32, #tpu.memory_space<vmem>>) target_semaphore(%run_scoped3A : memref<!tpu.dma_semaphore, #tpu.memory_space<semaphore_mem>>)
        %dma_wait3A_30 = tpu.memref_slice %arg3[%multiple_of3A_23] : memref<320000xi32, #tpu.memory_space<hbm>> -> memref<128xi32, #tpu.memory_space<hbm>>
        %dma_wait3A_31 = tpu.memref_slice %arg3[%multiple_of3A_23] : memref<320000xi32, #tpu.memory_space<hbm>> -> memref<128xi32, #tpu.memory_space<hbm>>
        tpu.wait_dma2 semaphore(%run_scoped3A : memref<!tpu.dma_semaphore, #tpu.memory_space<semaphore_mem>>) src(%dma_wait3A_31 : memref<128xi32, #tpu.memory_space<hbm>>) dst(%arg7 : memref<128xi32, #tpu.memory_space<vmem>>)
        tpu.yield
      }) : () -> ()
      "tpu.region"() ({
        %run_scoped3A = tpu.sem_alloc : memref<!tpu.dma_semaphore, #tpu.memory_space<semaphore_mem>>
        %dma_start3A_28 = tpu.memref_slice %arg4[%multiple_of3A_23] : memref<320000xi32, #tpu.memory_space<hbm>> -> memref<128xi32, #tpu.memory_space<hbm>>
        %dma_start3A_29 = tpu.memref_slice %arg4[%multiple_of3A_23] : memref<320000xi32, #tpu.memory_space<hbm>> -> memref<128xi32, #tpu.memory_space<hbm>>
        tpu.enqueue_dma source(%dma_start3A_29 : memref<128xi32, #tpu.memory_space<hbm>>) target(%arg8 : memref<128xi32, #tpu.memory_space<vmem>>) target_semaphore(%run_scoped3A : memref<!tpu.dma_semaphore, #tpu.memory_space<semaphore_mem>>)
        %dma_wait3A_30 = tpu.memref_slice %arg4[%multiple_of3A_23] : memref<320000xi32, #tpu.memory_space<hbm>> -> memref<128xi32, #tpu.memory_space<hbm>>
        %dma_wait3A_31 = tpu.memref_slice %arg4[%multiple_of3A_23] : memref<320000xi32, #tpu.memory_space<hbm>> -> memref<128xi32, #tpu.memory_space<hbm>>
        tpu.wait_dma2 semaphore(%run_scoped3A : memref<!tpu.dma_semaphore, #tpu.memory_space<semaphore_mem>>) src(%dma_wait3A_31 : memref<128xi32, #tpu.memory_space<hbm>>) dst(%arg8 : memref<128xi32, #tpu.memory_space<vmem>>)
        tpu.yield
      }) : () -> ()
      %dma_start3A = arith.constant 0 : i32
      %dma_start3A_24 = arith.constant 0 : i32
      %dma_start3A_25 = tpu.memref_slice %arg2[%dma_start3A, %dma_start3A_24] : memref<10000x128xf32, #tpu.memory_space<hbm>> -> memref<10000x128xf32, #tpu.memory_space<hbm>>
      tpu.enqueue_indirect_dma source(%dma_start3A_25 : memref<10000x128xf32, #tpu.memory_space<hbm>>) target(%arg9 : memref<128x128xf32, #tpu.memory_space<vmem>>) offsets(%arg7 : memref<128xi32, #tpu.memory_space<vmem>>) semaphore(%arg11 : memref<!tpu.dma_semaphore, #tpu.memory_space<semaphore_mem>>)
      %dma_wait3A = arith.constant 0 : i32
      %dma_wait3A_26 = arith.constant 0 : i32
      %dma_wait3A_27 = tpu.memref_slice %arg2[%dma_wait3A, %dma_wait3A_26] : memref<10000x128xf32, #tpu.memory_space<hbm>> -> memref<10000x128xf32, #tpu.memory_space<hbm>>
      tpu.wait_indirect_dma semaphore(%arg11 : memref<!tpu.dma_semaphore, #tpu.memory_space<semaphore_mem>>) src(%dma_wait3A_27 : memref<10000x128xf32, #tpu.memory_space<hbm>>) dst(%arg9 : memref<128x128xf32, #tpu.memory_space<vmem>>)
      "tpu.region"() ({
        %run_scoped3A = tpu.sem_alloc : memref<!tpu.dma_semaphore, #tpu.memory_space<semaphore_mem>>
        %dma_start3A_28 = arith.constant 0 : i32
        %dma_start3A_29 = arith.constant 0 : i32
        %dma_start3A_30 = tpu.memref_slice %arg10[%dma_start3A_28, %dma_start3A_29] : memref<10112x128xf32, #tpu.memory_space<vmem_shared>> -> memref<10112x128xf32, #tpu.memory_space<vmem_shared>>
        tpu.enqueue_indirect_dma source(%arg9 : memref<128x128xf32, #tpu.memory_space<vmem>>) target(%dma_start3A_30 : memref<10112x128xf32, #tpu.memory_space<vmem_shared>>) offsets(%arg8 : memref<128xi32, #tpu.memory_space<vmem>>) semaphore(%run_scoped3A : memref<!tpu.dma_semaphore, #tpu.memory_space<semaphore_mem>>) {add = true}
        %dma_wait3A_31 = arith.constant 0 : i32
        %dma_wait3A_32 = arith.constant 0 : i32
        %dma_wait3A_33 = tpu.memref_slice %arg10[%dma_wait3A_31, %dma_wait3A_32] : memref<10112x128xf32, #tpu.memory_space<vmem_shared>> -> memref<10112x128xf32, #tpu.memory_space<vmem_shared>>
        tpu.wait_indirect_dma semaphore(%run_scoped3A : memref<!tpu.dma_semaphore, #tpu.memory_space<semaphore_mem>>) src(%arg9 : memref<128x128xf32, #tpu.memory_space<vmem>>) dst(%dma_wait3A_33 : memref<10112x128xf32, #tpu.memory_space<vmem_shared>>)
        tpu.yield
      }) : () -> ()
    }
    %while3A_16 = arith.constant 1 : i32
    scf.for %while3A_20 = %while3A_14 to %while3A_10 step %while3A_16  : i32 {
      %mul3A_21 = arith.constant 128 : i32
      %mul3A_22 = arith.muli %while3A_20, %mul3A_21 : i32
      %multiple_of3A_23 = tpu.assume_multiple %mul3A_22, 128 : i32
      "tpu.region"() ({
        %run_scoped3A = tpu.sem_alloc : memref<!tpu.dma_semaphore, #tpu.memory_space<semaphore_mem>>
        %dma_start3A_28 = tpu.memref_slice %arg3[%multiple_of3A_23] : memref<320000xi32, #tpu.memory_space<hbm>> -> memref<128xi32, #tpu.memory_space<hbm>>
        %dma_start3A_29 = tpu.memref_slice %arg3[%multiple_of3A_23] : memref<320000xi32, #tpu.memory_space<hbm>> -> memref<128xi32, #tpu.memory_space<hbm>>
        tpu.enqueue_dma source(%dma_start3A_29 : memref<128xi32, #tpu.memory_space<hbm>>) target(%arg7 : memref<128xi32, #tpu.memory_space<vmem>>) target_semaphore(%run_scoped3A : memref<!tpu.dma_semaphore, #tpu.memory_space<semaphore_mem>>)
        %dma_wait3A_30 = tpu.memref_slice %arg3[%multiple_of3A_23] : memref<320000xi32, #tpu.memory_space<hbm>> -> memref<128xi32, #tpu.memory_space<hbm>>
        %dma_wait3A_31 = tpu.memref_slice %arg3[%multiple_of3A_23] : memref<320000xi32, #tpu.memory_space<hbm>> -> memref<128xi32, #tpu.memory_space<hbm>>
        tpu.wait_dma2 semaphore(%run_scoped3A : memref<!tpu.dma_semaphore, #tpu.memory_space<semaphore_mem>>) src(%dma_wait3A_31 : memref<128xi32, #tpu.memory_space<hbm>>) dst(%arg7 : memref<128xi32, #tpu.memory_space<vmem>>)
        tpu.yield
      }) : () -> ()
      "tpu.region"() ({
        %run_scoped3A = tpu.sem_alloc : memref<!tpu.dma_semaphore, #tpu.memory_space<semaphore_mem>>
        %dma_start3A_28 = tpu.memref_slice %arg4[%multiple_of3A_23] : memref<320000xi32, #tpu.memory_space<hbm>> -> memref<128xi32, #tpu.memory_space<hbm>>
        %dma_start3A_29 = tpu.memref_slice %arg4[%multiple_of3A_23] : memref<320000xi32, #tpu.memory_space<hbm>> -> memref<128xi32, #tpu.memory_space<hbm>>
        tpu.enqueue_dma source(%dma_start3A_29 : memref<128xi32, #tpu.memory_space<hbm>>) target(%arg8 : memref<128xi32, #tpu.memory_space<vmem>>) target_semaphore(%run_scoped3A : memref<!tpu.dma_semaphore, #tpu.memory_space<semaphore_mem>>)
        %dma_wait3A_30 = tpu.memref_slice %arg4[%multiple_of3A_23] : memref<320000xi32, #tpu.memory_space<hbm>> -> memref<128xi32, #tpu.memory_space<hbm>>
        %dma_wait3A_31 = tpu.memref_slice %arg4[%multiple_of3A_23] : memref<320000xi32, #tpu.memory_space<hbm>> -> memref<128xi32, #tpu.memory_space<hbm>>
        tpu.wait_dma2 semaphore(%run_scoped3A : memref<!tpu.dma_semaphore, #tpu.memory_space<semaphore_mem>>) src(%dma_wait3A_31 : memref<128xi32, #tpu.memory_space<hbm>>) dst(%arg8 : memref<128xi32, #tpu.memory_space<vmem>>)
        tpu.yield
      }) : () -> ()
      %dma_start3A = arith.constant 0 : i32
      %dma_start3A_24 = arith.constant 0 : i32
      %dma_start3A_25 = tpu.memref_slice %arg2[%dma_start3A, %dma_start3A_24] : memref<10000x128xf32, #tpu.memory_space<hbm>> -> memref<10000x128xf32, #tpu.memory_space<hbm>>
      tpu.enqueue_indirect_dma source(%dma_start3A_25 : memref<10000x128xf32, #tpu.memory_space<hbm>>) target(%arg9 : memref<128x128xf32, #tpu.memory_space<vmem>>) offsets(%arg7 : memref<128xi32, #tpu.memory_space<vmem>>) semaphore(%arg11 : memref<!tpu.dma_semaphore, #tpu.memory_space<semaphore_mem>>)
      %dma_wait3A = arith.constant 0 : i32
      %dma_wait3A_26 = arith.constant 0 : i32
      %dma_wait3A_27 = tpu.memref_slice %arg2[%dma_wait3A, %dma_wait3A_26] : memref<10000x128xf32, #tpu.memory_space<hbm>> -> memref<10000x128xf32, #tpu.memory_space<hbm>>
      tpu.wait_indirect_dma semaphore(%arg11 : memref<!tpu.dma_semaphore, #tpu.memory_space<semaphore_mem>>) src(%dma_wait3A_27 : memref<10000x128xf32, #tpu.memory_space<hbm>>) dst(%arg9 : memref<128x128xf32, #tpu.memory_space<vmem>>)
      "tpu.region"() ({
        %run_scoped3A = tpu.sem_alloc : memref<!tpu.dma_semaphore, #tpu.memory_space<semaphore_mem>>
        %dma_start3A_28 = arith.constant 0 : i32
        %dma_start3A_29 = arith.constant 0 : i32
        %dma_start3A_30 = tpu.memref_slice %arg10[%dma_start3A_28, %dma_start3A_29] : memref<10112x128xf32, #tpu.memory_space<vmem_shared>> -> memref<10112x128xf32, #tpu.memory_space<vmem_shared>>
        tpu.enqueue_indirect_dma source(%arg9 : memref<128x128xf32, #tpu.memory_space<vmem>>) target(%dma_start3A_30 : memref<10112x128xf32, #tpu.memory_space<vmem_shared>>) offsets(%arg8 : memref<128xi32, #tpu.memory_space<vmem>>) semaphore(%run_scoped3A : memref<!tpu.dma_semaphore, #tpu.memory_space<semaphore_mem>>) {add = true}
        %dma_wait3A_31 = arith.constant 0 : i32
        %dma_wait3A_32 = arith.constant 0 : i32
        %dma_wait3A_33 = tpu.memref_slice %arg10[%dma_wait3A_31, %dma_wait3A_32] : memref<10112x128xf32, #tpu.memory_space<vmem_shared>> -> memref<10112x128xf32, #tpu.memory_space<vmem_shared>>
        tpu.wait_indirect_dma semaphore(%run_scoped3A : memref<!tpu.dma_semaphore, #tpu.memory_space<semaphore_mem>>) src(%arg9 : memref<128x128xf32, #tpu.memory_space<vmem>>) dst(%dma_wait3A_33 : memref<10112x128xf32, #tpu.memory_space<vmem_shared>>)
        tpu.yield
      }) : () -> ()
    }
    %lt3A = arith.constant 4 : i32
    %lt3A_17 = arith.cmpi slt, %add3A, %lt3A : i32
    %convert_element_type3A = arith.extui %lt3A_17 : i1 to i32
    %cond3A = arith.constant 0 : i32
    %cond3A_18 = arith.cmpi ne, %convert_element_type3A, %cond3A : i32
    scf.if %cond3A_18 {
      %add3A_20 = arith.constant 2496 : i32
      %add3A_21 = arith.addi %add3A_20, %add3A : i32
      %mul3A_22 = arith.constant 128 : i32
      %mul3A_23 = arith.muli %add3A_21, %mul3A_22 : i32
      %multiple_of3A_24 = tpu.assume_multiple %mul3A_23, 128 : i32
      "tpu.region"() ({
        %run_scoped3A = tpu.sem_alloc : memref<!tpu.dma_semaphore, #tpu.memory_space<semaphore_mem>>
        %dma_start3A_29 = tpu.memref_slice %arg3[%multiple_of3A_24] : memref<320000xi32, #tpu.memory_space<hbm>> -> memref<128xi32, #tpu.memory_space<hbm>>
        %dma_start3A_30 = tpu.memref_slice %arg3[%multiple_of3A_24] : memref<320000xi32, #tpu.memory_space<hbm>> -> memref<128xi32, #tpu.memory_space<hbm>>
        tpu.enqueue_dma source(%dma_start3A_30 : memref<128xi32, #tpu.memory_space<hbm>>) target(%arg7 : memref<128xi32, #tpu.memory_space<vmem>>) target_semaphore(%run_scoped3A : memref<!tpu.dma_semaphore, #tpu.memory_space<semaphore_mem>>)
        %dma_wait3A_31 = tpu.memref_slice %arg3[%multiple_of3A_24] : memref<320000xi32, #tpu.memory_space<hbm>> -> memref<128xi32, #tpu.memory_space<hbm>>
        %dma_wait3A_32 = tpu.memref_slice %arg3[%multiple_of3A_24] : memref<320000xi32, #tpu.memory_space<hbm>> -> memref<128xi32, #tpu.memory_space<hbm>>
        tpu.wait_dma2 semaphore(%run_scoped3A : memref<!tpu.dma_semaphore, #tpu.memory_space<semaphore_mem>>) src(%dma_wait3A_32 : memref<128xi32, #tpu.memory_space<hbm>>) dst(%arg7 : memref<128xi32, #tpu.memory_space<vmem>>)
        tpu.yield
      }) : () -> ()
      "tpu.region"() ({
        %run_scoped3A = tpu.sem_alloc : memref<!tpu.dma_semaphore, #tpu.memory_space<semaphore_mem>>
        %dma_start3A_29 = tpu.memref_slice %arg4[%multiple_of3A_24] : memref<320000xi32, #tpu.memory_space<hbm>> -> memref<128xi32, #tpu.memory_space<hbm>>
        %dma_start3A_30 = tpu.memref_slice %arg4[%multiple_of3A_24] : memref<320000xi32, #tpu.memory_space<hbm>> -> memref<128xi32, #tpu.memory_space<hbm>>
        tpu.enqueue_dma source(%dma_start3A_30 : memref<128xi32, #tpu.memory_space<hbm>>) target(%arg8 : memref<128xi32, #tpu.memory_space<vmem>>) target_semaphore(%run_scoped3A : memref<!tpu.dma_semaphore, #tpu.memory_space<semaphore_mem>>)
        %dma_wait3A_31 = tpu.memref_slice %arg4[%multiple_of3A_24] : memref<320000xi32, #tpu.memory_space<hbm>> -> memref<128xi32, #tpu.memory_space<hbm>>
        %dma_wait3A_32 = tpu.memref_slice %arg4[%multiple_of3A_24] : memref<320000xi32, #tpu.memory_space<hbm>> -> memref<128xi32, #tpu.memory_space<hbm>>
        tpu.wait_dma2 semaphore(%run_scoped3A : memref<!tpu.dma_semaphore, #tpu.memory_space<semaphore_mem>>) src(%dma_wait3A_32 : memref<128xi32, #tpu.memory_space<hbm>>) dst(%arg8 : memref<128xi32, #tpu.memory_space<vmem>>)
        tpu.yield
      }) : () -> ()
      %dma_start3A = arith.constant 0 : i32
      %dma_start3A_25 = arith.constant 0 : i32
      %dma_start3A_26 = tpu.memref_slice %arg2[%dma_start3A, %dma_start3A_25] : memref<10000x128xf32, #tpu.memory_space<hbm>> -> memref<10000x128xf32, #tpu.memory_space<hbm>>
      tpu.enqueue_indirect_dma source(%dma_start3A_26 : memref<10000x128xf32, #tpu.memory_space<hbm>>) target(%arg9 : memref<128x128xf32, #tpu.memory_space<vmem>>) offsets(%arg7 : memref<128xi32, #tpu.memory_space<vmem>>) semaphore(%arg11 : memref<!tpu.dma_semaphore, #tpu.memory_space<semaphore_mem>>)
      %dma_wait3A = arith.constant 0 : i32
      %dma_wait3A_27 = arith.constant 0 : i32
      %dma_wait3A_28 = tpu.memref_slice %arg2[%dma_wait3A, %dma_wait3A_27] : memref<10000x128xf32, #tpu.memory_space<hbm>> -> memref<10000x128xf32, #tpu.memory_space<hbm>>
      tpu.wait_indirect_dma semaphore(%arg11 : memref<!tpu.dma_semaphore, #tpu.memory_space<semaphore_mem>>) src(%dma_wait3A_28 : memref<10000x128xf32, #tpu.memory_space<hbm>>) dst(%arg9 : memref<128x128xf32, #tpu.memory_space<vmem>>)
      "tpu.region"() ({
        %run_scoped3A = tpu.sem_alloc : memref<!tpu.dma_semaphore, #tpu.memory_space<semaphore_mem>>
        %dma_start3A_29 = arith.constant 0 : i32
        %dma_start3A_30 = arith.constant 0 : i32
        %dma_start3A_31 = tpu.memref_slice %arg10[%dma_start3A_29, %dma_start3A_30] : memref<10112x128xf32, #tpu.memory_space<vmem_shared>> -> memref<10112x128xf32, #tpu.memory_space<vmem_shared>>
        tpu.enqueue_indirect_dma source(%arg9 : memref<128x128xf32, #tpu.memory_space<vmem>>) target(%dma_start3A_31 : memref<10112x128xf32, #tpu.memory_space<vmem_shared>>) offsets(%arg8 : memref<128xi32, #tpu.memory_space<vmem>>) semaphore(%run_scoped3A : memref<!tpu.dma_semaphore, #tpu.memory_space<semaphore_mem>>) {add = true}
        %dma_wait3A_32 = arith.constant 0 : i32
        %dma_wait3A_33 = arith.constant 0 : i32
        %dma_wait3A_34 = tpu.memref_slice %arg10[%dma_wait3A_32, %dma_wait3A_33] : memref<10112x128xf32, #tpu.memory_space<vmem_shared>> -> memref<10112x128xf32, #tpu.memory_space<vmem_shared>>
        tpu.wait_indirect_dma semaphore(%run_scoped3A : memref<!tpu.dma_semaphore, #tpu.memory_space<semaphore_mem>>) src(%arg9 : memref<128x128xf32, #tpu.memory_space<vmem>>) dst(%dma_wait3A_34 : memref<10112x128xf32, #tpu.memory_space<vmem_shared>>)
        tpu.yield
      }) : () -> ()
    } else {
    }
    %barrier3A_19 = arith.constant 0 : index
    tpu.barrier barrier_id(%barrier3A_19)
    "tpu.region"() ({
      %run_scoped3A = tpu.sem_alloc : memref<!tpu.dma_semaphore, #tpu.memory_space<semaphore_mem>>
      %dma_start3A = arith.constant 0 : i32
      %dma_start3A_20 = tpu.memref_slice %arg6[%arg0, %multiple_of3A, %dma_start3A] : memref<2x10112x128xf32, #tpu.memory_space<hbm>> -> memref<1x632x128xf32, #tpu.memory_space<hbm>>
      %dma_start3A_21 = tpu.memref_squeeze %dma_start3A_20 : memref<1x632x128xf32, #tpu.memory_space<hbm>> -> memref<632x128xf32, #tpu.memory_space<hbm>>
      %dma_start3A_22 = arith.constant 0 : i32
      %dma_start3A_23 = tpu.memref_slice %arg10[%multiple_of3A, %dma_start3A_22] : memref<10112x128xf32, #tpu.memory_space<vmem_shared>> -> memref<632x128xf32, #tpu.memory_space<vmem_shared>>
      tpu.enqueue_dma source(%dma_start3A_23 : memref<632x128xf32, #tpu.memory_space<vmem_shared>>) target(%dma_start3A_21 : memref<632x128xf32, #tpu.memory_space<hbm>>) target_semaphore(%run_scoped3A : memref<!tpu.dma_semaphore, #tpu.memory_space<semaphore_mem>>)
      %dma_wait3A = arith.constant 0 : i32
      %dma_wait3A_24 = tpu.memref_slice %arg6[%arg0, %multiple_of3A, %dma_wait3A] : memref<2x10112x128xf32, #tpu.memory_space<hbm>> -> memref<1x632x128xf32, #tpu.memory_space<hbm>>
      %dma_wait3A_25 = tpu.memref_squeeze %dma_wait3A_24 : memref<1x632x128xf32, #tpu.memory_space<hbm>> -> memref<632x128xf32, #tpu.memory_space<hbm>>
      %dma_wait3A_26 = arith.constant 0 : i32
      %dma_wait3A_27 = tpu.memref_slice %arg10[%multiple_of3A, %dma_wait3A_26] : memref<10112x128xf32, #tpu.memory_space<vmem_shared>> -> memref<632x128xf32, #tpu.memory_space<vmem_shared>>
      tpu.wait_dma2 semaphore(%run_scoped3A : memref<!tpu.dma_semaphore, #tpu.memory_space<semaphore_mem>>) src(%dma_wait3A_27 : memref<632x128xf32, #tpu.memory_space<vmem_shared>>) dst(%dma_wait3A_25 : memref<632x128xf32, #tpu.memory_space<hbm>>)
      tpu.yield
    }) : () -> ()
    return
  }
}

#map = affine_map<(d0, d1) -> (0, 0)>
#map1 = affine_map<(d0, d1) -> (0)>
#map2 = affine_map<(d0, d1) -> (0, 0, 0)>
module attributes {stable_mosaic.version = 14 : i64} {
  func.func @_seg_sum_body(%arg0: i32, %arg1: i32, %arg2: memref<10000x128xf32, #tpu.memory_space<hbm>>, %arg3: memref<320000xi32, #tpu.memory_space<hbm>>, %arg4: memref<320000xi32, #tpu.memory_space<hbm>>, %arg5: memref<632x128xf32, #tpu.memory_space<hbm>>, %arg6: memref<2x10112x128xf32, #tpu.memory_space<hbm>>, %arg7: memref<128xi32, #tpu.memory_space<vmem>>, %arg8: memref<128xi32, #tpu.memory_space<vmem>>, %arg9: memref<128x128xf32, #tpu.memory_space<vmem>>, %arg10: memref<10112x128xf32, #tpu.memory_space<vmem_shared>>, %arg11: memref<!tpu.dma_semaphore, #tpu.memory_space<semaphore_mem>>) attributes {dimension_semantics = [#tpu.dimension_semantics<core_parallel>, #tpu.dimension_semantics<subcore_parallel>], iteration_bounds = array<i64: 2, 16>, scalar_prefetch = 0 : i64, scratch_operands = 5 : i64, tpu.core_type = #tpu.core_type<sc_vector_subcore>, window_params = [{transform_indices = #map}, {transform_indices = #map1}, {transform_indices = #map1}, {transform_indices = #map}, {transform_indices = #map2}]} {
    %mul3A = arith.constant 2 : i32
    %mul3A_0 = arith.muli %arg1, %mul3A : i32
    %add3A = arith.addi %mul3A_0, %arg0 : i32
    %mul3A_1 = arith.constant 632 : i32
    %mul3A_2 = arith.muli %arg1, %mul3A_1 : i32
    %multiple_of3A = tpu.assume_multiple %mul3A_2, 8 : i32
    "tpu.region"() ({
      %run_scoped3A = tpu.sem_alloc : memref<!tpu.dma_semaphore, #tpu.memory_space<semaphore_mem>>
      %dma_start3A = arith.constant 0 : i32
      %dma_start3A_20 = tpu.memref_slice %arg10[%multiple_of3A, %dma_start3A] : memref<10112x128xf32, #tpu.memory_space<vmem_shared>> -> memref<632x128xf32, #tpu.memory_space<vmem_shared>>
      tpu.enqueue_dma source(%arg5 : memref<632x128xf32, #tpu.memory_space<hbm>>) target(%dma_start3A_20 : memref<632x128xf32, #tpu.memory_space<vmem_shared>>) target_semaphore(%run_scoped3A : memref<!tpu.dma_semaphore, #tpu.memory_space<semaphore_mem>>)
      %dma_wait3A = arith.constant 0 : i32
      %dma_wait3A_21 = tpu.memref_slice %arg10[%multiple_of3A, %dma_wait3A] : memref<10112x128xf32, #tpu.memory_space<vmem_shared>> -> memref<632x128xf32, #tpu.memory_space<vmem_shared>>
      tpu.wait_dma2 semaphore(%run_scoped3A : memref<!tpu.dma_semaphore, #tpu.memory_space<semaphore_mem>>) src(%arg5 : memref<632x128xf32, #tpu.memory_space<hbm>>) dst(%dma_wait3A_21 : memref<632x128xf32, #tpu.memory_space<vmem_shared>>)
      tpu.yield
    }) : () -> ()
    %barrier3A = arith.constant 0 : index
    tpu.barrier barrier_id(%barrier3A)
    %mul3A_3 = arith.constant 78 : i32
    %mul3A_4 = arith.muli %add3A, %mul3A_3 : i32
    %add3A_5 = arith.constant 1 : i32
    %add3A_6 = arith.addi %add3A, %add3A_5 : i32
    %mul3A_7 = arith.constant 78 : i32
    %mul3A_8 = arith.muli %add3A_6, %mul3A_7 : i32
    %while3A = arith.constant 0 : i32
    %while3A_9 = arith.subi %mul3A_8, %mul3A_4 : i32
    %while3A_10 = arith.addi %mul3A_4, %while3A_9 : i32
    %while3A_11 = arith.constant 1 : i32
    %while3A_12 = arith.divsi %while3A_9, %while3A_11 : i32
    %while3A_13 = arith.muli %while3A_12, %while3A_11 : i32
    %while3A_14 = arith.addi %mul3A_4, %while3A_13 : i32
    %while3A_15 = arith.constant 1 : i32
    scf.for %while3A_20 = %mul3A_4 to %while3A_14 step %while3A_15  : i32 {
      %mul3A_21 = arith.constant 128 : i32
      %mul3A_22 = arith.muli %while3A_20, %mul3A_21 : i32
      %multiple_of3A_23 = tpu.assume_multiple %mul3A_22, 128 : i32
      "tpu.region"() ({
        %run_scoped3A = tpu.sem_alloc : memref<!tpu.dma_semaphore, #tpu.memory_space<semaphore_mem>>
        %dma_start3A_28 = tpu.memref_slice %arg3[%multiple_of3A_23] : memref<320000xi32, #tpu.memory_space<hbm>> -> memref<128xi32, #tpu.memory_space<hbm>>
        %dma_start3A_29 = tpu.memref_slice %arg3[%multiple_of3A_23] : memref<320000xi32, #tpu.memory_space<hbm>> -> memref<128xi32, #tpu.memory_space<hbm>>
        tpu.enqueue_dma source(%dma_start3A_29 : memref<128xi32, #tpu.memory_space<hbm>>) target(%arg7 : memref<128xi32, #tpu.memory_space<vmem>>) target_semaphore(%run_scoped3A : memref<!tpu.dma_semaphore, #tpu.memory_space<semaphore_mem>>)
        %dma_wait3A_30 = tpu.memref_slice %arg3[%multiple_of3A_23] : memref<320000xi32, #tpu.memory_space<hbm>> -> memref<128xi32, #tpu.memory_space<hbm>>
        %dma_wait3A_31 = tpu.memref_slice %arg3[%multiple_of3A_23] : memref<320000xi32, #tpu.memory_space<hbm>> -> memref<128xi32, #tpu.memory_space<hbm>>
        tpu.wait_dma2 semaphore(%run_scoped3A : memref<!tpu.dma_semaphore, #tpu.memory_space<semaphore_mem>>) src(%dma_wait3A_31 : memref<128xi32, #tpu.memory_space<hbm>>) dst(%arg7 : memref<128xi32, #tpu.memory_space<vmem>>)
        tpu.yield
      }) : () -> ()
      "tpu.region"() ({
        %run_scoped3A = tpu.sem_alloc : memref<!tpu.dma_semaphore, #tpu.memory_space<semaphore_mem>>
        %dma_start3A_28 = tpu.memref_slice %arg4[%multiple_of3A_23] : memref<320000xi32, #tpu.memory_space<hbm>> -> memref<128xi32, #tpu.memory_space<hbm>>
        %dma_start3A_29 = tpu.memref_slice %arg4[%multiple_of3A_23] : memref<320000xi32, #tpu.memory_space<hbm>> -> memref<128xi32, #tpu.memory_space<hbm>>
        tpu.enqueue_dma source(%dma_start3A_29 : memref<128xi32, #tpu.memory_space<hbm>>) target(%arg8 : memref<128xi32, #tpu.memory_space<vmem>>) target_semaphore(%run_scoped3A : memref<!tpu.dma_semaphore, #tpu.memory_space<semaphore_mem>>)
        %dma_wait3A_30 = tpu.memref_slice %arg4[%multiple_of3A_23] : memref<320000xi32, #tpu.memory_space<hbm>> -> memref<128xi32, #tpu.memory_space<hbm>>
        %dma_wait3A_31 = tpu.memref_slice %arg4[%multiple_of3A_23] : memref<320000xi32, #tpu.memory_space<hbm>> -> memref<128xi32, #tpu.memory_space<hbm>>
        tpu.wait_dma2 semaphore(%run_scoped3A : memref<!tpu.dma_semaphore, #tpu.memory_space<semaphore_mem>>) src(%dma_wait3A_31 : memref<128xi32, #tpu.memory_space<hbm>>) dst(%arg8 : memref<128xi32, #tpu.memory_space<vmem>>)
        tpu.yield
      }) : () -> ()
      %dma_start3A = arith.constant 0 : i32
      %dma_start3A_24 = arith.constant 0 : i32
      %dma_start3A_25 = tpu.memref_slice %arg2[%dma_start3A, %dma_start3A_24] : memref<10000x128xf32, #tpu.memory_space<hbm>> -> memref<10000x128xf32, #tpu.memory_space<hbm>>
      tpu.enqueue_indirect_dma source(%dma_start3A_25 : memref<10000x128xf32, #tpu.memory_space<hbm>>) target(%arg9 : memref<128x128xf32, #tpu.memory_space<vmem>>) offsets(%arg7 : memref<128xi32, #tpu.memory_space<vmem>>) semaphore(%arg11 : memref<!tpu.dma_semaphore, #tpu.memory_space<semaphore_mem>>)
      %dma_wait3A = arith.constant 0 : i32
      %dma_wait3A_26 = arith.constant 0 : i32
      %dma_wait3A_27 = tpu.memref_slice %arg2[%dma_wait3A, %dma_wait3A_26] : memref<10000x128xf32, #tpu.memory_space<hbm>> -> memref<10000x128xf32, #tpu.memory_space<hbm>>
      tpu.wait_indirect_dma semaphore(%arg11 : memref<!tpu.dma_semaphore, #tpu.memory_space<semaphore_mem>>) src(%dma_wait3A_27 : memref<10000x128xf32, #tpu.memory_space<hbm>>) dst(%arg9 : memref<128x128xf32, #tpu.memory_space<vmem>>)
      "tpu.region"() ({
        %run_scoped3A = tpu.sem_alloc : memref<!tpu.dma_semaphore, #tpu.memory_space<semaphore_mem>>
        %dma_start3A_28 = arith.constant 0 : i32
        %dma_start3A_29 = arith.constant 0 : i32
        %dma_start3A_30 = tpu.memref_slice %arg10[%dma_start3A_28, %dma_start3A_29] : memref<10112x128xf32, #tpu.memory_space<vmem_shared>> -> memref<10112x128xf32, #tpu.memory_space<vmem_shared>>
        tpu.enqueue_indirect_dma source(%arg9 : memref<128x128xf32, #tpu.memory_space<vmem>>) target(%dma_start3A_30 : memref<10112x128xf32, #tpu.memory_space<vmem_shared>>) offsets(%arg8 : memref<128xi32, #tpu.memory_space<vmem>>) semaphore(%run_scoped3A : memref<!tpu.dma_semaphore, #tpu.memory_space<semaphore_mem>>) {add = true}
        %dma_wait3A_31 = arith.constant 0 : i32
        %dma_wait3A_32 = arith.constant 0 : i32
        %dma_wait3A_33 = tpu.memref_slice %arg10[%dma_wait3A_31, %dma_wait3A_32] : memref<10112x128xf32, #tpu.memory_space<vmem_shared>> -> memref<10112x128xf32, #tpu.memory_space<vmem_shared>>
        tpu.wait_indirect_dma semaphore(%run_scoped3A : memref<!tpu.dma_semaphore, #tpu.memory_space<semaphore_mem>>) src(%arg9 : memref<128x128xf32, #tpu.memory_space<vmem>>) dst(%dma_wait3A_33 : memref<10112x128xf32, #tpu.memory_space<vmem_shared>>)
        tpu.yield
      }) : () -> ()
    }
    %while3A_16 = arith.constant 1 : i32
    scf.for %while3A_20 = %while3A_14 to %while3A_10 step %while3A_16  : i32 {
      %mul3A_21 = arith.constant 128 : i32
      %mul3A_22 = arith.muli %while3A_20, %mul3A_21 : i32
      %multiple_of3A_23 = tpu.assume_multiple %mul3A_22, 128 : i32
      "tpu.region"() ({
        %run_scoped3A = tpu.sem_alloc : memref<!tpu.dma_semaphore, #tpu.memory_space<semaphore_mem>>
        %dma_start3A_28 = tpu.memref_slice %arg3[%multiple_of3A_23] : memref<320000xi32, #tpu.memory_space<hbm>> -> memref<128xi32, #tpu.memory_space<hbm>>
        %dma_start3A_29 = tpu.memref_slice %arg3[%multiple_of3A_23] : memref<320000xi32, #tpu.memory_space<hbm>> -> memref<128xi32, #tpu.memory_space<hbm>>
        tpu.enqueue_dma source(%dma_start3A_29 : memref<128xi32, #tpu.memory_space<hbm>>) target(%arg7 : memref<128xi32, #tpu.memory_space<vmem>>) target_semaphore(%run_scoped3A : memref<!tpu.dma_semaphore, #tpu.memory_space<semaphore_mem>>)
        %dma_wait3A_30 = tpu.memref_slice %arg3[%multiple_of3A_23] : memref<320000xi32, #tpu.memory_space<hbm>> -> memref<128xi32, #tpu.memory_space<hbm>>
        %dma_wait3A_31 = tpu.memref_slice %arg3[%multiple_of3A_23] : memref<320000xi32, #tpu.memory_space<hbm>> -> memref<128xi32, #tpu.memory_space<hbm>>
        tpu.wait_dma2 semaphore(%run_scoped3A : memref<!tpu.dma_semaphore, #tpu.memory_space<semaphore_mem>>) src(%dma_wait3A_31 : memref<128xi32, #tpu.memory_space<hbm>>) dst(%arg7 : memref<128xi32, #tpu.memory_space<vmem>>)
        tpu.yield
      }) : () -> ()
      "tpu.region"() ({
        %run_scoped3A = tpu.sem_alloc : memref<!tpu.dma_semaphore, #tpu.memory_space<semaphore_mem>>
        %dma_start3A_28 = tpu.memref_slice %arg4[%multiple_of3A_23] : memref<320000xi32, #tpu.memory_space<hbm>> -> memref<128xi32, #tpu.memory_space<hbm>>
        %dma_start3A_29 = tpu.memref_slice %arg4[%multiple_of3A_23] : memref<320000xi32, #tpu.memory_space<hbm>> -> memref<128xi32, #tpu.memory_space<hbm>>
        tpu.enqueue_dma source(%dma_start3A_29 : memref<128xi32, #tpu.memory_space<hbm>>) target(%arg8 : memref<128xi32, #tpu.memory_space<vmem>>) target_semaphore(%run_scoped3A : memref<!tpu.dma_semaphore, #tpu.memory_space<semaphore_mem>>)
        %dma_wait3A_30 = tpu.memref_slice %arg4[%multiple_of3A_23] : memref<320000xi32, #tpu.memory_space<hbm>> -> memref<128xi32, #tpu.memory_space<hbm>>
        %dma_wait3A_31 = tpu.memref_slice %arg4[%multiple_of3A_23] : memref<320000xi32, #tpu.memory_space<hbm>> -> memref<128xi32, #tpu.memory_space<hbm>>
        tpu.wait_dma2 semaphore(%run_scoped3A : memref<!tpu.dma_semaphore, #tpu.memory_space<semaphore_mem>>) src(%dma_wait3A_31 : memref<128xi32, #tpu.memory_space<hbm>>) dst(%arg8 : memref<128xi32, #tpu.memory_space<vmem>>)
        tpu.yield
      }) : () -> ()
      %dma_start3A = arith.constant 0 : i32
      %dma_start3A_24 = arith.constant 0 : i32
      %dma_start3A_25 = tpu.memref_slice %arg2[%dma_start3A, %dma_start3A_24] : memref<10000x128xf32, #tpu.memory_space<hbm>> -> memref<10000x128xf32, #tpu.memory_space<hbm>>
      tpu.enqueue_indirect_dma source(%dma_start3A_25 : memref<10000x128xf32, #tpu.memory_space<hbm>>) target(%arg9 : memref<128x128xf32, #tpu.memory_space<vmem>>) offsets(%arg7 : memref<128xi32, #tpu.memory_space<vmem>>) semaphore(%arg11 : memref<!tpu.dma_semaphore, #tpu.memory_space<semaphore_mem>>)
      %dma_wait3A = arith.constant 0 : i32
      %dma_wait3A_26 = arith.constant 0 : i32
      %dma_wait3A_27 = tpu.memref_slice %arg2[%dma_wait3A, %dma_wait3A_26] : memref<10000x128xf32, #tpu.memory_space<hbm>> -> memref<10000x128xf32, #tpu.memory_space<hbm>>
      tpu.wait_indirect_dma semaphore(%arg11 : memref<!tpu.dma_semaphore, #tpu.memory_space<semaphore_mem>>) src(%dma_wait3A_27 : memref<10000x128xf32, #tpu.memory_space<hbm>>) dst(%arg9 : memref<128x128xf32, #tpu.memory_space<vmem>>)
      "tpu.region"() ({
        %run_scoped3A = tpu.sem_alloc : memref<!tpu.dma_semaphore, #tpu.memory_space<semaphore_mem>>
        %dma_start3A_28 = arith.constant 0 : i32
        %dma_start3A_29 = arith.constant 0 : i32
        %dma_start3A_30 = tpu.memref_slice %arg10[%dma_start3A_28, %dma_start3A_29] : memref<10112x128xf32, #tpu.memory_space<vmem_shared>> -> memref<10112x128xf32, #tpu.memory_space<vmem_shared>>
        tpu.enqueue_indirect_dma source(%arg9 : memref<128x128xf32, #tpu.memory_space<vmem>>) target(%dma_start3A_30 : memref<10112x128xf32, #tpu.memory_space<vmem_shared>>) offsets(%arg8 : memref<128xi32, #tpu.memory_space<vmem>>) semaphore(%run_scoped3A : memref<!tpu.dma_semaphore, #tpu.memory_space<semaphore_mem>>) {add = true}
        %dma_wait3A_31 = arith.constant 0 : i32
        %dma_wait3A_32 = arith.constant 0 : i32
        %dma_wait3A_33 = tpu.memref_slice %arg10[%dma_wait3A_31, %dma_wait3A_32] : memref<10112x128xf32, #tpu.memory_space<vmem_shared>> -> memref<10112x128xf32, #tpu.memory_space<vmem_shared>>
        tpu.wait_indirect_dma semaphore(%run_scoped3A : memref<!tpu.dma_semaphore, #tpu.memory_space<semaphore_mem>>) src(%arg9 : memref<128x128xf32, #tpu.memory_space<vmem>>) dst(%dma_wait3A_33 : memref<10112x128xf32, #tpu.memory_space<vmem_shared>>)
        tpu.yield
      }) : () -> ()
    }
    %lt3A = arith.constant 4 : i32
    %lt3A_17 = arith.cmpi slt, %add3A, %lt3A : i32
    %convert_element_type3A = arith.extui %lt3A_17 : i1 to i32
    %cond3A = arith.constant 0 : i32
    %cond3A_18 = arith.cmpi ne, %convert_element_type3A, %cond3A : i32
    scf.if %cond3A_18 {
      %add3A_20 = arith.constant 2496 : i32
      %add3A_21 = arith.addi %add3A_20, %add3A : i32
      %mul3A_22 = arith.constant 128 : i32
      %mul3A_23 = arith.muli %add3A_21, %mul3A_22 : i32
      %multiple_of3A_24 = tpu.assume_multiple %mul3A_23, 128 : i32
      "tpu.region"() ({
        %run_scoped3A = tpu.sem_alloc : memref<!tpu.dma_semaphore, #tpu.memory_space<semaphore_mem>>
        %dma_start3A_29 = tpu.memref_slice %arg3[%multiple_of3A_24] : memref<320000xi32, #tpu.memory_space<hbm>> -> memref<128xi32, #tpu.memory_space<hbm>>
        %dma_start3A_30 = tpu.memref_slice %arg3[%multiple_of3A_24] : memref<320000xi32, #tpu.memory_space<hbm>> -> memref<128xi32, #tpu.memory_space<hbm>>
        tpu.enqueue_dma source(%dma_start3A_30 : memref<128xi32, #tpu.memory_space<hbm>>) target(%arg7 : memref<128xi32, #tpu.memory_space<vmem>>) target_semaphore(%run_scoped3A : memref<!tpu.dma_semaphore, #tpu.memory_space<semaphore_mem>>)
        %dma_wait3A_31 = tpu.memref_slice %arg3[%multiple_of3A_24] : memref<320000xi32, #tpu.memory_space<hbm>> -> memref<128xi32, #tpu.memory_space<hbm>>
        %dma_wait3A_32 = tpu.memref_slice %arg3[%multiple_of3A_24] : memref<320000xi32, #tpu.memory_space<hbm>> -> memref<128xi32, #tpu.memory_space<hbm>>
        tpu.wait_dma2 semaphore(%run_scoped3A : memref<!tpu.dma_semaphore, #tpu.memory_space<semaphore_mem>>) src(%dma_wait3A_32 : memref<128xi32, #tpu.memory_space<hbm>>) dst(%arg7 : memref<128xi32, #tpu.memory_space<vmem>>)
        tpu.yield
      }) : () -> ()
      "tpu.region"() ({
        %run_scoped3A = tpu.sem_alloc : memref<!tpu.dma_semaphore, #tpu.memory_space<semaphore_mem>>
        %dma_start3A_29 = tpu.memref_slice %arg4[%multiple_of3A_24] : memref<320000xi32, #tpu.memory_space<hbm>> -> memref<128xi32, #tpu.memory_space<hbm>>
        %dma_start3A_30 = tpu.memref_slice %arg4[%multiple_of3A_24] : memref<320000xi32, #tpu.memory_space<hbm>> -> memref<128xi32, #tpu.memory_space<hbm>>
        tpu.enqueue_dma source(%dma_start3A_30 : memref<128xi32, #tpu.memory_space<hbm>>) target(%arg8 : memref<128xi32, #tpu.memory_space<vmem>>) target_semaphore(%run_scoped3A : memref<!tpu.dma_semaphore, #tpu.memory_space<semaphore_mem>>)
        %dma_wait3A_31 = tpu.memref_slice %arg4[%multiple_of3A_24] : memref<320000xi32, #tpu.memory_space<hbm>> -> memref<128xi32, #tpu.memory_space<hbm>>
        %dma_wait3A_32 = tpu.memref_slice %arg4[%multiple_of3A_24] : memref<320000xi32, #tpu.memory_space<hbm>> -> memref<128xi32, #tpu.memory_space<hbm>>
        tpu.wait_dma2 semaphore(%run_scoped3A : memref<!tpu.dma_semaphore, #tpu.memory_space<semaphore_mem>>) src(%dma_wait3A_32 : memref<128xi32, #tpu.memory_space<hbm>>) dst(%arg8 : memref<128xi32, #tpu.memory_space<vmem>>)
        tpu.yield
      }) : () -> ()
      %dma_start3A = arith.constant 0 : i32
      %dma_start3A_25 = arith.constant 0 : i32
      %dma_start3A_26 = tpu.memref_slice %arg2[%dma_start3A, %dma_start3A_25] : memref<10000x128xf32, #tpu.memory_space<hbm>> -> memref<10000x128xf32, #tpu.memory_space<hbm>>
      tpu.enqueue_indirect_dma source(%dma_start3A_26 : memref<10000x128xf32, #tpu.memory_space<hbm>>) target(%arg9 : memref<128x128xf32, #tpu.memory_space<vmem>>) offsets(%arg7 : memref<128xi32, #tpu.memory_space<vmem>>) semaphore(%arg11 : memref<!tpu.dma_semaphore, #tpu.memory_space<semaphore_mem>>)
      %dma_wait3A = arith.constant 0 : i32
      %dma_wait3A_27 = arith.constant 0 : i32
      %dma_wait3A_28 = tpu.memref_slice %arg2[%dma_wait3A, %dma_wait3A_27] : memref<10000x128xf32, #tpu.memory_space<hbm>> -> memref<10000x128xf32, #tpu.memory_space<hbm>>
      tpu.wait_indirect_dma semaphore(%arg11 : memref<!tpu.dma_semaphore, #tpu.memory_space<semaphore_mem>>) src(%dma_wait3A_28 : memref<10000x128xf32, #tpu.memory_space<hbm>>) dst(%arg9 : memref<128x128xf32, #tpu.memory_space<vmem>>)
      "tpu.region"() ({
        %run_scoped3A = tpu.sem_alloc : memref<!tpu.dma_semaphore, #tpu.memory_space<semaphore_mem>>
        %dma_start3A_29 = arith.constant 0 : i32
        %dma_start3A_30 = arith.constant 0 : i32
        %dma_start3A_31 = tpu.memref_slice %arg10[%dma_start3A_29, %dma_start3A_30] : memref<10112x128xf32, #tpu.memory_space<vmem_shared>> -> memref<10112x128xf32, #tpu.memory_space<vmem_shared>>
        tpu.enqueue_indirect_dma source(%arg9 : memref<128x128xf32, #tpu.memory_space<vmem>>) target(%dma_start3A_31 : memref<10112x128xf32, #tpu.memory_space<vmem_shared>>) offsets(%arg8 : memref<128xi32, #tpu.memory_space<vmem>>) semaphore(%run_scoped3A : memref<!tpu.dma_semaphore, #tpu.memory_space<semaphore_mem>>) {add = true}
        %dma_wait3A_32 = arith.constant 0 : i32
        %dma_wait3A_33 = arith.constant 0 : i32
        %dma_wait3A_34 = tpu.memref_slice %arg10[%dma_wait3A_32, %dma_wait3A_33] : memref<10112x128xf32, #tpu.memory_space<vmem_shared>> -> memref<10112x128xf32, #tpu.memory_space<vmem_shared>>
        tpu.wait_indirect_dma semaphore(%run_scoped3A : memref<!tpu.dma_semaphore, #tpu.memory_space<semaphore_mem>>) src(%arg9 : memref<128x128xf32, #tpu.memory_space<vmem>>) dst(%dma_wait3A_34 : memref<10112x128xf32, #tpu.memory_space<vmem_shared>>)
        tpu.yield
      }) : () -> ()
    } else {
    }
    %barrier3A_19 = arith.constant 0 : index
    tpu.barrier barrier_id(%barrier3A_19)
    "tpu.region"() ({
      %run_scoped3A = tpu.sem_alloc : memref<!tpu.dma_semaphore, #tpu.memory_space<semaphore_mem>>
      %dma_start3A = arith.constant 0 : i32
      %dma_start3A_20 = tpu.memref_slice %arg6[%arg0, %multiple_of3A, %dma_start3A] : memref<2x10112x128xf32, #tpu.memory_space<hbm>> -> memref<1x632x128xf32, #tpu.memory_space<hbm>>
      %dma_start3A_21 = tpu.memref_squeeze %dma_start3A_20 : memref<1x632x128xf32, #tpu.memory_space<hbm>> -> memref<632x128xf32, #tpu.memory_space<hbm>>
      %dma_start3A_22 = arith.constant 0 : i32
      %dma_start3A_23 = tpu.memref_slice %arg10[%multiple_of3A, %dma_start3A_22] : memref<10112x128xf32, #tpu.memory_space<vmem_shared>> -> memref<632x128xf32, #tpu.memory_space<vmem_shared>>
      tpu.enqueue_dma source(%dma_start3A_23 : memref<632x128xf32, #tpu.memory_space<vmem_shared>>) target(%dma_start3A_21 : memref<632x128xf32, #tpu.memory_space<hbm>>) target_semaphore(%run_scoped3A : memref<!tpu.dma_semaphore, #tpu.memory_space<semaphore_mem>>)
      %dma_wait3A = arith.constant 0 : i32
      %dma_wait3A_24 = tpu.memref_slice %arg6[%arg0, %multiple_of3A, %dma_wait3A] : memref<2x10112x128xf32, #tpu.memory_space<hbm>> -> memref<1x632x128xf32, #tpu.memory_space<hbm>>
      %dma_wait3A_25 = tpu.memref_squeeze %dma_wait3A_24 : memref<1x632x128xf32, #tpu.memory_space<hbm>> -> memref<632x128xf32, #tpu.memory_space<hbm>>
      %dma_wait3A_26 = arith.constant 0 : i32
      %dma_wait3A_27 = tpu.memref_slice %arg10[%multiple_of3A, %dma_wait3A_26] : memref<10112x128xf32, #tpu.memory_space<vmem_shared>> -> memref<632x128xf32, #tpu.memory_space<vmem_shared>>
      tpu.wait_dma2 semaphore(%run_scoped3A : memref<!tpu.dma_semaphore, #tpu.memory_space<semaphore_mem>>) src(%dma_wait3A_27 : memref<632x128xf32, #tpu.memory_space<vmem_shared>>) dst(%dma_wait3A_25 : memref<632x128xf32, #tpu.memory_space<hbm>>)
      tpu.yield
    }) : () -> ()
    return
  }
}

module attributes {stable_mosaic.version = 14 : i64} {
  func.func @_layer_body(%arg0: i32, %arg1: i32, %arg2: memref<1000x128xf32, #tpu.memory_space<vmem>>, %arg3: memref<2x1000x128xf32, #tpu.memory_space<vmem>>, %arg4: memref<128x128xf32, #tpu.memory_space<vmem>>, %arg5: memref<1x128xf32, #tpu.memory_space<vmem>>, %arg6: memref<2x128xf32, #tpu.memory_space<vmem>>, %arg7: memref<128x128xf32, #tpu.memory_space<vmem>>, %arg8: memref<1x128xf32, #tpu.memory_space<vmem>>, %arg9: memref<1000x128xf32, #tpu.memory_space<vmem>>, %arg10: memref<10000x128xf32, #tpu.memory_space<vmem>>, %arg11: memref<24x128xf32, #tpu.memory_space<vmem>>) attributes {dimension_semantics = [#tpu.dimension_semantics<arbitrary>, #tpu.dimension_semantics<arbitrary>], iteration_bounds = array<i64: 3, 10>, scalar_prefetch = 0 : i64, scratch_operands = 2 : i64, tpu.core_type = #tpu.core_type<tc>, window_params = [{transform_indices = @transform_0, window_bounds = array<i64: 1000, 128>}, {transform_indices = @transform_1, window_bounds = array<i64: 2, 1000, 128>}, {pipeline_mode = #tpu.pipeline_mode<synchronous>, transform_indices = @transform_2, window_bounds = array<i64: 128, 128>}, {pipeline_mode = #tpu.pipeline_mode<synchronous>, transform_indices = @transform_3, window_bounds = array<i64: 1, 128>}, {pipeline_mode = #tpu.pipeline_mode<synchronous>, transform_indices = @transform_4, window_bounds = array<i64: 2, 128>}, {pipeline_mode = #tpu.pipeline_mode<synchronous>, transform_indices = @transform_5, window_bounds = array<i64: 128, 128>}, {pipeline_mode = #tpu.pipeline_mode<synchronous>, transform_indices = @transform_6, window_bounds = array<i64: 1, 128>}, {transform_indices = @transform_7, window_bounds = array<i64: 1000, 128>}]} {
    %eq3A = arith.constant 0 : i32
    %eq3A_0 = arith.cmpi eq, %arg0, %eq3A : i32
    %convert_element_type3A = arith.extui %eq3A_0 : i1 to i32
    %cond3A = arith.constant 0 : i32
    %cond3A_1 = arith.cmpi ne, %convert_element_type3A, %cond3A : i32
    scf.if %cond3A_1 {
      %get3A = arith.constant 0 : index
      %get3A_14 = arith.constant 0 : index
      %get3A_15 = vector.load %arg2[%get3A, %get3A_14] : memref<1000x128xf32, #tpu.memory_space<vmem>>, vector<1000x128xf32>
      %get3A_16 = arith.constant 0 : index
      %get3A_17 = arith.constant 0 : index
      %get3A_18 = arith.constant 0 : index
      %get3A_19 = vector.load %arg3[%get3A_16, %get3A_17, %get3A_18] : memref<2x1000x128xf32, #tpu.memory_space<vmem>>, vector<1x1000x128xf32>
      %get3A_20 = vector.shape_cast %get3A_19 : vector<1x1000x128xf32> to vector<1000x128xf32>
      %add3A = arith.addf %get3A_15, %get3A_20 : vector<1000x128xf32>
      %get3A_21 = arith.constant 1 : index
      %get3A_22 = arith.constant 0 : index
      %get3A_23 = arith.constant 0 : index
      %get3A_24 = vector.load %arg3[%get3A_21, %get3A_22, %get3A_23] : memref<2x1000x128xf32, #tpu.memory_space<vmem>>, vector<1x1000x128xf32>
      %get3A_25 = vector.shape_cast %get3A_24 : vector<1x1000x128xf32> to vector<1000x128xf32>
      %add3A_26 = arith.addf %add3A, %get3A_25 : vector<1000x128xf32>
      %get3A_27 = arith.constant 0 : index
      %get3A_28 = arith.constant 0 : index
      %get3A_29 = vector.load %arg4[%get3A_27, %get3A_28] : memref<128x128xf32, #tpu.memory_space<vmem>>, vector<128x128xf32>
      %dot_general3A = arith.constant dense<0.000000e+00> : vector<1000x128xf32>
      %dot_general3A_30 = tpu.matmul %add3A_26, %get3A_29, %dot_general3A {dimension_numbers = #tpu.dot_dimension_numbers<[1], [0], [0], [1], [0, 0, 1, 1], [], []>, transpose_lhs_hint = false} : vector<1000x128xf32>, vector<128x128xf32>, vector<1000x128xf32> -> vector<1000x128xf32>
      %get3A_31 = arith.constant 0 : index
      %get3A_32 = arith.constant 0 : index
      %get3A_33 = vector.load %arg5[%get3A_31, %get3A_32] : memref<1x128xf32, #tpu.memory_space<vmem>>, vector<1x128xf32>
      %add3A_34 = vector.broadcast %get3A_33 : vector<1x128xf32> to vector<1000x128xf32>
      %add3A_35 = arith.addf %dot_general3A_30, %add3A_34 : vector<1000x128xf32>
      %mul3A = arith.constant 1000 : i32
      %mul3A_36 = arith.muli %arg1, %mul3A : i32
      %swap3A = arith.index_cast %mul3A_36 : i32 to index
      %swap3A_37 = arith.constant 0 : index
      %swap3A_38 = vector.load %arg10[%swap3A, %swap3A_37] : memref<10000x128xf32, #tpu.memory_space<vmem>>, vector<1000x128xf32>
      tpu.vector_store %arg10[%swap3A, %swap3A_37], %add3A_35 {strides = array<i32>} : memref<10000x128xf32, #tpu.memory_space<vmem>>, vector<1000x128xf32>,
      %eq3A_39 = arith.constant 0 : i32
      %eq3A_40 = arith.cmpi eq, %arg1, %eq3A_39 : i32
      %convert_element_type3A_41 = arith.extui %eq3A_40 : i1 to i32
      %cond3A_42 = arith.constant 0 : i32
      %cond3A_43 = arith.cmpi ne, %convert_element_type3A_41, %cond3A_42 : i32
      scf.if %cond3A_43 {
        %broadcast_in_dim3A = arith.constant 0.000000e+00 : f32
        %broadcast_in_dim3A_299 = vector.broadcast %broadcast_in_dim3A : f32 to vector<24x128xf32>
        %swap3A_300 = arith.constant 0 : index
        %swap3A_301 = arith.constant 0 : index
        %swap3A_302 = vector.load %arg11[%swap3A_300, %swap3A_301] : memref<24x128xf32, #tpu.memory_space<vmem>>, vector<24x128xf32>
        tpu.vector_store %arg11[%swap3A_300, %swap3A_301], %broadcast_in_dim3A_299 {strides = array<i32>} : memref<24x128xf32, #tpu.memory_space<vmem>>, vector<24x128xf32>,
      } else {
      }
      %get3A_44 = arith.constant 0 : index
      %get3A_45 = arith.constant 0 : index
      %get3A_46 = vector.load %arg11[%get3A_44, %get3A_45] : memref<24x128xf32, #tpu.memory_space<vmem>>, vector<8x128xf32>
      %slice3A = vector.extract_strided_slice %add3A_35 {offsets = [0, 0], sizes = [8, 128], strides = [1, 1]} : vector<1000x128xf32> to vector<8x128xf32>
      %add3A_47 = arith.addf %get3A_46, %slice3A : vector<8x128xf32>
      %slice3A_48 = vector.extract_strided_slice %add3A_35 {offsets = [8, 0], sizes = [8, 128], strides = [1, 1]} : vector<1000x128xf32> to vector<8x128xf32>
      %add3A_49 = arith.addf %add3A_47, %slice3A_48 : vector<8x128xf32>
      %slice3A_50 = vector.extract_strided_slice %add3A_35 {offsets = [16, 0], sizes = [8, 128], strides = [1, 1]} : vector<1000x128xf32> to vector<8x128xf32>
      %add3A_51 = arith.addf %add3A_49, %slice3A_50 : vector<8x128xf32>
      %slice3A_52 = vector.extract_strided_slice %add3A_35 {offsets = [24, 0], sizes = [8, 128], strides = [1, 1]} : vector<1000x128xf32> to vector<8x128xf32>
      %add3A_53 = arith.addf %add3A_51, %slice3A_52 : vector<8x128xf32>
      %slice3A_54 = vector.extract_strided_slice %add3A_35 {offsets = [32, 0], sizes = [8, 128], strides = [1, 1]} : vector<1000x128xf32> to vector<8x128xf32>
      %add3A_55 = arith.addf %add3A_53, %slice3A_54 : vector<8x128xf32>
      %slice3A_56 = vector.extract_strided_slice %add3A_35 {offsets = [40, 0], sizes = [8, 128], strides = [1, 1]} : vector<1000x128xf32> to vector<8x128xf32>
      %add3A_57 = arith.addf %add3A_55, %slice3A_56 : vector<8x128xf32>
      %slice3A_58 = vector.extract_strided_slice %add3A_35 {offsets = [48, 0], sizes = [8, 128], strides = [1, 1]} : vector<1000x128xf32> to vector<8x128xf32>
      %add3A_59 = arith.addf %add3A_57, %slice3A_58 : vector<8x128xf32>
      %slice3A_60 = vector.extract_strided_slice %add3A_35 {offsets = [56, 0], sizes = [8, 128], strides = [1, 1]} : vector<1000x128xf32> to vector<8x128xf32>
      %add3A_61 = arith.addf %add3A_59, %slice3A_60 : vector<8x128xf32>
      %slice3A_62 = vector.extract_strided_slice %add3A_35 {offsets = [64, 0], sizes = [8, 128], strides = [1, 1]} : vector<1000x128xf32> to vector<8x128xf32>
      %add3A_63 = arith.addf %add3A_61, %slice3A_62 : vector<8x128xf32>
      %slice3A_64 = vector.extract_strided_slice %add3A_35 {offsets = [72, 0], sizes = [8, 128], strides = [1, 1]} : vector<1000x128xf32> to vector<8x128xf32>
      %add3A_65 = arith.addf %add3A_63, %slice3A_64 : vector<8x128xf32>
      %slice3A_66 = vector.extract_strided_slice %add3A_35 {offsets = [80, 0], sizes = [8, 128], strides = [1, 1]} : vector<1000x128xf32> to vector<8x128xf32>
      %add3A_67 = arith.addf %add3A_65, %slice3A_66 : vector<8x128xf32>
      %slice3A_68 = vector.extract_strided_slice %add3A_35 {offsets = [88, 0], sizes = [8, 128], strides = [1, 1]} : vector<1000x128xf32> to vector<8x128xf32>
      %add3A_69 = arith.addf %add3A_67, %slice3A_68 : vector<8x128xf32>
      %slice3A_70 = vector.extract_strided_slice %add3A_35 {offsets = [96, 0], sizes = [8, 128], strides = [1, 1]} : vector<1000x128xf32> to vector<8x128xf32>
      %add3A_71 = arith.addf %add3A_69, %slice3A_70 : vector<8x128xf32>
      %slice3A_72 = vector.extract_strided_slice %add3A_35 {offsets = [104, 0], sizes = [8, 128], strides = [1, 1]} : vector<1000x128xf32> to vector<8x128xf32>
      %add3A_73 = arith.addf %add3A_71, %slice3A_72 : vector<8x128xf32>
      %slice3A_74 = vector.extract_strided_slice %add3A_35 {offsets = [112, 0], sizes = [8, 128], strides = [1, 1]} : vector<1000x128xf32> to vector<8x128xf32>
      %add3A_75 = arith.addf %add3A_73, %slice3A_74 : vector<8x128xf32>
      %slice3A_76 = vector.extract_strided_slice %add3A_35 {offsets = [120, 0], sizes = [8, 128], strides = [1, 1]} : vector<1000x128xf32> to vector<8x128xf32>
      %add3A_77 = arith.addf %add3A_75, %slice3A_76 : vector<8x128xf32>
      %slice3A_78 = vector.extract_strided_slice %add3A_35 {offsets = [128, 0], sizes = [8, 128], strides = [1, 1]} : vector<1000x128xf32> to vector<8x128xf32>
      %add3A_79 = arith.addf %add3A_77, %slice3A_78 : vector<8x128xf32>
      %slice3A_80 = vector.extract_strided_slice %add3A_35 {offsets = [136, 0], sizes = [8, 128], strides = [1, 1]} : vector<1000x128xf32> to vector<8x128xf32>
      %add3A_81 = arith.addf %add3A_79, %slice3A_80 : vector<8x128xf32>
      %slice3A_82 = vector.extract_strided_slice %add3A_35 {offsets = [144, 0], sizes = [8, 128], strides = [1, 1]} : vector<1000x128xf32> to vector<8x128xf32>
      %add3A_83 = arith.addf %add3A_81, %slice3A_82 : vector<8x128xf32>
      %slice3A_84 = vector.extract_strided_slice %add3A_35 {offsets = [152, 0], sizes = [8, 128], strides = [1, 1]} : vector<1000x128xf32> to vector<8x128xf32>
      %add3A_85 = arith.addf %add3A_83, %slice3A_84 : vector<8x128xf32>
      %slice3A_86 = vector.extract_strided_slice %add3A_35 {offsets = [160, 0], sizes = [8, 128], strides = [1, 1]} : vector<1000x128xf32> to vector<8x128xf32>
      %add3A_87 = arith.addf %add3A_85, %slice3A_86 : vector<8x128xf32>
      %slice3A_88 = vector.extract_strided_slice %add3A_35 {offsets = [168, 0], sizes = [8, 128], strides = [1, 1]} : vector<1000x128xf32> to vector<8x128xf32>
      %add3A_89 = arith.addf %add3A_87, %slice3A_88 : vector<8x128xf32>
      %slice3A_90 = vector.extract_strided_slice %add3A_35 {offsets = [176, 0], sizes = [8, 128], strides = [1, 1]} : vector<1000x128xf32> to vector<8x128xf32>
      %add3A_91 = arith.addf %add3A_89, %slice3A_90 : vector<8x128xf32>
      %slice3A_92 = vector.extract_strided_slice %add3A_35 {offsets = [184, 0], sizes = [8, 128], strides = [1, 1]} : vector<1000x128xf32> to vector<8x128xf32>
      %add3A_93 = arith.addf %add3A_91, %slice3A_92 : vector<8x128xf32>
      %slice3A_94 = vector.extract_strided_slice %add3A_35 {offsets = [192, 0], sizes = [8, 128], strides = [1, 1]} : vector<1000x128xf32> to vector<8x128xf32>
      %add3A_95 = arith.addf %add3A_93, %slice3A_94 : vector<8x128xf32>
      %slice3A_96 = vector.extract_strided_slice %add3A_35 {offsets = [200, 0], sizes = [8, 128], strides = [1, 1]} : vector<1000x128xf32> to vector<8x128xf32>
      %add3A_97 = arith.addf %add3A_95, %slice3A_96 : vector<8x128xf32>
      %slice3A_98 = vector.extract_strided_slice %add3A_35 {offsets = [208, 0], sizes = [8, 128], strides = [1, 1]} : vector<1000x128xf32> to vector<8x128xf32>
      %add3A_99 = arith.addf %add3A_97, %slice3A_98 : vector<8x128xf32>
      %slice3A_100 = vector.extract_strided_slice %add3A_35 {offsets = [216, 0], sizes = [8, 128], strides = [1, 1]} : vector<1000x128xf32> to vector<8x128xf32>
      %add3A_101 = arith.addf %add3A_99, %slice3A_100 : vector<8x128xf32>
      %slice3A_102 = vector.extract_strided_slice %add3A_35 {offsets = [224, 0], sizes = [8, 128], strides = [1, 1]} : vector<1000x128xf32> to vector<8x128xf32>
      %add3A_103 = arith.addf %add3A_101, %slice3A_102 : vector<8x128xf32>
      %slice3A_104 = vector.extract_strided_slice %add3A_35 {offsets = [232, 0], sizes = [8, 128], strides = [1, 1]} : vector<1000x128xf32> to vector<8x128xf32>
      %add3A_105 = arith.addf %add3A_103, %slice3A_104 : vector<8x128xf32>
      %slice3A_106 = vector.extract_strided_slice %add3A_35 {offsets = [240, 0], sizes = [8, 128], strides = [1, 1]} : vector<1000x128xf32> to vector<8x128xf32>
      %add3A_107 = arith.addf %add3A_105, %slice3A_106 : vector<8x128xf32>
      %slice3A_108 = vector.extract_strided_slice %add3A_35 {offsets = [248, 0], sizes = [8, 128], strides = [1, 1]} : vector<1000x128xf32> to vector<8x128xf32>
      %add3A_109 = arith.addf %add3A_107, %slice3A_108 : vector<8x128xf32>
      %slice3A_110 = vector.extract_strided_slice %add3A_35 {offsets = [256, 0], sizes = [8, 128], strides = [1, 1]} : vector<1000x128xf32> to vector<8x128xf32>
      %add3A_111 = arith.addf %add3A_109, %slice3A_110 : vector<8x128xf32>
      %slice3A_112 = vector.extract_strided_slice %add3A_35 {offsets = [264, 0], sizes = [8, 128], strides = [1, 1]} : vector<1000x128xf32> to vector<8x128xf32>
      %add3A_113 = arith.addf %add3A_111, %slice3A_112 : vector<8x128xf32>
      %slice3A_114 = vector.extract_strided_slice %add3A_35 {offsets = [272, 0], sizes = [8, 128], strides = [1, 1]} : vector<1000x128xf32> to vector<8x128xf32>
      %add3A_115 = arith.addf %add3A_113, %slice3A_114 : vector<8x128xf32>
      %slice3A_116 = vector.extract_strided_slice %add3A_35 {offsets = [280, 0], sizes = [8, 128], strides = [1, 1]} : vector<1000x128xf32> to vector<8x128xf32>
      %add3A_117 = arith.addf %add3A_115, %slice3A_116 : vector<8x128xf32>
      %slice3A_118 = vector.extract_strided_slice %add3A_35 {offsets = [288, 0], sizes = [8, 128], strides = [1, 1]} : vector<1000x128xf32> to vector<8x128xf32>
      %add3A_119 = arith.addf %add3A_117, %slice3A_118 : vector<8x128xf32>
      %slice3A_120 = vector.extract_strided_slice %add3A_35 {offsets = [296, 0], sizes = [8, 128], strides = [1, 1]} : vector<1000x128xf32> to vector<8x128xf32>
      %add3A_121 = arith.addf %add3A_119, %slice3A_120 : vector<8x128xf32>
      %slice3A_122 = vector.extract_strided_slice %add3A_35 {offsets = [304, 0], sizes = [8, 128], strides = [1, 1]} : vector<1000x128xf32> to vector<8x128xf32>
      %add3A_123 = arith.addf %add3A_121, %slice3A_122 : vector<8x128xf32>
      %slice3A_124 = vector.extract_strided_slice %add3A_35 {offsets = [312, 0], sizes = [8, 128], strides = [1, 1]} : vector<1000x128xf32> to vector<8x128xf32>
      %add3A_125 = arith.addf %add3A_123, %slice3A_124 : vector<8x128xf32>
      %slice3A_126 = vector.extract_strided_slice %add3A_35 {offsets = [320, 0], sizes = [8, 128], strides = [1, 1]} : vector<1000x128xf32> to vector<8x128xf32>
      %add3A_127 = arith.addf %add3A_125, %slice3A_126 : vector<8x128xf32>
      %slice3A_128 = vector.extract_strided_slice %add3A_35 {offsets = [328, 0], sizes = [8, 128], strides = [1, 1]} : vector<1000x128xf32> to vector<8x128xf32>
      %add3A_129 = arith.addf %add3A_127, %slice3A_128 : vector<8x128xf32>
      %slice3A_130 = vector.extract_strided_slice %add3A_35 {offsets = [336, 0], sizes = [8, 128], strides = [1, 1]} : vector<1000x128xf32> to vector<8x128xf32>
      %add3A_131 = arith.addf %add3A_129, %slice3A_130 : vector<8x128xf32>
      %slice3A_132 = vector.extract_strided_slice %add3A_35 {offsets = [344, 0], sizes = [8, 128], strides = [1, 1]} : vector<1000x128xf32> to vector<8x128xf32>
      %add3A_133 = arith.addf %add3A_131, %slice3A_132 : vector<8x128xf32>
      %slice3A_134 = vector.extract_strided_slice %add3A_35 {offsets = [352, 0], sizes = [8, 128], strides = [1, 1]} : vector<1000x128xf32> to vector<8x128xf32>
      %add3A_135 = arith.addf %add3A_133, %slice3A_134 : vector<8x128xf32>
      %slice3A_136 = vector.extract_strided_slice %add3A_35 {offsets = [360, 0], sizes = [8, 128], strides = [1, 1]} : vector<1000x128xf32> to vector<8x128xf32>
      %add3A_137 = arith.addf %add3A_135, %slice3A_136 : vector<8x128xf32>
      %slice3A_138 = vector.extract_strided_slice %add3A_35 {offsets = [368, 0], sizes = [8, 128], strides = [1, 1]} : vector<1000x128xf32> to vector<8x128xf32>
      %add3A_139 = arith.addf %add3A_137, %slice3A_138 : vector<8x128xf32>
      %slice3A_140 = vector.extract_strided_slice %add3A_35 {offsets = [376, 0], sizes = [8, 128], strides = [1, 1]} : vector<1000x128xf32> to vector<8x128xf32>
      %add3A_141 = arith.addf %add3A_139, %slice3A_140 : vector<8x128xf32>
      %slice3A_142 = vector.extract_strided_slice %add3A_35 {offsets = [384, 0], sizes = [8, 128], strides = [1, 1]} : vector<1000x128xf32> to vector<8x128xf32>
      %add3A_143 = arith.addf %add3A_141, %slice3A_142 : vector<8x128xf32>
      %slice3A_144 = vector.extract_strided_slice %add3A_35 {offsets = [392, 0], sizes = [8, 128], strides = [1, 1]} : vector<1000x128xf32> to vector<8x128xf32>
      %add3A_145 = arith.addf %add3A_143, %slice3A_144 : vector<8x128xf32>
      %slice3A_146 = vector.extract_strided_slice %add3A_35 {offsets = [400, 0], sizes = [8, 128], strides = [1, 1]} : vector<1000x128xf32> to vector<8x128xf32>
      %add3A_147 = arith.addf %add3A_145, %slice3A_146 : vector<8x128xf32>
      %slice3A_148 = vector.extract_strided_slice %add3A_35 {offsets = [408, 0], sizes = [8, 128], strides = [1, 1]} : vector<1000x128xf32> to vector<8x128xf32>
      %add3A_149 = arith.addf %add3A_147, %slice3A_148 : vector<8x128xf32>
      %slice3A_150 = vector.extract_strided_slice %add3A_35 {offsets = [416, 0], sizes = [8, 128], strides = [1, 1]} : vector<1000x128xf32> to vector<8x128xf32>
      %add3A_151 = arith.addf %add3A_149, %slice3A_150 : vector<8x128xf32>
      %slice3A_152 = vector.extract_strided_slice %add3A_35 {offsets = [424, 0], sizes = [8, 128], strides = [1, 1]} : vector<1000x128xf32> to vector<8x128xf32>
      %add3A_153 = arith.addf %add3A_151, %slice3A_152 : vector<8x128xf32>
      %slice3A_154 = vector.extract_strided_slice %add3A_35 {offsets = [432, 0], sizes = [8, 128], strides = [1, 1]} : vector<1000x128xf32> to vector<8x128xf32>
      %add3A_155 = arith.addf %add3A_153, %slice3A_154 : vector<8x128xf32>
      %slice3A_156 = vector.extract_strided_slice %add3A_35 {offsets = [440, 0], sizes = [8, 128], strides = [1, 1]} : vector<1000x128xf32> to vector<8x128xf32>
      %add3A_157 = arith.addf %add3A_155, %slice3A_156 : vector<8x128xf32>
      %slice3A_158 = vector.extract_strided_slice %add3A_35 {offsets = [448, 0], sizes = [8, 128], strides = [1, 1]} : vector<1000x128xf32> to vector<8x128xf32>
      %add3A_159 = arith.addf %add3A_157, %slice3A_158 : vector<8x128xf32>
      %slice3A_160 = vector.extract_strided_slice %add3A_35 {offsets = [456, 0], sizes = [8, 128], strides = [1, 1]} : vector<1000x128xf32> to vector<8x128xf32>
      %add3A_161 = arith.addf %add3A_159, %slice3A_160 : vector<8x128xf32>
      %slice3A_162 = vector.extract_strided_slice %add3A_35 {offsets = [464, 0], sizes = [8, 128], strides = [1, 1]} : vector<1000x128xf32> to vector<8x128xf32>
      %add3A_163 = arith.addf %add3A_161, %slice3A_162 : vector<8x128xf32>
      %slice3A_164 = vector.extract_strided_slice %add3A_35 {offsets = [472, 0], sizes = [8, 128], strides = [1, 1]} : vector<1000x128xf32> to vector<8x128xf32>
      %add3A_165 = arith.addf %add3A_163, %slice3A_164 : vector<8x128xf32>
      %slice3A_166 = vector.extract_strided_slice %add3A_35 {offsets = [480, 0], sizes = [8, 128], strides = [1, 1]} : vector<1000x128xf32> to vector<8x128xf32>
      %add3A_167 = arith.addf %add3A_165, %slice3A_166 : vector<8x128xf32>
      %slice3A_168 = vector.extract_strided_slice %add3A_35 {offsets = [488, 0], sizes = [8, 128], strides = [1, 1]} : vector<1000x128xf32> to vector<8x128xf32>
      %add3A_169 = arith.addf %add3A_167, %slice3A_168 : vector<8x128xf32>
      %slice3A_170 = vector.extract_strided_slice %add3A_35 {offsets = [496, 0], sizes = [8, 128], strides = [1, 1]} : vector<1000x128xf32> to vector<8x128xf32>
      %add3A_171 = arith.addf %add3A_169, %slice3A_170 : vector<8x128xf32>
      %slice3A_172 = vector.extract_strided_slice %add3A_35 {offsets = [504, 0], sizes = [8, 128], strides = [1, 1]} : vector<1000x128xf32> to vector<8x128xf32>
      %add3A_173 = arith.addf %add3A_171, %slice3A_172 : vector<8x128xf32>
      %slice3A_174 = vector.extract_strided_slice %add3A_35 {offsets = [512, 0], sizes = [8, 128], strides = [1, 1]} : vector<1000x128xf32> to vector<8x128xf32>
      %add3A_175 = arith.addf %add3A_173, %slice3A_174 : vector<8x128xf32>
      %slice3A_176 = vector.extract_strided_slice %add3A_35 {offsets = [520, 0], sizes = [8, 128], strides = [1, 1]} : vector<1000x128xf32> to vector<8x128xf32>
      %add3A_177 = arith.addf %add3A_175, %slice3A_176 : vector<8x128xf32>
      %slice3A_178 = vector.extract_strided_slice %add3A_35 {offsets = [528, 0], sizes = [8, 128], strides = [1, 1]} : vector<1000x128xf32> to vector<8x128xf32>
      %add3A_179 = arith.addf %add3A_177, %slice3A_178 : vector<8x128xf32>
      %slice3A_180 = vector.extract_strided_slice %add3A_35 {offsets = [536, 0], sizes = [8, 128], strides = [1, 1]} : vector<1000x128xf32> to vector<8x128xf32>
      %add3A_181 = arith.addf %add3A_179, %slice3A_180 : vector<8x128xf32>
      %slice3A_182 = vector.extract_strided_slice %add3A_35 {offsets = [544, 0], sizes = [8, 128], strides = [1, 1]} : vector<1000x128xf32> to vector<8x128xf32>
      %add3A_183 = arith.addf %add3A_181, %slice3A_182 : vector<8x128xf32>
      %slice3A_184 = vector.extract_strided_slice %add3A_35 {offsets = [552, 0], sizes = [8, 128], strides = [1, 1]} : vector<1000x128xf32> to vector<8x128xf32>
      %add3A_185 = arith.addf %add3A_183, %slice3A_184 : vector<8x128xf32>
      %slice3A_186 = vector.extract_strided_slice %add3A_35 {offsets = [560, 0], sizes = [8, 128], strides = [1, 1]} : vector<1000x128xf32> to vector<8x128xf32>
      %add3A_187 = arith.addf %add3A_185, %slice3A_186 : vector<8x128xf32>
      %slice3A_188 = vector.extract_strided_slice %add3A_35 {offsets = [568, 0], sizes = [8, 128], strides = [1, 1]} : vector<1000x128xf32> to vector<8x128xf32>
      %add3A_189 = arith.addf %add3A_187, %slice3A_188 : vector<8x128xf32>
      %slice3A_190 = vector.extract_strided_slice %add3A_35 {offsets = [576, 0], sizes = [8, 128], strides = [1, 1]} : vector<1000x128xf32> to vector<8x128xf32>
      %add3A_191 = arith.addf %add3A_189, %slice3A_190 : vector<8x128xf32>
      %slice3A_192 = vector.extract_strided_slice %add3A_35 {offsets = [584, 0], sizes = [8, 128], strides = [1, 1]} : vector<1000x128xf32> to vector<8x128xf32>
      %add3A_193 = arith.addf %add3A_191, %slice3A_192 : vector<8x128xf32>
      %slice3A_194 = vector.extract_strided_slice %add3A_35 {offsets = [592, 0], sizes = [8, 128], strides = [1, 1]} : vector<1000x128xf32> to vector<8x128xf32>
      %add3A_195 = arith.addf %add3A_193, %slice3A_194 : vector<8x128xf32>
      %slice3A_196 = vector.extract_strided_slice %add3A_35 {offsets = [600, 0], sizes = [8, 128], strides = [1, 1]} : vector<1000x128xf32> to vector<8x128xf32>
      %add3A_197 = arith.addf %add3A_195, %slice3A_196 : vector<8x128xf32>
      %slice3A_198 = vector.extract_strided_slice %add3A_35 {offsets = [608, 0], sizes = [8, 128], strides = [1, 1]} : vector<1000x128xf32> to vector<8x128xf32>
      %add3A_199 = arith.addf %add3A_197, %slice3A_198 : vector<8x128xf32>
      %slice3A_200 = vector.extract_strided_slice %add3A_35 {offsets = [616, 0], sizes = [8, 128], strides = [1, 1]} : vector<1000x128xf32> to vector<8x128xf32>
      %add3A_201 = arith.addf %add3A_199, %slice3A_200 : vector<8x128xf32>
      %slice3A_202 = vector.extract_strided_slice %add3A_35 {offsets = [624, 0], sizes = [8, 128], strides = [1, 1]} : vector<1000x128xf32> to vector<8x128xf32>
      %add3A_203 = arith.addf %add3A_201, %slice3A_202 : vector<8x128xf32>
      %slice3A_204 = vector.extract_strided_slice %add3A_35 {offsets = [632, 0], sizes = [8, 128], strides = [1, 1]} : vector<1000x128xf32> to vector<8x128xf32>
      %add3A_205 = arith.addf %add3A_203, %slice3A_204 : vector<8x128xf32>
      %slice3A_206 = vector.extract_strided_slice %add3A_35 {offsets = [640, 0], sizes = [8, 128], strides = [1, 1]} : vector<1000x128xf32> to vector<8x128xf32>
      %add3A_207 = arith.addf %add3A_205, %slice3A_206 : vector<8x128xf32>
      %slice3A_208 = vector.extract_strided_slice %add3A_35 {offsets = [648, 0], sizes = [8, 128], strides = [1, 1]} : vector<1000x128xf32> to vector<8x128xf32>
      %add3A_209 = arith.addf %add3A_207, %slice3A_208 : vector<8x128xf32>
      %slice3A_210 = vector.extract_strided_slice %add3A_35 {offsets = [656, 0], sizes = [8, 128], strides = [1, 1]} : vector<1000x128xf32> to vector<8x128xf32>
      %add3A_211 = arith.addf %add3A_209, %slice3A_210 : vector<8x128xf32>
      %slice3A_212 = vector.extract_strided_slice %add3A_35 {offsets = [664, 0], sizes = [8, 128], strides = [1, 1]} : vector<1000x128xf32> to vector<8x128xf32>
      %add3A_213 = arith.addf %add3A_211, %slice3A_212 : vector<8x128xf32>
      %slice3A_214 = vector.extract_strided_slice %add3A_35 {offsets = [672, 0], sizes = [8, 128], strides = [1, 1]} : vector<1000x128xf32> to vector<8x128xf32>
      %add3A_215 = arith.addf %add3A_213, %slice3A_214 : vector<8x128xf32>
      %slice3A_216 = vector.extract_strided_slice %add3A_35 {offsets = [680, 0], sizes = [8, 128], strides = [1, 1]} : vector<1000x128xf32> to vector<8x128xf32>
      %add3A_217 = arith.addf %add3A_215, %slice3A_216 : vector<8x128xf32>
      %slice3A_218 = vector.extract_strided_slice %add3A_35 {offsets = [688, 0], sizes = [8, 128], strides = [1, 1]} : vector<1000x128xf32> to vector<8x128xf32>
      %add3A_219 = arith.addf %add3A_217, %slice3A_218 : vector<8x128xf32>
      %slice3A_220 = vector.extract_strided_slice %add3A_35 {offsets = [696, 0], sizes = [8, 128], strides = [1, 1]} : vector<1000x128xf32> to vector<8x128xf32>
      %add3A_221 = arith.addf %add3A_219, %slice3A_220 : vector<8x128xf32>
      %slice3A_222 = vector.extract_strided_slice %add3A_35 {offsets = [704, 0], sizes = [8, 128], strides = [1, 1]} : vector<1000x128xf32> to vector<8x128xf32>
      %add3A_223 = arith.addf %add3A_221, %slice3A_222 : vector<8x128xf32>
      %slice3A_224 = vector.extract_strided_slice %add3A_35 {offsets = [712, 0], sizes = [8, 128], strides = [1, 1]} : vector<1000x128xf32> to vector<8x128xf32>
      %add3A_225 = arith.addf %add3A_223, %slice3A_224 : vector<8x128xf32>
      %slice3A_226 = vector.extract_strided_slice %add3A_35 {offsets = [720, 0], sizes = [8, 128], strides = [1, 1]} : vector<1000x128xf32> to vector<8x128xf32>
      %add3A_227 = arith.addf %add3A_225, %slice3A_226 : vector<8x128xf32>
      %slice3A_228 = vector.extract_strided_slice %add3A_35 {offsets = [728, 0], sizes = [8, 128], strides = [1, 1]} : vector<1000x128xf32> to vector<8x128xf32>
      %add3A_229 = arith.addf %add3A_227, %slice3A_228 : vector<8x128xf32>
      %slice3A_230 = vector.extract_strided_slice %add3A_35 {offsets = [736, 0], sizes = [8, 128], strides = [1, 1]} : vector<1000x128xf32> to vector<8x128xf32>
      %add3A_231 = arith.addf %add3A_229, %slice3A_230 : vector<8x128xf32>
      %slice3A_232 = vector.extract_strided_slice %add3A_35 {offsets = [744, 0], sizes = [8, 128], strides = [1, 1]} : vector<1000x128xf32> to vector<8x128xf32>
      %add3A_233 = arith.addf %add3A_231, %slice3A_232 : vector<8x128xf32>
      %slice3A_234 = vector.extract_strided_slice %add3A_35 {offsets = [752, 0], sizes = [8, 128], strides = [1, 1]} : vector<1000x128xf32> to vector<8x128xf32>
      %add3A_235 = arith.addf %add3A_233, %slice3A_234 : vector<8x128xf32>
      %slice3A_236 = vector.extract_strided_slice %add3A_35 {offsets = [760, 0], sizes = [8, 128], strides = [1, 1]} : vector<1000x128xf32> to vector<8x128xf32>
      %add3A_237 = arith.addf %add3A_235, %slice3A_236 : vector<8x128xf32>
      %slice3A_238 = vector.extract_strided_slice %add3A_35 {offsets = [768, 0], sizes = [8, 128], strides = [1, 1]} : vector<1000x128xf32> to vector<8x128xf32>
      %add3A_239 = arith.addf %add3A_237, %slice3A_238 : vector<8x128xf32>
      %slice3A_240 = vector.extract_strided_slice %add3A_35 {offsets = [776, 0], sizes = [8, 128], strides = [1, 1]} : vector<1000x128xf32> to vector<8x128xf32>
      %add3A_241 = arith.addf %add3A_239, %slice3A_240 : vector<8x128xf32>
      %slice3A_242 = vector.extract_strided_slice %add3A_35 {offsets = [784, 0], sizes = [8, 128], strides = [1, 1]} : vector<1000x128xf32> to vector<8x128xf32>
      %add3A_243 = arith.addf %add3A_241, %slice3A_242 : vector<8x128xf32>
      %slice3A_244 = vector.extract_strided_slice %add3A_35 {offsets = [792, 0], sizes = [8, 128], strides = [1, 1]} : vector<1000x128xf32> to vector<8x128xf32>
      %add3A_245 = arith.addf %add3A_243, %slice3A_244 : vector<8x128xf32>
      %slice3A_246 = vector.extract_strided_slice %add3A_35 {offsets = [800, 0], sizes = [8, 128], strides = [1, 1]} : vector<1000x128xf32> to vector<8x128xf32>
      %add3A_247 = arith.addf %add3A_245, %slice3A_246 : vector<8x128xf32>
      %slice3A_248 = vector.extract_strided_slice %add3A_35 {offsets = [808, 0], sizes = [8, 128], strides = [1, 1]} : vector<1000x128xf32> to vector<8x128xf32>
      %add3A_249 = arith.addf %add3A_247, %slice3A_248 : vector<8x128xf32>
      %slice3A_250 = vector.extract_strided_slice %add3A_35 {offsets = [816, 0], sizes = [8, 128], strides = [1, 1]} : vector<1000x128xf32> to vector<8x128xf32>
      %add3A_251 = arith.addf %add3A_249, %slice3A_250 : vector<8x128xf32>
      %slice3A_252 = vector.extract_strided_slice %add3A_35 {offsets = [824, 0], sizes = [8, 128], strides = [1, 1]} : vector<1000x128xf32> to vector<8x128xf32>
      %add3A_253 = arith.addf %add3A_251, %slice3A_252 : vector<8x128xf32>
      %slice3A_254 = vector.extract_strided_slice %add3A_35 {offsets = [832, 0], sizes = [8, 128], strides = [1, 1]} : vector<1000x128xf32> to vector<8x128xf32>
      %add3A_255 = arith.addf %add3A_253, %slice3A_254 : vector<8x128xf32>
      %slice3A_256 = vector.extract_strided_slice %add3A_35 {offsets = [840, 0], sizes = [8, 128], strides = [1, 1]} : vector<1000x128xf32> to vector<8x128xf32>
      %add3A_257 = arith.addf %add3A_255, %slice3A_256 : vector<8x128xf32>
      %slice3A_258 = vector.extract_strided_slice %add3A_35 {offsets = [848, 0], sizes = [8, 128], strides = [1, 1]} : vector<1000x128xf32> to vector<8x128xf32>
      %add3A_259 = arith.addf %add3A_257, %slice3A_258 : vector<8x128xf32>
      %slice3A_260 = vector.extract_strided_slice %add3A_35 {offsets = [856, 0], sizes = [8, 128], strides = [1, 1]} : vector<1000x128xf32> to vector<8x128xf32>
      %add3A_261 = arith.addf %add3A_259, %slice3A_260 : vector<8x128xf32>
      %slice3A_262 = vector.extract_strided_slice %add3A_35 {offsets = [864, 0], sizes = [8, 128], strides = [1, 1]} : vector<1000x128xf32> to vector<8x128xf32>
      %add3A_263 = arith.addf %add3A_261, %slice3A_262 : vector<8x128xf32>
      %slice3A_264 = vector.extract_strided_slice %add3A_35 {offsets = [872, 0], sizes = [8, 128], strides = [1, 1]} : vector<1000x128xf32> to vector<8x128xf32>
      %add3A_265 = arith.addf %add3A_263, %slice3A_264 : vector<8x128xf32>
      %slice3A_266 = vector.extract_strided_slice %add3A_35 {offsets = [880, 0], sizes = [8, 128], strides = [1, 1]} : vector<1000x128xf32> to vector<8x128xf32>
      %add3A_267 = arith.addf %add3A_265, %slice3A_266 : vector<8x128xf32>
      %slice3A_268 = vector.extract_strided_slice %add3A_35 {offsets = [888, 0], sizes = [8, 128], strides = [1, 1]} : vector<1000x128xf32> to vector<8x128xf32>
      %add3A_269 = arith.addf %add3A_267, %slice3A_268 : vector<8x128xf32>
      %slice3A_270 = vector.extract_strided_slice %add3A_35 {offsets = [896, 0], sizes = [8, 128], strides = [1, 1]} : vector<1000x128xf32> to vector<8x128xf32>
      %add3A_271 = arith.addf %add3A_269, %slice3A_270 : vector<8x128xf32>
      %slice3A_272 = vector.extract_strided_slice %add3A_35 {offsets = [904, 0], sizes = [8, 128], strides = [1, 1]} : vector<1000x128xf32> to vector<8x128xf32>
      %add3A_273 = arith.addf %add3A_271, %slice3A_272 : vector<8x128xf32>
      %slice3A_274 = vector.extract_strided_slice %add3A_35 {offsets = [912, 0], sizes = [8, 128], strides = [1, 1]} : vector<1000x128xf32> to vector<8x128xf32>
      %add3A_275 = arith.addf %add3A_273, %slice3A_274 : vector<8x128xf32>
      %slice3A_276 = vector.extract_strided_slice %add3A_35 {offsets = [920, 0], sizes = [8, 128], strides = [1, 1]} : vector<1000x128xf32> to vector<8x128xf32>
      %add3A_277 = arith.addf %add3A_275, %slice3A_276 : vector<8x128xf32>
      %slice3A_278 = vector.extract_strided_slice %add3A_35 {offsets = [928, 0], sizes = [8, 128], strides = [1, 1]} : vector<1000x128xf32> to vector<8x128xf32>
      %add3A_279 = arith.addf %add3A_277, %slice3A_278 : vector<8x128xf32>
      %slice3A_280 = vector.extract_strided_slice %add3A_35 {offsets = [936, 0], sizes = [8, 128], strides = [1, 1]} : vector<1000x128xf32> to vector<8x128xf32>
      %add3A_281 = arith.addf %add3A_279, %slice3A_280 : vector<8x128xf32>
      %slice3A_282 = vector.extract_strided_slice %add3A_35 {offsets = [944, 0], sizes = [8, 128], strides = [1, 1]} : vector<1000x128xf32> to vector<8x128xf32>
      %add3A_283 = arith.addf %add3A_281, %slice3A_282 : vector<8x128xf32>
      %slice3A_284 = vector.extract_strided_slice %add3A_35 {offsets = [952, 0], sizes = [8, 128], strides = [1, 1]} : vector<1000x128xf32> to vector<8x128xf32>
      %add3A_285 = arith.addf %add3A_283, %slice3A_284 : vector<8x128xf32>
      %slice3A_286 = vector.extract_strided_slice %add3A_35 {offsets = [960, 0], sizes = [8, 128], strides = [1, 1]} : vector<1000x128xf32> to vector<8x128xf32>
      %add3A_287 = arith.addf %add3A_285, %slice3A_286 : vector<8x128xf32>
      %slice3A_288 = vector.extract_strided_slice %add3A_35 {offsets = [968, 0], sizes = [8, 128], strides = [1, 1]} : vector<1000x128xf32> to vector<8x128xf32>
      %add3A_289 = arith.addf %add3A_287, %slice3A_288 : vector<8x128xf32>
      %slice3A_290 = vector.extract_strided_slice %add3A_35 {offsets = [976, 0], sizes = [8, 128], strides = [1, 1]} : vector<1000x128xf32> to vector<8x128xf32>
      %add3A_291 = arith.addf %add3A_289, %slice3A_290 : vector<8x128xf32>
      %slice3A_292 = vector.extract_strided_slice %add3A_35 {offsets = [984, 0], sizes = [8, 128], strides = [1, 1]} : vector<1000x128xf32> to vector<8x128xf32>
      %add3A_293 = arith.addf %add3A_291, %slice3A_292 : vector<8x128xf32>
      %slice3A_294 = vector.extract_strided_slice %add3A_35 {offsets = [992, 0], sizes = [8, 128], strides = [1, 1]} : vector<1000x128xf32> to vector<8x128xf32>
      %add3A_295 = arith.addf %add3A_293, %slice3A_294 : vector<8x128xf32>
      %swap3A_296 = arith.constant 0 : index
      %swap3A_297 = arith.constant 0 : index
      %swap3A_298 = vector.load %arg11[%swap3A_296, %swap3A_297] : memref<24x128xf32, #tpu.memory_space<vmem>>, vector<8x128xf32>
      tpu.vector_store %arg11[%swap3A_296, %swap3A_297], %add3A_295 {strides = array<i32>} : memref<24x128xf32, #tpu.memory_space<vmem>>, vector<8x128xf32>,
    } else {
    }
    %eq3A_2 = arith.constant 1 : i32
    %eq3A_3 = arith.cmpi eq, %arg0, %eq3A_2 : i32
    %convert_element_type3A_4 = arith.extui %eq3A_3 : i1 to i32
    %cond3A_5 = arith.constant 9.99999974E-5 : f32
    %cond3A_6 = arith.constant 0 : i32
    %cond3A_7 = arith.cmpi ne, %convert_element_type3A_4, %cond3A_6 : i32
    scf.if %cond3A_7 {
      %eq3A_14 = arith.constant 5 : i32
      %eq3A_15 = arith.cmpi eq, %arg1, %eq3A_14 : i32
      %convert_element_type3A_16 = arith.extui %eq3A_15 : i1 to i32
      %cond3A_17 = arith.constant 0 : i32
      %cond3A_18 = arith.cmpi ne, %convert_element_type3A_16, %cond3A_17 : i32
      scf.if %cond3A_18 {
        %broadcast_in_dim3A = arith.constant 0.000000e+00 : f32
        %broadcast_in_dim3A_301 = vector.broadcast %broadcast_in_dim3A : f32 to vector<8x128xf32>
        %swap3A_302 = arith.constant 8 : index
        %swap3A_303 = arith.constant 0 : index
        %swap3A_304 = vector.load %arg11[%swap3A_302, %swap3A_303] : memref<24x128xf32, #tpu.memory_space<vmem>>, vector<8x128xf32>
        tpu.vector_store %arg11[%swap3A_302, %swap3A_303], %broadcast_in_dim3A_301 {strides = array<i32>} : memref<24x128xf32, #tpu.memory_space<vmem>>, vector<8x128xf32>,
      } else {
      }
      %get3A = arith.constant 0 : index
      %get3A_19 = arith.constant 0 : index
      %get3A_20 = vector.load %arg11[%get3A, %get3A_19] : memref<24x128xf32, #tpu.memory_space<vmem>>, vector<8x128xf32>
      %slice3A = vector.extract_strided_slice %get3A_20 {offsets = [0, 0], sizes = [4, 128], strides = [1, 1]} : vector<8x128xf32> to vector<4x128xf32>
      %slice3A_21 = vector.extract_strided_slice %get3A_20 {offsets = [4, 0], sizes = [4, 128], strides = [1, 1]} : vector<8x128xf32> to vector<4x128xf32>
      %add3A = arith.addf %slice3A, %slice3A_21 : vector<4x128xf32>
      %slice3A_22 = vector.extract_strided_slice %add3A {offsets = [0, 0], sizes = [2, 128], strides = [1, 1]} : vector<4x128xf32> to vector<2x128xf32>
      %slice3A_23 = vector.extract_strided_slice %add3A {offsets = [2, 0], sizes = [2, 128], strides = [1, 1]} : vector<4x128xf32> to vector<2x128xf32>
      %add3A_24 = arith.addf %slice3A_22, %slice3A_23 : vector<2x128xf32>
      %slice3A_25 = vector.extract_strided_slice %add3A_24 {offsets = [0, 0], sizes = [1, 128], strides = [1, 1]} : vector<2x128xf32> to vector<1x128xf32>
      %slice3A_26 = vector.extract_strided_slice %add3A_24 {offsets = [1, 0], sizes = [1, 128], strides = [1, 1]} : vector<2x128xf32> to vector<1x128xf32>
      %add3A_27 = arith.addf %slice3A_25, %slice3A_26 : vector<1x128xf32>
      %mul3A = vector.broadcast %cond3A_5 : f32 to vector<1x128xf32>
      %mul3A_28 = arith.mulf %add3A_27, %mul3A : vector<1x128xf32>
      %mul3A_29 = arith.constant 1000 : i32
      %mul3A_30 = arith.muli %arg1, %mul3A_29 : i32
      %get3A_31 = arith.index_cast %mul3A_30 : i32 to index
      %get3A_32 = arith.constant 0 : index
      %get3A_33 = vector.load %arg10[%get3A_31, %get3A_32] : memref<10000x128xf32, #tpu.memory_space<vmem>>, vector<1000x128xf32>
      %sub3A = vector.broadcast %mul3A_28 : vector<1x128xf32> to vector<1000x128xf32>
      %sub3A_34 = arith.subf %get3A_33, %sub3A : vector<1000x128xf32>
      %mul3A_35 = arith.mulf %sub3A_34, %sub3A_34 : vector<1000x128xf32>
      %get3A_36 = arith.constant 8 : index
      %get3A_37 = arith.constant 0 : index
      %get3A_38 = vector.load %arg11[%get3A_36, %get3A_37] : memref<24x128xf32, #tpu.memory_space<vmem>>, vector<8x128xf32>
      %slice3A_39 = vector.extract_strided_slice %mul3A_35 {offsets = [0, 0], sizes = [8, 128], strides = [1, 1]} : vector<1000x128xf32> to vector<8x128xf32>
      %add3A_40 = arith.addf %get3A_38, %slice3A_39 : vector<8x128xf32>
      %slice3A_41 = vector.extract_strided_slice %mul3A_35 {offsets = [8, 0], sizes = [8, 128], strides = [1, 1]} : vector<1000x128xf32> to vector<8x128xf32>
      %add3A_42 = arith.addf %add3A_40, %slice3A_41 : vector<8x128xf32>
      %slice3A_43 = vector.extract_strided_slice %mul3A_35 {offsets = [16, 0], sizes = [8, 128], strides = [1, 1]} : vector<1000x128xf32> to vector<8x128xf32>
      %add3A_44 = arith.addf %add3A_42, %slice3A_43 : vector<8x128xf32>
      %slice3A_45 = vector.extract_strided_slice %mul3A_35 {offsets = [24, 0], sizes = [8, 128], strides = [1, 1]} : vector<1000x128xf32> to vector<8x128xf32>
      %add3A_46 = arith.addf %add3A_44, %slice3A_45 : vector<8x128xf32>
      %slice3A_47 = vector.extract_strided_slice %mul3A_35 {offsets = [32, 0], sizes = [8, 128], strides = [1, 1]} : vector<1000x128xf32> to vector<8x128xf32>
      %add3A_48 = arith.addf %add3A_46, %slice3A_47 : vector<8x128xf32>
      %slice3A_49 = vector.extract_strided_slice %mul3A_35 {offsets = [40, 0], sizes = [8, 128], strides = [1, 1]} : vector<1000x128xf32> to vector<8x128xf32>
      %add3A_50 = arith.addf %add3A_48, %slice3A_49 : vector<8x128xf32>
      %slice3A_51 = vector.extract_strided_slice %mul3A_35 {offsets = [48, 0], sizes = [8, 128], strides = [1, 1]} : vector<1000x128xf32> to vector<8x128xf32>
      %add3A_52 = arith.addf %add3A_50, %slice3A_51 : vector<8x128xf32>
      %slice3A_53 = vector.extract_strided_slice %mul3A_35 {offsets = [56, 0], sizes = [8, 128], strides = [1, 1]} : vector<1000x128xf32> to vector<8x128xf32>
      %add3A_54 = arith.addf %add3A_52, %slice3A_53 : vector<8x128xf32>
      %slice3A_55 = vector.extract_strided_slice %mul3A_35 {offsets = [64, 0], sizes = [8, 128], strides = [1, 1]} : vector<1000x128xf32> to vector<8x128xf32>
      %add3A_56 = arith.addf %add3A_54, %slice3A_55 : vector<8x128xf32>
      %slice3A_57 = vector.extract_strided_slice %mul3A_35 {offsets = [72, 0], sizes = [8, 128], strides = [1, 1]} : vector<1000x128xf32> to vector<8x128xf32>
      %add3A_58 = arith.addf %add3A_56, %slice3A_57 : vector<8x128xf32>
      %slice3A_59 = vector.extract_strided_slice %mul3A_35 {offsets = [80, 0], sizes = [8, 128], strides = [1, 1]} : vector<1000x128xf32> to vector<8x128xf32>
      %add3A_60 = arith.addf %add3A_58, %slice3A_59 : vector<8x128xf32>
      %slice3A_61 = vector.extract_strided_slice %mul3A_35 {offsets = [88, 0], sizes = [8, 128], strides = [1, 1]} : vector<1000x128xf32> to vector<8x128xf32>
      %add3A_62 = arith.addf %add3A_60, %slice3A_61 : vector<8x128xf32>
      %slice3A_63 = vector.extract_strided_slice %mul3A_35 {offsets = [96, 0], sizes = [8, 128], strides = [1, 1]} : vector<1000x128xf32> to vector<8x128xf32>
      %add3A_64 = arith.addf %add3A_62, %slice3A_63 : vector<8x128xf32>
      %slice3A_65 = vector.extract_strided_slice %mul3A_35 {offsets = [104, 0], sizes = [8, 128], strides = [1, 1]} : vector<1000x128xf32> to vector<8x128xf32>
      %add3A_66 = arith.addf %add3A_64, %slice3A_65 : vector<8x128xf32>
      %slice3A_67 = vector.extract_strided_slice %mul3A_35 {offsets = [112, 0], sizes = [8, 128], strides = [1, 1]} : vector<1000x128xf32> to vector<8x128xf32>
      %add3A_68 = arith.addf %add3A_66, %slice3A_67 : vector<8x128xf32>
      %slice3A_69 = vector.extract_strided_slice %mul3A_35 {offsets = [120, 0], sizes = [8, 128], strides = [1, 1]} : vector<1000x128xf32> to vector<8x128xf32>
      %add3A_70 = arith.addf %add3A_68, %slice3A_69 : vector<8x128xf32>
      %slice3A_71 = vector.extract_strided_slice %mul3A_35 {offsets = [128, 0], sizes = [8, 128], strides = [1, 1]} : vector<1000x128xf32> to vector<8x128xf32>
      %add3A_72 = arith.addf %add3A_70, %slice3A_71 : vector<8x128xf32>
      %slice3A_73 = vector.extract_strided_slice %mul3A_35 {offsets = [136, 0], sizes = [8, 128], strides = [1, 1]} : vector<1000x128xf32> to vector<8x128xf32>
      %add3A_74 = arith.addf %add3A_72, %slice3A_73 : vector<8x128xf32>
      %slice3A_75 = vector.extract_strided_slice %mul3A_35 {offsets = [144, 0], sizes = [8, 128], strides = [1, 1]} : vector<1000x128xf32> to vector<8x128xf32>
      %add3A_76 = arith.addf %add3A_74, %slice3A_75 : vector<8x128xf32>
      %slice3A_77 = vector.extract_strided_slice %mul3A_35 {offsets = [152, 0], sizes = [8, 128], strides = [1, 1]} : vector<1000x128xf32> to vector<8x128xf32>
      %add3A_78 = arith.addf %add3A_76, %slice3A_77 : vector<8x128xf32>
      %slice3A_79 = vector.extract_strided_slice %mul3A_35 {offsets = [160, 0], sizes = [8, 128], strides = [1, 1]} : vector<1000x128xf32> to vector<8x128xf32>
      %add3A_80 = arith.addf %add3A_78, %slice3A_79 : vector<8x128xf32>
      %slice3A_81 = vector.extract_strided_slice %mul3A_35 {offsets = [168, 0], sizes = [8, 128], strides = [1, 1]} : vector<1000x128xf32> to vector<8x128xf32>
      %add3A_82 = arith.addf %add3A_80, %slice3A_81 : vector<8x128xf32>
      %slice3A_83 = vector.extract_strided_slice %mul3A_35 {offsets = [176, 0], sizes = [8, 128], strides = [1, 1]} : vector<1000x128xf32> to vector<8x128xf32>
      %add3A_84 = arith.addf %add3A_82, %slice3A_83 : vector<8x128xf32>
      %slice3A_85 = vector.extract_strided_slice %mul3A_35 {offsets = [184, 0], sizes = [8, 128], strides = [1, 1]} : vector<1000x128xf32> to vector<8x128xf32>
      %add3A_86 = arith.addf %add3A_84, %slice3A_85 : vector<8x128xf32>
      %slice3A_87 = vector.extract_strided_slice %mul3A_35 {offsets = [192, 0], sizes = [8, 128], strides = [1, 1]} : vector<1000x128xf32> to vector<8x128xf32>
      %add3A_88 = arith.addf %add3A_86, %slice3A_87 : vector<8x128xf32>
      %slice3A_89 = vector.extract_strided_slice %mul3A_35 {offsets = [200, 0], sizes = [8, 128], strides = [1, 1]} : vector<1000x128xf32> to vector<8x128xf32>
      %add3A_90 = arith.addf %add3A_88, %slice3A_89 : vector<8x128xf32>
      %slice3A_91 = vector.extract_strided_slice %mul3A_35 {offsets = [208, 0], sizes = [8, 128], strides = [1, 1]} : vector<1000x128xf32> to vector<8x128xf32>
      %add3A_92 = arith.addf %add3A_90, %slice3A_91 : vector<8x128xf32>
      %slice3A_93 = vector.extract_strided_slice %mul3A_35 {offsets = [216, 0], sizes = [8, 128], strides = [1, 1]} : vector<1000x128xf32> to vector<8x128xf32>
      %add3A_94 = arith.addf %add3A_92, %slice3A_93 : vector<8x128xf32>
      %slice3A_95 = vector.extract_strided_slice %mul3A_35 {offsets = [224, 0], sizes = [8, 128], strides = [1, 1]} : vector<1000x128xf32> to vector<8x128xf32>
      %add3A_96 = arith.addf %add3A_94, %slice3A_95 : vector<8x128xf32>
      %slice3A_97 = vector.extract_strided_slice %mul3A_35 {offsets = [232, 0], sizes = [8, 128], strides = [1, 1]} : vector<1000x128xf32> to vector<8x128xf32>
      %add3A_98 = arith.addf %add3A_96, %slice3A_97 : vector<8x128xf32>
      %slice3A_99 = vector.extract_strided_slice %mul3A_35 {offsets = [240, 0], sizes = [8, 128], strides = [1, 1]} : vector<1000x128xf32> to vector<8x128xf32>
      %add3A_100 = arith.addf %add3A_98, %slice3A_99 : vector<8x128xf32>
      %slice3A_101 = vector.extract_strided_slice %mul3A_35 {offsets = [248, 0], sizes = [8, 128], strides = [1, 1]} : vector<1000x128xf32> to vector<8x128xf32>
      %add3A_102 = arith.addf %add3A_100, %slice3A_101 : vector<8x128xf32>
      %slice3A_103 = vector.extract_strided_slice %mul3A_35 {offsets = [256, 0], sizes = [8, 128], strides = [1, 1]} : vector<1000x128xf32> to vector<8x128xf32>
      %add3A_104 = arith.addf %add3A_102, %slice3A_103 : vector<8x128xf32>
      %slice3A_105 = vector.extract_strided_slice %mul3A_35 {offsets = [264, 0], sizes = [8, 128], strides = [1, 1]} : vector<1000x128xf32> to vector<8x128xf32>
      %add3A_106 = arith.addf %add3A_104, %slice3A_105 : vector<8x128xf32>
      %slice3A_107 = vector.extract_strided_slice %mul3A_35 {offsets = [272, 0], sizes = [8, 128], strides = [1, 1]} : vector<1000x128xf32> to vector<8x128xf32>
      %add3A_108 = arith.addf %add3A_106, %slice3A_107 : vector<8x128xf32>
      %slice3A_109 = vector.extract_strided_slice %mul3A_35 {offsets = [280, 0], sizes = [8, 128], strides = [1, 1]} : vector<1000x128xf32> to vector<8x128xf32>
      %add3A_110 = arith.addf %add3A_108, %slice3A_109 : vector<8x128xf32>
      %slice3A_111 = vector.extract_strided_slice %mul3A_35 {offsets = [288, 0], sizes = [8, 128], strides = [1, 1]} : vector<1000x128xf32> to vector<8x128xf32>
      %add3A_112 = arith.addf %add3A_110, %slice3A_111 : vector<8x128xf32>
      %slice3A_113 = vector.extract_strided_slice %mul3A_35 {offsets = [296, 0], sizes = [8, 128], strides = [1, 1]} : vector<1000x128xf32> to vector<8x128xf32>
      %add3A_114 = arith.addf %add3A_112, %slice3A_113 : vector<8x128xf32>
      %slice3A_115 = vector.extract_strided_slice %mul3A_35 {offsets = [304, 0], sizes = [8, 128], strides = [1, 1]} : vector<1000x128xf32> to vector<8x128xf32>
      %add3A_116 = arith.addf %add3A_114, %slice3A_115 : vector<8x128xf32>
      %slice3A_117 = vector.extract_strided_slice %mul3A_35 {offsets = [312, 0], sizes = [8, 128], strides = [1, 1]} : vector<1000x128xf32> to vector<8x128xf32>
      %add3A_118 = arith.addf %add3A_116, %slice3A_117 : vector<8x128xf32>
      %slice3A_119 = vector.extract_strided_slice %mul3A_35 {offsets = [320, 0], sizes = [8, 128], strides = [1, 1]} : vector<1000x128xf32> to vector<8x128xf32>
      %add3A_120 = arith.addf %add3A_118, %slice3A_119 : vector<8x128xf32>
      %slice3A_121 = vector.extract_strided_slice %mul3A_35 {offsets = [328, 0], sizes = [8, 128], strides = [1, 1]} : vector<1000x128xf32> to vector<8x128xf32>
      %add3A_122 = arith.addf %add3A_120, %slice3A_121 : vector<8x128xf32>
      %slice3A_123 = vector.extract_strided_slice %mul3A_35 {offsets = [336, 0], sizes = [8, 128], strides = [1, 1]} : vector<1000x128xf32> to vector<8x128xf32>
      %add3A_124 = arith.addf %add3A_122, %slice3A_123 : vector<8x128xf32>
      %slice3A_125 = vector.extract_strided_slice %mul3A_35 {offsets = [344, 0], sizes = [8, 128], strides = [1, 1]} : vector<1000x128xf32> to vector<8x128xf32>
      %add3A_126 = arith.addf %add3A_124, %slice3A_125 : vector<8x128xf32>
      %slice3A_127 = vector.extract_strided_slice %mul3A_35 {offsets = [352, 0], sizes = [8, 128], strides = [1, 1]} : vector<1000x128xf32> to vector<8x128xf32>
      %add3A_128 = arith.addf %add3A_126, %slice3A_127 : vector<8x128xf32>
      %slice3A_129 = vector.extract_strided_slice %mul3A_35 {offsets = [360, 0], sizes = [8, 128], strides = [1, 1]} : vector<1000x128xf32> to vector<8x128xf32>
      %add3A_130 = arith.addf %add3A_128, %slice3A_129 : vector<8x128xf32>
      %slice3A_131 = vector.extract_strided_slice %mul3A_35 {offsets = [368, 0], sizes = [8, 128], strides = [1, 1]} : vector<1000x128xf32> to vector<8x128xf32>
      %add3A_132 = arith.addf %add3A_130, %slice3A_131 : vector<8x128xf32>
      %slice3A_133 = vector.extract_strided_slice %mul3A_35 {offsets = [376, 0], sizes = [8, 128], strides = [1, 1]} : vector<1000x128xf32> to vector<8x128xf32>
      %add3A_134 = arith.addf %add3A_132, %slice3A_133 : vector<8x128xf32>
      %slice3A_135 = vector.extract_strided_slice %mul3A_35 {offsets = [384, 0], sizes = [8, 128], strides = [1, 1]} : vector<1000x128xf32> to vector<8x128xf32>
      %add3A_136 = arith.addf %add3A_134, %slice3A_135 : vector<8x128xf32>
      %slice3A_137 = vector.extract_strided_slice %mul3A_35 {offsets = [392, 0], sizes = [8, 128], strides = [1, 1]} : vector<1000x128xf32> to vector<8x128xf32>
      %add3A_138 = arith.addf %add3A_136, %slice3A_137 : vector<8x128xf32>
      %slice3A_139 = vector.extract_strided_slice %mul3A_35 {offsets = [400, 0], sizes = [8, 128], strides = [1, 1]} : vector<1000x128xf32> to vector<8x128xf32>
      %add3A_140 = arith.addf %add3A_138, %slice3A_139 : vector<8x128xf32>
      %slice3A_141 = vector.extract_strided_slice %mul3A_35 {offsets = [408, 0], sizes = [8, 128], strides = [1, 1]} : vector<1000x128xf32> to vector<8x128xf32>
      %add3A_142 = arith.addf %add3A_140, %slice3A_141 : vector<8x128xf32>
      %slice3A_143 = vector.extract_strided_slice %mul3A_35 {offsets = [416, 0], sizes = [8, 128], strides = [1, 1]} : vector<1000x128xf32> to vector<8x128xf32>
      %add3A_144 = arith.addf %add3A_142, %slice3A_143 : vector<8x128xf32>
      %slice3A_145 = vector.extract_strided_slice %mul3A_35 {offsets = [424, 0], sizes = [8, 128], strides = [1, 1]} : vector<1000x128xf32> to vector<8x128xf32>
      %add3A_146 = arith.addf %add3A_144, %slice3A_145 : vector<8x128xf32>
      %slice3A_147 = vector.extract_strided_slice %mul3A_35 {offsets = [432, 0], sizes = [8, 128], strides = [1, 1]} : vector<1000x128xf32> to vector<8x128xf32>
      %add3A_148 = arith.addf %add3A_146, %slice3A_147 : vector<8x128xf32>
      %slice3A_149 = vector.extract_strided_slice %mul3A_35 {offsets = [440, 0], sizes = [8, 128], strides = [1, 1]} : vector<1000x128xf32> to vector<8x128xf32>
      %add3A_150 = arith.addf %add3A_148, %slice3A_149 : vector<8x128xf32>
      %slice3A_151 = vector.extract_strided_slice %mul3A_35 {offsets = [448, 0], sizes = [8, 128], strides = [1, 1]} : vector<1000x128xf32> to vector<8x128xf32>
      %add3A_152 = arith.addf %add3A_150, %slice3A_151 : vector<8x128xf32>
      %slice3A_153 = vector.extract_strided_slice %mul3A_35 {offsets = [456, 0], sizes = [8, 128], strides = [1, 1]} : vector<1000x128xf32> to vector<8x128xf32>
      %add3A_154 = arith.addf %add3A_152, %slice3A_153 : vector<8x128xf32>
      %slice3A_155 = vector.extract_strided_slice %mul3A_35 {offsets = [464, 0], sizes = [8, 128], strides = [1, 1]} : vector<1000x128xf32> to vector<8x128xf32>
      %add3A_156 = arith.addf %add3A_154, %slice3A_155 : vector<8x128xf32>
      %slice3A_157 = vector.extract_strided_slice %mul3A_35 {offsets = [472, 0], sizes = [8, 128], strides = [1, 1]} : vector<1000x128xf32> to vector<8x128xf32>
      %add3A_158 = arith.addf %add3A_156, %slice3A_157 : vector<8x128xf32>
      %slice3A_159 = vector.extract_strided_slice %mul3A_35 {offsets = [480, 0], sizes = [8, 128], strides = [1, 1]} : vector<1000x128xf32> to vector<8x128xf32>
      %add3A_160 = arith.addf %add3A_158, %slice3A_159 : vector<8x128xf32>
      %slice3A_161 = vector.extract_strided_slice %mul3A_35 {offsets = [488, 0], sizes = [8, 128], strides = [1, 1]} : vector<1000x128xf32> to vector<8x128xf32>
      %add3A_162 = arith.addf %add3A_160, %slice3A_161 : vector<8x128xf32>
      %slice3A_163 = vector.extract_strided_slice %mul3A_35 {offsets = [496, 0], sizes = [8, 128], strides = [1, 1]} : vector<1000x128xf32> to vector<8x128xf32>
      %add3A_164 = arith.addf %add3A_162, %slice3A_163 : vector<8x128xf32>
      %slice3A_165 = vector.extract_strided_slice %mul3A_35 {offsets = [504, 0], sizes = [8, 128], strides = [1, 1]} : vector<1000x128xf32> to vector<8x128xf32>
      %add3A_166 = arith.addf %add3A_164, %slice3A_165 : vector<8x128xf32>
      %slice3A_167 = vector.extract_strided_slice %mul3A_35 {offsets = [512, 0], sizes = [8, 128], strides = [1, 1]} : vector<1000x128xf32> to vector<8x128xf32>
      %add3A_168 = arith.addf %add3A_166, %slice3A_167 : vector<8x128xf32>
      %slice3A_169 = vector.extract_strided_slice %mul3A_35 {offsets = [520, 0], sizes = [8, 128], strides = [1, 1]} : vector<1000x128xf32> to vector<8x128xf32>
      %add3A_170 = arith.addf %add3A_168, %slice3A_169 : vector<8x128xf32>
      %slice3A_171 = vector.extract_strided_slice %mul3A_35 {offsets = [528, 0], sizes = [8, 128], strides = [1, 1]} : vector<1000x128xf32> to vector<8x128xf32>
      %add3A_172 = arith.addf %add3A_170, %slice3A_171 : vector<8x128xf32>
      %slice3A_173 = vector.extract_strided_slice %mul3A_35 {offsets = [536, 0], sizes = [8, 128], strides = [1, 1]} : vector<1000x128xf32> to vector<8x128xf32>
      %add3A_174 = arith.addf %add3A_172, %slice3A_173 : vector<8x128xf32>
      %slice3A_175 = vector.extract_strided_slice %mul3A_35 {offsets = [544, 0], sizes = [8, 128], strides = [1, 1]} : vector<1000x128xf32> to vector<8x128xf32>
      %add3A_176 = arith.addf %add3A_174, %slice3A_175 : vector<8x128xf32>
      %slice3A_177 = vector.extract_strided_slice %mul3A_35 {offsets = [552, 0], sizes = [8, 128], strides = [1, 1]} : vector<1000x128xf32> to vector<8x128xf32>
      %add3A_178 = arith.addf %add3A_176, %slice3A_177 : vector<8x128xf32>
      %slice3A_179 = vector.extract_strided_slice %mul3A_35 {offsets = [560, 0], sizes = [8, 128], strides = [1, 1]} : vector<1000x128xf32> to vector<8x128xf32>
      %add3A_180 = arith.addf %add3A_178, %slice3A_179 : vector<8x128xf32>
      %slice3A_181 = vector.extract_strided_slice %mul3A_35 {offsets = [568, 0], sizes = [8, 128], strides = [1, 1]} : vector<1000x128xf32> to vector<8x128xf32>
      %add3A_182 = arith.addf %add3A_180, %slice3A_181 : vector<8x128xf32>
      %slice3A_183 = vector.extract_strided_slice %mul3A_35 {offsets = [576, 0], sizes = [8, 128], strides = [1, 1]} : vector<1000x128xf32> to vector<8x128xf32>
      %add3A_184 = arith.addf %add3A_182, %slice3A_183 : vector<8x128xf32>
      %slice3A_185 = vector.extract_strided_slice %mul3A_35 {offsets = [584, 0], sizes = [8, 128], strides = [1, 1]} : vector<1000x128xf32> to vector<8x128xf32>
      %add3A_186 = arith.addf %add3A_184, %slice3A_185 : vector<8x128xf32>
      %slice3A_187 = vector.extract_strided_slice %mul3A_35 {offsets = [592, 0], sizes = [8, 128], strides = [1, 1]} : vector<1000x128xf32> to vector<8x128xf32>
      %add3A_188 = arith.addf %add3A_186, %slice3A_187 : vector<8x128xf32>
      %slice3A_189 = vector.extract_strided_slice %mul3A_35 {offsets = [600, 0], sizes = [8, 128], strides = [1, 1]} : vector<1000x128xf32> to vector<8x128xf32>
      %add3A_190 = arith.addf %add3A_188, %slice3A_189 : vector<8x128xf32>
      %slice3A_191 = vector.extract_strided_slice %mul3A_35 {offsets = [608, 0], sizes = [8, 128], strides = [1, 1]} : vector<1000x128xf32> to vector<8x128xf32>
      %add3A_192 = arith.addf %add3A_190, %slice3A_191 : vector<8x128xf32>
      %slice3A_193 = vector.extract_strided_slice %mul3A_35 {offsets = [616, 0], sizes = [8, 128], strides = [1, 1]} : vector<1000x128xf32> to vector<8x128xf32>
      %add3A_194 = arith.addf %add3A_192, %slice3A_193 : vector<8x128xf32>
      %slice3A_195 = vector.extract_strided_slice %mul3A_35 {offsets = [624, 0], sizes = [8, 128], strides = [1, 1]} : vector<1000x128xf32> to vector<8x128xf32>
      %add3A_196 = arith.addf %add3A_194, %slice3A_195 : vector<8x128xf32>
      %slice3A_197 = vector.extract_strided_slice %mul3A_35 {offsets = [632, 0], sizes = [8, 128], strides = [1, 1]} : vector<1000x128xf32> to vector<8x128xf32>
      %add3A_198 = arith.addf %add3A_196, %slice3A_197 : vector<8x128xf32>
      %slice3A_199 = vector.extract_strided_slice %mul3A_35 {offsets = [640, 0], sizes = [8, 128], strides = [1, 1]} : vector<1000x128xf32> to vector<8x128xf32>
      %add3A_200 = arith.addf %add3A_198, %slice3A_199 : vector<8x128xf32>
      %slice3A_201 = vector.extract_strided_slice %mul3A_35 {offsets = [648, 0], sizes = [8, 128], strides = [1, 1]} : vector<1000x128xf32> to vector<8x128xf32>
      %add3A_202 = arith.addf %add3A_200, %slice3A_201 : vector<8x128xf32>
      %slice3A_203 = vector.extract_strided_slice %mul3A_35 {offsets = [656, 0], sizes = [8, 128], strides = [1, 1]} : vector<1000x128xf32> to vector<8x128xf32>
      %add3A_204 = arith.addf %add3A_202, %slice3A_203 : vector<8x128xf32>
      %slice3A_205 = vector.extract_strided_slice %mul3A_35 {offsets = [664, 0], sizes = [8, 128], strides = [1, 1]} : vector<1000x128xf32> to vector<8x128xf32>
      %add3A_206 = arith.addf %add3A_204, %slice3A_205 : vector<8x128xf32>
      %slice3A_207 = vector.extract_strided_slice %mul3A_35 {offsets = [672, 0], sizes = [8, 128], strides = [1, 1]} : vector<1000x128xf32> to vector<8x128xf32>
      %add3A_208 = arith.addf %add3A_206, %slice3A_207 : vector<8x128xf32>
      %slice3A_209 = vector.extract_strided_slice %mul3A_35 {offsets = [680, 0], sizes = [8, 128], strides = [1, 1]} : vector<1000x128xf32> to vector<8x128xf32>
      %add3A_210 = arith.addf %add3A_208, %slice3A_209 : vector<8x128xf32>
      %slice3A_211 = vector.extract_strided_slice %mul3A_35 {offsets = [688, 0], sizes = [8, 128], strides = [1, 1]} : vector<1000x128xf32> to vector<8x128xf32>
      %add3A_212 = arith.addf %add3A_210, %slice3A_211 : vector<8x128xf32>
      %slice3A_213 = vector.extract_strided_slice %mul3A_35 {offsets = [696, 0], sizes = [8, 128], strides = [1, 1]} : vector<1000x128xf32> to vector<8x128xf32>
      %add3A_214 = arith.addf %add3A_212, %slice3A_213 : vector<8x128xf32>
      %slice3A_215 = vector.extract_strided_slice %mul3A_35 {offsets = [704, 0], sizes = [8, 128], strides = [1, 1]} : vector<1000x128xf32> to vector<8x128xf32>
      %add3A_216 = arith.addf %add3A_214, %slice3A_215 : vector<8x128xf32>
      %slice3A_217 = vector.extract_strided_slice %mul3A_35 {offsets = [712, 0], sizes = [8, 128], strides = [1, 1]} : vector<1000x128xf32> to vector<8x128xf32>
      %add3A_218 = arith.addf %add3A_216, %slice3A_217 : vector<8x128xf32>
      %slice3A_219 = vector.extract_strided_slice %mul3A_35 {offsets = [720, 0], sizes = [8, 128], strides = [1, 1]} : vector<1000x128xf32> to vector<8x128xf32>
      %add3A_220 = arith.addf %add3A_218, %slice3A_219 : vector<8x128xf32>
      %slice3A_221 = vector.extract_strided_slice %mul3A_35 {offsets = [728, 0], sizes = [8, 128], strides = [1, 1]} : vector<1000x128xf32> to vector<8x128xf32>
      %add3A_222 = arith.addf %add3A_220, %slice3A_221 : vector<8x128xf32>
      %slice3A_223 = vector.extract_strided_slice %mul3A_35 {offsets = [736, 0], sizes = [8, 128], strides = [1, 1]} : vector<1000x128xf32> to vector<8x128xf32>
      %add3A_224 = arith.addf %add3A_222, %slice3A_223 : vector<8x128xf32>
      %slice3A_225 = vector.extract_strided_slice %mul3A_35 {offsets = [744, 0], sizes = [8, 128], strides = [1, 1]} : vector<1000x128xf32> to vector<8x128xf32>
      %add3A_226 = arith.addf %add3A_224, %slice3A_225 : vector<8x128xf32>
      %slice3A_227 = vector.extract_strided_slice %mul3A_35 {offsets = [752, 0], sizes = [8, 128], strides = [1, 1]} : vector<1000x128xf32> to vector<8x128xf32>
      %add3A_228 = arith.addf %add3A_226, %slice3A_227 : vector<8x128xf32>
      %slice3A_229 = vector.extract_strided_slice %mul3A_35 {offsets = [760, 0], sizes = [8, 128], strides = [1, 1]} : vector<1000x128xf32> to vector<8x128xf32>
      %add3A_230 = arith.addf %add3A_228, %slice3A_229 : vector<8x128xf32>
      %slice3A_231 = vector.extract_strided_slice %mul3A_35 {offsets = [768, 0], sizes = [8, 128], strides = [1, 1]} : vector<1000x128xf32> to vector<8x128xf32>
      %add3A_232 = arith.addf %add3A_230, %slice3A_231 : vector<8x128xf32>
      %slice3A_233 = vector.extract_strided_slice %mul3A_35 {offsets = [776, 0], sizes = [8, 128], strides = [1, 1]} : vector<1000x128xf32> to vector<8x128xf32>
      %add3A_234 = arith.addf %add3A_232, %slice3A_233 : vector<8x128xf32>
      %slice3A_235 = vector.extract_strided_slice %mul3A_35 {offsets = [784, 0], sizes = [8, 128], strides = [1, 1]} : vector<1000x128xf32> to vector<8x128xf32>
      %add3A_236 = arith.addf %add3A_234, %slice3A_235 : vector<8x128xf32>
      %slice3A_237 = vector.extract_strided_slice %mul3A_35 {offsets = [792, 0], sizes = [8, 128], strides = [1, 1]} : vector<1000x128xf32> to vector<8x128xf32>
      %add3A_238 = arith.addf %add3A_236, %slice3A_237 : vector<8x128xf32>
      %slice3A_239 = vector.extract_strided_slice %mul3A_35 {offsets = [800, 0], sizes = [8, 128], strides = [1, 1]} : vector<1000x128xf32> to vector<8x128xf32>
      %add3A_240 = arith.addf %add3A_238, %slice3A_239 : vector<8x128xf32>
      %slice3A_241 = vector.extract_strided_slice %mul3A_35 {offsets = [808, 0], sizes = [8, 128], strides = [1, 1]} : vector<1000x128xf32> to vector<8x128xf32>
      %add3A_242 = arith.addf %add3A_240, %slice3A_241 : vector<8x128xf32>
      %slice3A_243 = vector.extract_strided_slice %mul3A_35 {offsets = [816, 0], sizes = [8, 128], strides = [1, 1]} : vector<1000x128xf32> to vector<8x128xf32>
      %add3A_244 = arith.addf %add3A_242, %slice3A_243 : vector<8x128xf32>
      %slice3A_245 = vector.extract_strided_slice %mul3A_35 {offsets = [824, 0], sizes = [8, 128], strides = [1, 1]} : vector<1000x128xf32> to vector<8x128xf32>
      %add3A_246 = arith.addf %add3A_244, %slice3A_245 : vector<8x128xf32>
      %slice3A_247 = vector.extract_strided_slice %mul3A_35 {offsets = [832, 0], sizes = [8, 128], strides = [1, 1]} : vector<1000x128xf32> to vector<8x128xf32>
      %add3A_248 = arith.addf %add3A_246, %slice3A_247 : vector<8x128xf32>
      %slice3A_249 = vector.extract_strided_slice %mul3A_35 {offsets = [840, 0], sizes = [8, 128], strides = [1, 1]} : vector<1000x128xf32> to vector<8x128xf32>
      %add3A_250 = arith.addf %add3A_248, %slice3A_249 : vector<8x128xf32>
      %slice3A_251 = vector.extract_strided_slice %mul3A_35 {offsets = [848, 0], sizes = [8, 128], strides = [1, 1]} : vector<1000x128xf32> to vector<8x128xf32>
      %add3A_252 = arith.addf %add3A_250, %slice3A_251 : vector<8x128xf32>
      %slice3A_253 = vector.extract_strided_slice %mul3A_35 {offsets = [856, 0], sizes = [8, 128], strides = [1, 1]} : vector<1000x128xf32> to vector<8x128xf32>
      %add3A_254 = arith.addf %add3A_252, %slice3A_253 : vector<8x128xf32>
      %slice3A_255 = vector.extract_strided_slice %mul3A_35 {offsets = [864, 0], sizes = [8, 128], strides = [1, 1]} : vector<1000x128xf32> to vector<8x128xf32>
      %add3A_256 = arith.addf %add3A_254, %slice3A_255 : vector<8x128xf32>
      %slice3A_257 = vector.extract_strided_slice %mul3A_35 {offsets = [872, 0], sizes = [8, 128], strides = [1, 1]} : vector<1000x128xf32> to vector<8x128xf32>
      %add3A_258 = arith.addf %add3A_256, %slice3A_257 : vector<8x128xf32>
      %slice3A_259 = vector.extract_strided_slice %mul3A_35 {offsets = [880, 0], sizes = [8, 128], strides = [1, 1]} : vector<1000x128xf32> to vector<8x128xf32>
      %add3A_260 = arith.addf %add3A_258, %slice3A_259 : vector<8x128xf32>
      %slice3A_261 = vector.extract_strided_slice %mul3A_35 {offsets = [888, 0], sizes = [8, 128], strides = [1, 1]} : vector<1000x128xf32> to vector<8x128xf32>
      %add3A_262 = arith.addf %add3A_260, %slice3A_261 : vector<8x128xf32>
      %slice3A_263 = vector.extract_strided_slice %mul3A_35 {offsets = [896, 0], sizes = [8, 128], strides = [1, 1]} : vector<1000x128xf32> to vector<8x128xf32>
      %add3A_264 = arith.addf %add3A_262, %slice3A_263 : vector<8x128xf32>
      %slice3A_265 = vector.extract_strided_slice %mul3A_35 {offsets = [904, 0], sizes = [8, 128], strides = [1, 1]} : vector<1000x128xf32> to vector<8x128xf32>
      %add3A_266 = arith.addf %add3A_264, %slice3A_265 : vector<8x128xf32>
      %slice3A_267 = vector.extract_strided_slice %mul3A_35 {offsets = [912, 0], sizes = [8, 128], strides = [1, 1]} : vector<1000x128xf32> to vector<8x128xf32>
      %add3A_268 = arith.addf %add3A_266, %slice3A_267 : vector<8x128xf32>
      %slice3A_269 = vector.extract_strided_slice %mul3A_35 {offsets = [920, 0], sizes = [8, 128], strides = [1, 1]} : vector<1000x128xf32> to vector<8x128xf32>
      %add3A_270 = arith.addf %add3A_268, %slice3A_269 : vector<8x128xf32>
      %slice3A_271 = vector.extract_strided_slice %mul3A_35 {offsets = [928, 0], sizes = [8, 128], strides = [1, 1]} : vector<1000x128xf32> to vector<8x128xf32>
      %add3A_272 = arith.addf %add3A_270, %slice3A_271 : vector<8x128xf32>
      %slice3A_273 = vector.extract_strided_slice %mul3A_35 {offsets = [936, 0], sizes = [8, 128], strides = [1, 1]} : vector<1000x128xf32> to vector<8x128xf32>
      %add3A_274 = arith.addf %add3A_272, %slice3A_273 : vector<8x128xf32>
      %slice3A_275 = vector.extract_strided_slice %mul3A_35 {offsets = [944, 0], sizes = [8, 128], strides = [1, 1]} : vector<1000x128xf32> to vector<8x128xf32>
      %add3A_276 = arith.addf %add3A_274, %slice3A_275 : vector<8x128xf32>
      %slice3A_277 = vector.extract_strided_slice %mul3A_35 {offsets = [952, 0], sizes = [8, 128], strides = [1, 1]} : vector<1000x128xf32> to vector<8x128xf32>
      %add3A_278 = arith.addf %add3A_276, %slice3A_277 : vector<8x128xf32>
      %slice3A_279 = vector.extract_strided_slice %mul3A_35 {offsets = [960, 0], sizes = [8, 128], strides = [1, 1]} : vector<1000x128xf32> to vector<8x128xf32>
      %add3A_280 = arith.addf %add3A_278, %slice3A_279 : vector<8x128xf32>
      %slice3A_281 = vector.extract_strided_slice %mul3A_35 {offsets = [968, 0], sizes = [8, 128], strides = [1, 1]} : vector<1000x128xf32> to vector<8x128xf32>
      %add3A_282 = arith.addf %add3A_280, %slice3A_281 : vector<8x128xf32>
      %slice3A_283 = vector.extract_strided_slice %mul3A_35 {offsets = [976, 0], sizes = [8, 128], strides = [1, 1]} : vector<1000x128xf32> to vector<8x128xf32>
      %add3A_284 = arith.addf %add3A_282, %slice3A_283 : vector<8x128xf32>
      %slice3A_285 = vector.extract_strided_slice %mul3A_35 {offsets = [984, 0], sizes = [8, 128], strides = [1, 1]} : vector<1000x128xf32> to vector<8x128xf32>
      %add3A_286 = arith.addf %add3A_284, %slice3A_285 : vector<8x128xf32>
      %slice3A_287 = vector.extract_strided_slice %mul3A_35 {offsets = [992, 0], sizes = [8, 128], strides = [1, 1]} : vector<1000x128xf32> to vector<8x128xf32>
      %add3A_288 = arith.addf %add3A_286, %slice3A_287 : vector<8x128xf32>
      %swap3A = arith.constant 8 : index
      %swap3A_289 = arith.constant 0 : index
      %swap3A_290 = vector.load %arg11[%swap3A, %swap3A_289] : memref<24x128xf32, #tpu.memory_space<vmem>>, vector<8x128xf32>
      tpu.vector_store %arg11[%swap3A, %swap3A_289], %add3A_288 {strides = array<i32>} : memref<24x128xf32, #tpu.memory_space<vmem>>, vector<8x128xf32>,
      %eq3A_291 = arith.constant 4 : i32
      %eq3A_292 = arith.cmpi eq, %arg1, %eq3A_291 : i32
      %convert_element_type3A_293 = arith.extui %eq3A_292 : i1 to i32
      %cond3A_294 = arith.constant 0 : i32
      %cond3A_295 = arith.cmpi ne, %convert_element_type3A_293, %cond3A_294 : i32
      scf.if %cond3A_295 {
        %slice3A_301 = vector.extract_strided_slice %add3A_288 {offsets = [0, 0], sizes = [4, 128], strides = [1, 1]} : vector<8x128xf32> to vector<4x128xf32>
        %slice3A_302 = vector.extract_strided_slice %add3A_288 {offsets = [4, 0], sizes = [4, 128], strides = [1, 1]} : vector<8x128xf32> to vector<4x128xf32>
        %add3A_303 = arith.addf %slice3A_301, %slice3A_302 : vector<4x128xf32>
        %slice3A_304 = vector.extract_strided_slice %add3A_303 {offsets = [0, 0], sizes = [2, 128], strides = [1, 1]} : vector<4x128xf32> to vector<2x128xf32>
        %slice3A_305 = vector.extract_strided_slice %add3A_303 {offsets = [2, 0], sizes = [2, 128], strides = [1, 1]} : vector<4x128xf32> to vector<2x128xf32>
        %add3A_306 = arith.addf %slice3A_304, %slice3A_305 : vector<2x128xf32>
        %slice3A_307 = vector.extract_strided_slice %add3A_306 {offsets = [0, 0], sizes = [1, 128], strides = [1, 1]} : vector<2x128xf32> to vector<1x128xf32>
        %slice3A_308 = vector.extract_strided_slice %add3A_306 {offsets = [1, 0], sizes = [1, 128], strides = [1, 1]} : vector<2x128xf32> to vector<1x128xf32>
        %add3A_309 = arith.addf %slice3A_307, %slice3A_308 : vector<1x128xf32>
        %swap3A_310 = arith.constant 16 : index
        %swap3A_311 = arith.constant 0 : index
        %swap3A_312 = vector.load %arg11[%swap3A_310, %swap3A_311] : memref<24x128xf32, #tpu.memory_space<vmem>>, vector<1x128xf32>
        tpu.vector_store %arg11[%swap3A_310, %swap3A_311], %add3A_309 {strides = array<i32>} : memref<24x128xf32, #tpu.memory_space<vmem>>, vector<1x128xf32>,
      } else {
      }
      %eq3A_296 = arith.constant 9 : i32
      %eq3A_297 = arith.cmpi eq, %arg1, %eq3A_296 : i32
      %convert_element_type3A_298 = arith.extui %eq3A_297 : i1 to i32
      %cond3A_299 = arith.constant 0 : i32
      %cond3A_300 = arith.cmpi ne, %convert_element_type3A_298, %cond3A_299 : i32
      scf.if %cond3A_300 {
        %slice3A_301 = vector.extract_strided_slice %add3A_288 {offsets = [0, 0], sizes = [4, 128], strides = [1, 1]} : vector<8x128xf32> to vector<4x128xf32>
        %slice3A_302 = vector.extract_strided_slice %add3A_288 {offsets = [4, 0], sizes = [4, 128], strides = [1, 1]} : vector<8x128xf32> to vector<4x128xf32>
        %add3A_303 = arith.addf %slice3A_301, %slice3A_302 : vector<4x128xf32>
        %slice3A_304 = vector.extract_strided_slice %add3A_303 {offsets = [0, 0], sizes = [2, 128], strides = [1, 1]} : vector<4x128xf32> to vector<2x128xf32>
        %slice3A_305 = vector.extract_strided_slice %add3A_303 {offsets = [2, 0], sizes = [2, 128], strides = [1, 1]} : vector<4x128xf32> to vector<2x128xf32>
        %add3A_306 = arith.addf %slice3A_304, %slice3A_305 : vector<2x128xf32>
        %slice3A_307 = vector.extract_strided_slice %add3A_306 {offsets = [0, 0], sizes = [1, 128], strides = [1, 1]} : vector<2x128xf32> to vector<1x128xf32>
        %slice3A_308 = vector.extract_strided_slice %add3A_306 {offsets = [1, 0], sizes = [1, 128], strides = [1, 1]} : vector<2x128xf32> to vector<1x128xf32>
        %add3A_309 = arith.addf %slice3A_307, %slice3A_308 : vector<1x128xf32>
        %swap3A_310 = arith.constant 17 : index
        %swap3A_311 = arith.constant 0 : index
        %swap3A_312 = vector.load %arg11[%swap3A_310, %swap3A_311] : memref<24x128xf32, #tpu.memory_space<vmem>>, vector<1x128xf32>
        tpu.vector_store %arg11[%swap3A_310, %swap3A_311], %add3A_309 {strides = array<i32>} : memref<24x128xf32, #tpu.memory_space<vmem>>, vector<1x128xf32>,
      } else {
      }
    } else {
    }
    %eq3A_8 = arith.constant 2 : i32
    %eq3A_9 = arith.cmpi eq, %arg0, %eq3A_8 : i32
    %convert_element_type3A_10 = arith.extui %eq3A_9 : i1 to i32
    %cond3A_11 = arith.constant 9.99999974E-5 : f32
    %cond3A_12 = arith.constant 0 : i32
    %cond3A_13 = arith.cmpi ne, %convert_element_type3A_10, %cond3A_12 : i32
    scf.if %cond3A_13 {
      %get3A = arith.constant 0 : index
      %get3A_14 = arith.constant 0 : index
      %get3A_15 = vector.load %arg11[%get3A, %get3A_14] : memref<24x128xf32, #tpu.memory_space<vmem>>, vector<8x128xf32>
      %slice3A = vector.extract_strided_slice %get3A_15 {offsets = [0, 0], sizes = [4, 128], strides = [1, 1]} : vector<8x128xf32> to vector<4x128xf32>
      %slice3A_16 = vector.extract_strided_slice %get3A_15 {offsets = [4, 0], sizes = [4, 128], strides = [1, 1]} : vector<8x128xf32> to vector<4x128xf32>
      %add3A = arith.addf %slice3A, %slice3A_16 : vector<4x128xf32>
      %slice3A_17 = vector.extract_strided_slice %add3A {offsets = [0, 0], sizes = [2, 128], strides = [1, 1]} : vector<4x128xf32> to vector<2x128xf32>
      %slice3A_18 = vector.extract_strided_slice %add3A {offsets = [2, 0], sizes = [2, 128], strides = [1, 1]} : vector<4x128xf32> to vector<2x128xf32>
      %add3A_19 = arith.addf %slice3A_17, %slice3A_18 : vector<2x128xf32>
      %slice3A_20 = vector.extract_strided_slice %add3A_19 {offsets = [0, 0], sizes = [1, 128], strides = [1, 1]} : vector<2x128xf32> to vector<1x128xf32>
      %slice3A_21 = vector.extract_strided_slice %add3A_19 {offsets = [1, 0], sizes = [1, 128], strides = [1, 1]} : vector<2x128xf32> to vector<1x128xf32>
      %add3A_22 = arith.addf %slice3A_20, %slice3A_21 : vector<1x128xf32>
      %mul3A = vector.broadcast %cond3A_11 : f32 to vector<1x128xf32>
      %mul3A_23 = arith.mulf %add3A_22, %mul3A : vector<1x128xf32>
      %get3A_24 = arith.constant 16 : index
      %get3A_25 = arith.constant 0 : index
      %get3A_26 = vector.load %arg11[%get3A_24, %get3A_25] : memref<24x128xf32, #tpu.memory_space<vmem>>, vector<1x128xf32>
      %get3A_27 = arith.constant 17 : index
      %get3A_28 = arith.constant 0 : index
      %get3A_29 = vector.load %arg11[%get3A_27, %get3A_28] : memref<24x128xf32, #tpu.memory_space<vmem>>, vector<1x128xf32>
      %add3A_30 = arith.addf %get3A_26, %get3A_29 : vector<1x128xf32>
      %mul3A_31 = vector.broadcast %cond3A_11 : f32 to vector<1x128xf32>
      %mul3A_32 = arith.mulf %add3A_30, %mul3A_31 : vector<1x128xf32>
      %mul3A_33 = arith.constant 1000 : i32
      %mul3A_34 = arith.muli %arg1, %mul3A_33 : i32
      %get3A_35 = arith.index_cast %mul3A_34 : i32 to index
      %get3A_36 = arith.constant 0 : index
      %get3A_37 = vector.load %arg10[%get3A_35, %get3A_36] : memref<10000x128xf32, #tpu.memory_space<vmem>>, vector<1000x128xf32>
      %sub3A = vector.broadcast %mul3A_23 : vector<1x128xf32> to vector<1000x128xf32>
      %sub3A_38 = arith.subf %get3A_37, %sub3A : vector<1000x128xf32>
      %add3A_39 = arith.constant 9.99999974E-6 : f32
      %add3A_40 = vector.broadcast %add3A_39 : f32 to vector<1x128xf32>
      %add3A_41 = arith.addf %mul3A_32, %add3A_40 : vector<1x128xf32>
      %sqrt3A = math.sqrt %add3A_41 : vector<1x128xf32>
      %div3A = vector.broadcast %sqrt3A : vector<1x128xf32> to vector<1000x128xf32>
      %div3A_42 = arith.divf %sub3A_38, %div3A : vector<1000x128xf32>
      %get3A_43 = arith.constant 0 : index
      %get3A_44 = arith.constant 0 : index
      %get3A_45 = vector.load %arg6[%get3A_43, %get3A_44] : memref<2x128xf32, #tpu.memory_space<vmem>>, vector<1x128xf32>
      %mul3A_46 = vector.broadcast %get3A_45 : vector<1x128xf32> to vector<1000x128xf32>
      %mul3A_47 = arith.mulf %div3A_42, %mul3A_46 : vector<1000x128xf32>
      %get3A_48 = arith.constant 1 : index
      %get3A_49 = arith.constant 0 : index
      %get3A_50 = vector.load %arg6[%get3A_48, %get3A_49] : memref<2x128xf32, #tpu.memory_space<vmem>>, vector<1x128xf32>
      %add3A_51 = vector.broadcast %get3A_50 : vector<1x128xf32> to vector<1000x128xf32>
      %add3A_52 = arith.addf %mul3A_47, %add3A_51 : vector<1000x128xf32>
      %max3A = arith.constant 0.000000e+00 : f32
      %max3A_53 = vector.broadcast %max3A : f32 to vector<1000x128xf32>
      %max3A_54 = arith.maximumf %add3A_52, %max3A_53 : vector<1000x128xf32>
      %get3A_55 = arith.constant 0 : index
      %get3A_56 = arith.constant 0 : index
      %get3A_57 = vector.load %arg7[%get3A_55, %get3A_56] : memref<128x128xf32, #tpu.memory_space<vmem>>, vector<128x128xf32>
      %dot_general3A = arith.constant dense<0.000000e+00> : vector<1000x128xf32>
      %dot_general3A_58 = tpu.matmul %max3A_54, %get3A_57, %dot_general3A {dimension_numbers = #tpu.dot_dimension_numbers<[1], [0], [0], [1], [0, 0, 1, 1], [], []>, transpose_lhs_hint = false} : vector<1000x128xf32>, vector<128x128xf32>, vector<1000x128xf32> -> vector<1000x128xf32>
      %get3A_59 = arith.constant 0 : index
      %get3A_60 = arith.constant 0 : index
      %get3A_61 = vector.load %arg8[%get3A_59, %get3A_60] : memref<1x128xf32, #tpu.memory_space<vmem>>, vector<1x128xf32>
      %add3A_62 = vector.broadcast %get3A_61 : vector<1x128xf32> to vector<1000x128xf32>
      %add3A_63 = arith.addf %dot_general3A_58, %add3A_62 : vector<1000x128xf32>
      %max3A_64 = arith.constant 0.000000e+00 : f32
      %max3A_65 = vector.broadcast %max3A_64 : f32 to vector<1000x128xf32>
      %max3A_66 = arith.maximumf %add3A_63, %max3A_65 : vector<1000x128xf32>
      %swap3A = arith.constant 0 : index
      %swap3A_67 = arith.constant 0 : index
      %swap3A_68 = vector.load %arg9[%swap3A, %swap3A_67] : memref<1000x128xf32, #tpu.memory_space<vmem>>, vector<1000x128xf32>
      tpu.vector_store %arg9[%swap3A, %swap3A_67], %max3A_66 {strides = array<i32>} : memref<1000x128xf32, #tpu.memory_space<vmem>>, vector<1000x128xf32>,
    } else {
    }
    return
  }
  func.func @transform_0(%arg0: i32, %arg1: i32) -> (i32, i32) {
    %eq3A = arith.constant 0 : i32
    %eq3A_0 = arith.cmpi eq, %arg0, %eq3A : i32
    %jit3A = arith.constant 0 : i32
    %select_n3A = arith.select %eq3A_0, %arg1, %jit3A : i32
    %c0_i32 = arith.constant 0 : i32
    %c0_i32_1 = arith.constant 0 : i32
    return %select_n3A, %c0_i32 : i32, i32
  }
  func.func @transform_1(%arg0: i32, %arg1: i32) -> (i32, i32, i32) {
    %eq3A = arith.constant 0 : i32
    %eq3A_0 = arith.cmpi eq, %arg0, %eq3A : i32
    %jit3A = arith.constant 0 : i32
    %select_n3A = arith.select %eq3A_0, %arg1, %jit3A : i32
    %c0_i32 = arith.constant 0 : i32
    %c0_i32_1 = arith.constant 0 : i32
    %c0_i32_2 = arith.constant 0 : i32
    return %c0_i32, %select_n3A, %c0_i32_1 : i32, i32, i32
  }
  func.func @transform_2(%arg0: i32, %arg1: i32) -> (i32, i32) {
    %c0_i32 = arith.constant 0 : i32
    %c0_i32_0 = arith.constant 0 : i32
    %c0_i32_1 = arith.constant 0 : i32
    return %c0_i32, %c0_i32_0 : i32, i32
  }
  func.func @transform_3(%arg0: i32, %arg1: i32) -> (i32, i32) {
    %c0_i32 = arith.constant 0 : i32
    %c0_i32_0 = arith.constant 0 : i32
    %c0_i32_1 = arith.constant 0 : i32
    return %c0_i32, %c0_i32_0 : i32, i32
  }
  func.func @transform_4(%arg0: i32, %arg1: i32) -> (i32, i32) {
    %c0_i32 = arith.constant 0 : i32
    %c0_i32_0 = arith.constant 0 : i32
    %c0_i32_1 = arith.constant 0 : i32
    return %c0_i32, %c0_i32_0 : i32, i32
  }
  func.func @transform_5(%arg0: i32, %arg1: i32) -> (i32, i32) {
    %c0_i32 = arith.constant 0 : i32
    %c0_i32_0 = arith.constant 0 : i32
    %c0_i32_1 = arith.constant 0 : i32
    return %c0_i32, %c0_i32_0 : i32, i32
  }
  func.func @transform_6(%arg0: i32, %arg1: i32) -> (i32, i32) {
    %c0_i32 = arith.constant 0 : i32
    %c0_i32_0 = arith.constant 0 : i32
    %c0_i32_1 = arith.constant 0 : i32
    return %c0_i32, %c0_i32_0 : i32, i32
  }
  func.func @transform_7(%arg0: i32, %arg1: i32) -> (i32, i32) {
    %eq3A = arith.constant 2 : i32
    %eq3A_0 = arith.cmpi eq, %arg0, %eq3A : i32
    %jit3A = arith.constant 0 : i32
    %select_n3A = arith.select %eq3A_0, %arg1, %jit3A : i32
    %c0_i32 = arith.constant 0 : i32
    %c0_i32_1 = arith.constant 0 : i32
    return %select_n3A, %c0_i32 : i32, i32
  }
}

module attributes {stable_mosaic.version = 14 : i64} {
  func.func @_layer_body(%arg0: i32, %arg1: i32, %arg2: memref<1000x128xf32, #tpu.memory_space<vmem>>, %arg3: memref<2x1000x128xf32, #tpu.memory_space<vmem>>, %arg4: memref<128x128xf32, #tpu.memory_space<vmem>>, %arg5: memref<1x128xf32, #tpu.memory_space<vmem>>, %arg6: memref<2x128xf32, #tpu.memory_space<vmem>>, %arg7: memref<128x128xf32, #tpu.memory_space<vmem>>, %arg8: memref<1x128xf32, #tpu.memory_space<vmem>>, %arg9: memref<1000x128xf32, #tpu.memory_space<vmem>>, %arg10: memref<10000x128xf32, #tpu.memory_space<vmem>>, %arg11: memref<24x128xf32, #tpu.memory_space<vmem>>) attributes {dimension_semantics = [#tpu.dimension_semantics<arbitrary>, #tpu.dimension_semantics<arbitrary>], iteration_bounds = array<i64: 3, 10>, scalar_prefetch = 0 : i64, scratch_operands = 2 : i64, tpu.core_type = #tpu.core_type<tc>, window_params = [{transform_indices = @transform_0, window_bounds = array<i64: 1000, 128>}, {transform_indices = @transform_1, window_bounds = array<i64: 2, 1000, 128>}, {pipeline_mode = #tpu.pipeline_mode<synchronous>, transform_indices = @transform_2, window_bounds = array<i64: 128, 128>}, {pipeline_mode = #tpu.pipeline_mode<synchronous>, transform_indices = @transform_3, window_bounds = array<i64: 1, 128>}, {pipeline_mode = #tpu.pipeline_mode<synchronous>, transform_indices = @transform_4, window_bounds = array<i64: 2, 128>}, {pipeline_mode = #tpu.pipeline_mode<synchronous>, transform_indices = @transform_5, window_bounds = array<i64: 128, 128>}, {pipeline_mode = #tpu.pipeline_mode<synchronous>, transform_indices = @transform_6, window_bounds = array<i64: 1, 128>}, {transform_indices = @transform_7, window_bounds = array<i64: 1000, 128>}]} {
    %eq3A = arith.constant 0 : i32
    %eq3A_0 = arith.cmpi eq, %arg0, %eq3A : i32
    %convert_element_type3A = arith.extui %eq3A_0 : i1 to i32
    %cond3A = arith.constant 0 : i32
    %cond3A_1 = arith.cmpi ne, %convert_element_type3A, %cond3A : i32
    scf.if %cond3A_1 {
      %get3A = arith.constant 0 : index
      %get3A_14 = arith.constant 0 : index
      %get3A_15 = vector.load %arg2[%get3A, %get3A_14] : memref<1000x128xf32, #tpu.memory_space<vmem>>, vector<1000x128xf32>
      %get3A_16 = arith.constant 0 : index
      %get3A_17 = arith.constant 0 : index
      %get3A_18 = arith.constant 0 : index
      %get3A_19 = vector.load %arg3[%get3A_16, %get3A_17, %get3A_18] : memref<2x1000x128xf32, #tpu.memory_space<vmem>>, vector<1x1000x128xf32>
      %get3A_20 = vector.shape_cast %get3A_19 : vector<1x1000x128xf32> to vector<1000x128xf32>
      %add3A = arith.addf %get3A_15, %get3A_20 : vector<1000x128xf32>
      %get3A_21 = arith.constant 1 : index
      %get3A_22 = arith.constant 0 : index
      %get3A_23 = arith.constant 0 : index
      %get3A_24 = vector.load %arg3[%get3A_21, %get3A_22, %get3A_23] : memref<2x1000x128xf32, #tpu.memory_space<vmem>>, vector<1x1000x128xf32>
      %get3A_25 = vector.shape_cast %get3A_24 : vector<1x1000x128xf32> to vector<1000x128xf32>
      %add3A_26 = arith.addf %add3A, %get3A_25 : vector<1000x128xf32>
      %get3A_27 = arith.constant 0 : index
      %get3A_28 = arith.constant 0 : index
      %get3A_29 = vector.load %arg4[%get3A_27, %get3A_28] : memref<128x128xf32, #tpu.memory_space<vmem>>, vector<128x128xf32>
      %dot_general3A = arith.constant dense<0.000000e+00> : vector<1000x128xf32>
      %dot_general3A_30 = tpu.matmul %add3A_26, %get3A_29, %dot_general3A {dimension_numbers = #tpu.dot_dimension_numbers<[1], [0], [0], [1], [0, 0, 1, 1], [], []>, transpose_lhs_hint = false} : vector<1000x128xf32>, vector<128x128xf32>, vector<1000x128xf32> -> vector<1000x128xf32>
      %get3A_31 = arith.constant 0 : index
      %get3A_32 = arith.constant 0 : index
      %get3A_33 = vector.load %arg5[%get3A_31, %get3A_32] : memref<1x128xf32, #tpu.memory_space<vmem>>, vector<1x128xf32>
      %add3A_34 = vector.broadcast %get3A_33 : vector<1x128xf32> to vector<1000x128xf32>
      %add3A_35 = arith.addf %dot_general3A_30, %add3A_34 : vector<1000x128xf32>
      %mul3A = arith.constant 1000 : i32
      %mul3A_36 = arith.muli %arg1, %mul3A : i32
      %swap3A = arith.index_cast %mul3A_36 : i32 to index
      %swap3A_37 = arith.constant 0 : index
      %swap3A_38 = vector.load %arg10[%swap3A, %swap3A_37] : memref<10000x128xf32, #tpu.memory_space<vmem>>, vector<1000x128xf32>
      tpu.vector_store %arg10[%swap3A, %swap3A_37], %add3A_35 {strides = array<i32>} : memref<10000x128xf32, #tpu.memory_space<vmem>>, vector<1000x128xf32>,
      %eq3A_39 = arith.constant 0 : i32
      %eq3A_40 = arith.cmpi eq, %arg1, %eq3A_39 : i32
      %convert_element_type3A_41 = arith.extui %eq3A_40 : i1 to i32
      %cond3A_42 = arith.constant 0 : i32
      %cond3A_43 = arith.cmpi ne, %convert_element_type3A_41, %cond3A_42 : i32
      scf.if %cond3A_43 {
        %broadcast_in_dim3A = arith.constant 0.000000e+00 : f32
        %broadcast_in_dim3A_299 = vector.broadcast %broadcast_in_dim3A : f32 to vector<24x128xf32>
        %swap3A_300 = arith.constant 0 : index
        %swap3A_301 = arith.constant 0 : index
        %swap3A_302 = vector.load %arg11[%swap3A_300, %swap3A_301] : memref<24x128xf32, #tpu.memory_space<vmem>>, vector<24x128xf32>
        tpu.vector_store %arg11[%swap3A_300, %swap3A_301], %broadcast_in_dim3A_299 {strides = array<i32>} : memref<24x128xf32, #tpu.memory_space<vmem>>, vector<24x128xf32>,
      } else {
      }
      %get3A_44 = arith.constant 0 : index
      %get3A_45 = arith.constant 0 : index
      %get3A_46 = vector.load %arg11[%get3A_44, %get3A_45] : memref<24x128xf32, #tpu.memory_space<vmem>>, vector<8x128xf32>
      %slice3A = vector.extract_strided_slice %add3A_35 {offsets = [0, 0], sizes = [8, 128], strides = [1, 1]} : vector<1000x128xf32> to vector<8x128xf32>
      %add3A_47 = arith.addf %get3A_46, %slice3A : vector<8x128xf32>
      %slice3A_48 = vector.extract_strided_slice %add3A_35 {offsets = [8, 0], sizes = [8, 128], strides = [1, 1]} : vector<1000x128xf32> to vector<8x128xf32>
      %add3A_49 = arith.addf %add3A_47, %slice3A_48 : vector<8x128xf32>
      %slice3A_50 = vector.extract_strided_slice %add3A_35 {offsets = [16, 0], sizes = [8, 128], strides = [1, 1]} : vector<1000x128xf32> to vector<8x128xf32>
      %add3A_51 = arith.addf %add3A_49, %slice3A_50 : vector<8x128xf32>
      %slice3A_52 = vector.extract_strided_slice %add3A_35 {offsets = [24, 0], sizes = [8, 128], strides = [1, 1]} : vector<1000x128xf32> to vector<8x128xf32>
      %add3A_53 = arith.addf %add3A_51, %slice3A_52 : vector<8x128xf32>
      %slice3A_54 = vector.extract_strided_slice %add3A_35 {offsets = [32, 0], sizes = [8, 128], strides = [1, 1]} : vector<1000x128xf32> to vector<8x128xf32>
      %add3A_55 = arith.addf %add3A_53, %slice3A_54 : vector<8x128xf32>
      %slice3A_56 = vector.extract_strided_slice %add3A_35 {offsets = [40, 0], sizes = [8, 128], strides = [1, 1]} : vector<1000x128xf32> to vector<8x128xf32>
      %add3A_57 = arith.addf %add3A_55, %slice3A_56 : vector<8x128xf32>
      %slice3A_58 = vector.extract_strided_slice %add3A_35 {offsets = [48, 0], sizes = [8, 128], strides = [1, 1]} : vector<1000x128xf32> to vector<8x128xf32>
      %add3A_59 = arith.addf %add3A_57, %slice3A_58 : vector<8x128xf32>
      %slice3A_60 = vector.extract_strided_slice %add3A_35 {offsets = [56, 0], sizes = [8, 128], strides = [1, 1]} : vector<1000x128xf32> to vector<8x128xf32>
      %add3A_61 = arith.addf %add3A_59, %slice3A_60 : vector<8x128xf32>
      %slice3A_62 = vector.extract_strided_slice %add3A_35 {offsets = [64, 0], sizes = [8, 128], strides = [1, 1]} : vector<1000x128xf32> to vector<8x128xf32>
      %add3A_63 = arith.addf %add3A_61, %slice3A_62 : vector<8x128xf32>
      %slice3A_64 = vector.extract_strided_slice %add3A_35 {offsets = [72, 0], sizes = [8, 128], strides = [1, 1]} : vector<1000x128xf32> to vector<8x128xf32>
      %add3A_65 = arith.addf %add3A_63, %slice3A_64 : vector<8x128xf32>
      %slice3A_66 = vector.extract_strided_slice %add3A_35 {offsets = [80, 0], sizes = [8, 128], strides = [1, 1]} : vector<1000x128xf32> to vector<8x128xf32>
      %add3A_67 = arith.addf %add3A_65, %slice3A_66 : vector<8x128xf32>
      %slice3A_68 = vector.extract_strided_slice %add3A_35 {offsets = [88, 0], sizes = [8, 128], strides = [1, 1]} : vector<1000x128xf32> to vector<8x128xf32>
      %add3A_69 = arith.addf %add3A_67, %slice3A_68 : vector<8x128xf32>
      %slice3A_70 = vector.extract_strided_slice %add3A_35 {offsets = [96, 0], sizes = [8, 128], strides = [1, 1]} : vector<1000x128xf32> to vector<8x128xf32>
      %add3A_71 = arith.addf %add3A_69, %slice3A_70 : vector<8x128xf32>
      %slice3A_72 = vector.extract_strided_slice %add3A_35 {offsets = [104, 0], sizes = [8, 128], strides = [1, 1]} : vector<1000x128xf32> to vector<8x128xf32>
      %add3A_73 = arith.addf %add3A_71, %slice3A_72 : vector<8x128xf32>
      %slice3A_74 = vector.extract_strided_slice %add3A_35 {offsets = [112, 0], sizes = [8, 128], strides = [1, 1]} : vector<1000x128xf32> to vector<8x128xf32>
      %add3A_75 = arith.addf %add3A_73, %slice3A_74 : vector<8x128xf32>
      %slice3A_76 = vector.extract_strided_slice %add3A_35 {offsets = [120, 0], sizes = [8, 128], strides = [1, 1]} : vector<1000x128xf32> to vector<8x128xf32>
      %add3A_77 = arith.addf %add3A_75, %slice3A_76 : vector<8x128xf32>
      %slice3A_78 = vector.extract_strided_slice %add3A_35 {offsets = [128, 0], sizes = [8, 128], strides = [1, 1]} : vector<1000x128xf32> to vector<8x128xf32>
      %add3A_79 = arith.addf %add3A_77, %slice3A_78 : vector<8x128xf32>
      %slice3A_80 = vector.extract_strided_slice %add3A_35 {offsets = [136, 0], sizes = [8, 128], strides = [1, 1]} : vector<1000x128xf32> to vector<8x128xf32>
      %add3A_81 = arith.addf %add3A_79, %slice3A_80 : vector<8x128xf32>
      %slice3A_82 = vector.extract_strided_slice %add3A_35 {offsets = [144, 0], sizes = [8, 128], strides = [1, 1]} : vector<1000x128xf32> to vector<8x128xf32>
      %add3A_83 = arith.addf %add3A_81, %slice3A_82 : vector<8x128xf32>
      %slice3A_84 = vector.extract_strided_slice %add3A_35 {offsets = [152, 0], sizes = [8, 128], strides = [1, 1]} : vector<1000x128xf32> to vector<8x128xf32>
      %add3A_85 = arith.addf %add3A_83, %slice3A_84 : vector<8x128xf32>
      %slice3A_86 = vector.extract_strided_slice %add3A_35 {offsets = [160, 0], sizes = [8, 128], strides = [1, 1]} : vector<1000x128xf32> to vector<8x128xf32>
      %add3A_87 = arith.addf %add3A_85, %slice3A_86 : vector<8x128xf32>
      %slice3A_88 = vector.extract_strided_slice %add3A_35 {offsets = [168, 0], sizes = [8, 128], strides = [1, 1]} : vector<1000x128xf32> to vector<8x128xf32>
      %add3A_89 = arith.addf %add3A_87, %slice3A_88 : vector<8x128xf32>
      %slice3A_90 = vector.extract_strided_slice %add3A_35 {offsets = [176, 0], sizes = [8, 128], strides = [1, 1]} : vector<1000x128xf32> to vector<8x128xf32>
      %add3A_91 = arith.addf %add3A_89, %slice3A_90 : vector<8x128xf32>
      %slice3A_92 = vector.extract_strided_slice %add3A_35 {offsets = [184, 0], sizes = [8, 128], strides = [1, 1]} : vector<1000x128xf32> to vector<8x128xf32>
      %add3A_93 = arith.addf %add3A_91, %slice3A_92 : vector<8x128xf32>
      %slice3A_94 = vector.extract_strided_slice %add3A_35 {offsets = [192, 0], sizes = [8, 128], strides = [1, 1]} : vector<1000x128xf32> to vector<8x128xf32>
      %add3A_95 = arith.addf %add3A_93, %slice3A_94 : vector<8x128xf32>
      %slice3A_96 = vector.extract_strided_slice %add3A_35 {offsets = [200, 0], sizes = [8, 128], strides = [1, 1]} : vector<1000x128xf32> to vector<8x128xf32>
      %add3A_97 = arith.addf %add3A_95, %slice3A_96 : vector<8x128xf32>
      %slice3A_98 = vector.extract_strided_slice %add3A_35 {offsets = [208, 0], sizes = [8, 128], strides = [1, 1]} : vector<1000x128xf32> to vector<8x128xf32>
      %add3A_99 = arith.addf %add3A_97, %slice3A_98 : vector<8x128xf32>
      %slice3A_100 = vector.extract_strided_slice %add3A_35 {offsets = [216, 0], sizes = [8, 128], strides = [1, 1]} : vector<1000x128xf32> to vector<8x128xf32>
      %add3A_101 = arith.addf %add3A_99, %slice3A_100 : vector<8x128xf32>
      %slice3A_102 = vector.extract_strided_slice %add3A_35 {offsets = [224, 0], sizes = [8, 128], strides = [1, 1]} : vector<1000x128xf32> to vector<8x128xf32>
      %add3A_103 = arith.addf %add3A_101, %slice3A_102 : vector<8x128xf32>
      %slice3A_104 = vector.extract_strided_slice %add3A_35 {offsets = [232, 0], sizes = [8, 128], strides = [1, 1]} : vector<1000x128xf32> to vector<8x128xf32>
      %add3A_105 = arith.addf %add3A_103, %slice3A_104 : vector<8x128xf32>
      %slice3A_106 = vector.extract_strided_slice %add3A_35 {offsets = [240, 0], sizes = [8, 128], strides = [1, 1]} : vector<1000x128xf32> to vector<8x128xf32>
      %add3A_107 = arith.addf %add3A_105, %slice3A_106 : vector<8x128xf32>
      %slice3A_108 = vector.extract_strided_slice %add3A_35 {offsets = [248, 0], sizes = [8, 128], strides = [1, 1]} : vector<1000x128xf32> to vector<8x128xf32>
      %add3A_109 = arith.addf %add3A_107, %slice3A_108 : vector<8x128xf32>
      %slice3A_110 = vector.extract_strided_slice %add3A_35 {offsets = [256, 0], sizes = [8, 128], strides = [1, 1]} : vector<1000x128xf32> to vector<8x128xf32>
      %add3A_111 = arith.addf %add3A_109, %slice3A_110 : vector<8x128xf32>
      %slice3A_112 = vector.extract_strided_slice %add3A_35 {offsets = [264, 0], sizes = [8, 128], strides = [1, 1]} : vector<1000x128xf32> to vector<8x128xf32>
      %add3A_113 = arith.addf %add3A_111, %slice3A_112 : vector<8x128xf32>
      %slice3A_114 = vector.extract_strided_slice %add3A_35 {offsets = [272, 0], sizes = [8, 128], strides = [1, 1]} : vector<1000x128xf32> to vector<8x128xf32>
      %add3A_115 = arith.addf %add3A_113, %slice3A_114 : vector<8x128xf32>
      %slice3A_116 = vector.extract_strided_slice %add3A_35 {offsets = [280, 0], sizes = [8, 128], strides = [1, 1]} : vector<1000x128xf32> to vector<8x128xf32>
      %add3A_117 = arith.addf %add3A_115, %slice3A_116 : vector<8x128xf32>
      %slice3A_118 = vector.extract_strided_slice %add3A_35 {offsets = [288, 0], sizes = [8, 128], strides = [1, 1]} : vector<1000x128xf32> to vector<8x128xf32>
      %add3A_119 = arith.addf %add3A_117, %slice3A_118 : vector<8x128xf32>
      %slice3A_120 = vector.extract_strided_slice %add3A_35 {offsets = [296, 0], sizes = [8, 128], strides = [1, 1]} : vector<1000x128xf32> to vector<8x128xf32>
      %add3A_121 = arith.addf %add3A_119, %slice3A_120 : vector<8x128xf32>
      %slice3A_122 = vector.extract_strided_slice %add3A_35 {offsets = [304, 0], sizes = [8, 128], strides = [1, 1]} : vector<1000x128xf32> to vector<8x128xf32>
      %add3A_123 = arith.addf %add3A_121, %slice3A_122 : vector<8x128xf32>
      %slice3A_124 = vector.extract_strided_slice %add3A_35 {offsets = [312, 0], sizes = [8, 128], strides = [1, 1]} : vector<1000x128xf32> to vector<8x128xf32>
      %add3A_125 = arith.addf %add3A_123, %slice3A_124 : vector<8x128xf32>
      %slice3A_126 = vector.extract_strided_slice %add3A_35 {offsets = [320, 0], sizes = [8, 128], strides = [1, 1]} : vector<1000x128xf32> to vector<8x128xf32>
      %add3A_127 = arith.addf %add3A_125, %slice3A_126 : vector<8x128xf32>
      %slice3A_128 = vector.extract_strided_slice %add3A_35 {offsets = [328, 0], sizes = [8, 128], strides = [1, 1]} : vector<1000x128xf32> to vector<8x128xf32>
      %add3A_129 = arith.addf %add3A_127, %slice3A_128 : vector<8x128xf32>
      %slice3A_130 = vector.extract_strided_slice %add3A_35 {offsets = [336, 0], sizes = [8, 128], strides = [1, 1]} : vector<1000x128xf32> to vector<8x128xf32>
      %add3A_131 = arith.addf %add3A_129, %slice3A_130 : vector<8x128xf32>
      %slice3A_132 = vector.extract_strided_slice %add3A_35 {offsets = [344, 0], sizes = [8, 128], strides = [1, 1]} : vector<1000x128xf32> to vector<8x128xf32>
      %add3A_133 = arith.addf %add3A_131, %slice3A_132 : vector<8x128xf32>
      %slice3A_134 = vector.extract_strided_slice %add3A_35 {offsets = [352, 0], sizes = [8, 128], strides = [1, 1]} : vector<1000x128xf32> to vector<8x128xf32>
      %add3A_135 = arith.addf %add3A_133, %slice3A_134 : vector<8x128xf32>
      %slice3A_136 = vector.extract_strided_slice %add3A_35 {offsets = [360, 0], sizes = [8, 128], strides = [1, 1]} : vector<1000x128xf32> to vector<8x128xf32>
      %add3A_137 = arith.addf %add3A_135, %slice3A_136 : vector<8x128xf32>
      %slice3A_138 = vector.extract_strided_slice %add3A_35 {offsets = [368, 0], sizes = [8, 128], strides = [1, 1]} : vector<1000x128xf32> to vector<8x128xf32>
      %add3A_139 = arith.addf %add3A_137, %slice3A_138 : vector<8x128xf32>
      %slice3A_140 = vector.extract_strided_slice %add3A_35 {offsets = [376, 0], sizes = [8, 128], strides = [1, 1]} : vector<1000x128xf32> to vector<8x128xf32>
      %add3A_141 = arith.addf %add3A_139, %slice3A_140 : vector<8x128xf32>
      %slice3A_142 = vector.extract_strided_slice %add3A_35 {offsets = [384, 0], sizes = [8, 128], strides = [1, 1]} : vector<1000x128xf32> to vector<8x128xf32>
      %add3A_143 = arith.addf %add3A_141, %slice3A_142 : vector<8x128xf32>
      %slice3A_144 = vector.extract_strided_slice %add3A_35 {offsets = [392, 0], sizes = [8, 128], strides = [1, 1]} : vector<1000x128xf32> to vector<8x128xf32>
      %add3A_145 = arith.addf %add3A_143, %slice3A_144 : vector<8x128xf32>
      %slice3A_146 = vector.extract_strided_slice %add3A_35 {offsets = [400, 0], sizes = [8, 128], strides = [1, 1]} : vector<1000x128xf32> to vector<8x128xf32>
      %add3A_147 = arith.addf %add3A_145, %slice3A_146 : vector<8x128xf32>
      %slice3A_148 = vector.extract_strided_slice %add3A_35 {offsets = [408, 0], sizes = [8, 128], strides = [1, 1]} : vector<1000x128xf32> to vector<8x128xf32>
      %add3A_149 = arith.addf %add3A_147, %slice3A_148 : vector<8x128xf32>
      %slice3A_150 = vector.extract_strided_slice %add3A_35 {offsets = [416, 0], sizes = [8, 128], strides = [1, 1]} : vector<1000x128xf32> to vector<8x128xf32>
      %add3A_151 = arith.addf %add3A_149, %slice3A_150 : vector<8x128xf32>
      %slice3A_152 = vector.extract_strided_slice %add3A_35 {offsets = [424, 0], sizes = [8, 128], strides = [1, 1]} : vector<1000x128xf32> to vector<8x128xf32>
      %add3A_153 = arith.addf %add3A_151, %slice3A_152 : vector<8x128xf32>
      %slice3A_154 = vector.extract_strided_slice %add3A_35 {offsets = [432, 0], sizes = [8, 128], strides = [1, 1]} : vector<1000x128xf32> to vector<8x128xf32>
      %add3A_155 = arith.addf %add3A_153, %slice3A_154 : vector<8x128xf32>
      %slice3A_156 = vector.extract_strided_slice %add3A_35 {offsets = [440, 0], sizes = [8, 128], strides = [1, 1]} : vector<1000x128xf32> to vector<8x128xf32>
      %add3A_157 = arith.addf %add3A_155, %slice3A_156 : vector<8x128xf32>
      %slice3A_158 = vector.extract_strided_slice %add3A_35 {offsets = [448, 0], sizes = [8, 128], strides = [1, 1]} : vector<1000x128xf32> to vector<8x128xf32>
      %add3A_159 = arith.addf %add3A_157, %slice3A_158 : vector<8x128xf32>
      %slice3A_160 = vector.extract_strided_slice %add3A_35 {offsets = [456, 0], sizes = [8, 128], strides = [1, 1]} : vector<1000x128xf32> to vector<8x128xf32>
      %add3A_161 = arith.addf %add3A_159, %slice3A_160 : vector<8x128xf32>
      %slice3A_162 = vector.extract_strided_slice %add3A_35 {offsets = [464, 0], sizes = [8, 128], strides = [1, 1]} : vector<1000x128xf32> to vector<8x128xf32>
      %add3A_163 = arith.addf %add3A_161, %slice3A_162 : vector<8x128xf32>
      %slice3A_164 = vector.extract_strided_slice %add3A_35 {offsets = [472, 0], sizes = [8, 128], strides = [1, 1]} : vector<1000x128xf32> to vector<8x128xf32>
      %add3A_165 = arith.addf %add3A_163, %slice3A_164 : vector<8x128xf32>
      %slice3A_166 = vector.extract_strided_slice %add3A_35 {offsets = [480, 0], sizes = [8, 128], strides = [1, 1]} : vector<1000x128xf32> to vector<8x128xf32>
      %add3A_167 = arith.addf %add3A_165, %slice3A_166 : vector<8x128xf32>
      %slice3A_168 = vector.extract_strided_slice %add3A_35 {offsets = [488, 0], sizes = [8, 128], strides = [1, 1]} : vector<1000x128xf32> to vector<8x128xf32>
      %add3A_169 = arith.addf %add3A_167, %slice3A_168 : vector<8x128xf32>
      %slice3A_170 = vector.extract_strided_slice %add3A_35 {offsets = [496, 0], sizes = [8, 128], strides = [1, 1]} : vector<1000x128xf32> to vector<8x128xf32>
      %add3A_171 = arith.addf %add3A_169, %slice3A_170 : vector<8x128xf32>
      %slice3A_172 = vector.extract_strided_slice %add3A_35 {offsets = [504, 0], sizes = [8, 128], strides = [1, 1]} : vector<1000x128xf32> to vector<8x128xf32>
      %add3A_173 = arith.addf %add3A_171, %slice3A_172 : vector<8x128xf32>
      %slice3A_174 = vector.extract_strided_slice %add3A_35 {offsets = [512, 0], sizes = [8, 128], strides = [1, 1]} : vector<1000x128xf32> to vector<8x128xf32>
      %add3A_175 = arith.addf %add3A_173, %slice3A_174 : vector<8x128xf32>
      %slice3A_176 = vector.extract_strided_slice %add3A_35 {offsets = [520, 0], sizes = [8, 128], strides = [1, 1]} : vector<1000x128xf32> to vector<8x128xf32>
      %add3A_177 = arith.addf %add3A_175, %slice3A_176 : vector<8x128xf32>
      %slice3A_178 = vector.extract_strided_slice %add3A_35 {offsets = [528, 0], sizes = [8, 128], strides = [1, 1]} : vector<1000x128xf32> to vector<8x128xf32>
      %add3A_179 = arith.addf %add3A_177, %slice3A_178 : vector<8x128xf32>
      %slice3A_180 = vector.extract_strided_slice %add3A_35 {offsets = [536, 0], sizes = [8, 128], strides = [1, 1]} : vector<1000x128xf32> to vector<8x128xf32>
      %add3A_181 = arith.addf %add3A_179, %slice3A_180 : vector<8x128xf32>
      %slice3A_182 = vector.extract_strided_slice %add3A_35 {offsets = [544, 0], sizes = [8, 128], strides = [1, 1]} : vector<1000x128xf32> to vector<8x128xf32>
      %add3A_183 = arith.addf %add3A_181, %slice3A_182 : vector<8x128xf32>
      %slice3A_184 = vector.extract_strided_slice %add3A_35 {offsets = [552, 0], sizes = [8, 128], strides = [1, 1]} : vector<1000x128xf32> to vector<8x128xf32>
      %add3A_185 = arith.addf %add3A_183, %slice3A_184 : vector<8x128xf32>
      %slice3A_186 = vector.extract_strided_slice %add3A_35 {offsets = [560, 0], sizes = [8, 128], strides = [1, 1]} : vector<1000x128xf32> to vector<8x128xf32>
      %add3A_187 = arith.addf %add3A_185, %slice3A_186 : vector<8x128xf32>
      %slice3A_188 = vector.extract_strided_slice %add3A_35 {offsets = [568, 0], sizes = [8, 128], strides = [1, 1]} : vector<1000x128xf32> to vector<8x128xf32>
      %add3A_189 = arith.addf %add3A_187, %slice3A_188 : vector<8x128xf32>
      %slice3A_190 = vector.extract_strided_slice %add3A_35 {offsets = [576, 0], sizes = [8, 128], strides = [1, 1]} : vector<1000x128xf32> to vector<8x128xf32>
      %add3A_191 = arith.addf %add3A_189, %slice3A_190 : vector<8x128xf32>
      %slice3A_192 = vector.extract_strided_slice %add3A_35 {offsets = [584, 0], sizes = [8, 128], strides = [1, 1]} : vector<1000x128xf32> to vector<8x128xf32>
      %add3A_193 = arith.addf %add3A_191, %slice3A_192 : vector<8x128xf32>
      %slice3A_194 = vector.extract_strided_slice %add3A_35 {offsets = [592, 0], sizes = [8, 128], strides = [1, 1]} : vector<1000x128xf32> to vector<8x128xf32>
      %add3A_195 = arith.addf %add3A_193, %slice3A_194 : vector<8x128xf32>
      %slice3A_196 = vector.extract_strided_slice %add3A_35 {offsets = [600, 0], sizes = [8, 128], strides = [1, 1]} : vector<1000x128xf32> to vector<8x128xf32>
      %add3A_197 = arith.addf %add3A_195, %slice3A_196 : vector<8x128xf32>
      %slice3A_198 = vector.extract_strided_slice %add3A_35 {offsets = [608, 0], sizes = [8, 128], strides = [1, 1]} : vector<1000x128xf32> to vector<8x128xf32>
      %add3A_199 = arith.addf %add3A_197, %slice3A_198 : vector<8x128xf32>
      %slice3A_200 = vector.extract_strided_slice %add3A_35 {offsets = [616, 0], sizes = [8, 128], strides = [1, 1]} : vector<1000x128xf32> to vector<8x128xf32>
      %add3A_201 = arith.addf %add3A_199, %slice3A_200 : vector<8x128xf32>
      %slice3A_202 = vector.extract_strided_slice %add3A_35 {offsets = [624, 0], sizes = [8, 128], strides = [1, 1]} : vector<1000x128xf32> to vector<8x128xf32>
      %add3A_203 = arith.addf %add3A_201, %slice3A_202 : vector<8x128xf32>
      %slice3A_204 = vector.extract_strided_slice %add3A_35 {offsets = [632, 0], sizes = [8, 128], strides = [1, 1]} : vector<1000x128xf32> to vector<8x128xf32>
      %add3A_205 = arith.addf %add3A_203, %slice3A_204 : vector<8x128xf32>
      %slice3A_206 = vector.extract_strided_slice %add3A_35 {offsets = [640, 0], sizes = [8, 128], strides = [1, 1]} : vector<1000x128xf32> to vector<8x128xf32>
      %add3A_207 = arith.addf %add3A_205, %slice3A_206 : vector<8x128xf32>
      %slice3A_208 = vector.extract_strided_slice %add3A_35 {offsets = [648, 0], sizes = [8, 128], strides = [1, 1]} : vector<1000x128xf32> to vector<8x128xf32>
      %add3A_209 = arith.addf %add3A_207, %slice3A_208 : vector<8x128xf32>
      %slice3A_210 = vector.extract_strided_slice %add3A_35 {offsets = [656, 0], sizes = [8, 128], strides = [1, 1]} : vector<1000x128xf32> to vector<8x128xf32>
      %add3A_211 = arith.addf %add3A_209, %slice3A_210 : vector<8x128xf32>
      %slice3A_212 = vector.extract_strided_slice %add3A_35 {offsets = [664, 0], sizes = [8, 128], strides = [1, 1]} : vector<1000x128xf32> to vector<8x128xf32>
      %add3A_213 = arith.addf %add3A_211, %slice3A_212 : vector<8x128xf32>
      %slice3A_214 = vector.extract_strided_slice %add3A_35 {offsets = [672, 0], sizes = [8, 128], strides = [1, 1]} : vector<1000x128xf32> to vector<8x128xf32>
      %add3A_215 = arith.addf %add3A_213, %slice3A_214 : vector<8x128xf32>
      %slice3A_216 = vector.extract_strided_slice %add3A_35 {offsets = [680, 0], sizes = [8, 128], strides = [1, 1]} : vector<1000x128xf32> to vector<8x128xf32>
      %add3A_217 = arith.addf %add3A_215, %slice3A_216 : vector<8x128xf32>
      %slice3A_218 = vector.extract_strided_slice %add3A_35 {offsets = [688, 0], sizes = [8, 128], strides = [1, 1]} : vector<1000x128xf32> to vector<8x128xf32>
      %add3A_219 = arith.addf %add3A_217, %slice3A_218 : vector<8x128xf32>
      %slice3A_220 = vector.extract_strided_slice %add3A_35 {offsets = [696, 0], sizes = [8, 128], strides = [1, 1]} : vector<1000x128xf32> to vector<8x128xf32>
      %add3A_221 = arith.addf %add3A_219, %slice3A_220 : vector<8x128xf32>
      %slice3A_222 = vector.extract_strided_slice %add3A_35 {offsets = [704, 0], sizes = [8, 128], strides = [1, 1]} : vector<1000x128xf32> to vector<8x128xf32>
      %add3A_223 = arith.addf %add3A_221, %slice3A_222 : vector<8x128xf32>
      %slice3A_224 = vector.extract_strided_slice %add3A_35 {offsets = [712, 0], sizes = [8, 128], strides = [1, 1]} : vector<1000x128xf32> to vector<8x128xf32>
      %add3A_225 = arith.addf %add3A_223, %slice3A_224 : vector<8x128xf32>
      %slice3A_226 = vector.extract_strided_slice %add3A_35 {offsets = [720, 0], sizes = [8, 128], strides = [1, 1]} : vector<1000x128xf32> to vector<8x128xf32>
      %add3A_227 = arith.addf %add3A_225, %slice3A_226 : vector<8x128xf32>
      %slice3A_228 = vector.extract_strided_slice %add3A_35 {offsets = [728, 0], sizes = [8, 128], strides = [1, 1]} : vector<1000x128xf32> to vector<8x128xf32>
      %add3A_229 = arith.addf %add3A_227, %slice3A_228 : vector<8x128xf32>
      %slice3A_230 = vector.extract_strided_slice %add3A_35 {offsets = [736, 0], sizes = [8, 128], strides = [1, 1]} : vector<1000x128xf32> to vector<8x128xf32>
      %add3A_231 = arith.addf %add3A_229, %slice3A_230 : vector<8x128xf32>
      %slice3A_232 = vector.extract_strided_slice %add3A_35 {offsets = [744, 0], sizes = [8, 128], strides = [1, 1]} : vector<1000x128xf32> to vector<8x128xf32>
      %add3A_233 = arith.addf %add3A_231, %slice3A_232 : vector<8x128xf32>
      %slice3A_234 = vector.extract_strided_slice %add3A_35 {offsets = [752, 0], sizes = [8, 128], strides = [1, 1]} : vector<1000x128xf32> to vector<8x128xf32>
      %add3A_235 = arith.addf %add3A_233, %slice3A_234 : vector<8x128xf32>
      %slice3A_236 = vector.extract_strided_slice %add3A_35 {offsets = [760, 0], sizes = [8, 128], strides = [1, 1]} : vector<1000x128xf32> to vector<8x128xf32>
      %add3A_237 = arith.addf %add3A_235, %slice3A_236 : vector<8x128xf32>
      %slice3A_238 = vector.extract_strided_slice %add3A_35 {offsets = [768, 0], sizes = [8, 128], strides = [1, 1]} : vector<1000x128xf32> to vector<8x128xf32>
      %add3A_239 = arith.addf %add3A_237, %slice3A_238 : vector<8x128xf32>
      %slice3A_240 = vector.extract_strided_slice %add3A_35 {offsets = [776, 0], sizes = [8, 128], strides = [1, 1]} : vector<1000x128xf32> to vector<8x128xf32>
      %add3A_241 = arith.addf %add3A_239, %slice3A_240 : vector<8x128xf32>
      %slice3A_242 = vector.extract_strided_slice %add3A_35 {offsets = [784, 0], sizes = [8, 128], strides = [1, 1]} : vector<1000x128xf32> to vector<8x128xf32>
      %add3A_243 = arith.addf %add3A_241, %slice3A_242 : vector<8x128xf32>
      %slice3A_244 = vector.extract_strided_slice %add3A_35 {offsets = [792, 0], sizes = [8, 128], strides = [1, 1]} : vector<1000x128xf32> to vector<8x128xf32>
      %add3A_245 = arith.addf %add3A_243, %slice3A_244 : vector<8x128xf32>
      %slice3A_246 = vector.extract_strided_slice %add3A_35 {offsets = [800, 0], sizes = [8, 128], strides = [1, 1]} : vector<1000x128xf32> to vector<8x128xf32>
      %add3A_247 = arith.addf %add3A_245, %slice3A_246 : vector<8x128xf32>
      %slice3A_248 = vector.extract_strided_slice %add3A_35 {offsets = [808, 0], sizes = [8, 128], strides = [1, 1]} : vector<1000x128xf32> to vector<8x128xf32>
      %add3A_249 = arith.addf %add3A_247, %slice3A_248 : vector<8x128xf32>
      %slice3A_250 = vector.extract_strided_slice %add3A_35 {offsets = [816, 0], sizes = [8, 128], strides = [1, 1]} : vector<1000x128xf32> to vector<8x128xf32>
      %add3A_251 = arith.addf %add3A_249, %slice3A_250 : vector<8x128xf32>
      %slice3A_252 = vector.extract_strided_slice %add3A_35 {offsets = [824, 0], sizes = [8, 128], strides = [1, 1]} : vector<1000x128xf32> to vector<8x128xf32>
      %add3A_253 = arith.addf %add3A_251, %slice3A_252 : vector<8x128xf32>
      %slice3A_254 = vector.extract_strided_slice %add3A_35 {offsets = [832, 0], sizes = [8, 128], strides = [1, 1]} : vector<1000x128xf32> to vector<8x128xf32>
      %add3A_255 = arith.addf %add3A_253, %slice3A_254 : vector<8x128xf32>
      %slice3A_256 = vector.extract_strided_slice %add3A_35 {offsets = [840, 0], sizes = [8, 128], strides = [1, 1]} : vector<1000x128xf32> to vector<8x128xf32>
      %add3A_257 = arith.addf %add3A_255, %slice3A_256 : vector<8x128xf32>
      %slice3A_258 = vector.extract_strided_slice %add3A_35 {offsets = [848, 0], sizes = [8, 128], strides = [1, 1]} : vector<1000x128xf32> to vector<8x128xf32>
      %add3A_259 = arith.addf %add3A_257, %slice3A_258 : vector<8x128xf32>
      %slice3A_260 = vector.extract_strided_slice %add3A_35 {offsets = [856, 0], sizes = [8, 128], strides = [1, 1]} : vector<1000x128xf32> to vector<8x128xf32>
      %add3A_261 = arith.addf %add3A_259, %slice3A_260 : vector<8x128xf32>
      %slice3A_262 = vector.extract_strided_slice %add3A_35 {offsets = [864, 0], sizes = [8, 128], strides = [1, 1]} : vector<1000x128xf32> to vector<8x128xf32>
      %add3A_263 = arith.addf %add3A_261, %slice3A_262 : vector<8x128xf32>
      %slice3A_264 = vector.extract_strided_slice %add3A_35 {offsets = [872, 0], sizes = [8, 128], strides = [1, 1]} : vector<1000x128xf32> to vector<8x128xf32>
      %add3A_265 = arith.addf %add3A_263, %slice3A_264 : vector<8x128xf32>
      %slice3A_266 = vector.extract_strided_slice %add3A_35 {offsets = [880, 0], sizes = [8, 128], strides = [1, 1]} : vector<1000x128xf32> to vector<8x128xf32>
      %add3A_267 = arith.addf %add3A_265, %slice3A_266 : vector<8x128xf32>
      %slice3A_268 = vector.extract_strided_slice %add3A_35 {offsets = [888, 0], sizes = [8, 128], strides = [1, 1]} : vector<1000x128xf32> to vector<8x128xf32>
      %add3A_269 = arith.addf %add3A_267, %slice3A_268 : vector<8x128xf32>
      %slice3A_270 = vector.extract_strided_slice %add3A_35 {offsets = [896, 0], sizes = [8, 128], strides = [1, 1]} : vector<1000x128xf32> to vector<8x128xf32>
      %add3A_271 = arith.addf %add3A_269, %slice3A_270 : vector<8x128xf32>
      %slice3A_272 = vector.extract_strided_slice %add3A_35 {offsets = [904, 0], sizes = [8, 128], strides = [1, 1]} : vector<1000x128xf32> to vector<8x128xf32>
      %add3A_273 = arith.addf %add3A_271, %slice3A_272 : vector<8x128xf32>
      %slice3A_274 = vector.extract_strided_slice %add3A_35 {offsets = [912, 0], sizes = [8, 128], strides = [1, 1]} : vector<1000x128xf32> to vector<8x128xf32>
      %add3A_275 = arith.addf %add3A_273, %slice3A_274 : vector<8x128xf32>
      %slice3A_276 = vector.extract_strided_slice %add3A_35 {offsets = [920, 0], sizes = [8, 128], strides = [1, 1]} : vector<1000x128xf32> to vector<8x128xf32>
      %add3A_277 = arith.addf %add3A_275, %slice3A_276 : vector<8x128xf32>
      %slice3A_278 = vector.extract_strided_slice %add3A_35 {offsets = [928, 0], sizes = [8, 128], strides = [1, 1]} : vector<1000x128xf32> to vector<8x128xf32>
      %add3A_279 = arith.addf %add3A_277, %slice3A_278 : vector<8x128xf32>
      %slice3A_280 = vector.extract_strided_slice %add3A_35 {offsets = [936, 0], sizes = [8, 128], strides = [1, 1]} : vector<1000x128xf32> to vector<8x128xf32>
      %add3A_281 = arith.addf %add3A_279, %slice3A_280 : vector<8x128xf32>
      %slice3A_282 = vector.extract_strided_slice %add3A_35 {offsets = [944, 0], sizes = [8, 128], strides = [1, 1]} : vector<1000x128xf32> to vector<8x128xf32>
      %add3A_283 = arith.addf %add3A_281, %slice3A_282 : vector<8x128xf32>
      %slice3A_284 = vector.extract_strided_slice %add3A_35 {offsets = [952, 0], sizes = [8, 128], strides = [1, 1]} : vector<1000x128xf32> to vector<8x128xf32>
      %add3A_285 = arith.addf %add3A_283, %slice3A_284 : vector<8x128xf32>
      %slice3A_286 = vector.extract_strided_slice %add3A_35 {offsets = [960, 0], sizes = [8, 128], strides = [1, 1]} : vector<1000x128xf32> to vector<8x128xf32>
      %add3A_287 = arith.addf %add3A_285, %slice3A_286 : vector<8x128xf32>
      %slice3A_288 = vector.extract_strided_slice %add3A_35 {offsets = [968, 0], sizes = [8, 128], strides = [1, 1]} : vector<1000x128xf32> to vector<8x128xf32>
      %add3A_289 = arith.addf %add3A_287, %slice3A_288 : vector<8x128xf32>
      %slice3A_290 = vector.extract_strided_slice %add3A_35 {offsets = [976, 0], sizes = [8, 128], strides = [1, 1]} : vector<1000x128xf32> to vector<8x128xf32>
      %add3A_291 = arith.addf %add3A_289, %slice3A_290 : vector<8x128xf32>
      %slice3A_292 = vector.extract_strided_slice %add3A_35 {offsets = [984, 0], sizes = [8, 128], strides = [1, 1]} : vector<1000x128xf32> to vector<8x128xf32>
      %add3A_293 = arith.addf %add3A_291, %slice3A_292 : vector<8x128xf32>
      %slice3A_294 = vector.extract_strided_slice %add3A_35 {offsets = [992, 0], sizes = [8, 128], strides = [1, 1]} : vector<1000x128xf32> to vector<8x128xf32>
      %add3A_295 = arith.addf %add3A_293, %slice3A_294 : vector<8x128xf32>
      %swap3A_296 = arith.constant 0 : index
      %swap3A_297 = arith.constant 0 : index
      %swap3A_298 = vector.load %arg11[%swap3A_296, %swap3A_297] : memref<24x128xf32, #tpu.memory_space<vmem>>, vector<8x128xf32>
      tpu.vector_store %arg11[%swap3A_296, %swap3A_297], %add3A_295 {strides = array<i32>} : memref<24x128xf32, #tpu.memory_space<vmem>>, vector<8x128xf32>,
    } else {
    }
    %eq3A_2 = arith.constant 1 : i32
    %eq3A_3 = arith.cmpi eq, %arg0, %eq3A_2 : i32
    %convert_element_type3A_4 = arith.extui %eq3A_3 : i1 to i32
    %cond3A_5 = arith.constant 9.99999974E-5 : f32
    %cond3A_6 = arith.constant 0 : i32
    %cond3A_7 = arith.cmpi ne, %convert_element_type3A_4, %cond3A_6 : i32
    scf.if %cond3A_7 {
      %eq3A_14 = arith.constant 5 : i32
      %eq3A_15 = arith.cmpi eq, %arg1, %eq3A_14 : i32
      %convert_element_type3A_16 = arith.extui %eq3A_15 : i1 to i32
      %cond3A_17 = arith.constant 0 : i32
      %cond3A_18 = arith.cmpi ne, %convert_element_type3A_16, %cond3A_17 : i32
      scf.if %cond3A_18 {
        %broadcast_in_dim3A = arith.constant 0.000000e+00 : f32
        %broadcast_in_dim3A_301 = vector.broadcast %broadcast_in_dim3A : f32 to vector<8x128xf32>
        %swap3A_302 = arith.constant 8 : index
        %swap3A_303 = arith.constant 0 : index
        %swap3A_304 = vector.load %arg11[%swap3A_302, %swap3A_303] : memref<24x128xf32, #tpu.memory_space<vmem>>, vector<8x128xf32>
        tpu.vector_store %arg11[%swap3A_302, %swap3A_303], %broadcast_in_dim3A_301 {strides = array<i32>} : memref<24x128xf32, #tpu.memory_space<vmem>>, vector<8x128xf32>,
      } else {
      }
      %get3A = arith.constant 0 : index
      %get3A_19 = arith.constant 0 : index
      %get3A_20 = vector.load %arg11[%get3A, %get3A_19] : memref<24x128xf32, #tpu.memory_space<vmem>>, vector<8x128xf32>
      %slice3A = vector.extract_strided_slice %get3A_20 {offsets = [0, 0], sizes = [4, 128], strides = [1, 1]} : vector<8x128xf32> to vector<4x128xf32>
      %slice3A_21 = vector.extract_strided_slice %get3A_20 {offsets = [4, 0], sizes = [4, 128], strides = [1, 1]} : vector<8x128xf32> to vector<4x128xf32>
      %add3A = arith.addf %slice3A, %slice3A_21 : vector<4x128xf32>
      %slice3A_22 = vector.extract_strided_slice %add3A {offsets = [0, 0], sizes = [2, 128], strides = [1, 1]} : vector<4x128xf32> to vector<2x128xf32>
      %slice3A_23 = vector.extract_strided_slice %add3A {offsets = [2, 0], sizes = [2, 128], strides = [1, 1]} : vector<4x128xf32> to vector<2x128xf32>
      %add3A_24 = arith.addf %slice3A_22, %slice3A_23 : vector<2x128xf32>
      %slice3A_25 = vector.extract_strided_slice %add3A_24 {offsets = [0, 0], sizes = [1, 128], strides = [1, 1]} : vector<2x128xf32> to vector<1x128xf32>
      %slice3A_26 = vector.extract_strided_slice %add3A_24 {offsets = [1, 0], sizes = [1, 128], strides = [1, 1]} : vector<2x128xf32> to vector<1x128xf32>
      %add3A_27 = arith.addf %slice3A_25, %slice3A_26 : vector<1x128xf32>
      %mul3A = vector.broadcast %cond3A_5 : f32 to vector<1x128xf32>
      %mul3A_28 = arith.mulf %add3A_27, %mul3A : vector<1x128xf32>
      %mul3A_29 = arith.constant 1000 : i32
      %mul3A_30 = arith.muli %arg1, %mul3A_29 : i32
      %get3A_31 = arith.index_cast %mul3A_30 : i32 to index
      %get3A_32 = arith.constant 0 : index
      %get3A_33 = vector.load %arg10[%get3A_31, %get3A_32] : memref<10000x128xf32, #tpu.memory_space<vmem>>, vector<1000x128xf32>
      %sub3A = vector.broadcast %mul3A_28 : vector<1x128xf32> to vector<1000x128xf32>
      %sub3A_34 = arith.subf %get3A_33, %sub3A : vector<1000x128xf32>
      %mul3A_35 = arith.mulf %sub3A_34, %sub3A_34 : vector<1000x128xf32>
      %get3A_36 = arith.constant 8 : index
      %get3A_37 = arith.constant 0 : index
      %get3A_38 = vector.load %arg11[%get3A_36, %get3A_37] : memref<24x128xf32, #tpu.memory_space<vmem>>, vector<8x128xf32>
      %slice3A_39 = vector.extract_strided_slice %mul3A_35 {offsets = [0, 0], sizes = [8, 128], strides = [1, 1]} : vector<1000x128xf32> to vector<8x128xf32>
      %add3A_40 = arith.addf %get3A_38, %slice3A_39 : vector<8x128xf32>
      %slice3A_41 = vector.extract_strided_slice %mul3A_35 {offsets = [8, 0], sizes = [8, 128], strides = [1, 1]} : vector<1000x128xf32> to vector<8x128xf32>
      %add3A_42 = arith.addf %add3A_40, %slice3A_41 : vector<8x128xf32>
      %slice3A_43 = vector.extract_strided_slice %mul3A_35 {offsets = [16, 0], sizes = [8, 128], strides = [1, 1]} : vector<1000x128xf32> to vector<8x128xf32>
      %add3A_44 = arith.addf %add3A_42, %slice3A_43 : vector<8x128xf32>
      %slice3A_45 = vector.extract_strided_slice %mul3A_35 {offsets = [24, 0], sizes = [8, 128], strides = [1, 1]} : vector<1000x128xf32> to vector<8x128xf32>
      %add3A_46 = arith.addf %add3A_44, %slice3A_45 : vector<8x128xf32>
      %slice3A_47 = vector.extract_strided_slice %mul3A_35 {offsets = [32, 0], sizes = [8, 128], strides = [1, 1]} : vector<1000x128xf32> to vector<8x128xf32>
      %add3A_48 = arith.addf %add3A_46, %slice3A_47 : vector<8x128xf32>
      %slice3A_49 = vector.extract_strided_slice %mul3A_35 {offsets = [40, 0], sizes = [8, 128], strides = [1, 1]} : vector<1000x128xf32> to vector<8x128xf32>
      %add3A_50 = arith.addf %add3A_48, %slice3A_49 : vector<8x128xf32>
      %slice3A_51 = vector.extract_strided_slice %mul3A_35 {offsets = [48, 0], sizes = [8, 128], strides = [1, 1]} : vector<1000x128xf32> to vector<8x128xf32>
      %add3A_52 = arith.addf %add3A_50, %slice3A_51 : vector<8x128xf32>
      %slice3A_53 = vector.extract_strided_slice %mul3A_35 {offsets = [56, 0], sizes = [8, 128], strides = [1, 1]} : vector<1000x128xf32> to vector<8x128xf32>
      %add3A_54 = arith.addf %add3A_52, %slice3A_53 : vector<8x128xf32>
      %slice3A_55 = vector.extract_strided_slice %mul3A_35 {offsets = [64, 0], sizes = [8, 128], strides = [1, 1]} : vector<1000x128xf32> to vector<8x128xf32>
      %add3A_56 = arith.addf %add3A_54, %slice3A_55 : vector<8x128xf32>
      %slice3A_57 = vector.extract_strided_slice %mul3A_35 {offsets = [72, 0], sizes = [8, 128], strides = [1, 1]} : vector<1000x128xf32> to vector<8x128xf32>
      %add3A_58 = arith.addf %add3A_56, %slice3A_57 : vector<8x128xf32>
      %slice3A_59 = vector.extract_strided_slice %mul3A_35 {offsets = [80, 0], sizes = [8, 128], strides = [1, 1]} : vector<1000x128xf32> to vector<8x128xf32>
      %add3A_60 = arith.addf %add3A_58, %slice3A_59 : vector<8x128xf32>
      %slice3A_61 = vector.extract_strided_slice %mul3A_35 {offsets = [88, 0], sizes = [8, 128], strides = [1, 1]} : vector<1000x128xf32> to vector<8x128xf32>
      %add3A_62 = arith.addf %add3A_60, %slice3A_61 : vector<8x128xf32>
      %slice3A_63 = vector.extract_strided_slice %mul3A_35 {offsets = [96, 0], sizes = [8, 128], strides = [1, 1]} : vector<1000x128xf32> to vector<8x128xf32>
      %add3A_64 = arith.addf %add3A_62, %slice3A_63 : vector<8x128xf32>
      %slice3A_65 = vector.extract_strided_slice %mul3A_35 {offsets = [104, 0], sizes = [8, 128], strides = [1, 1]} : vector<1000x128xf32> to vector<8x128xf32>
      %add3A_66 = arith.addf %add3A_64, %slice3A_65 : vector<8x128xf32>
      %slice3A_67 = vector.extract_strided_slice %mul3A_35 {offsets = [112, 0], sizes = [8, 128], strides = [1, 1]} : vector<1000x128xf32> to vector<8x128xf32>
      %add3A_68 = arith.addf %add3A_66, %slice3A_67 : vector<8x128xf32>
      %slice3A_69 = vector.extract_strided_slice %mul3A_35 {offsets = [120, 0], sizes = [8, 128], strides = [1, 1]} : vector<1000x128xf32> to vector<8x128xf32>
      %add3A_70 = arith.addf %add3A_68, %slice3A_69 : vector<8x128xf32>
      %slice3A_71 = vector.extract_strided_slice %mul3A_35 {offsets = [128, 0], sizes = [8, 128], strides = [1, 1]} : vector<1000x128xf32> to vector<8x128xf32>
      %add3A_72 = arith.addf %add3A_70, %slice3A_71 : vector<8x128xf32>
      %slice3A_73 = vector.extract_strided_slice %mul3A_35 {offsets = [136, 0], sizes = [8, 128], strides = [1, 1]} : vector<1000x128xf32> to vector<8x128xf32>
      %add3A_74 = arith.addf %add3A_72, %slice3A_73 : vector<8x128xf32>
      %slice3A_75 = vector.extract_strided_slice %mul3A_35 {offsets = [144, 0], sizes = [8, 128], strides = [1, 1]} : vector<1000x128xf32> to vector<8x128xf32>
      %add3A_76 = arith.addf %add3A_74, %slice3A_75 : vector<8x128xf32>
      %slice3A_77 = vector.extract_strided_slice %mul3A_35 {offsets = [152, 0], sizes = [8, 128], strides = [1, 1]} : vector<1000x128xf32> to vector<8x128xf32>
      %add3A_78 = arith.addf %add3A_76, %slice3A_77 : vector<8x128xf32>
      %slice3A_79 = vector.extract_strided_slice %mul3A_35 {offsets = [160, 0], sizes = [8, 128], strides = [1, 1]} : vector<1000x128xf32> to vector<8x128xf32>
      %add3A_80 = arith.addf %add3A_78, %slice3A_79 : vector<8x128xf32>
      %slice3A_81 = vector.extract_strided_slice %mul3A_35 {offsets = [168, 0], sizes = [8, 128], strides = [1, 1]} : vector<1000x128xf32> to vector<8x128xf32>
      %add3A_82 = arith.addf %add3A_80, %slice3A_81 : vector<8x128xf32>
      %slice3A_83 = vector.extract_strided_slice %mul3A_35 {offsets = [176, 0], sizes = [8, 128], strides = [1, 1]} : vector<1000x128xf32> to vector<8x128xf32>
      %add3A_84 = arith.addf %add3A_82, %slice3A_83 : vector<8x128xf32>
      %slice3A_85 = vector.extract_strided_slice %mul3A_35 {offsets = [184, 0], sizes = [8, 128], strides = [1, 1]} : vector<1000x128xf32> to vector<8x128xf32>
      %add3A_86 = arith.addf %add3A_84, %slice3A_85 : vector<8x128xf32>
      %slice3A_87 = vector.extract_strided_slice %mul3A_35 {offsets = [192, 0], sizes = [8, 128], strides = [1, 1]} : vector<1000x128xf32> to vector<8x128xf32>
      %add3A_88 = arith.addf %add3A_86, %slice3A_87 : vector<8x128xf32>
      %slice3A_89 = vector.extract_strided_slice %mul3A_35 {offsets = [200, 0], sizes = [8, 128], strides = [1, 1]} : vector<1000x128xf32> to vector<8x128xf32>
      %add3A_90 = arith.addf %add3A_88, %slice3A_89 : vector<8x128xf32>
      %slice3A_91 = vector.extract_strided_slice %mul3A_35 {offsets = [208, 0], sizes = [8, 128], strides = [1, 1]} : vector<1000x128xf32> to vector<8x128xf32>
      %add3A_92 = arith.addf %add3A_90, %slice3A_91 : vector<8x128xf32>
      %slice3A_93 = vector.extract_strided_slice %mul3A_35 {offsets = [216, 0], sizes = [8, 128], strides = [1, 1]} : vector<1000x128xf32> to vector<8x128xf32>
      %add3A_94 = arith.addf %add3A_92, %slice3A_93 : vector<8x128xf32>
      %slice3A_95 = vector.extract_strided_slice %mul3A_35 {offsets = [224, 0], sizes = [8, 128], strides = [1, 1]} : vector<1000x128xf32> to vector<8x128xf32>
      %add3A_96 = arith.addf %add3A_94, %slice3A_95 : vector<8x128xf32>
      %slice3A_97 = vector.extract_strided_slice %mul3A_35 {offsets = [232, 0], sizes = [8, 128], strides = [1, 1]} : vector<1000x128xf32> to vector<8x128xf32>
      %add3A_98 = arith.addf %add3A_96, %slice3A_97 : vector<8x128xf32>
      %slice3A_99 = vector.extract_strided_slice %mul3A_35 {offsets = [240, 0], sizes = [8, 128], strides = [1, 1]} : vector<1000x128xf32> to vector<8x128xf32>
      %add3A_100 = arith.addf %add3A_98, %slice3A_99 : vector<8x128xf32>
      %slice3A_101 = vector.extract_strided_slice %mul3A_35 {offsets = [248, 0], sizes = [8, 128], strides = [1, 1]} : vector<1000x128xf32> to vector<8x128xf32>
      %add3A_102 = arith.addf %add3A_100, %slice3A_101 : vector<8x128xf32>
      %slice3A_103 = vector.extract_strided_slice %mul3A_35 {offsets = [256, 0], sizes = [8, 128], strides = [1, 1]} : vector<1000x128xf32> to vector<8x128xf32>
      %add3A_104 = arith.addf %add3A_102, %slice3A_103 : vector<8x128xf32>
      %slice3A_105 = vector.extract_strided_slice %mul3A_35 {offsets = [264, 0], sizes = [8, 128], strides = [1, 1]} : vector<1000x128xf32> to vector<8x128xf32>
      %add3A_106 = arith.addf %add3A_104, %slice3A_105 : vector<8x128xf32>
      %slice3A_107 = vector.extract_strided_slice %mul3A_35 {offsets = [272, 0], sizes = [8, 128], strides = [1, 1]} : vector<1000x128xf32> to vector<8x128xf32>
      %add3A_108 = arith.addf %add3A_106, %slice3A_107 : vector<8x128xf32>
      %slice3A_109 = vector.extract_strided_slice %mul3A_35 {offsets = [280, 0], sizes = [8, 128], strides = [1, 1]} : vector<1000x128xf32> to vector<8x128xf32>
      %add3A_110 = arith.addf %add3A_108, %slice3A_109 : vector<8x128xf32>
      %slice3A_111 = vector.extract_strided_slice %mul3A_35 {offsets = [288, 0], sizes = [8, 128], strides = [1, 1]} : vector<1000x128xf32> to vector<8x128xf32>
      %add3A_112 = arith.addf %add3A_110, %slice3A_111 : vector<8x128xf32>
      %slice3A_113 = vector.extract_strided_slice %mul3A_35 {offsets = [296, 0], sizes = [8, 128], strides = [1, 1]} : vector<1000x128xf32> to vector<8x128xf32>
      %add3A_114 = arith.addf %add3A_112, %slice3A_113 : vector<8x128xf32>
      %slice3A_115 = vector.extract_strided_slice %mul3A_35 {offsets = [304, 0], sizes = [8, 128], strides = [1, 1]} : vector<1000x128xf32> to vector<8x128xf32>
      %add3A_116 = arith.addf %add3A_114, %slice3A_115 : vector<8x128xf32>
      %slice3A_117 = vector.extract_strided_slice %mul3A_35 {offsets = [312, 0], sizes = [8, 128], strides = [1, 1]} : vector<1000x128xf32> to vector<8x128xf32>
      %add3A_118 = arith.addf %add3A_116, %slice3A_117 : vector<8x128xf32>
      %slice3A_119 = vector.extract_strided_slice %mul3A_35 {offsets = [320, 0], sizes = [8, 128], strides = [1, 1]} : vector<1000x128xf32> to vector<8x128xf32>
      %add3A_120 = arith.addf %add3A_118, %slice3A_119 : vector<8x128xf32>
      %slice3A_121 = vector.extract_strided_slice %mul3A_35 {offsets = [328, 0], sizes = [8, 128], strides = [1, 1]} : vector<1000x128xf32> to vector<8x128xf32>
      %add3A_122 = arith.addf %add3A_120, %slice3A_121 : vector<8x128xf32>
      %slice3A_123 = vector.extract_strided_slice %mul3A_35 {offsets = [336, 0], sizes = [8, 128], strides = [1, 1]} : vector<1000x128xf32> to vector<8x128xf32>
      %add3A_124 = arith.addf %add3A_122, %slice3A_123 : vector<8x128xf32>
      %slice3A_125 = vector.extract_strided_slice %mul3A_35 {offsets = [344, 0], sizes = [8, 128], strides = [1, 1]} : vector<1000x128xf32> to vector<8x128xf32>
      %add3A_126 = arith.addf %add3A_124, %slice3A_125 : vector<8x128xf32>
      %slice3A_127 = vector.extract_strided_slice %mul3A_35 {offsets = [352, 0], sizes = [8, 128], strides = [1, 1]} : vector<1000x128xf32> to vector<8x128xf32>
      %add3A_128 = arith.addf %add3A_126, %slice3A_127 : vector<8x128xf32>
      %slice3A_129 = vector.extract_strided_slice %mul3A_35 {offsets = [360, 0], sizes = [8, 128], strides = [1, 1]} : vector<1000x128xf32> to vector<8x128xf32>
      %add3A_130 = arith.addf %add3A_128, %slice3A_129 : vector<8x128xf32>
      %slice3A_131 = vector.extract_strided_slice %mul3A_35 {offsets = [368, 0], sizes = [8, 128], strides = [1, 1]} : vector<1000x128xf32> to vector<8x128xf32>
      %add3A_132 = arith.addf %add3A_130, %slice3A_131 : vector<8x128xf32>
      %slice3A_133 = vector.extract_strided_slice %mul3A_35 {offsets = [376, 0], sizes = [8, 128], strides = [1, 1]} : vector<1000x128xf32> to vector<8x128xf32>
      %add3A_134 = arith.addf %add3A_132, %slice3A_133 : vector<8x128xf32>
      %slice3A_135 = vector.extract_strided_slice %mul3A_35 {offsets = [384, 0], sizes = [8, 128], strides = [1, 1]} : vector<1000x128xf32> to vector<8x128xf32>
      %add3A_136 = arith.addf %add3A_134, %slice3A_135 : vector<8x128xf32>
      %slice3A_137 = vector.extract_strided_slice %mul3A_35 {offsets = [392, 0], sizes = [8, 128], strides = [1, 1]} : vector<1000x128xf32> to vector<8x128xf32>
      %add3A_138 = arith.addf %add3A_136, %slice3A_137 : vector<8x128xf32>
      %slice3A_139 = vector.extract_strided_slice %mul3A_35 {offsets = [400, 0], sizes = [8, 128], strides = [1, 1]} : vector<1000x128xf32> to vector<8x128xf32>
      %add3A_140 = arith.addf %add3A_138, %slice3A_139 : vector<8x128xf32>
      %slice3A_141 = vector.extract_strided_slice %mul3A_35 {offsets = [408, 0], sizes = [8, 128], strides = [1, 1]} : vector<1000x128xf32> to vector<8x128xf32>
      %add3A_142 = arith.addf %add3A_140, %slice3A_141 : vector<8x128xf32>
      %slice3A_143 = vector.extract_strided_slice %mul3A_35 {offsets = [416, 0], sizes = [8, 128], strides = [1, 1]} : vector<1000x128xf32> to vector<8x128xf32>
      %add3A_144 = arith.addf %add3A_142, %slice3A_143 : vector<8x128xf32>
      %slice3A_145 = vector.extract_strided_slice %mul3A_35 {offsets = [424, 0], sizes = [8, 128], strides = [1, 1]} : vector<1000x128xf32> to vector<8x128xf32>
      %add3A_146 = arith.addf %add3A_144, %slice3A_145 : vector<8x128xf32>
      %slice3A_147 = vector.extract_strided_slice %mul3A_35 {offsets = [432, 0], sizes = [8, 128], strides = [1, 1]} : vector<1000x128xf32> to vector<8x128xf32>
      %add3A_148 = arith.addf %add3A_146, %slice3A_147 : vector<8x128xf32>
      %slice3A_149 = vector.extract_strided_slice %mul3A_35 {offsets = [440, 0], sizes = [8, 128], strides = [1, 1]} : vector<1000x128xf32> to vector<8x128xf32>
      %add3A_150 = arith.addf %add3A_148, %slice3A_149 : vector<8x128xf32>
      %slice3A_151 = vector.extract_strided_slice %mul3A_35 {offsets = [448, 0], sizes = [8, 128], strides = [1, 1]} : vector<1000x128xf32> to vector<8x128xf32>
      %add3A_152 = arith.addf %add3A_150, %slice3A_151 : vector<8x128xf32>
      %slice3A_153 = vector.extract_strided_slice %mul3A_35 {offsets = [456, 0], sizes = [8, 128], strides = [1, 1]} : vector<1000x128xf32> to vector<8x128xf32>
      %add3A_154 = arith.addf %add3A_152, %slice3A_153 : vector<8x128xf32>
      %slice3A_155 = vector.extract_strided_slice %mul3A_35 {offsets = [464, 0], sizes = [8, 128], strides = [1, 1]} : vector<1000x128xf32> to vector<8x128xf32>
      %add3A_156 = arith.addf %add3A_154, %slice3A_155 : vector<8x128xf32>
      %slice3A_157 = vector.extract_strided_slice %mul3A_35 {offsets = [472, 0], sizes = [8, 128], strides = [1, 1]} : vector<1000x128xf32> to vector<8x128xf32>
      %add3A_158 = arith.addf %add3A_156, %slice3A_157 : vector<8x128xf32>
      %slice3A_159 = vector.extract_strided_slice %mul3A_35 {offsets = [480, 0], sizes = [8, 128], strides = [1, 1]} : vector<1000x128xf32> to vector<8x128xf32>
      %add3A_160 = arith.addf %add3A_158, %slice3A_159 : vector<8x128xf32>
      %slice3A_161 = vector.extract_strided_slice %mul3A_35 {offsets = [488, 0], sizes = [8, 128], strides = [1, 1]} : vector<1000x128xf32> to vector<8x128xf32>
      %add3A_162 = arith.addf %add3A_160, %slice3A_161 : vector<8x128xf32>
      %slice3A_163 = vector.extract_strided_slice %mul3A_35 {offsets = [496, 0], sizes = [8, 128], strides = [1, 1]} : vector<1000x128xf32> to vector<8x128xf32>
      %add3A_164 = arith.addf %add3A_162, %slice3A_163 : vector<8x128xf32>
      %slice3A_165 = vector.extract_strided_slice %mul3A_35 {offsets = [504, 0], sizes = [8, 128], strides = [1, 1]} : vector<1000x128xf32> to vector<8x128xf32>
      %add3A_166 = arith.addf %add3A_164, %slice3A_165 : vector<8x128xf32>
      %slice3A_167 = vector.extract_strided_slice %mul3A_35 {offsets = [512, 0], sizes = [8, 128], strides = [1, 1]} : vector<1000x128xf32> to vector<8x128xf32>
      %add3A_168 = arith.addf %add3A_166, %slice3A_167 : vector<8x128xf32>
      %slice3A_169 = vector.extract_strided_slice %mul3A_35 {offsets = [520, 0], sizes = [8, 128], strides = [1, 1]} : vector<1000x128xf32> to vector<8x128xf32>
      %add3A_170 = arith.addf %add3A_168, %slice3A_169 : vector<8x128xf32>
      %slice3A_171 = vector.extract_strided_slice %mul3A_35 {offsets = [528, 0], sizes = [8, 128], strides = [1, 1]} : vector<1000x128xf32> to vector<8x128xf32>
      %add3A_172 = arith.addf %add3A_170, %slice3A_171 : vector<8x128xf32>
      %slice3A_173 = vector.extract_strided_slice %mul3A_35 {offsets = [536, 0], sizes = [8, 128], strides = [1, 1]} : vector<1000x128xf32> to vector<8x128xf32>
      %add3A_174 = arith.addf %add3A_172, %slice3A_173 : vector<8x128xf32>
      %slice3A_175 = vector.extract_strided_slice %mul3A_35 {offsets = [544, 0], sizes = [8, 128], strides = [1, 1]} : vector<1000x128xf32> to vector<8x128xf32>
      %add3A_176 = arith.addf %add3A_174, %slice3A_175 : vector<8x128xf32>
      %slice3A_177 = vector.extract_strided_slice %mul3A_35 {offsets = [552, 0], sizes = [8, 128], strides = [1, 1]} : vector<1000x128xf32> to vector<8x128xf32>
      %add3A_178 = arith.addf %add3A_176, %slice3A_177 : vector<8x128xf32>
      %slice3A_179 = vector.extract_strided_slice %mul3A_35 {offsets = [560, 0], sizes = [8, 128], strides = [1, 1]} : vector<1000x128xf32> to vector<8x128xf32>
      %add3A_180 = arith.addf %add3A_178, %slice3A_179 : vector<8x128xf32>
      %slice3A_181 = vector.extract_strided_slice %mul3A_35 {offsets = [568, 0], sizes = [8, 128], strides = [1, 1]} : vector<1000x128xf32> to vector<8x128xf32>
      %add3A_182 = arith.addf %add3A_180, %slice3A_181 : vector<8x128xf32>
      %slice3A_183 = vector.extract_strided_slice %mul3A_35 {offsets = [576, 0], sizes = [8, 128], strides = [1, 1]} : vector<1000x128xf32> to vector<8x128xf32>
      %add3A_184 = arith.addf %add3A_182, %slice3A_183 : vector<8x128xf32>
      %slice3A_185 = vector.extract_strided_slice %mul3A_35 {offsets = [584, 0], sizes = [8, 128], strides = [1, 1]} : vector<1000x128xf32> to vector<8x128xf32>
      %add3A_186 = arith.addf %add3A_184, %slice3A_185 : vector<8x128xf32>
      %slice3A_187 = vector.extract_strided_slice %mul3A_35 {offsets = [592, 0], sizes = [8, 128], strides = [1, 1]} : vector<1000x128xf32> to vector<8x128xf32>
      %add3A_188 = arith.addf %add3A_186, %slice3A_187 : vector<8x128xf32>
      %slice3A_189 = vector.extract_strided_slice %mul3A_35 {offsets = [600, 0], sizes = [8, 128], strides = [1, 1]} : vector<1000x128xf32> to vector<8x128xf32>
      %add3A_190 = arith.addf %add3A_188, %slice3A_189 : vector<8x128xf32>
      %slice3A_191 = vector.extract_strided_slice %mul3A_35 {offsets = [608, 0], sizes = [8, 128], strides = [1, 1]} : vector<1000x128xf32> to vector<8x128xf32>
      %add3A_192 = arith.addf %add3A_190, %slice3A_191 : vector<8x128xf32>
      %slice3A_193 = vector.extract_strided_slice %mul3A_35 {offsets = [616, 0], sizes = [8, 128], strides = [1, 1]} : vector<1000x128xf32> to vector<8x128xf32>
      %add3A_194 = arith.addf %add3A_192, %slice3A_193 : vector<8x128xf32>
      %slice3A_195 = vector.extract_strided_slice %mul3A_35 {offsets = [624, 0], sizes = [8, 128], strides = [1, 1]} : vector<1000x128xf32> to vector<8x128xf32>
      %add3A_196 = arith.addf %add3A_194, %slice3A_195 : vector<8x128xf32>
      %slice3A_197 = vector.extract_strided_slice %mul3A_35 {offsets = [632, 0], sizes = [8, 128], strides = [1, 1]} : vector<1000x128xf32> to vector<8x128xf32>
      %add3A_198 = arith.addf %add3A_196, %slice3A_197 : vector<8x128xf32>
      %slice3A_199 = vector.extract_strided_slice %mul3A_35 {offsets = [640, 0], sizes = [8, 128], strides = [1, 1]} : vector<1000x128xf32> to vector<8x128xf32>
      %add3A_200 = arith.addf %add3A_198, %slice3A_199 : vector<8x128xf32>
      %slice3A_201 = vector.extract_strided_slice %mul3A_35 {offsets = [648, 0], sizes = [8, 128], strides = [1, 1]} : vector<1000x128xf32> to vector<8x128xf32>
      %add3A_202 = arith.addf %add3A_200, %slice3A_201 : vector<8x128xf32>
      %slice3A_203 = vector.extract_strided_slice %mul3A_35 {offsets = [656, 0], sizes = [8, 128], strides = [1, 1]} : vector<1000x128xf32> to vector<8x128xf32>
      %add3A_204 = arith.addf %add3A_202, %slice3A_203 : vector<8x128xf32>
      %slice3A_205 = vector.extract_strided_slice %mul3A_35 {offsets = [664, 0], sizes = [8, 128], strides = [1, 1]} : vector<1000x128xf32> to vector<8x128xf32>
      %add3A_206 = arith.addf %add3A_204, %slice3A_205 : vector<8x128xf32>
      %slice3A_207 = vector.extract_strided_slice %mul3A_35 {offsets = [672, 0], sizes = [8, 128], strides = [1, 1]} : vector<1000x128xf32> to vector<8x128xf32>
      %add3A_208 = arith.addf %add3A_206, %slice3A_207 : vector<8x128xf32>
      %slice3A_209 = vector.extract_strided_slice %mul3A_35 {offsets = [680, 0], sizes = [8, 128], strides = [1, 1]} : vector<1000x128xf32> to vector<8x128xf32>
      %add3A_210 = arith.addf %add3A_208, %slice3A_209 : vector<8x128xf32>
      %slice3A_211 = vector.extract_strided_slice %mul3A_35 {offsets = [688, 0], sizes = [8, 128], strides = [1, 1]} : vector<1000x128xf32> to vector<8x128xf32>
      %add3A_212 = arith.addf %add3A_210, %slice3A_211 : vector<8x128xf32>
      %slice3A_213 = vector.extract_strided_slice %mul3A_35 {offsets = [696, 0], sizes = [8, 128], strides = [1, 1]} : vector<1000x128xf32> to vector<8x128xf32>
      %add3A_214 = arith.addf %add3A_212, %slice3A_213 : vector<8x128xf32>
      %slice3A_215 = vector.extract_strided_slice %mul3A_35 {offsets = [704, 0], sizes = [8, 128], strides = [1, 1]} : vector<1000x128xf32> to vector<8x128xf32>
      %add3A_216 = arith.addf %add3A_214, %slice3A_215 : vector<8x128xf32>
      %slice3A_217 = vector.extract_strided_slice %mul3A_35 {offsets = [712, 0], sizes = [8, 128], strides = [1, 1]} : vector<1000x128xf32> to vector<8x128xf32>
      %add3A_218 = arith.addf %add3A_216, %slice3A_217 : vector<8x128xf32>
      %slice3A_219 = vector.extract_strided_slice %mul3A_35 {offsets = [720, 0], sizes = [8, 128], strides = [1, 1]} : vector<1000x128xf32> to vector<8x128xf32>
      %add3A_220 = arith.addf %add3A_218, %slice3A_219 : vector<8x128xf32>
      %slice3A_221 = vector.extract_strided_slice %mul3A_35 {offsets = [728, 0], sizes = [8, 128], strides = [1, 1]} : vector<1000x128xf32> to vector<8x128xf32>
      %add3A_222 = arith.addf %add3A_220, %slice3A_221 : vector<8x128xf32>
      %slice3A_223 = vector.extract_strided_slice %mul3A_35 {offsets = [736, 0], sizes = [8, 128], strides = [1, 1]} : vector<1000x128xf32> to vector<8x128xf32>
      %add3A_224 = arith.addf %add3A_222, %slice3A_223 : vector<8x128xf32>
      %slice3A_225 = vector.extract_strided_slice %mul3A_35 {offsets = [744, 0], sizes = [8, 128], strides = [1, 1]} : vector<1000x128xf32> to vector<8x128xf32>
      %add3A_226 = arith.addf %add3A_224, %slice3A_225 : vector<8x128xf32>
      %slice3A_227 = vector.extract_strided_slice %mul3A_35 {offsets = [752, 0], sizes = [8, 128], strides = [1, 1]} : vector<1000x128xf32> to vector<8x128xf32>
      %add3A_228 = arith.addf %add3A_226, %slice3A_227 : vector<8x128xf32>
      %slice3A_229 = vector.extract_strided_slice %mul3A_35 {offsets = [760, 0], sizes = [8, 128], strides = [1, 1]} : vector<1000x128xf32> to vector<8x128xf32>
      %add3A_230 = arith.addf %add3A_228, %slice3A_229 : vector<8x128xf32>
      %slice3A_231 = vector.extract_strided_slice %mul3A_35 {offsets = [768, 0], sizes = [8, 128], strides = [1, 1]} : vector<1000x128xf32> to vector<8x128xf32>
      %add3A_232 = arith.addf %add3A_230, %slice3A_231 : vector<8x128xf32>
      %slice3A_233 = vector.extract_strided_slice %mul3A_35 {offsets = [776, 0], sizes = [8, 128], strides = [1, 1]} : vector<1000x128xf32> to vector<8x128xf32>
      %add3A_234 = arith.addf %add3A_232, %slice3A_233 : vector<8x128xf32>
      %slice3A_235 = vector.extract_strided_slice %mul3A_35 {offsets = [784, 0], sizes = [8, 128], strides = [1, 1]} : vector<1000x128xf32> to vector<8x128xf32>
      %add3A_236 = arith.addf %add3A_234, %slice3A_235 : vector<8x128xf32>
      %slice3A_237 = vector.extract_strided_slice %mul3A_35 {offsets = [792, 0], sizes = [8, 128], strides = [1, 1]} : vector<1000x128xf32> to vector<8x128xf32>
      %add3A_238 = arith.addf %add3A_236, %slice3A_237 : vector<8x128xf32>
      %slice3A_239 = vector.extract_strided_slice %mul3A_35 {offsets = [800, 0], sizes = [8, 128], strides = [1, 1]} : vector<1000x128xf32> to vector<8x128xf32>
      %add3A_240 = arith.addf %add3A_238, %slice3A_239 : vector<8x128xf32>
      %slice3A_241 = vector.extract_strided_slice %mul3A_35 {offsets = [808, 0], sizes = [8, 128], strides = [1, 1]} : vector<1000x128xf32> to vector<8x128xf32>
      %add3A_242 = arith.addf %add3A_240, %slice3A_241 : vector<8x128xf32>
      %slice3A_243 = vector.extract_strided_slice %mul3A_35 {offsets = [816, 0], sizes = [8, 128], strides = [1, 1]} : vector<1000x128xf32> to vector<8x128xf32>
      %add3A_244 = arith.addf %add3A_242, %slice3A_243 : vector<8x128xf32>
      %slice3A_245 = vector.extract_strided_slice %mul3A_35 {offsets = [824, 0], sizes = [8, 128], strides = [1, 1]} : vector<1000x128xf32> to vector<8x128xf32>
      %add3A_246 = arith.addf %add3A_244, %slice3A_245 : vector<8x128xf32>
      %slice3A_247 = vector.extract_strided_slice %mul3A_35 {offsets = [832, 0], sizes = [8, 128], strides = [1, 1]} : vector<1000x128xf32> to vector<8x128xf32>
      %add3A_248 = arith.addf %add3A_246, %slice3A_247 : vector<8x128xf32>
      %slice3A_249 = vector.extract_strided_slice %mul3A_35 {offsets = [840, 0], sizes = [8, 128], strides = [1, 1]} : vector<1000x128xf32> to vector<8x128xf32>
      %add3A_250 = arith.addf %add3A_248, %slice3A_249 : vector<8x128xf32>
      %slice3A_251 = vector.extract_strided_slice %mul3A_35 {offsets = [848, 0], sizes = [8, 128], strides = [1, 1]} : vector<1000x128xf32> to vector<8x128xf32>
      %add3A_252 = arith.addf %add3A_250, %slice3A_251 : vector<8x128xf32>
      %slice3A_253 = vector.extract_strided_slice %mul3A_35 {offsets = [856, 0], sizes = [8, 128], strides = [1, 1]} : vector<1000x128xf32> to vector<8x128xf32>
      %add3A_254 = arith.addf %add3A_252, %slice3A_253 : vector<8x128xf32>
      %slice3A_255 = vector.extract_strided_slice %mul3A_35 {offsets = [864, 0], sizes = [8, 128], strides = [1, 1]} : vector<1000x128xf32> to vector<8x128xf32>
      %add3A_256 = arith.addf %add3A_254, %slice3A_255 : vector<8x128xf32>
      %slice3A_257 = vector.extract_strided_slice %mul3A_35 {offsets = [872, 0], sizes = [8, 128], strides = [1, 1]} : vector<1000x128xf32> to vector<8x128xf32>
      %add3A_258 = arith.addf %add3A_256, %slice3A_257 : vector<8x128xf32>
      %slice3A_259 = vector.extract_strided_slice %mul3A_35 {offsets = [880, 0], sizes = [8, 128], strides = [1, 1]} : vector<1000x128xf32> to vector<8x128xf32>
      %add3A_260 = arith.addf %add3A_258, %slice3A_259 : vector<8x128xf32>
      %slice3A_261 = vector.extract_strided_slice %mul3A_35 {offsets = [888, 0], sizes = [8, 128], strides = [1, 1]} : vector<1000x128xf32> to vector<8x128xf32>
      %add3A_262 = arith.addf %add3A_260, %slice3A_261 : vector<8x128xf32>
      %slice3A_263 = vector.extract_strided_slice %mul3A_35 {offsets = [896, 0], sizes = [8, 128], strides = [1, 1]} : vector<1000x128xf32> to vector<8x128xf32>
      %add3A_264 = arith.addf %add3A_262, %slice3A_263 : vector<8x128xf32>
      %slice3A_265 = vector.extract_strided_slice %mul3A_35 {offsets = [904, 0], sizes = [8, 128], strides = [1, 1]} : vector<1000x128xf32> to vector<8x128xf32>
      %add3A_266 = arith.addf %add3A_264, %slice3A_265 : vector<8x128xf32>
      %slice3A_267 = vector.extract_strided_slice %mul3A_35 {offsets = [912, 0], sizes = [8, 128], strides = [1, 1]} : vector<1000x128xf32> to vector<8x128xf32>
      %add3A_268 = arith.addf %add3A_266, %slice3A_267 : vector<8x128xf32>
      %slice3A_269 = vector.extract_strided_slice %mul3A_35 {offsets = [920, 0], sizes = [8, 128], strides = [1, 1]} : vector<1000x128xf32> to vector<8x128xf32>
      %add3A_270 = arith.addf %add3A_268, %slice3A_269 : vector<8x128xf32>
      %slice3A_271 = vector.extract_strided_slice %mul3A_35 {offsets = [928, 0], sizes = [8, 128], strides = [1, 1]} : vector<1000x128xf32> to vector<8x128xf32>
      %add3A_272 = arith.addf %add3A_270, %slice3A_271 : vector<8x128xf32>
      %slice3A_273 = vector.extract_strided_slice %mul3A_35 {offsets = [936, 0], sizes = [8, 128], strides = [1, 1]} : vector<1000x128xf32> to vector<8x128xf32>
      %add3A_274 = arith.addf %add3A_272, %slice3A_273 : vector<8x128xf32>
      %slice3A_275 = vector.extract_strided_slice %mul3A_35 {offsets = [944, 0], sizes = [8, 128], strides = [1, 1]} : vector<1000x128xf32> to vector<8x128xf32>
      %add3A_276 = arith.addf %add3A_274, %slice3A_275 : vector<8x128xf32>
      %slice3A_277 = vector.extract_strided_slice %mul3A_35 {offsets = [952, 0], sizes = [8, 128], strides = [1, 1]} : vector<1000x128xf32> to vector<8x128xf32>
      %add3A_278 = arith.addf %add3A_276, %slice3A_277 : vector<8x128xf32>
      %slice3A_279 = vector.extract_strided_slice %mul3A_35 {offsets = [960, 0], sizes = [8, 128], strides = [1, 1]} : vector<1000x128xf32> to vector<8x128xf32>
      %add3A_280 = arith.addf %add3A_278, %slice3A_279 : vector<8x128xf32>
      %slice3A_281 = vector.extract_strided_slice %mul3A_35 {offsets = [968, 0], sizes = [8, 128], strides = [1, 1]} : vector<1000x128xf32> to vector<8x128xf32>
      %add3A_282 = arith.addf %add3A_280, %slice3A_281 : vector<8x128xf32>
      %slice3A_283 = vector.extract_strided_slice %mul3A_35 {offsets = [976, 0], sizes = [8, 128], strides = [1, 1]} : vector<1000x128xf32> to vector<8x128xf32>
      %add3A_284 = arith.addf %add3A_282, %slice3A_283 : vector<8x128xf32>
      %slice3A_285 = vector.extract_strided_slice %mul3A_35 {offsets = [984, 0], sizes = [8, 128], strides = [1, 1]} : vector<1000x128xf32> to vector<8x128xf32>
      %add3A_286 = arith.addf %add3A_284, %slice3A_285 : vector<8x128xf32>
      %slice3A_287 = vector.extract_strided_slice %mul3A_35 {offsets = [992, 0], sizes = [8, 128], strides = [1, 1]} : vector<1000x128xf32> to vector<8x128xf32>
      %add3A_288 = arith.addf %add3A_286, %slice3A_287 : vector<8x128xf32>
      %swap3A = arith.constant 8 : index
      %swap3A_289 = arith.constant 0 : index
      %swap3A_290 = vector.load %arg11[%swap3A, %swap3A_289] : memref<24x128xf32, #tpu.memory_space<vmem>>, vector<8x128xf32>
      tpu.vector_store %arg11[%swap3A, %swap3A_289], %add3A_288 {strides = array<i32>} : memref<24x128xf32, #tpu.memory_space<vmem>>, vector<8x128xf32>,
      %eq3A_291 = arith.constant 4 : i32
      %eq3A_292 = arith.cmpi eq, %arg1, %eq3A_291 : i32
      %convert_element_type3A_293 = arith.extui %eq3A_292 : i1 to i32
      %cond3A_294 = arith.constant 0 : i32
      %cond3A_295 = arith.cmpi ne, %convert_element_type3A_293, %cond3A_294 : i32
      scf.if %cond3A_295 {
        %slice3A_301 = vector.extract_strided_slice %add3A_288 {offsets = [0, 0], sizes = [4, 128], strides = [1, 1]} : vector<8x128xf32> to vector<4x128xf32>
        %slice3A_302 = vector.extract_strided_slice %add3A_288 {offsets = [4, 0], sizes = [4, 128], strides = [1, 1]} : vector<8x128xf32> to vector<4x128xf32>
        %add3A_303 = arith.addf %slice3A_301, %slice3A_302 : vector<4x128xf32>
        %slice3A_304 = vector.extract_strided_slice %add3A_303 {offsets = [0, 0], sizes = [2, 128], strides = [1, 1]} : vector<4x128xf32> to vector<2x128xf32>
        %slice3A_305 = vector.extract_strided_slice %add3A_303 {offsets = [2, 0], sizes = [2, 128], strides = [1, 1]} : vector<4x128xf32> to vector<2x128xf32>
        %add3A_306 = arith.addf %slice3A_304, %slice3A_305 : vector<2x128xf32>
        %slice3A_307 = vector.extract_strided_slice %add3A_306 {offsets = [0, 0], sizes = [1, 128], strides = [1, 1]} : vector<2x128xf32> to vector<1x128xf32>
        %slice3A_308 = vector.extract_strided_slice %add3A_306 {offsets = [1, 0], sizes = [1, 128], strides = [1, 1]} : vector<2x128xf32> to vector<1x128xf32>
        %add3A_309 = arith.addf %slice3A_307, %slice3A_308 : vector<1x128xf32>
        %swap3A_310 = arith.constant 16 : index
        %swap3A_311 = arith.constant 0 : index
        %swap3A_312 = vector.load %arg11[%swap3A_310, %swap3A_311] : memref<24x128xf32, #tpu.memory_space<vmem>>, vector<1x128xf32>
        tpu.vector_store %arg11[%swap3A_310, %swap3A_311], %add3A_309 {strides = array<i32>} : memref<24x128xf32, #tpu.memory_space<vmem>>, vector<1x128xf32>,
      } else {
      }
      %eq3A_296 = arith.constant 9 : i32
      %eq3A_297 = arith.cmpi eq, %arg1, %eq3A_296 : i32
      %convert_element_type3A_298 = arith.extui %eq3A_297 : i1 to i32
      %cond3A_299 = arith.constant 0 : i32
      %cond3A_300 = arith.cmpi ne, %convert_element_type3A_298, %cond3A_299 : i32
      scf.if %cond3A_300 {
        %slice3A_301 = vector.extract_strided_slice %add3A_288 {offsets = [0, 0], sizes = [4, 128], strides = [1, 1]} : vector<8x128xf32> to vector<4x128xf32>
        %slice3A_302 = vector.extract_strided_slice %add3A_288 {offsets = [4, 0], sizes = [4, 128], strides = [1, 1]} : vector<8x128xf32> to vector<4x128xf32>
        %add3A_303 = arith.addf %slice3A_301, %slice3A_302 : vector<4x128xf32>
        %slice3A_304 = vector.extract_strided_slice %add3A_303 {offsets = [0, 0], sizes = [2, 128], strides = [1, 1]} : vector<4x128xf32> to vector<2x128xf32>
        %slice3A_305 = vector.extract_strided_slice %add3A_303 {offsets = [2, 0], sizes = [2, 128], strides = [1, 1]} : vector<4x128xf32> to vector<2x128xf32>
        %add3A_306 = arith.addf %slice3A_304, %slice3A_305 : vector<2x128xf32>
        %slice3A_307 = vector.extract_strided_slice %add3A_306 {offsets = [0, 0], sizes = [1, 128], strides = [1, 1]} : vector<2x128xf32> to vector<1x128xf32>
        %slice3A_308 = vector.extract_strided_slice %add3A_306 {offsets = [1, 0], sizes = [1, 128], strides = [1, 1]} : vector<2x128xf32> to vector<1x128xf32>
        %add3A_309 = arith.addf %slice3A_307, %slice3A_308 : vector<1x128xf32>
        %swap3A_310 = arith.constant 17 : index
        %swap3A_311 = arith.constant 0 : index
        %swap3A_312 = vector.load %arg11[%swap3A_310, %swap3A_311] : memref<24x128xf32, #tpu.memory_space<vmem>>, vector<1x128xf32>
        tpu.vector_store %arg11[%swap3A_310, %swap3A_311], %add3A_309 {strides = array<i32>} : memref<24x128xf32, #tpu.memory_space<vmem>>, vector<1x128xf32>,
      } else {
      }
    } else {
    }
    %eq3A_8 = arith.constant 2 : i32
    %eq3A_9 = arith.cmpi eq, %arg0, %eq3A_8 : i32
    %convert_element_type3A_10 = arith.extui %eq3A_9 : i1 to i32
    %cond3A_11 = arith.constant 9.99999974E-5 : f32
    %cond3A_12 = arith.constant 0 : i32
    %cond3A_13 = arith.cmpi ne, %convert_element_type3A_10, %cond3A_12 : i32
    scf.if %cond3A_13 {
      %get3A = arith.constant 0 : index
      %get3A_14 = arith.constant 0 : index
      %get3A_15 = vector.load %arg11[%get3A, %get3A_14] : memref<24x128xf32, #tpu.memory_space<vmem>>, vector<8x128xf32>
      %slice3A = vector.extract_strided_slice %get3A_15 {offsets = [0, 0], sizes = [4, 128], strides = [1, 1]} : vector<8x128xf32> to vector<4x128xf32>
      %slice3A_16 = vector.extract_strided_slice %get3A_15 {offsets = [4, 0], sizes = [4, 128], strides = [1, 1]} : vector<8x128xf32> to vector<4x128xf32>
      %add3A = arith.addf %slice3A, %slice3A_16 : vector<4x128xf32>
      %slice3A_17 = vector.extract_strided_slice %add3A {offsets = [0, 0], sizes = [2, 128], strides = [1, 1]} : vector<4x128xf32> to vector<2x128xf32>
      %slice3A_18 = vector.extract_strided_slice %add3A {offsets = [2, 0], sizes = [2, 128], strides = [1, 1]} : vector<4x128xf32> to vector<2x128xf32>
      %add3A_19 = arith.addf %slice3A_17, %slice3A_18 : vector<2x128xf32>
      %slice3A_20 = vector.extract_strided_slice %add3A_19 {offsets = [0, 0], sizes = [1, 128], strides = [1, 1]} : vector<2x128xf32> to vector<1x128xf32>
      %slice3A_21 = vector.extract_strided_slice %add3A_19 {offsets = [1, 0], sizes = [1, 128], strides = [1, 1]} : vector<2x128xf32> to vector<1x128xf32>
      %add3A_22 = arith.addf %slice3A_20, %slice3A_21 : vector<1x128xf32>
      %mul3A = vector.broadcast %cond3A_11 : f32 to vector<1x128xf32>
      %mul3A_23 = arith.mulf %add3A_22, %mul3A : vector<1x128xf32>
      %get3A_24 = arith.constant 16 : index
      %get3A_25 = arith.constant 0 : index
      %get3A_26 = vector.load %arg11[%get3A_24, %get3A_25] : memref<24x128xf32, #tpu.memory_space<vmem>>, vector<1x128xf32>
      %get3A_27 = arith.constant 17 : index
      %get3A_28 = arith.constant 0 : index
      %get3A_29 = vector.load %arg11[%get3A_27, %get3A_28] : memref<24x128xf32, #tpu.memory_space<vmem>>, vector<1x128xf32>
      %add3A_30 = arith.addf %get3A_26, %get3A_29 : vector<1x128xf32>
      %mul3A_31 = vector.broadcast %cond3A_11 : f32 to vector<1x128xf32>
      %mul3A_32 = arith.mulf %add3A_30, %mul3A_31 : vector<1x128xf32>
      %mul3A_33 = arith.constant 1000 : i32
      %mul3A_34 = arith.muli %arg1, %mul3A_33 : i32
      %get3A_35 = arith.index_cast %mul3A_34 : i32 to index
      %get3A_36 = arith.constant 0 : index
      %get3A_37 = vector.load %arg10[%get3A_35, %get3A_36] : memref<10000x128xf32, #tpu.memory_space<vmem>>, vector<1000x128xf32>
      %sub3A = vector.broadcast %mul3A_23 : vector<1x128xf32> to vector<1000x128xf32>
      %sub3A_38 = arith.subf %get3A_37, %sub3A : vector<1000x128xf32>
      %add3A_39 = arith.constant 9.99999974E-6 : f32
      %add3A_40 = vector.broadcast %add3A_39 : f32 to vector<1x128xf32>
      %add3A_41 = arith.addf %mul3A_32, %add3A_40 : vector<1x128xf32>
      %sqrt3A = math.sqrt %add3A_41 : vector<1x128xf32>
      %div3A = vector.broadcast %sqrt3A : vector<1x128xf32> to vector<1000x128xf32>
      %div3A_42 = arith.divf %sub3A_38, %div3A : vector<1000x128xf32>
      %get3A_43 = arith.constant 0 : index
      %get3A_44 = arith.constant 0 : index
      %get3A_45 = vector.load %arg6[%get3A_43, %get3A_44] : memref<2x128xf32, #tpu.memory_space<vmem>>, vector<1x128xf32>
      %mul3A_46 = vector.broadcast %get3A_45 : vector<1x128xf32> to vector<1000x128xf32>
      %mul3A_47 = arith.mulf %div3A_42, %mul3A_46 : vector<1000x128xf32>
      %get3A_48 = arith.constant 1 : index
      %get3A_49 = arith.constant 0 : index
      %get3A_50 = vector.load %arg6[%get3A_48, %get3A_49] : memref<2x128xf32, #tpu.memory_space<vmem>>, vector<1x128xf32>
      %add3A_51 = vector.broadcast %get3A_50 : vector<1x128xf32> to vector<1000x128xf32>
      %add3A_52 = arith.addf %mul3A_47, %add3A_51 : vector<1000x128xf32>
      %max3A = arith.constant 0.000000e+00 : f32
      %max3A_53 = vector.broadcast %max3A : f32 to vector<1000x128xf32>
      %max3A_54 = arith.maximumf %add3A_52, %max3A_53 : vector<1000x128xf32>
      %get3A_55 = arith.constant 0 : index
      %get3A_56 = arith.constant 0 : index
      %get3A_57 = vector.load %arg7[%get3A_55, %get3A_56] : memref<128x128xf32, #tpu.memory_space<vmem>>, vector<128x128xf32>
      %dot_general3A = arith.constant dense<0.000000e+00> : vector<1000x128xf32>
      %dot_general3A_58 = tpu.matmul %max3A_54, %get3A_57, %dot_general3A {dimension_numbers = #tpu.dot_dimension_numbers<[1], [0], [0], [1], [0, 0, 1, 1], [], []>, transpose_lhs_hint = false} : vector<1000x128xf32>, vector<128x128xf32>, vector<1000x128xf32> -> vector<1000x128xf32>
      %get3A_59 = arith.constant 0 : index
      %get3A_60 = arith.constant 0 : index
      %get3A_61 = vector.load %arg8[%get3A_59, %get3A_60] : memref<1x128xf32, #tpu.memory_space<vmem>>, vector<1x128xf32>
      %add3A_62 = vector.broadcast %get3A_61 : vector<1x128xf32> to vector<1000x128xf32>
      %add3A_63 = arith.addf %dot_general3A_58, %add3A_62 : vector<1000x128xf32>
      %max3A_64 = arith.constant 0.000000e+00 : f32
      %max3A_65 = vector.broadcast %max3A_64 : f32 to vector<1000x128xf32>
      %max3A_66 = arith.maximumf %add3A_63, %max3A_65 : vector<1000x128xf32>
      %swap3A = arith.constant 0 : index
      %swap3A_67 = arith.constant 0 : index
      %swap3A_68 = vector.load %arg9[%swap3A, %swap3A_67] : memref<1000x128xf32, #tpu.memory_space<vmem>>, vector<1000x128xf32>
      tpu.vector_store %arg9[%swap3A, %swap3A_67], %max3A_66 {strides = array<i32>} : memref<1000x128xf32, #tpu.memory_space<vmem>>, vector<1000x128xf32>,
    } else {
    }
    return
  }
  func.func @transform_0(%arg0: i32, %arg1: i32) -> (i32, i32) {
    %eq3A = arith.constant 0 : i32
    %eq3A_0 = arith.cmpi eq, %arg0, %eq3A : i32
    %jit3A = arith.constant 0 : i32
    %select_n3A = arith.select %eq3A_0, %arg1, %jit3A : i32
    %c0_i32 = arith.constant 0 : i32
    %c0_i32_1 = arith.constant 0 : i32
    return %select_n3A, %c0_i32 : i32, i32
  }
  func.func @transform_1(%arg0: i32, %arg1: i32) -> (i32, i32, i32) {
    %eq3A = arith.constant 0 : i32
    %eq3A_0 = arith.cmpi eq, %arg0, %eq3A : i32
    %jit3A = arith.constant 0 : i32
    %select_n3A = arith.select %eq3A_0, %arg1, %jit3A : i32
    %c0_i32 = arith.constant 0 : i32
    %c0_i32_1 = arith.constant 0 : i32
    %c0_i32_2 = arith.constant 0 : i32
    return %c0_i32, %select_n3A, %c0_i32_1 : i32, i32, i32
  }
  func.func @transform_2(%arg0: i32, %arg1: i32) -> (i32, i32) {
    %c0_i32 = arith.constant 0 : i32
    %c0_i32_0 = arith.constant 0 : i32
    %c0_i32_1 = arith.constant 0 : i32
    return %c0_i32, %c0_i32_0 : i32, i32
  }
  func.func @transform_3(%arg0: i32, %arg1: i32) -> (i32, i32) {
    %c0_i32 = arith.constant 0 : i32
    %c0_i32_0 = arith.constant 0 : i32
    %c0_i32_1 = arith.constant 0 : i32
    return %c0_i32, %c0_i32_0 : i32, i32
  }
  func.func @transform_4(%arg0: i32, %arg1: i32) -> (i32, i32) {
    %c0_i32 = arith.constant 0 : i32
    %c0_i32_0 = arith.constant 0 : i32
    %c0_i32_1 = arith.constant 0 : i32
    return %c0_i32, %c0_i32_0 : i32, i32
  }
  func.func @transform_5(%arg0: i32, %arg1: i32) -> (i32, i32) {
    %c0_i32 = arith.constant 0 : i32
    %c0_i32_0 = arith.constant 0 : i32
    %c0_i32_1 = arith.constant 0 : i32
    return %c0_i32, %c0_i32_0 : i32, i32
  }
  func.func @transform_6(%arg0: i32, %arg1: i32) -> (i32, i32) {
    %c0_i32 = arith.constant 0 : i32
    %c0_i32_0 = arith.constant 0 : i32
    %c0_i32_1 = arith.constant 0 : i32
    return %c0_i32, %c0_i32_0 : i32, i32
  }
  func.func @transform_7(%arg0: i32, %arg1: i32) -> (i32, i32) {
    %eq3A = arith.constant 2 : i32
    %eq3A_0 = arith.cmpi eq, %arg0, %eq3A : i32
    %jit3A = arith.constant 0 : i32
    %select_n3A = arith.select %eq3A_0, %arg1, %jit3A : i32
    %c0_i32 = arith.constant 0 : i32
    %c0_i32_1 = arith.constant 0 : i32
    return %select_n3A, %c0_i32 : i32, i32
  }
}

module attributes {stable_mosaic.version = 14 : i64} {
  func.func @_head_body(%arg0: i32, %arg1: memref<1000x128xf32, #tpu.memory_space<vmem>>, %arg2: memref<1x1x1000xi32, #tpu.memory_space<vmem>>, %arg3: memref<128x128xf32, #tpu.memory_space<vmem>>, %arg4: memref<1x128xf32, #tpu.memory_space<vmem>>, %arg5: memref<128x128xf32, #tpu.memory_space<vmem>>, %arg6: memref<1x128xf32, #tpu.memory_space<vmem>>, %arg7: memref<64x128xf32, #tpu.memory_space<vmem>>, %arg8: memref<64x128xf32, #tpu.memory_space<vmem>>) attributes {dimension_semantics = [#tpu.dimension_semantics<arbitrary>], iteration_bounds = array<i64: 10>, scalar_prefetch = 0 : i64, scratch_operands = 1 : i64, tpu.core_type = #tpu.core_type<tc>, window_params = [{transform_indices = @transform_0, window_bounds = array<i64: 1000, 128>}, {transform_indices = @transform_1, window_bounds = array<i64: 1, 1, 1000>}, {pipeline_mode = #tpu.pipeline_mode<synchronous>, transform_indices = @transform_2, window_bounds = array<i64: 128, 128>}, {pipeline_mode = #tpu.pipeline_mode<synchronous>, transform_indices = @transform_3, window_bounds = array<i64: 1, 128>}, {pipeline_mode = #tpu.pipeline_mode<synchronous>, transform_indices = @transform_4, window_bounds = array<i64: 128, 128>}, {pipeline_mode = #tpu.pipeline_mode<synchronous>, transform_indices = @transform_5, window_bounds = array<i64: 1, 128>}, {pipeline_mode = #tpu.pipeline_mode<synchronous>, transform_indices = @transform_6, window_bounds = array<i64: 64, 128>}]} {
    %get3A = arith.constant 0 : index
    %get3A_0 = arith.constant 0 : index
    %get3A_1 = arith.constant 0 : index
    %get3A_2 = vector.load %arg2[%get3A, %get3A_0, %get3A_1] : memref<1x1x1000xi32, #tpu.memory_space<vmem>>, vector<1x1x1000xi32>
    %get3A_3 = vector.shape_cast %get3A_2 : vector<1x1x1000xi32> to vector<1x1000xi32>
    %iota3A = tpu.iota {dimensions = array<i32: 0>} : vector<64x1000xi32>
    %eq3A = vector.broadcast %get3A_3 : vector<1x1000xi32> to vector<64x1000xi32>
    %eq3A_4 = arith.cmpi eq, %iota3A, %eq3A : vector<64x1000xi32>
    %convert_element_type3A = arith.extui %eq3A_4 : vector<64x1000xi1> to vector<64x1000xi32>
    %convert_element_type3A_5 = arith.sitofp %convert_element_type3A : vector<64x1000xi32> to vector<64x1000xf32>
    %get3A_6 = arith.constant 0 : index
    %get3A_7 = arith.constant 0 : index
    %get3A_8 = vector.load %arg1[%get3A_6, %get3A_7] : memref<1000x128xf32, #tpu.memory_space<vmem>>, vector<1000x128xf32>
    %dot_general3A = arith.constant dense<0.000000e+00> : vector<64x128xf32>
    %dot_general3A_9 = tpu.matmul %convert_element_type3A_5, %get3A_8, %dot_general3A {dimension_numbers = #tpu.dot_dimension_numbers<[1], [0], [0], [1], [0, 0, 1, 1], [], []>, precision = #tpu.contract_precision<fp32>, transpose_lhs_hint = false} : vector<64x1000xf32>, vector<1000x128xf32>, vector<64x128xf32> -> vector<64x128xf32>
    %eq3A_10 = arith.constant 0 : i32
    %eq3A_11 = arith.cmpi eq, %arg0, %eq3A_10 : i32
    %convert_element_type3A_12 = arith.extui %eq3A_11 : i1 to i32
    %cond3A = arith.constant 0 : i32
    %cond3A_13 = arith.cmpi ne, %convert_element_type3A_12, %cond3A : i32
    scf.if %cond3A_13 {
      %swap3A = arith.constant 0 : index
      %swap3A_23 = arith.constant 0 : index
      %swap3A_24 = vector.load %arg8[%swap3A, %swap3A_23] : memref<64x128xf32, #tpu.memory_space<vmem>>, vector<64x128xf32>
      tpu.vector_store %arg8[%swap3A, %swap3A_23], %dot_general3A_9 {strides = array<i32>} : memref<64x128xf32, #tpu.memory_space<vmem>>, vector<64x128xf32>,
    } else {
    }
    %gt3A = arith.constant 0 : i32
    %gt3A_14 = arith.cmpi sgt, %arg0, %gt3A : i32
    %convert_element_type3A_15 = arith.extui %gt3A_14 : i1 to i32
    %cond3A_16 = arith.constant 0 : i32
    %cond3A_17 = arith.cmpi ne, %convert_element_type3A_15, %cond3A_16 : i32
    scf.if %cond3A_17 {
      %get3A_23 = arith.constant 0 : index
      %get3A_24 = arith.constant 0 : index
      %get3A_25 = vector.load %arg8[%get3A_23, %get3A_24] : memref<64x128xf32, #tpu.memory_space<vmem>>, vector<64x128xf32>
      %add3A = arith.addf %get3A_25, %dot_general3A_9 : vector<64x128xf32>
      %swap3A = arith.constant 0 : index
      %swap3A_26 = arith.constant 0 : index
      %swap3A_27 = vector.load %arg8[%swap3A, %swap3A_26] : memref<64x128xf32, #tpu.memory_space<vmem>>, vector<64x128xf32>
      tpu.vector_store %arg8[%swap3A, %swap3A_26], %add3A {strides = array<i32>} : memref<64x128xf32, #tpu.memory_space<vmem>>, vector<64x128xf32>,
    } else {
    }
    %eq3A_18 = arith.constant 9 : i32
    %eq3A_19 = arith.cmpi eq, %arg0, %eq3A_18 : i32
    %convert_element_type3A_20 = arith.extui %eq3A_19 : i1 to i32
    %cond3A_21 = arith.constant 0 : i32
    %cond3A_22 = arith.cmpi ne, %convert_element_type3A_20, %cond3A_21 : i32
    scf.if %cond3A_22 {
      %get3A_23 = arith.constant 0 : index
      %get3A_24 = arith.constant 0 : index
      %get3A_25 = vector.load %arg8[%get3A_23, %get3A_24] : memref<64x128xf32, #tpu.memory_space<vmem>>, vector<64x128xf32>
      %get3A_26 = arith.constant 0 : index
      %get3A_27 = arith.constant 0 : index
      %get3A_28 = vector.load %arg3[%get3A_26, %get3A_27] : memref<128x128xf32, #tpu.memory_space<vmem>>, vector<128x128xf32>
      %dot_general3A_29 = arith.constant dense<0.000000e+00> : vector<64x128xf32>
      %dot_general3A_30 = tpu.matmul %get3A_25, %get3A_28, %dot_general3A_29 {dimension_numbers = #tpu.dot_dimension_numbers<[1], [0], [0], [1], [0, 0, 1, 1], [], []>, transpose_lhs_hint = false} : vector<64x128xf32>, vector<128x128xf32>, vector<64x128xf32> -> vector<64x128xf32>
      %get3A_31 = arith.constant 0 : index
      %get3A_32 = arith.constant 0 : index
      %get3A_33 = vector.load %arg4[%get3A_31, %get3A_32] : memref<1x128xf32, #tpu.memory_space<vmem>>, vector<1x128xf32>
      %add3A = vector.broadcast %get3A_33 : vector<1x128xf32> to vector<64x128xf32>
      %add3A_34 = arith.addf %dot_general3A_30, %add3A : vector<64x128xf32>
      %max3A = arith.constant 0.000000e+00 : f32
      %max3A_35 = vector.broadcast %max3A : f32 to vector<64x128xf32>
      %max3A_36 = arith.maximumf %add3A_34, %max3A_35 : vector<64x128xf32>
      %get3A_37 = arith.constant 0 : index
      %get3A_38 = arith.constant 0 : index
      %get3A_39 = vector.load %arg5[%get3A_37, %get3A_38] : memref<128x128xf32, #tpu.memory_space<vmem>>, vector<128x128xf32>
      %dot_general3A_40 = arith.constant dense<0.000000e+00> : vector<64x128xf32>
      %dot_general3A_41 = tpu.matmul %max3A_36, %get3A_39, %dot_general3A_40 {dimension_numbers = #tpu.dot_dimension_numbers<[1], [0], [0], [1], [0, 0, 1, 1], [], []>, transpose_lhs_hint = false} : vector<64x128xf32>, vector<128x128xf32>, vector<64x128xf32> -> vector<64x128xf32>
      %get3A_42 = arith.constant 0 : index
      %get3A_43 = arith.constant 0 : index
      %get3A_44 = vector.load %arg6[%get3A_42, %get3A_43] : memref<1x128xf32, #tpu.memory_space<vmem>>, vector<1x128xf32>
      %add3A_45 = vector.broadcast %get3A_44 : vector<1x128xf32> to vector<64x128xf32>
      %add3A_46 = arith.addf %dot_general3A_41, %add3A_45 : vector<64x128xf32>
      %reduce_max3A = arith.constant dense<0xFF800000> : vector<64xf32>
      %reduce_max3A_47 = vector.multi_reduction <maximumf>, %add3A_46, %reduce_max3A [1] : vector<64x128xf32> to vector<64xf32>
      %broadcast_in_dim3A = vector.shape_cast %reduce_max3A_47 : vector<64xf32> to vector<64x1xf32>
      %sub3A = vector.broadcast %broadcast_in_dim3A : vector<64x1xf32> to vector<64x128xf32>
      %sub3A_48 = arith.subf %add3A_46, %sub3A : vector<64x128xf32>
      %exp3A = math.exp %sub3A_48 : vector<64x128xf32>
      %reduce_sum3A = arith.constant dense<0.000000e+00> : vector<64xf32>
      %reduce_sum3A_49 = vector.multi_reduction <add>, %exp3A, %reduce_sum3A [1] : vector<64x128xf32> to vector<64xf32>
      %broadcast_in_dim3A_50 = vector.shape_cast %reduce_sum3A_49 : vector<64xf32> to vector<64x1xf32>
      %log3A = math.log %broadcast_in_dim3A_50 : vector<64x1xf32>
      %add3A_51 = arith.addf %log3A, %broadcast_in_dim3A : vector<64x1xf32>
      %sub3A_52 = vector.broadcast %add3A_51 : vector<64x1xf32> to vector<64x128xf32>
      %sub3A_53 = arith.subf %add3A_46, %sub3A_52 : vector<64x128xf32>
      %swap3A = arith.constant 0 : index
      %swap3A_54 = arith.constant 0 : index
      %swap3A_55 = vector.load %arg7[%swap3A, %swap3A_54] : memref<64x128xf32, #tpu.memory_space<vmem>>, vector<64x128xf32>
      tpu.vector_store %arg7[%swap3A, %swap3A_54], %sub3A_53 {strides = array<i32>} : memref<64x128xf32, #tpu.memory_space<vmem>>, vector<64x128xf32>,
    } else {
    }
    return
  }
  func.func @transform_0(%arg0: i32) -> (i32, i32) {
    %c0_i32 = arith.constant 0 : i32
    %c0_i32_0 = arith.constant 0 : i32
    return %arg0, %c0_i32 : i32, i32
  }
  func.func @transform_1(%arg0: i32) -> (i32, i32, i32) {
    %c0_i32 = arith.constant 0 : i32
    %c0_i32_0 = arith.constant 0 : i32
    %c0_i32_1 = arith.constant 0 : i32
    return %arg0, %c0_i32, %c0_i32_0 : i32, i32, i32
  }
  func.func @transform_2(%arg0: i32) -> (i32, i32) {
    %c0_i32 = arith.constant 0 : i32
    %c0_i32_0 = arith.constant 0 : i32
    %c0_i32_1 = arith.constant 0 : i32
    return %c0_i32, %c0_i32_0 : i32, i32
  }
  func.func @transform_3(%arg0: i32) -> (i32, i32) {
    %c0_i32 = arith.constant 0 : i32
    %c0_i32_0 = arith.constant 0 : i32
    %c0_i32_1 = arith.constant 0 : i32
    return %c0_i32, %c0_i32_0 : i32, i32
  }
  func.func @transform_4(%arg0: i32) -> (i32, i32) {
    %c0_i32 = arith.constant 0 : i32
    %c0_i32_0 = arith.constant 0 : i32
    %c0_i32_1 = arith.constant 0 : i32
    return %c0_i32, %c0_i32_0 : i32, i32
  }
  func.func @transform_5(%arg0: i32) -> (i32, i32) {
    %c0_i32 = arith.constant 0 : i32
    %c0_i32_0 = arith.constant 0 : i32
    %c0_i32_1 = arith.constant 0 : i32
    return %c0_i32, %c0_i32_0 : i32, i32
  }
  func.func @transform_6(%arg0: i32) -> (i32, i32) {
    %c0_i32 = arith.constant 0 : i32
    %c0_i32_0 = arith.constant 0 : i32
    %c0_i32_1 = arith.constant 0 : i32
    return %c0_i32, %c0_i32_0 : i32, i32
  }
}

</mosaic_0001>

<sc_bundles>
// kernel: kernel.13.cloned.1.call-start
scs
__scs_entry_jumppad:
0x0: {  	(pc) =	sbr.rel $0x88, $3  }
0x1: {  	(tag) =	ssettag $0x0;
	lr =	simm.s32 $0x1  }
0x2: {  	[smem:$0x3F94] =	sst lr;
	_ =	strace $0xD0000000  }
0x3: {  	_ = 	snop  }
0x4: {  	_ = 	snop  }
0x5: {  	_ = 	snop  }
0x6: {  	_ = 	snop  }
0x7: {  	_ = 	snop  }
__scs_overlays_trampoline_lowered:
0x8: {  	[smem:$0x3FA3] =	sst s0  }
0x9: {  	[smem:$0x3FA4] =	sst s1  }
0xa: {  	[smem:$0x3FA5] =	sst s2  }
0xb: {  	[smem:$0x3FA6] =	sst s3  }
0xc: {  	[smem:$0x3FA7] =	sst s4  }
0xd: {  	[smem:$0x3FA8] =	sst s5  }
0xe: {  	[smem:$0x3FA9] =	sst s6  }
0xf: {  	[smem:$0x3FAA] =	sst s7  }
0x10: {  	[smem:$0x3FAB] =	sst s8  }
0x11: {  	[smem:$0x3FAC] =	sst s9;
	s0 =	simm.s32 @!p0 $0x0  }
0x12: {  	s1 =	sld [smem:$0x3F92];
	s0 =	simm.s32 @p0 $0x1  }
0x13: {  	[smem:$0x3FAD] =	sst s0;
	s0 =	simm.s32 @!p1 $0x0  }
0x14: {  	s2 =	sld [smem:$0x3F91];
	s0 =	simm.s32 @p1 $0x1  }
0x15: {  	[smem:$0x3FAE] =	sst s0;
	s0 =	simm.s32 @!p2 $0x0  }
0x16: {  	s3 =	sld [smem:$0x3FDB];
	s0 =	simm.s32 @p2 $0x1  }
0x17: {  	s4 =	simm.s32 $0x1BF5;
	[smem:$0x3FB0] =	sst s0  }
0x18: {  	s0 =	sld [smem:$0x3F93];
	_ =	swait.ge [sflag:s4], $0x0  }
0x19: {  	s7 =	sld [smem:$0x3F94]  }
0x1a: {  	s8 =	sadd.s32 $0xFFFFE003, lr  }
0x1b: {  	s9 =	sadd.s32 $0xFFFFFEF7, lr;
	s5 =	simm.s32 $0xFFFFFFFF;
	p2 =	slt.u32 s8, $0xFFFFF086  }
0x1c: {  	p1 =	slt.u32 s9, $0xF7A;
	s5 =	simm.s32 @!p2 $0x0  }
0x1d: {  	s5 =	simm.s32 @p1 $0x1;
	p0 =	seq.s32 s7, s2  }
0x1e: {  	s7 =	smul.u32 @!p0 $0xF7A, s2;
	p2 =	seq.s32 @!p0 s5, $0x0  }
0x1f: {  	s9 =	smul.u32 $0xF7A, s1;
	s8 =	simm.s32 @!p0 $0x1BF5;
	p2 =	por !p2, p0  }
0x20: {  	[sflag:s8] =	ssyncset.s32 @!p0 $0xFFFFF086;
	s6 =	sadd.s32 @!p0 s3, s7;
	s7 =	simm.s32 @!p0 $0x108  }
0x21: {  	s3 =	sadd.s32 s3, s9;
	s6 =	sadd.s32 @!p0 $0x88, s6;
	s7 =	simm.s32 @p2 $0x1082  }
0x22: {  	[simem:s7], [sflag:s8] =	dma.local @!p0 [hbm:s6], $0xF7A  }
0x23: {  	s9 =	sor.u32 $0xD0000000, s2;
	s6 =	simm.s32 $0x108;
	_ =	swait.ge @!p0 [sflag:s8], $0x0  }
0x24: {  	s3 =	sadd.s32 $0x88, s3;
	s6 =	simm.s32 @!p1 $0x1082;
	[sflag:s4] =	ssyncset.s32 $0xFFFFF086  }
0x25: {  	[simem:s6], [sflag:s4] =	dma.local [hbm:s3], $0xF7A  }
0x26: {  	[smem:$0x3F94] =	sst s1;
	(tag) =	ssettag s2;
	_ =	strace s9  }
0x27: {  	s1 =	sld [smem:$0x3FA4]  }
0x28: {  	s2 =	sld [smem:$0x3FA5]  }
0x29: {  	s4 =	sld [smem:$0x3FA7]  }
0x2a: {  	p0 =	seq.s32 s5, $0x0;
	s5 =	sld [smem:$0x3FA8]  }
0x2b: {  	s6 =	sld [smem:$0x3FA9]  }
0x2c: {  	s7 =	sld [smem:$0x3FAA]  }
0x2d: {  	s3 =	simm.s32 $0x108;
	s8 =	sld [smem:$0x3FAB]  }
0x2e: {  	s3 =	simm.s32 @!p0 $0x1082;
	s9 =	sld [smem:$0x3FAC]  }
0x2f: {  	lr =	sadd.s32 s0, s3;
	s0 =	sld [smem:$0x3FA3]  }
0x30: {  	s3 =	sld [smem:$0x3FA6]  }
0x31: {  	[smem:$0x3FAF] =	sst s10  }
0x32: {  	s10 =	sld [smem:$0x3FAD];
	_ =	sdelay $0x3  }
0x33: {  	p0 =	seq.s32 s10, $0x1;
	s10 =	sld [smem:$0x3FAF];
	_ =	sdelay $0x3  }
0x34: {  	[smem:$0x3FAF] =	sst s10  }
0x35: {  	s10 =	sld [smem:$0x3FAE];
	_ =	sdelay $0x3  }
0x36: {  	p1 =	seq.s32 s10, $0x1;
	s10 =	sld [smem:$0x3FAF];
	_ =	sdelay $0x3  }
0x37: {  	[smem:$0x3FAF] =	sst s10  }
0x38: {  	s10 =	sld [smem:$0x3FB0]  }
0x39: {  	_ = 	snop;
	(pc) =	sbr.ind lr, $3  }
0x3a: {  	_ = 	snop  }
0x3b: {  	_ = 	snop  }
0x3c: {  	p2 =	seq.s32 s10, $0x1;
	s10 =	sld [smem:$0x3FAF]  }
0x3d: {  	_ =	shalt  }
0x3e: {  	_ =	shalt  }
0x3f: {  	_ =	shalt  }
0x40: {  	_ =	shalt  }
0x41: {  	_ =	shalt  }
0x42: {  	_ =	shalt  }
0x43: {  	_ =	shalt  }
0x44: {  	_ =	shalt  }
0x45: {  	_ =	shalt  }
0x46: {  	_ =	shalt  }
0x47: {  	_ =	shalt  }
0x48: {  	_ =	shalt  }
0x49: {  	_ =	shalt  }
0x4a: {  	_ =	shalt  }
0x4b: {  	_ =	shalt  }
0x4c: {  	_ =	shalt  }
0x4d: {  	_ =	shalt  }
0x4e: {  	_ =	shalt  }
0x4f: {  	_ =	shalt  }
0x50: {  	_ =	shalt  }
0x51: {  	_ =	shalt  }
0x52: {  	_ =	shalt  }
0x53: {  	_ =	shalt  }
0x54: {  	_ =	shalt  }
0x55: {  	_ =	shalt  }
0x56: {  	_ =	shalt  }
0x57: {  	_ =	shalt  }
0x58: {  	_ =	shalt  }
0x59: {  	_ =	shalt  }
0x5a: {  	_ =	shalt  }
0x5b: {  	_ =	shalt  }
0x5c: {  	_ =	shalt  }
0x5d: {  	_ =	shalt  }
0x5e: {  	_ =	shalt  }
0x5f: {  	_ =	shalt  }
0x60: {  	_ =	shalt  }
0x61: {  	_ =	shalt  }
0x62: {  	_ =	shalt  }
0x63: {  	_ =	shalt  }
0x64: {  	_ =	shalt  }
0x65: {  	_ =	shalt  }
0x66: {  	_ =	shalt  }
0x67: {  	_ =	shalt  }
0x68: {  	_ =	shalt  }
0x69: {  	_ =	shalt  }
0x6a: {  	_ =	shalt  }
0x6b: {  	_ =	shalt  }
0x6c: {  	_ =	shalt  }
0x6d: {  	_ =	shalt  }
0x6e: {  	_ =	shalt  }
0x6f: {  	_ =	shalt  }
0x70: {  	_ =	shalt  }
0x71: {  	_ =	shalt  }
0x72: {  	_ =	shalt  }
0x73: {  	_ =	shalt  }
0x74: {  	_ =	shalt  }
0x75: {  	_ =	shalt  }
0x76: {  	_ =	shalt  }
0x77: {  	_ =	shalt  }
0x78: {  	_ =	shalt  }
0x79: {  	_ =	shalt  }
0x7a: {  	_ =	shalt  }
0x7b: {  	_ =	shalt  }
0x7c: {  	_ =	shalt  }
0x7d: {  	_ =	shalt  }
0x7e: {  	_ =	shalt  }
0x7f: {  	_ =	shalt  }
0x80: {  	_ =	shalt  }
0x81: {  	_ =	shalt  }
0x82: {  	_ =	shalt  }
0x83: {  	_ =	shalt  }
0x84: {  	_ =	shalt  }
0x85: {  	_ =	shalt  }
0x86: {  	_ =	shalt  }
0x87: {  	_ =	shalt  }
.Lfunc_end0:
.L_simem_size_0:
called_computation_lowered:
.L_overlay_start_0:
0x88: {  	s2 =	sld [smem:$0x3FD9]  }
0x89: {  	s3 =	sld [smem:$0x3FFE];
	_ =	sdelay $0x1  }
0x8a: {  	s1 =	srdreg.scid  }
0x8b: {  	s0 =	sand.u32 $0x1, s1  }
0x8c: {  	s17 =	sshll.u32 s0, $0xA;
	s2 =	sadd.s32 s3, s2  }
0x8d: {  	s2 =	sadd.s32 s2, s17  }
0x8e: {  	[smem:$0x3FBB] =	sst s2  }
0x8f: {  	_ = 	snop  }
0x90: {  	s2 =	sld [smem:$0x3FC9];
	(tm) =	ssettm $0x1  }
0x91: {  	s18 =	sld [smem:$0x3FFB];
	_ =	sdelay $0x3  }
0x92: {  	_ =	strace s18  }
0x93: {  	s3 =	sld [smem:$0x3FFC];
	_ =	sdelay $0x3  }
0x94: {  	_ =	strace s3  }
0x95: {  	s3 =	sld [smem:$0x3FFD];
	_ =	sdelay $0x3  }
0x96: {  	_ =	strace s3  }
0x97: {  	_ =	strace $0x8FFFFFFF  }
0x98: {  	s19 =	sld [smem:$0x3FDB];
	_ =	sdelay $0x1  }
0x99: {  	s4 =	simm.s32 $_scs_section_size  }
0x9a: {  	s5 =	simm.s32 $_size__tile_overlayer_lowered;
	s6 =	simm.s32 $_tile_overlayer_lowered  }
0x9b: {  	s22 =	simm.s32 $0x1BFF;
	s21 =	sshll.u32 s6, $0x1;
	s3 =	sadd.s32 s4, s19  }
0x9c: {  	s7 =	simm.s32 $0x0;
	s20 =	sshll.u32 s5, $0x1;
	s5 =	sadd.s32 s21, s3  }
0x9d: {  	[timem:s7], [sflag:s22] =	dma.local [hbm:s5], s20  }
0x9e: {  	_ =	swait.ge [sflag:s22], s20  }
0x9f: {  	s4 =	ssub.s32 $0x0, s20;
	[sflag:s22] =	ssyncset.done $0x0  }
0xa0: {  	[sflag:s22] =	ssyncadd.s32 s4;
	_ =	sdelay $0x1  }
0xa1: {  	s23 =	simm.s32 $0x1B8B  }
0xa2: {  	_ =	swait.ge [sflag:s23], $0x1  }
0xa3: {  	[sflag:s23] =	ssyncset.done $0x0  }
0xa4: {  	s25 =	simm.s32 $0x1B8E;
	s24 =	sld [smem:$0x3FFE];
	[sflag:s23] =	ssyncadd.s32 $0xFFFFFFFF  }
0xa5: {  	s26 =	simm.s32 $execute0_lowered;
	[smem:$0x3FD2] =	sst s25  }
0xa6: {  	s5 =	sshll.u32 s26, $0x1;
	_ =	strace $0x80000046;
	[dreg:$0x1] =	wrdreg $0xFFFFFFFF  }
0xa7: {  	s28 =	simm.s32 $_size_execute0_lowered;
	s3 =	sadd.s32 s3, s5;
	[dreg:$0x0] =	wrdreg $0x0  }
0xa8: {  	s5 =	sshll.u32 s28, $0x1;
	[dreg:$0x2] =	wrdreg s3  }
0xa9: {  	[dreg:$0x3] =	wrdreg s5  }
0xaa: {  	[dreg:$0x4] =	wrdreg $0xC0  }
0xab: {  	_ =	task [dreg:s7], $0x5FFFF  }
0xac: {  	[dreg:$0x1] =	wrdreg $0xFFFFFFFF  }
0xad: {  	[dreg:$0x0] =	wrdreg $0x60  }
0xae: {  	[dreg:$0x2] =	wrdreg s2  }
0xaf: {  	[dreg:$0x3] =	wrdreg s24  }
0xb0: {  	[dreg:$0x4] =	wrdreg $0x41000  }
0xb1: {  	[dreg:$0x5] =	wrdreg $0x9  }
0xb2: {  	_ =	task.clear_ibuf [dreg:s7], $0x6FFFF;
	_ =	strace $0x90000046  }
0xb3: {  	s29 =	simm.s32 $0x9;
	_ =	strace $0x80000048  }
0xb4: {  	_ =	swait.ge [sflag:s29], $0x1  }
0xb5: {  	[sflag:s29] =	ssyncadd.s32 $0xFFFFFFFF  }
0xb6: {  	_ =	strace $0x90000048  }
0xb7: {  	_ =	sfence  }
0xb8: {  	s30 =	sld [smem:$0x0];
	_ =	sdelay $0x2  }
0xb9: {  	s31 =	sshll.u32 s1, $0xD;
	s1 =	sshrl.u32 s1, $0x2  }
0xba: {  	s3 =	sand.u32 $0x4000, s31;
	s1 =	sadd.s32 s1, s30  }
0xbb: {  	s0 =	sor.u32 s3, s0;
	s1 =	sshll.u32 s1, $0x11  }
0xbc: {  	s0 =	sor.u32 s1, s0  }
0xbd: {  	s0 =	sadd.s32 $0x8F2B, s0  }
0xbe: {  	[sflag:s0] =	ssyncadd.remote.s32 $0x1  }
0xbf: {  	_ =	sfence.sel $0xFFFF  }
0xc0: {  	[dreg:$0x0] =	wrdreg $0xFFFFFFFF;
	(pc) =	sbr.abs _section_cstart, $3  }
0xc1: {  	[dreg:$0x1] =	wrdreg $0xFFFFFFFF  }
0xc2: {  	_ =	task.clear_ibuf [dreg:s7], $0x2FFFF;
	_ =	strace $0x9FFFFFFF  }
0xc3: {  	(tm) =	ssettm $0x7FFFFFFF  }
tec
execute0_lowered:
.L_overlay_start_1:
0x0: {  	(tag) =	ssettag $0x1  }
0x1: {  	s1 =	rddreg [dreg:$0x0]  }
0x2: {  	s6 =	rddreg [dreg:$0x1]  }
0x3: {  	s2 =	rddreg [dreg:$0x2];
	s3 =	srdreg.scid  }
0x4: {  	s0 =	rddreg [dreg:$0x3];
	s4 =	simm.s32 $0x0;
	s19 =	simm.s32 $0x1  }
0x5: {  	s20 =	simm.s32 $0x0;
	s12 =	sand.u32 $0x1, s3;
	s3 =	stileid.u32  }
0x6: {  	[smem:$0x7FF] =	sst s4;
	s13 =	sadd.s32 $0xEA00, s6;
	s7 =	smul.u32 $0x13C000, s12  }
0x7: {  	s14 =	sadd.s32 $0x4C00, s6;
	s5 =	sadd.s32 $0x18800, s6;
	s8 =	smul.u32 $0x13C00, s3  }
0x8: {  	_ =	strace $0x80000047;
	s25 =	ssub.s32 $0x2, s12;
	s9 =	smul.u32 $0x4F000, s3  }
0x9: {  	s28 =	sshll.u32 s3, $0x1;
	s30 =	sshll.u32 s3, $0x6;
	s17 =	smul.u32 $0x9C0, s3  }
0xa: {  	s18 =	smul.u32 $0x4E0, s12;
	p0 =	sgt.u32 s3, $0x1;
	s26 =	sshrl.u32 s25, $0x1  }
0xb: {  	s7 =	sadd.s32 s8, s7;
	s15 =	ssub.s32 s25, s26;
	s29 =	sshrl.u32 s9, $0x2  }
0xc: {  	s31 =	sadd.s32 s17, s13;
	s7 =	sshrl.u32 s7, $0x3;
	s16 =	sadd.s32 s29, s2  }
0xd: {  	s11 =	sadd.s32 s7, s6;
	s7 =	sor.u32 s12, s28;
	s12 =	smax.u32 s15, $0x1  }
0xe: {  	s15 =	sshrl.u32 s16, $0x3;
	s6 =	smul.u32 $0x4E, s7;
	s10 =	sshll.u32 s7, $0x4  }
0xf: {  	s16 =	simm.s32 $0x2;
	s7 =	sor.u32 $0x1C02, s30;
	s10 =	sor.u32 $0x9C00, s10  }
0x10: {  	s11 =	sadd.s32 $0x1B000, s11;
	s8 =	sadd.s32 $0x4E, s6;
	s9 =	sadd.s32 s13, s10  }
0x11: {  	s10 =	sadd.s32 s14, s10;
	s14 =	sadd.s32 s17, s14;
	s17 =	simm.s32 $0x80  }
0x12: {  	s13 =	sadd.s32 s18, s14;
	s14 =	sadd.s32 s18, s31;
	s18 =	simm.s32 $0x100  }
.LBB2_1:
0x13: {  	[spmem:s15], [sflag:s7] =	dma.local [hbm:s5], $0x2780  }
0x14: {  	_ =	swait.ge [sflag:s16], $0x2780  }
0x15: {  	[sflag:s16] =	ssyncset.done $0x0  }
0x16: {  	[sflag:s16] =	ssyncadd.s32 $0xFFFFD880  }
0x17: {  	[bflag:$0x0] =	sbarrier.arrive $0xFFFF  }
0x18: {  	[tilespmem:s4], [sflag:$0x2] =	stream.linear.gather [hbm4b:s14+s4], $0x80, $0x38;
	[tilespmem:$0x17D00] =	vst v63  }
0x19: {  	_ =	swait.ge [sflag:s16], $0x80  }
0x1a: {  	[sflag:s16] =	ssyncset.done $0x0  }
0x1b: {  	[sflag:s16] =	ssyncadd.s32 $0xFFFFFF80  }
0x1c: {  	[tilespmem:s17], [sflag:$0x2] =	stream.linear.gather [hbm4b:s13+s4], $0x80, $0x38;
	[tilespmem:$0x17D00] =	vst v63  }
0x1d: {  	_ =	swait.ge [sflag:s16], $0x80  }
0x1e: {  	[sflag:s16] =	ssyncset.done $0x0  }
0x1f: {  	s21 =	sadd.s32 $0x1, s6;
	[sflag:s16] =	ssyncadd.s32 $0xFFFFFF80  }
0x20: {  	[tilespmem:s18], [sflag:$0x1] =	stream.indirect.gather [hbm4b:s1+s17], $0x80, s4, s17, $0xb8;
	[tilespmem:$0x17D00] =	vst v63  }
0x21: {  	p1 =	slt.u32 s21, s8;
	_ =	swait.ge [sflag:s19], $0x4000  }
.Ltmp0:
0x22: {  	[sflag:s19] =	ssyncset.done $0x0;
	(pc) =	sbr.rel @!p1 .LBB2_3-.Ltmp0, $4  }
0x23: {  	[sflag:s19] =	ssyncadd.s32 $0xFFFFC000  }
0x24: {  	[spmem:s2] =	stream.indirect.scatter.add.f32 [tilespmem:s18], [sflag:$0x2], $0x80, s17, s17, $0xb8;
	[tilespmem:$0x17D00] =	vst v63  }
0x25: {  	_ =	swait.ge [sflag:s16], $0x4000  }
0x26: {  	s22 =	sadd.s32 $0x10, s14;
	s23 =	smov.u32 s13;
	[sflag:s16] =	ssyncset.done $0x0  }
.LBB2_2:
0x27: {  	s21 =	sadd.s32 $0x1, s21;
	[sflag:s16] =	ssyncadd.s32 $0xFFFFC000;
	s23 =	sadd.s32 $0x10, s23  }
0x28: {  	[tilespmem:s4], [sflag:$0x2] =	stream.linear.gather [hbm4b:s22+s4], $0x80, $0x38;
	[tilespmem:$0x17D00] =	vst v63  }
0x29: {  	p1 =	slt.u32 s21, s8;
	_ =	swait.ge [sflag:s16], $0x80  }
0x2a: {  	[sflag:s16] =	ssyncset.done $0x0  }
0x2b: {  	[sflag:s16] =	ssyncadd.s32 $0xFFFFFF80  }
0x2c: {  	[tilespmem:s17], [sflag:$0x2] =	stream.linear.gather [hbm4b:s23+s4], $0x80, $0x38;
	[tilespmem:$0x17D00] =	vst v63  }
0x2d: {  	_ =	swait.ge [sflag:s16], $0x80  }
0x2e: {  	[sflag:s16] =	ssyncset.done $0x0  }
0x2f: {  	[sflag:s16] =	ssyncadd.s32 $0xFFFFFF80  }
0x30: {  	[tilespmem:s18], [sflag:$0x1] =	stream.indirect.gather [hbm4b:s1+s17], $0x80, s4, s17, $0xb8;
	[tilespmem:$0x17D00] =	vst v63  }
0x31: {  	_ =	swait.ge [sflag:s19], $0x4000  }
.Ltmp1:
0x32: {  	[sflag:s19] =	ssyncset.done $0x0;
	(pc) =	sbr.rel @p1 .LBB2_2-.Ltmp1, $4  }
0x33: {  	[sflag:s19] =	ssyncadd.s32 $0xFFFFC000  }
0x34: {  	[spmem:s2] =	stream.indirect.scatter.add.f32 [tilespmem:s18], [sflag:$0x2], $0x80, s17, s17, $0xb8;
	[tilespmem:$0x17D00] =	vst v63  }
0x35: {  	_ =	swait.ge [sflag:s16], $0x4000  }
0x36: {  	s22 =	sadd.s32 $0x10, s22;
	[sflag:s16] =	ssyncset.done $0x0  }
.LBB2_3:
0x37: {  	[sflag:s16] =	ssyncadd.s32 $0xFFFFC000;
	s21 =	simm.s32 @!p0 $0x0;
	s22 =	simm.s32 @!p0 $0x2  }
0x38: {  	[tilespmem:s21], [sflag:$0x2] =	stream.linear.gather @!p0 [hbm4b:s9+s21], $0x80, $0x38;
	[tilespmem:$0x17D00] =	vst v63  }
0x39: {  	_ =	swait.ge @!p0 [sflag:s22], $0x80  }
0x3a: {  	[sflag:s22] =	ssyncset.done @!p0 $0x0  }
0x3b: {  	s23 =	simm.s32 @!p0 $0x80;
	[sflag:s22] =	ssyncadd.s32 @!p0 $0xFFFFFF80  }
0x3c: {  	[tilespmem:s23], [sflag:$0x2] =	stream.linear.gather @!p0 [hbm4b:s10+s21], $0x80, $0x38;
	[tilespmem:$0x17D00] =	vst v63  }
0x3d: {  	_ =	swait.ge @!p0 [sflag:s22], $0x80  }
0x3e: {  	[sflag:s22] =	ssyncset.done @!p0 $0x0  }
0x3f: {  	s24 =	simm.s32 @!p0 $0x100;
	[sflag:s22] =	ssyncadd.s32 @!p0 $0xFFFFFF80  }
0x40: {  	[tilespmem:s24], [sflag:$0x1] =	stream.indirect.gather @!p0 [hbm4b:s1+s23], $0x80, s21, s23, $0xb8;
	[tilespmem:$0x17D00] =	vst v63  }
0x41: {  	s21 =	simm.s32 @!p0 $0x1  }
0x42: {  	_ =	swait.ge @!p0 [sflag:s21], $0x4000  }
0x43: {  	[sflag:s21] =	ssyncset.done @!p0 $0x0  }
0x44: {  	[sflag:s21] =	ssyncadd.s32 @!p0 $0xFFFFC000  }
0x45: {  	[spmem:s2] =	stream.indirect.scatter.add.f32 @!p0 [tilespmem:s24], [sflag:$0x2], $0x80, s23, s23, $0xb8;
	[tilespmem:$0x17D00] =	vst v63  }
0x46: {  	_ =	swait.ge @!p0 [sflag:s22], $0x4000  }
0x47: {  	s20 =	sadd.s32 $0x1, s20;
	[sflag:s22] =	ssyncset.done @!p0 $0x0  }
0x48: {  	p1 =	sne.s32 s20, s12;
	[sflag:s22] =	ssyncadd.s32 @!p0 $0xFFFFC000  }
.Ltmp2:
0x49: {  	[bflag:$0x0] =	sbarrier.arrive $0xFFFF;
	(pc) =	sbr.rel @p1 .LBB2_1-.Ltmp2, $4  }
0x4a: {  	[hbm:s11], [sflag:s7] =	dma.local [spmem:s15], $0x2780  }
0x4b: {  	_ =	swait.ge [sflag:s16], $0x2780  }
0x4c: {  	[sflag:s16] =	ssyncset.done $0x0  }
0x4d: {  	[sflag:s16] =	ssyncadd.s32 $0xFFFFD880  }
0x4e: {  	_ =	sfence.sel $0x180000  }
0x4f: {  	[bflag:$0x0] =	sbarrier.arrive $0xFFFF  }
0x50: {  	p0 =	sne.s32 s3, $0x0;
	_ =	strace $0x90000047  }
0x51: {  	s0 =	sadd.s32 @!p0 $0x100000, s0;
	[bflag:$0x2] =	sbarrier.arrive $0xFFFF  }
0x52: {  	[sflag:s0] =	ssyncadd.tile.s32 @!p0 $0x1;
	_ =	shalt  }
.Lfunc_end2:
_tile_overlayer_lowered:
.L_overlay_start_2:
0x53: {  	(tag) =	ssettag $0x2  }
0x54: {  	s0 =	rddreg [dreg:$0x0];
	s2 =	stileid.u32  }
0x55: {  	s1 =	rddreg [dreg:$0x1];
	p0 =	sne.s32 s2, $0x0  }
0x56: {  	s3 =	rddreg [dreg:$0x2];
	[bflag:$0x3] =	sbarrier.arrive $0xFFFF;
	s2 =	simm.s32 @!p0 $0x1C02  }
0x57: {  	[timem:s3], [sflag:s2] =	dma.local @!p0 [hbm:s0], s1  }
0x58: {  	s0 =	simm.s32 @!p0 $0x2  }
0x59: {  	_ =	swait.ge @!p0 [sflag:s0], s1  }
0x5a: {  	s1 =	ssub.s32 @!p0 $0x0, s1;
	[sflag:s0] =	ssyncset.done @!p0 $0x0  }
0x5b: {  	[sflag:s0] =	ssyncadd.s32 @!p0 s1  }
0x5c: {  	[bflag:$0x3] =	sbarrier.arrive $0xFFFF  }
0x5d: {  	_ =	shalt  }

// kernel: kernel.16.cloned.1.call-start
scs
__scs_entry_jumppad:
0x0: {  	(pc) =	sbr.rel $0x88, $3  }
0x1: {  	(tag) =	ssettag $0x0;
	lr =	simm.s32 $0x1  }
0x2: {  	[smem:$0x3F94] =	sst lr;
	_ =	strace $0xD0000000  }
0x3: {  	_ = 	snop  }
0x4: {  	_ = 	snop  }
0x5: {  	_ = 	snop  }
0x6: {  	_ = 	snop  }
0x7: {  	_ = 	snop  }
__scs_overlays_trampoline_lowered:
0x8: {  	[smem:$0x3FA3] =	sst s0  }
0x9: {  	[smem:$0x3FA4] =	sst s1  }
0xa: {  	[smem:$0x3FA5] =	sst s2  }
0xb: {  	[smem:$0x3FA6] =	sst s3  }
0xc: {  	[smem:$0x3FA7] =	sst s4  }
0xd: {  	[smem:$0x3FA8] =	sst s5  }
0xe: {  	[smem:$0x3FA9] =	sst s6  }
0xf: {  	[smem:$0x3FAA] =	sst s7  }
0x10: {  	[smem:$0x3FAB] =	sst s8  }
0x11: {  	[smem:$0x3FAC] =	sst s9;
	s0 =	simm.s32 @!p0 $0x0  }
0x12: {  	s1 =	sld [smem:$0x3F92];
	s0 =	simm.s32 @p0 $0x1  }
0x13: {  	[smem:$0x3FAD] =	sst s0;
	s0 =	simm.s32 @!p1 $0x0  }
0x14: {  	s2 =	sld [smem:$0x3F91];
	s0 =	simm.s32 @p1 $0x1  }
0x15: {  	[smem:$0x3FAE] =	sst s0;
	s0 =	simm.s32 @!p2 $0x0  }
0x16: {  	s3 =	sld [smem:$0x3FDB];
	s0 =	simm.s32 @p2 $0x1  }
0x17: {  	s4 =	simm.s32 $0x1BF5;
	[smem:$0x3FB0] =	sst s0  }
0x18: {  	s0 =	sld [smem:$0x3F93];
	_ =	swait.ge [sflag:s4], $0x0  }
0x19: {  	s7 =	sld [smem:$0x3F94]  }
0x1a: {  	s8 =	sadd.s32 $0xFFFFE003, lr  }
0x1b: {  	s9 =	sadd.s32 $0xFFFFFEF7, lr;
	s5 =	simm.s32 $0xFFFFFFFF;
	p2 =	slt.u32 s8, $0xFFFFF086  }
0x1c: {  	p1 =	slt.u32 s9, $0xF7A;
	s5 =	simm.s32 @!p2 $0x0  }
0x1d: {  	s5 =	simm.s32 @p1 $0x1;
	p0 =	seq.s32 s7, s2  }
0x1e: {  	s7 =	smul.u32 @!p0 $0xF7A, s2;
	p2 =	seq.s32 @!p0 s5, $0x0  }
0x1f: {  	s9 =	smul.u32 $0xF7A, s1;
	s8 =	simm.s32 @!p0 $0x1BF5;
	p2 =	por !p2, p0  }
0x20: {  	[sflag:s8] =	ssyncset.s32 @!p0 $0xFFFFF086;
	s6 =	sadd.s32 @!p0 s3, s7;
	s7 =	simm.s32 @!p0 $0x108  }
0x21: {  	s3 =	sadd.s32 s3, s9;
	s6 =	sadd.s32 @!p0 $0x88, s6;
	s7 =	simm.s32 @p2 $0x1082  }
0x22: {  	[simem:s7], [sflag:s8] =	dma.local @!p0 [hbm:s6], $0xF7A  }
0x23: {  	s9 =	sor.u32 $0xD0000000, s2;
	s6 =	simm.s32 $0x108;
	_ =	swait.ge @!p0 [sflag:s8], $0x0  }
0x24: {  	s3 =	sadd.s32 $0x88, s3;
	s6 =	simm.s32 @!p1 $0x1082;
	[sflag:s4] =	ssyncset.s32 $0xFFFFF086  }
0x25: {  	[simem:s6], [sflag:s4] =	dma.local [hbm:s3], $0xF7A  }
0x26: {  	[smem:$0x3F94] =	sst s1;
	(tag) =	ssettag s2;
	_ =	strace s9  }
0x27: {  	s1 =	sld [smem:$0x3FA4]  }
0x28: {  	s2 =	sld [smem:$0x3FA5]  }
0x29: {  	s4 =	sld [smem:$0x3FA7]  }
0x2a: {  	p0 =	seq.s32 s5, $0x0;
	s5 =	sld [smem:$0x3FA8]  }
0x2b: {  	s6 =	sld [smem:$0x3FA9]  }
0x2c: {  	s7 =	sld [smem:$0x3FAA]  }
0x2d: {  	s3 =	simm.s32 $0x108;
	s8 =	sld [smem:$0x3FAB]  }
0x2e: {  	s3 =	simm.s32 @!p0 $0x1082;
	s9 =	sld [smem:$0x3FAC]  }
0x2f: {  	lr =	sadd.s32 s0, s3;
	s0 =	sld [smem:$0x3FA3]  }
0x30: {  	s3 =	sld [smem:$0x3FA6]  }
0x31: {  	[smem:$0x3FAF] =	sst s10  }
0x32: {  	s10 =	sld [smem:$0x3FAD];
	_ =	sdelay $0x3  }
0x33: {  	p0 =	seq.s32 s10, $0x1;
	s10 =	sld [smem:$0x3FAF];
	_ =	sdelay $0x3  }
0x34: {  	[smem:$0x3FAF] =	sst s10  }
0x35: {  	s10 =	sld [smem:$0x3FAE];
	_ =	sdelay $0x3  }
0x36: {  	p1 =	seq.s32 s10, $0x1;
	s10 =	sld [smem:$0x3FAF];
	_ =	sdelay $0x3  }
0x37: {  	[smem:$0x3FAF] =	sst s10  }
0x38: {  	s10 =	sld [smem:$0x3FB0]  }
0x39: {  	_ = 	snop;
	(pc) =	sbr.ind lr, $3  }
0x3a: {  	_ = 	snop  }
0x3b: {  	_ = 	snop  }
0x3c: {  	p2 =	seq.s32 s10, $0x1;
	s10 =	sld [smem:$0x3FAF]  }
0x3d: {  	_ =	shalt  }
0x3e: {  	_ =	shalt  }
0x3f: {  	_ =	shalt  }
0x40: {  	_ =	shalt  }
0x41: {  	_ =	shalt  }
0x42: {  	_ =	shalt  }
0x43: {  	_ =	shalt  }
0x44: {  	_ =	shalt  }
0x45: {  	_ =	shalt  }
0x46: {  	_ =	shalt  }
0x47: {  	_ =	shalt  }
0x48: {  	_ =	shalt  }
0x49: {  	_ =	shalt  }
0x4a: {  	_ =	shalt  }
0x4b: {  	_ =	shalt  }
0x4c: {  	_ =	shalt  }
0x4d: {  	_ =	shalt  }
0x4e: {  	_ =	shalt  }
0x4f: {  	_ =	shalt  }
0x50: {  	_ =	shalt  }
0x51: {  	_ =	shalt  }
0x52: {  	_ =	shalt  }
0x53: {  	_ =	shalt  }
0x54: {  	_ =	shalt  }
0x55: {  	_ =	shalt  }
0x56: {  	_ =	shalt  }
0x57: {  	_ =	shalt  }
0x58: {  	_ =	shalt  }
0x59: {  	_ =	shalt  }
0x5a: {  	_ =	shalt  }
0x5b: {  	_ =	shalt  }
0x5c: {  	_ =	shalt  }
0x5d: {  	_ =	shalt  }
0x5e: {  	_ =	shalt  }
0x5f: {  	_ =	shalt  }
0x60: {  	_ =	shalt  }
0x61: {  	_ =	shalt  }
0x62: {  	_ =	shalt  }
0x63: {  	_ =	shalt  }
0x64: {  	_ =	shalt  }
0x65: {  	_ =	shalt  }
0x66: {  	_ =	shalt  }
0x67: {  	_ =	shalt  }
0x68: {  	_ =	shalt  }
0x69: {  	_ =	shalt  }
0x6a: {  	_ =	shalt  }
0x6b: {  	_ =	shalt  }
0x6c: {  	_ =	shalt  }
0x6d: {  	_ =	shalt  }
0x6e: {  	_ =	shalt  }
0x6f: {  	_ =	shalt  }
0x70: {  	_ =	shalt  }
0x71: {  	_ =	shalt  }
0x72: {  	_ =	shalt  }
0x73: {  	_ =	shalt  }
0x74: {  	_ =	shalt  }
0x75: {  	_ =	shalt  }
0x76: {  	_ =	shalt  }
0x77: {  	_ =	shalt  }
0x78: {  	_ =	shalt  }
0x79: {  	_ =	shalt  }
0x7a: {  	_ =	shalt  }
0x7b: {  	_ =	shalt  }
0x7c: {  	_ =	shalt  }
0x7d: {  	_ =	shalt  }
0x7e: {  	_ =	shalt  }
0x7f: {  	_ =	shalt  }
0x80: {  	_ =	shalt  }
0x81: {  	_ =	shalt  }
0x82: {  	_ =	shalt  }
0x83: {  	_ =	shalt  }
0x84: {  	_ =	shalt  }
0x85: {  	_ =	shalt  }
0x86: {  	_ =	shalt  }
0x87: {  	_ =	shalt  }
.Lfunc_end0:
.L_simem_size_0:
called_computation.1_lowered:
.L_overlay_start_0:
0x88: {  	s2 =	sld [smem:$0x3FD9]  }
0x89: {  	s3 =	sld [smem:$0x3FFE];
	_ =	sdelay $0x1  }
0x8a: {  	s1 =	srdreg.scid  }
0x8b: {  	s0 =	sand.u32 $0x1, s1  }
0x8c: {  	s14 =	sshll.u32 s0, $0xA;
	s2 =	sadd.s32 s3, s2  }
0x8d: {  	s2 =	sadd.s32 s2, s14  }
0x8e: {  	[smem:$0x3FBB] =	sst s2  }
0x8f: {  	_ = 	snop  }
0x90: {  	s2 =	sld [smem:$0x3FD0];
	_ =	sdelay $0x2  }
0x91: {  	s15 =	simm.s32 $0xA;
	s4 =	simm.s32 $0x10  }
0x92: {  	[smem:s4], [sflag:s15] =	dma.local [hbm:s2], $0x1  }
0x93: {  	_ =	swait.eq [sflag:s15], $0x1  }
0x94: {  	[sflag:s15] =	ssyncset.done $0x0  }
0x95: {  	[sflag:s15] =	ssyncadd.s32 $0xFFFFFFFF  }
0x96: {  	s16 =	sld [smem:$0x11];
	(tm) =	ssettm $0x1  }
0x97: {  	s17 =	sld [smem:$0x3FFB];
	_ =	sdelay $0x3  }
0x98: {  	_ =	strace s17  }
0x99: {  	s3 =	sld [smem:$0x3FFC];
	_ =	sdelay $0x3  }
0x9a: {  	_ =	strace s3  }
0x9b: {  	s3 =	sld [smem:$0x3FFD];
	_ =	sdelay $0x3  }
0x9c: {  	_ =	strace s3  }
0x9d: {  	_ =	strace $0x8FFFFFFF  }
0x9e: {  	s18 =	sld [smem:$0x3FDB];
	_ =	sdelay $0x1  }
0x9f: {  	s19 =	simm.s32 $_scs_section_size  }
0xa0: {  	s5 =	simm.s32 $_size__tile_overlayer_lowered;
	s6 =	simm.s32 $_tile_overlayer_lowered  }
0xa1: {  	s22 =	simm.s32 $0x1BFF;
	s21 =	sshll.u32 s6, $0x1;
	s3 =	sadd.s32 s19, s18  }
0xa2: {  	s7 =	simm.s32 $0x0;
	s20 =	sshll.u32 s5, $0x1;
	s5 =	sadd.s32 s21, s3  }
0xa3: {  	[timem:s7], [sflag:s22] =	dma.local [hbm:s5], s20  }
0xa4: {  	_ =	swait.ge [sflag:s22], s20  }
0xa5: {  	s4 =	ssub.s32 $0x0, s20;
	[sflag:s22] =	ssyncset.done $0x0  }
0xa6: {  	[sflag:s22] =	ssyncadd.s32 s4;
	_ =	sdelay $0x1  }
0xa7: {  	s23 =	simm.s32 $0x1B8B  }
0xa8: {  	_ =	swait.ge [sflag:s23], $0x1  }
0xa9: {  	[sflag:s23] =	ssyncset.done $0x0  }
0xaa: {  	s25 =	simm.s32 $0x1B8E;
	s24 =	sld [smem:$0x3FFE];
	[sflag:s23] =	ssyncadd.s32 $0xFFFFFFFF  }
0xab: {  	s26 =	simm.s32 $execute0_lowered;
	[smem:$0x3FD2] =	sst s25  }
0xac: {  	s5 =	sshll.u32 s26, $0x1;
	_ =	strace $0x80000049;
	[dreg:$0x1] =	wrdreg $0xFFFFFFFF  }
0xad: {  	s28 =	simm.s32 $_size_execute0_lowered;
	s3 =	sadd.s32 s3, s5;
	[dreg:$0x0] =	wrdreg $0x0  }
0xae: {  	s5 =	sshll.u32 s28, $0x1;
	[dreg:$0x2] =	wrdreg s3  }
0xaf: {  	[dreg:$0x3] =	wrdreg s5  }
0xb0: {  	[dreg:$0x4] =	wrdreg $0xC0  }
0xb1: {  	_ =	task [dreg:s7], $0x5FFFF  }
0xb2: {  	[dreg:$0x1] =	wrdreg $0xFFFFFFFF  }
0xb3: {  	[dreg:$0x0] =	wrdreg $0x60  }
0xb4: {  	[dreg:$0x2] =	wrdreg s16  }
0xb5: {  	[dreg:$0x3] =	wrdreg s24  }
0xb6: {  	[dreg:$0x4] =	wrdreg $0x41000  }
0xb7: {  	[dreg:$0x5] =	wrdreg $0x9  }
0xb8: {  	_ =	task.clear_ibuf [dreg:s7], $0x6FFFF;
	_ =	strace $0x90000049  }
0xb9: {  	s29 =	simm.s32 $0x9;
	_ =	strace $0x8000004B  }
0xba: {  	_ =	swait.ge [sflag:s29], $0x1  }
0xbb: {  	[sflag:s29] =	ssyncadd.s32 $0xFFFFFFFF  }
0xbc: {  	_ =	strace $0x9000004B  }
0xbd: {  	_ =	sfence  }
0xbe: {  	s30 =	sld [smem:$0x0];
	_ =	sdelay $0x2  }
0xbf: {  	s31 =	sshll.u32 s1, $0xD;
	s1 =	sshrl.u32 s1, $0x2  }
0xc0: {  	s3 =	sand.u32 $0x4000, s31;
	s1 =	sadd.s32 s1, s30  }
0xc1: {  	s0 =	sor.u32 s3, s0;
	s1 =	sshll.u32 s1, $0x11  }
0xc2: {  	s0 =	sor.u32 s1, s0  }
0xc3: {  	s0 =	sadd.s32 $0x8F2B, s0  }
0xc4: {  	[sflag:s0] =	ssyncadd.remote.s32 $0x1  }
0xc5: {  	_ =	sfence.sel $0xFFFF  }
0xc6: {  	[dreg:$0x0] =	wrdreg $0xFFFFFFFF;
	(pc) =	sbr.abs _section_cstart, $3  }
0xc7: {  	[dreg:$0x1] =	wrdreg $0xFFFFFFFF  }
0xc8: {  	_ =	task.clear_ibuf [dreg:s7], $0x2FFFF;
	_ =	strace $0x9FFFFFFF  }
0xc9: {  	(tm) =	ssettm $0x7FFFFFFF  }
tec
execute0_lowered:
.L_overlay_start_1:
0x0: {  	(tag) =	ssettag $0x1  }
0x1: {  	s1 =	rddreg [dreg:$0x0]  }
0x2: {  	s6 =	rddreg [dreg:$0x1]  }
0x3: {  	s2 =	rddreg [dreg:$0x2];
	s3 =	srdreg.scid  }
0x4: {  	s0 =	rddreg [dreg:$0x3];
	s4 =	simm.s32 $0x0;
	s19 =	simm.s32 $0x1  }
0x5: {  	s20 =	simm.s32 $0x0;
	s12 =	sand.u32 $0x1, s3;
	s3 =	stileid.u32  }
0x6: {  	[smem:$0x7FF] =	sst s4;
	s13 =	sadd.s32 $0xEA00, s6;
	s7 =	smul.u32 $0x13C000, s12  }
0x7: {  	s14 =	sadd.s32 $0x4C00, s6;
	s5 =	sadd.s32 $0x18800, s6;
	s8 =	smul.u32 $0x13C00, s3  }
0x8: {  	_ =	strace $0x8000004A;
	s25 =	ssub.s32 $0x2, s12;
	s9 =	smul.u32 $0x4F000, s3  }
0x9: {  	s28 =	sshll.u32 s3, $0x1;
	s30 =	sshll.u32 s3, $0x6;
	s17 =	smul.u32 $0x9C0, s3  }
0xa: {  	s18 =	smul.u32 $0x4E0, s12;
	p0 =	sgt.u32 s3, $0x1;
	s26 =	sshrl.u32 s25, $0x1  }
0xb: {  	s7 =	sadd.s32 s8, s7;
	s15 =	ssub.s32 s25, s26;
	s29 =	sshrl.u32 s9, $0x2  }
0xc: {  	s31 =	sadd.s32 s17, s13;
	s7 =	sshrl.u32 s7, $0x3;
	s16 =	sadd.s32 s29, s2  }
0xd: {  	s11 =	sadd.s32 s7, s6;
	s7 =	sor.u32 s12, s28;
	s12 =	smax.u32 s15, $0x1  }
0xe: {  	s15 =	sshrl.u32 s16, $0x3;
	s6 =	smul.u32 $0x4E, s7;
	s10 =	sshll.u32 s7, $0x4  }
0xf: {  	s16 =	simm.s32 $0x2;
	s7 =	sor.u32 $0x1C02, s30;
	s10 =	sor.u32 $0x9C00, s10  }
0x10: {  	s11 =	sadd.s32 $0x1B000, s11;
	s8 =	sadd.s32 $0x4E, s6;
	s9 =	sadd.s32 s13, s10  }
0x11: {  	s10 =	sadd.s32 s14, s10;
	s14 =	sadd.s32 s17, s14;
	s17 =	simm.s32 $0x80  }
0x12: {  	s13 =	sadd.s32 s18, s14;
	s14 =	sadd.s32 s18, s31;
	s18 =	simm.s32 $0x100  }
.LBB2_1:
0x13: {  	[spmem:s15], [sflag:s7] =	dma.local [hbm:s5], $0x2780  }
0x14: {  	_ =	swait.ge [sflag:s16], $0x2780  }
0x15: {  	[sflag:s16] =	ssyncset.done $0x0  }
0x16: {  	[sflag:s16] =	ssyncadd.s32 $0xFFFFD880  }
0x17: {  	[bflag:$0x0] =	sbarrier.arrive $0xFFFF  }
0x18: {  	[tilespmem:s4], [sflag:$0x2] =	stream.linear.gather [hbm4b:s14+s4], $0x80, $0x38;
	[tilespmem:$0x17D00] =	vst v63  }
0x19: {  	_ =	swait.ge [sflag:s16], $0x80  }
0x1a: {  	[sflag:s16] =	ssyncset.done $0x0  }
0x1b: {  	[sflag:s16] =	ssyncadd.s32 $0xFFFFFF80  }
0x1c: {  	[tilespmem:s17], [sflag:$0x2] =	stream.linear.gather [hbm4b:s13+s4], $0x80, $0x38;
	[tilespmem:$0x17D00] =	vst v63  }
0x1d: {  	_ =	swait.ge [sflag:s16], $0x80  }
0x1e: {  	[sflag:s16] =	ssyncset.done $0x0  }
0x1f: {  	s21 =	sadd.s32 $0x1, s6;
	[sflag:s16] =	ssyncadd.s32 $0xFFFFFF80  }
0x20: {  	[tilespmem:s18], [sflag:$0x1] =	stream.indirect.gather [hbm4b:s1+s17], $0x80, s4, s17, $0xb8;
	[tilespmem:$0x17D00] =	vst v63  }
0x21: {  	p1 =	slt.u32 s21, s8;
	_ =	swait.ge [sflag:s19], $0x4000  }
.Ltmp0:
0x22: {  	[sflag:s19] =	ssyncset.done $0x0;
	(pc) =	sbr.rel @!p1 .LBB2_3-.Ltmp0, $4  }
0x23: {  	[sflag:s19] =	ssyncadd.s32 $0xFFFFC000  }
0x24: {  	[spmem:s2] =	stream.indirect.scatter.add.f32 [tilespmem:s18], [sflag:$0x2], $0x80, s17, s17, $0xb8;
	[tilespmem:$0x17D00] =	vst v63  }
0x25: {  	_ =	swait.ge [sflag:s16], $0x4000  }
0x26: {  	s22 =	sadd.s32 $0x10, s14;
	s23 =	smov.u32 s13;
	[sflag:s16] =	ssyncset.done $0x0  }
.LBB2_2:
0x27: {  	s21 =	sadd.s32 $0x1, s21;
	[sflag:s16] =	ssyncadd.s32 $0xFFFFC000;
	s23 =	sadd.s32 $0x10, s23  }
0x28: {  	[tilespmem:s4], [sflag:$0x2] =	stream.linear.gather [hbm4b:s22+s4], $0x80, $0x38;
	[tilespmem:$0x17D00] =	vst v63  }
0x29: {  	p1 =	slt.u32 s21, s8;
	_ =	swait.ge [sflag:s16], $0x80  }
0x2a: {  	[sflag:s16] =	ssyncset.done $0x0  }
0x2b: {  	[sflag:s16] =	ssyncadd.s32 $0xFFFFFF80  }
0x2c: {  	[tilespmem:s17], [sflag:$0x2] =	stream.linear.gather [hbm4b:s23+s4], $0x80, $0x38;
	[tilespmem:$0x17D00] =	vst v63  }
0x2d: {  	_ =	swait.ge [sflag:s16], $0x80  }
0x2e: {  	[sflag:s16] =	ssyncset.done $0x0  }
0x2f: {  	[sflag:s16] =	ssyncadd.s32 $0xFFFFFF80  }
0x30: {  	[tilespmem:s18], [sflag:$0x1] =	stream.indirect.gather [hbm4b:s1+s17], $0x80, s4, s17, $0xb8;
	[tilespmem:$0x17D00] =	vst v63  }
0x31: {  	_ =	swait.ge [sflag:s19], $0x4000  }
.Ltmp1:
0x32: {  	[sflag:s19] =	ssyncset.done $0x0;
	(pc) =	sbr.rel @p1 .LBB2_2-.Ltmp1, $4  }
0x33: {  	[sflag:s19] =	ssyncadd.s32 $0xFFFFC000  }
0x34: {  	[spmem:s2] =	stream.indirect.scatter.add.f32 [tilespmem:s18], [sflag:$0x2], $0x80, s17, s17, $0xb8;
	[tilespmem:$0x17D00] =	vst v63  }
0x35: {  	_ =	swait.ge [sflag:s16], $0x4000  }
0x36: {  	s22 =	sadd.s32 $0x10, s22;
	[sflag:s16] =	ssyncset.done $0x0  }
.LBB2_3:
0x37: {  	[sflag:s16] =	ssyncadd.s32 $0xFFFFC000;
	s21 =	simm.s32 @!p0 $0x0;
	s22 =	simm.s32 @!p0 $0x2  }
0x38: {  	[tilespmem:s21], [sflag:$0x2] =	stream.linear.gather @!p0 [hbm4b:s9+s21], $0x80, $0x38;
	[tilespmem:$0x17D00] =	vst v63  }
0x39: {  	_ =	swait.ge @!p0 [sflag:s22], $0x80  }
0x3a: {  	[sflag:s22] =	ssyncset.done @!p0 $0x0  }
0x3b: {  	s23 =	simm.s32 @!p0 $0x80;
	[sflag:s22] =	ssyncadd.s32 @!p0 $0xFFFFFF80  }
0x3c: {  	[tilespmem:s23], [sflag:$0x2] =	stream.linear.gather @!p0 [hbm4b:s10+s21], $0x80, $0x38;
	[tilespmem:$0x17D00] =	vst v63  }
0x3d: {  	_ =	swait.ge @!p0 [sflag:s22], $0x80  }
0x3e: {  	[sflag:s22] =	ssyncset.done @!p0 $0x0  }
0x3f: {  	s24 =	simm.s32 @!p0 $0x100;
	[sflag:s22] =	ssyncadd.s32 @!p0 $0xFFFFFF80  }
0x40: {  	[tilespmem:s24], [sflag:$0x1] =	stream.indirect.gather @!p0 [hbm4b:s1+s23], $0x80, s21, s23, $0xb8;
	[tilespmem:$0x17D00] =	vst v63  }
0x41: {  	s21 =	simm.s32 @!p0 $0x1  }
0x42: {  	_ =	swait.ge @!p0 [sflag:s21], $0x4000  }
0x43: {  	[sflag:s21] =	ssyncset.done @!p0 $0x0  }
0x44: {  	[sflag:s21] =	ssyncadd.s32 @!p0 $0xFFFFC000  }
0x45: {  	[spmem:s2] =	stream.indirect.scatter.add.f32 @!p0 [tilespmem:s24], [sflag:$0x2], $0x80, s23, s23, $0xb8;
	[tilespmem:$0x17D00] =	vst v63  }
0x46: {  	_ =	swait.ge @!p0 [sflag:s22], $0x4000  }
0x47: {  	s20 =	sadd.s32 $0x1, s20;
	[sflag:s22] =	ssyncset.done @!p0 $0x0  }
0x48: {  	p1 =	sne.s32 s20, s12;
	[sflag:s22] =	ssyncadd.s32 @!p0 $0xFFFFC000  }
.Ltmp2:
0x49: {  	[bflag:$0x0] =	sbarrier.arrive $0xFFFF;
	(pc) =	sbr.rel @p1 .LBB2_1-.Ltmp2, $4  }
0x4a: {  	[hbm:s11], [sflag:s7] =	dma.local [spmem:s15], $0x2780  }
0x4b: {  	_ =	swait.ge [sflag:s16], $0x2780  }
0x4c: {  	[sflag:s16] =	ssyncset.done $0x0  }
0x4d: {  	[sflag:s16] =	ssyncadd.s32 $0xFFFFD880  }
0x4e: {  	_ =	sfence.sel $0x180000  }
0x4f: {  	[bflag:$0x0] =	sbarrier.arrive $0xFFFF  }
0x50: {  	p0 =	sne.s32 s3, $0x0;
	_ =	strace $0x9000004A  }
0x51: {  	s0 =	sadd.s32 @!p0 $0x100000, s0;
	[bflag:$0x2] =	sbarrier.arrive $0xFFFF  }
0x52: {  	[sflag:s0] =	ssyncadd.tile.s32 @!p0 $0x1;
	_ =	shalt  }
.Lfunc_end2:
_tile_overlayer_lowered:
.L_overlay_start_2:
0x53: {  	(tag) =	ssettag $0x2  }
0x54: {  	s0 =	rddreg [dreg:$0x0];
	s2 =	stileid.u32  }
0x55: {  	s1 =	rddreg [dreg:$0x1];
	p0 =	sne.s32 s2, $0x0  }
0x56: {  	s3 =	rddreg [dreg:$0x2];
	[bflag:$0x3] =	sbarrier.arrive $0xFFFF;
	s2 =	simm.s32 @!p0 $0x1C02  }
0x57: {  	[timem:s3], [sflag:s2] =	dma.local @!p0 [hbm:s0], s1  }
0x58: {  	s0 =	simm.s32 @!p0 $0x2  }
0x59: {  	_ =	swait.ge @!p0 [sflag:s0], s1  }
0x5a: {  	s1 =	ssub.s32 @!p0 $0x0, s1;
	[sflag:s0] =	ssyncset.done @!p0 $0x0  }
0x5b: {  	[sflag:s0] =	ssyncadd.s32 @!p0 s1  }
0x5c: {  	[bflag:$0x3] =	sbarrier.arrive $0xFFFF  }
0x5d: {  	_ =	shalt  }

// kernel: kernel.19.cloned.1.call-start
scs
__scs_entry_jumppad:
0x0: {  	(pc) =	sbr.rel $0x88, $3  }
0x1: {  	(tag) =	ssettag $0x0;
	lr =	simm.s32 $0x1  }
0x2: {  	[smem:$0x3F94] =	sst lr;
	_ =	strace $0xD0000000  }
0x3: {  	_ = 	snop  }
0x4: {  	_ = 	snop  }
0x5: {  	_ = 	snop  }
0x6: {  	_ = 	snop  }
0x7: {  	_ = 	snop  }
__scs_overlays_trampoline_lowered:
0x8: {  	[smem:$0x3FA3] =	sst s0  }
0x9: {  	[smem:$0x3FA4] =	sst s1  }
0xa: {  	[smem:$0x3FA5] =	sst s2  }
0xb: {  	[smem:$0x3FA6] =	sst s3  }
0xc: {  	[smem:$0x3FA7] =	sst s4  }
0xd: {  	[smem:$0x3FA8] =	sst s5  }
0xe: {  	[smem:$0x3FA9] =	sst s6  }
0xf: {  	[smem:$0x3FAA] =	sst s7  }
0x10: {  	[smem:$0x3FAB] =	sst s8  }
0x11: {  	[smem:$0x3FAC] =	sst s9;
	s0 =	simm.s32 @!p0 $0x0  }
0x12: {  	s1 =	sld [smem:$0x3F92];
	s0 =	simm.s32 @p0 $0x1  }
0x13: {  	[smem:$0x3FAD] =	sst s0;
	s0 =	simm.s32 @!p1 $0x0  }
0x14: {  	s2 =	sld [smem:$0x3F91];
	s0 =	simm.s32 @p1 $0x1  }
0x15: {  	[smem:$0x3FAE] =	sst s0;
	s0 =	simm.s32 @!p2 $0x0  }
0x16: {  	s3 =	sld [smem:$0x3FDB];
	s0 =	simm.s32 @p2 $0x1  }
0x17: {  	s4 =	simm.s32 $0x1BF5;
	[smem:$0x3FB0] =	sst s0  }
0x18: {  	s0 =	sld [smem:$0x3F93];
	_ =	swait.ge [sflag:s4], $0x0  }
0x19: {  	s7 =	sld [smem:$0x3F94]  }
0x1a: {  	s8 =	sadd.s32 $0xFFFFE003, lr  }
0x1b: {  	s9 =	sadd.s32 $0xFFFFFEF7, lr;
	s5 =	simm.s32 $0xFFFFFFFF;
	p2 =	slt.u32 s8, $0xFFFFF086  }
0x1c: {  	p1 =	slt.u32 s9, $0xF7A;
	s5 =	simm.s32 @!p2 $0x0  }
0x1d: {  	s5 =	simm.s32 @p1 $0x1;
	p0 =	seq.s32 s7, s2  }
0x1e: {  	s7 =	smul.u32 @!p0 $0xF7A, s2;
	p2 =	seq.s32 @!p0 s5, $0x0  }
0x1f: {  	s9 =	smul.u32 $0xF7A, s1;
	s8 =	simm.s32 @!p0 $0x1BF5;
	p2 =	por !p2, p0  }
0x20: {  	[sflag:s8] =	ssyncset.s32 @!p0 $0xFFFFF086;
	s6 =	sadd.s32 @!p0 s3, s7;
	s7 =	simm.s32 @!p0 $0x108  }
0x21: {  	s3 =	sadd.s32 s3, s9;
	s6 =	sadd.s32 @!p0 $0x88, s6;
	s7 =	simm.s32 @p2 $0x1082  }
0x22: {  	[simem:s7], [sflag:s8] =	dma.local @!p0 [hbm:s6], $0xF7A  }
0x23: {  	s9 =	sor.u32 $0xD0000000, s2;
	s6 =	simm.s32 $0x108;
	_ =	swait.ge @!p0 [sflag:s8], $0x0  }
0x24: {  	s3 =	sadd.s32 $0x88, s3;
	s6 =	simm.s32 @!p1 $0x1082;
	[sflag:s4] =	ssyncset.s32 $0xFFFFF086  }
0x25: {  	[simem:s6], [sflag:s4] =	dma.local [hbm:s3], $0xF7A  }
0x26: {  	[smem:$0x3F94] =	sst s1;
	(tag) =	ssettag s2;
	_ =	strace s9  }
0x27: {  	s1 =	sld [smem:$0x3FA4]  }
0x28: {  	s2 =	sld [smem:$0x3FA5]  }
0x29: {  	s4 =	sld [smem:$0x3FA7]  }
0x2a: {  	p0 =	seq.s32 s5, $0x0;
	s5 =	sld [smem:$0x3FA8]  }
0x2b: {  	s6 =	sld [smem:$0x3FA9]  }
0x2c: {  	s7 =	sld [smem:$0x3FAA]  }
0x2d: {  	s3 =	simm.s32 $0x108;
	s8 =	sld [smem:$0x3FAB]  }
0x2e: {  	s3 =	simm.s32 @!p0 $0x1082;
	s9 =	sld [smem:$0x3FAC]  }
0x2f: {  	lr =	sadd.s32 s0, s3;
	s0 =	sld [smem:$0x3FA3]  }
0x30: {  	s3 =	sld [smem:$0x3FA6]  }
0x31: {  	[smem:$0x3FAF] =	sst s10  }
0x32: {  	s10 =	sld [smem:$0x3FAD];
	_ =	sdelay $0x3  }
0x33: {  	p0 =	seq.s32 s10, $0x1;
	s10 =	sld [smem:$0x3FAF];
	_ =	sdelay $0x3  }
0x34: {  	[smem:$0x3FAF] =	sst s10  }
0x35: {  	s10 =	sld [smem:$0x3FAE];
	_ =	sdelay $0x3  }
0x36: {  	p1 =	seq.s32 s10, $0x1;
	s10 =	sld [smem:$0x3FAF];
	_ =	sdelay $0x3  }
0x37: {  	[smem:$0x3FAF] =	sst s10  }
0x38: {  	s10 =	sld [smem:$0x3FB0]  }
0x39: {  	_ = 	snop;
	(pc) =	sbr.ind lr, $3  }
0x3a: {  	_ = 	snop  }
0x3b: {  	_ = 	snop  }
0x3c: {  	p2 =	seq.s32 s10, $0x1;
	s10 =	sld [smem:$0x3FAF]  }
0x3d: {  	_ =	shalt  }
0x3e: {  	_ =	shalt  }
0x3f: {  	_ =	shalt  }
0x40: {  	_ =	shalt  }
0x41: {  	_ =	shalt  }
0x42: {  	_ =	shalt  }
0x43: {  	_ =	shalt  }
0x44: {  	_ =	shalt  }
0x45: {  	_ =	shalt  }
0x46: {  	_ =	shalt  }
0x47: {  	_ =	shalt  }
0x48: {  	_ =	shalt  }
0x49: {  	_ =	shalt  }
0x4a: {  	_ =	shalt  }
0x4b: {  	_ =	shalt  }
0x4c: {  	_ =	shalt  }
0x4d: {  	_ =	shalt  }
0x4e: {  	_ =	shalt  }
0x4f: {  	_ =	shalt  }
0x50: {  	_ =	shalt  }
0x51: {  	_ =	shalt  }
0x52: {  	_ =	shalt  }
0x53: {  	_ =	shalt  }
0x54: {  	_ =	shalt  }
0x55: {  	_ =	shalt  }
0x56: {  	_ =	shalt  }
0x57: {  	_ =	shalt  }
0x58: {  	_ =	shalt  }
0x59: {  	_ =	shalt  }
0x5a: {  	_ =	shalt  }
0x5b: {  	_ =	shalt  }
0x5c: {  	_ =	shalt  }
0x5d: {  	_ =	shalt  }
0x5e: {  	_ =	shalt  }
0x5f: {  	_ =	shalt  }
0x60: {  	_ =	shalt  }
0x61: {  	_ =	shalt  }
0x62: {  	_ =	shalt  }
0x63: {  	_ =	shalt  }
0x64: {  	_ =	shalt  }
0x65: {  	_ =	shalt  }
0x66: {  	_ =	shalt  }
0x67: {  	_ =	shalt  }
0x68: {  	_ =	shalt  }
0x69: {  	_ =	shalt  }
0x6a: {  	_ =	shalt  }
0x6b: {  	_ =	shalt  }
0x6c: {  	_ =	shalt  }
0x6d: {  	_ =	shalt  }
0x6e: {  	_ =	shalt  }
0x6f: {  	_ =	shalt  }
0x70: {  	_ =	shalt  }
0x71: {  	_ =	shalt  }
0x72: {  	_ =	shalt  }
0x73: {  	_ =	shalt  }
0x74: {  	_ =	shalt  }
0x75: {  	_ =	shalt  }
0x76: {  	_ =	shalt  }
0x77: {  	_ =	shalt  }
0x78: {  	_ =	shalt  }
0x79: {  	_ =	shalt  }
0x7a: {  	_ =	shalt  }
0x7b: {  	_ =	shalt  }
0x7c: {  	_ =	shalt  }
0x7d: {  	_ =	shalt  }
0x7e: {  	_ =	shalt  }
0x7f: {  	_ =	shalt  }
0x80: {  	_ =	shalt  }
0x81: {  	_ =	shalt  }
0x82: {  	_ =	shalt  }
0x83: {  	_ =	shalt  }
0x84: {  	_ =	shalt  }
0x85: {  	_ =	shalt  }
0x86: {  	_ =	shalt  }
0x87: {  	_ =	shalt  }
.Lfunc_end0:
.L_simem_size_0:
called_computation.2_lowered:
.L_overlay_start_0:
0x88: {  	s2 =	sld [smem:$0x3FD9]  }
0x89: {  	s3 =	sld [smem:$0x3FFE];
	_ =	sdelay $0x1  }
0x8a: {  	s1 =	srdreg.scid  }
0x8b: {  	s0 =	sand.u32 $0x1, s1  }
0x8c: {  	s14 =	sshll.u32 s0, $0xA;
	s2 =	sadd.s32 s3, s2  }
0x8d: {  	s2 =	sadd.s32 s2, s14  }
0x8e: {  	[smem:$0x3FBB] =	sst s2  }
0x8f: {  	_ = 	snop  }
0x90: {  	s2 =	sld [smem:$0x3FD0];
	_ =	sdelay $0x2  }
0x91: {  	s15 =	simm.s32 $0xA;
	s4 =	simm.s32 $0x10  }
0x92: {  	[smem:s4], [sflag:s15] =	dma.local [hbm:s2], $0x1  }
0x93: {  	_ =	swait.eq [sflag:s15], $0x1  }
0x94: {  	[sflag:s15] =	ssyncset.done $0x0  }
0x95: {  	[sflag:s15] =	ssyncadd.s32 $0xFFFFFFFF  }
0x96: {  	s16 =	sld [smem:$0x11];
	(tm) =	ssettm $0x1  }
0x97: {  	s17 =	sld [smem:$0x3FFB];
	_ =	sdelay $0x3  }
0x98: {  	_ =	strace s17  }
0x99: {  	s3 =	sld [smem:$0x3FFC];
	_ =	sdelay $0x3  }
0x9a: {  	_ =	strace s3  }
0x9b: {  	s3 =	sld [smem:$0x3FFD];
	_ =	sdelay $0x3  }
0x9c: {  	_ =	strace s3  }
0x9d: {  	_ =	strace $0x8FFFFFFF  }
0x9e: {  	s18 =	sld [smem:$0x3FDB];
	_ =	sdelay $0x1  }
0x9f: {  	s19 =	simm.s32 $_scs_section_size  }
0xa0: {  	s5 =	simm.s32 $_size__tile_overlayer_lowered;
	s6 =	simm.s32 $_tile_overlayer_lowered  }
0xa1: {  	s22 =	simm.s32 $0x1BFF;
	s21 =	sshll.u32 s6, $0x1;
	s3 =	sadd.s32 s19, s18  }
0xa2: {  	s7 =	simm.s32 $0x0;
	s20 =	sshll.u32 s5, $0x1;
	s5 =	sadd.s32 s21, s3  }
0xa3: {  	[timem:s7], [sflag:s22] =	dma.local [hbm:s5], s20  }
0xa4: {  	_ =	swait.ge [sflag:s22], s20  }
0xa5: {  	s4 =	ssub.s32 $0x0, s20;
	[sflag:s22] =	ssyncset.done $0x0  }
0xa6: {  	[sflag:s22] =	ssyncadd.s32 s4;
	_ =	sdelay $0x1  }
0xa7: {  	s23 =	simm.s32 $0x1B8B  }
0xa8: {  	_ =	swait.ge [sflag:s23], $0x1  }
0xa9: {  	[sflag:s23] =	ssyncset.done $0x0  }
0xaa: {  	s25 =	simm.s32 $0x1B8E;
	s24 =	sld [smem:$0x3FFE];
	[sflag:s23] =	ssyncadd.s32 $0xFFFFFFFF  }
0xab: {  	s26 =	simm.s32 $execute0_lowered;
	[smem:$0x3FD2] =	sst s25  }
0xac: {  	s5 =	sshll.u32 s26, $0x1;
	_ =	strace $0x8000004C;
	[dreg:$0x1] =	wrdreg $0xFFFFFFFF  }
0xad: {  	s28 =	simm.s32 $_size_execute0_lowered;
	s3 =	sadd.s32 s3, s5;
	[dreg:$0x0] =	wrdreg $0x0  }
0xae: {  	s5 =	sshll.u32 s28, $0x1;
	[dreg:$0x2] =	wrdreg s3  }
0xaf: {  	[dreg:$0x3] =	wrdreg s5  }
0xb0: {  	[dreg:$0x4] =	wrdreg $0xC0  }
0xb1: {  	_ =	task [dreg:s7], $0x5FFFF  }
0xb2: {  	[dreg:$0x1] =	wrdreg $0xFFFFFFFF  }
0xb3: {  	[dreg:$0x0] =	wrdreg $0x60  }
0xb4: {  	[dreg:$0x2] =	wrdreg s16  }
0xb5: {  	[dreg:$0x3] =	wrdreg s24  }
0xb6: {  	[dreg:$0x4] =	wrdreg $0x41000  }
0xb7: {  	[dreg:$0x5] =	wrdreg $0x9  }
0xb8: {  	_ =	task.clear_ibuf [dreg:s7], $0x6FFFF;
	_ =	strace $0x9000004C  }
0xb9: {  	s29 =	simm.s32 $0x9;
	_ =	strace $0x8000004E  }
0xba: {  	_ =	swait.ge [sflag:s29], $0x1  }
0xbb: {  	[sflag:s29] =	ssyncadd.s32 $0xFFFFFFFF  }
0xbc: {  	_ =	strace $0x9000004E  }
0xbd: {  	_ =	sfence  }
0xbe: {  	s30 =	sld [smem:$0x0];
	_ =	sdelay $0x2  }
0xbf: {  	s31 =	sshll.u32 s1, $0xD;
	s1 =	sshrl.u32 s1, $0x2  }
0xc0: {  	s3 =	sand.u32 $0x4000, s31;
	s1 =	sadd.s32 s1, s30  }
0xc1: {  	s0 =	sor.u32 s3, s0;
	s1 =	sshll.u32 s1, $0x11  }
0xc2: {  	s0 =	sor.u32 s1, s0  }
0xc3: {  	s0 =	sadd.s32 $0x8F2B, s0  }
0xc4: {  	[sflag:s0] =	ssyncadd.remote.s32 $0x1  }
0xc5: {  	_ =	sfence.sel $0xFFFF  }
0xc6: {  	[dreg:$0x0] =	wrdreg $0xFFFFFFFF;
	(pc) =	sbr.abs _section_cstart, $3  }
0xc7: {  	[dreg:$0x1] =	wrdreg $0xFFFFFFFF  }
0xc8: {  	_ =	task.clear_ibuf [dreg:s7], $0x2FFFF;
	_ =	strace $0x9FFFFFFF  }
0xc9: {  	(tm) =	ssettm $0x7FFFFFFF  }
tec
execute0_lowered:
.L_overlay_start_1:
0x0: {  	(tag) =	ssettag $0x1  }
0x1: {  	s1 =	rddreg [dreg:$0x0]  }
0x2: {  	s6 =	rddreg [dreg:$0x1]  }
0x3: {  	s2 =	rddreg [dreg:$0x2];
	s3 =	srdreg.scid  }
0x4: {  	s0 =	rddreg [dreg:$0x3];
	s4 =	simm.s32 $0x0;
	s19 =	simm.s32 $0x1  }
0x5: {  	s20 =	simm.s32 $0x0;
	s12 =	sand.u32 $0x1, s3;
	s3 =	stileid.u32  }
0x6: {  	[smem:$0x7FF] =	sst s4;
	s13 =	sadd.s32 $0xEA00, s6;
	s7 =	smul.u32 $0x13C000, s12  }
0x7: {  	s14 =	sadd.s32 $0x4C00, s6;
	s5 =	sadd.s32 $0x18800, s6;
	s8 =	smul.u32 $0x13C00, s3  }
0x8: {  	_ =	strace $0x8000004D;
	s25 =	ssub.s32 $0x2, s12;
	s9 =	smul.u32 $0x4F000, s3  }
0x9: {  	s28 =	sshll.u32 s3, $0x1;
	s30 =	sshll.u32 s3, $0x6;
	s17 =	smul.u32 $0x9C0, s3  }
0xa: {  	s18 =	smul.u32 $0x4E0, s12;
	p0 =	sgt.u32 s3, $0x1;
	s26 =	sshrl.u32 s25, $0x1  }
0xb: {  	s7 =	sadd.s32 s8, s7;
	s15 =	ssub.s32 s25, s26;
	s29 =	sshrl.u32 s9, $0x2  }
0xc: {  	s31 =	sadd.s32 s17, s13;
	s7 =	sshrl.u32 s7, $0x3;
	s16 =	sadd.s32 s29, s2  }
0xd: {  	s11 =	sadd.s32 s7, s6;
	s7 =	sor.u32 s12, s28;
	s12 =	smax.u32 s15, $0x1  }
0xe: {  	s15 =	sshrl.u32 s16, $0x3;
	s6 =	smul.u32 $0x4E, s7;
	s10 =	sshll.u32 s7, $0x4  }
0xf: {  	s16 =	simm.s32 $0x2;
	s7 =	sor.u32 $0x1C02, s30;
	s10 =	sor.u32 $0x9C00, s10  }
0x10: {  	s11 =	sadd.s32 $0x1B000, s11;
	s8 =	sadd.s32 $0x4E, s6;
	s9 =	sadd.s32 s13, s10  }
0x11: {  	s10 =	sadd.s32 s14, s10;
	s14 =	sadd.s32 s17, s14;
	s17 =	simm.s32 $0x80  }
0x12: {  	s13 =	sadd.s32 s18, s14;
	s14 =	sadd.s32 s18, s31;
	s18 =	simm.s32 $0x100  }
.LBB2_1:
0x13: {  	[spmem:s15], [sflag:s7] =	dma.local [hbm:s5], $0x2780  }
0x14: {  	_ =	swait.ge [sflag:s16], $0x2780  }
0x15: {  	[sflag:s16] =	ssyncset.done $0x0  }
0x16: {  	[sflag:s16] =	ssyncadd.s32 $0xFFFFD880  }
0x17: {  	[bflag:$0x0] =	sbarrier.arrive $0xFFFF  }
0x18: {  	[tilespmem:s4], [sflag:$0x2] =	stream.linear.gather [hbm4b:s14+s4], $0x80, $0x38;
	[tilespmem:$0x17D00] =	vst v63  }
0x19: {  	_ =	swait.ge [sflag:s16], $0x80  }
0x1a: {  	[sflag:s16] =	ssyncset.done $0x0  }
0x1b: {  	[sflag:s16] =	ssyncadd.s32 $0xFFFFFF80  }
0x1c: {  	[tilespmem:s17], [sflag:$0x2] =	stream.linear.gather [hbm4b:s13+s4], $0x80, $0x38;
	[tilespmem:$0x17D00] =	vst v63  }
0x1d: {  	_ =	swait.ge [sflag:s16], $0x80  }
0x1e: {  	[sflag:s16] =	ssyncset.done $0x0  }
0x1f: {  	s21 =	sadd.s32 $0x1, s6;
	[sflag:s16] =	ssyncadd.s32 $0xFFFFFF80  }
0x20: {  	[tilespmem:s18], [sflag:$0x1] =	stream.indirect.gather [hbm4b:s1+s17], $0x80, s4, s17, $0xb8;
	[tilespmem:$0x17D00] =	vst v63  }
0x21: {  	p1 =	slt.u32 s21, s8;
	_ =	swait.ge [sflag:s19], $0x4000  }
.Ltmp0:
0x22: {  	[sflag:s19] =	ssyncset.done $0x0;
	(pc) =	sbr.rel @!p1 .LBB2_3-.Ltmp0, $4  }
0x23: {  	[sflag:s19] =	ssyncadd.s32 $0xFFFFC000  }
0x24: {  	[spmem:s2] =	stream.indirect.scatter.add.f32 [tilespmem:s18], [sflag:$0x2], $0x80, s17, s17, $0xb8;
	[tilespmem:$0x17D00] =	vst v63  }
0x25: {  	_ =	swait.ge [sflag:s16], $0x4000  }
0x26: {  	s22 =	sadd.s32 $0x10, s14;
	s23 =	smov.u32 s13;
	[sflag:s16] =	ssyncset.done $0x0  }
.LBB2_2:
0x27: {  	s21 =	sadd.s32 $0x1, s21;
	[sflag:s16] =	ssyncadd.s32 $0xFFFFC000;
	s23 =	sadd.s32 $0x10, s23  }
0x28: {  	[tilespmem:s4], [sflag:$0x2] =	stream.linear.gather [hbm4b:s22+s4], $0x80, $0x38;
	[tilespmem:$0x17D00] =	vst v63  }
0x29: {  	p1 =	slt.u32 s21, s8;
	_ =	swait.ge [sflag:s16], $0x80  }
0x2a: {  	[sflag:s16] =	ssyncset.done $0x0  }
0x2b: {  	[sflag:s16] =	ssyncadd.s32 $0xFFFFFF80  }
0x2c: {  	[tilespmem:s17], [sflag:$0x2] =	stream.linear.gather [hbm4b:s23+s4], $0x80, $0x38;
	[tilespmem:$0x17D00] =	vst v63  }
0x2d: {  	_ =	swait.ge [sflag:s16], $0x80  }
0x2e: {  	[sflag:s16] =	ssyncset.done $0x0  }
0x2f: {  	[sflag:s16] =	ssyncadd.s32 $0xFFFFFF80  }
0x30: {  	[tilespmem:s18], [sflag:$0x1] =	stream.indirect.gather [hbm4b:s1+s17], $0x80, s4, s17, $0xb8;
	[tilespmem:$0x17D00] =	vst v63  }
0x31: {  	_ =	swait.ge [sflag:s19], $0x4000  }
.Ltmp1:
0x32: {  	[sflag:s19] =	ssyncset.done $0x0;
	(pc) =	sbr.rel @p1 .LBB2_2-.Ltmp1, $4  }
0x33: {  	[sflag:s19] =	ssyncadd.s32 $0xFFFFC000  }
0x34: {  	[spmem:s2] =	stream.indirect.scatter.add.f32 [tilespmem:s18], [sflag:$0x2], $0x80, s17, s17, $0xb8;
	[tilespmem:$0x17D00] =	vst v63  }
0x35: {  	_ =	swait.ge [sflag:s16], $0x4000  }
0x36: {  	s22 =	sadd.s32 $0x10, s22;
	[sflag:s16] =	ssyncset.done $0x0  }
.LBB2_3:
0x37: {  	[sflag:s16] =	ssyncadd.s32 $0xFFFFC000;
	s21 =	simm.s32 @!p0 $0x0;
	s22 =	simm.s32 @!p0 $0x2  }
0x38: {  	[tilespmem:s21], [sflag:$0x2] =	stream.linear.gather @!p0 [hbm4b:s9+s21], $0x80, $0x38;
	[tilespmem:$0x17D00] =	vst v63  }
0x39: {  	_ =	swait.ge @!p0 [sflag:s22], $0x80  }
0x3a: {  	[sflag:s22] =	ssyncset.done @!p0 $0x0  }
0x3b: {  	s23 =	simm.s32 @!p0 $0x80;
	[sflag:s22] =	ssyncadd.s32 @!p0 $0xFFFFFF80  }
0x3c: {  	[tilespmem:s23], [sflag:$0x2] =	stream.linear.gather @!p0 [hbm4b:s10+s21], $0x80, $0x38;
	[tilespmem:$0x17D00] =	vst v63  }
0x3d: {  	_ =	swait.ge @!p0 [sflag:s22], $0x80  }
0x3e: {  	[sflag:s22] =	ssyncset.done @!p0 $0x0  }
0x3f: {  	s24 =	simm.s32 @!p0 $0x100;
	[sflag:s22] =	ssyncadd.s32 @!p0 $0xFFFFFF80  }
0x40: {  	[tilespmem:s24], [sflag:$0x1] =	stream.indirect.gather @!p0 [hbm4b:s1+s23], $0x80, s21, s23, $0xb8;
	[tilespmem:$0x17D00] =	vst v63  }
0x41: {  	s21 =	simm.s32 @!p0 $0x1  }
0x42: {  	_ =	swait.ge @!p0 [sflag:s21], $0x4000  }
0x43: {  	[sflag:s21] =	ssyncset.done @!p0 $0x0  }
0x44: {  	[sflag:s21] =	ssyncadd.s32 @!p0 $0xFFFFC000  }
0x45: {  	[spmem:s2] =	stream.indirect.scatter.add.f32 @!p0 [tilespmem:s24], [sflag:$0x2], $0x80, s23, s23, $0xb8;
	[tilespmem:$0x17D00] =	vst v63  }
0x46: {  	_ =	swait.ge @!p0 [sflag:s22], $0x4000  }
0x47: {  	s20 =	sadd.s32 $0x1, s20;
	[sflag:s22] =	ssyncset.done @!p0 $0x0  }
0x48: {  	p1 =	sne.s32 s20, s12;
	[sflag:s22] =	ssyncadd.s32 @!p0 $0xFFFFC000  }
.Ltmp2:
0x49: {  	[bflag:$0x0] =	sbarrier.arrive $0xFFFF;
	(pc) =	sbr.rel @p1 .LBB2_1-.Ltmp2, $4  }
0x4a: {  	[hbm:s11], [sflag:s7] =	dma.local [spmem:s15], $0x2780  }
0x4b: {  	_ =	swait.ge [sflag:s16], $0x2780  }
0x4c: {  	[sflag:s16] =	ssyncset.done $0x0  }
0x4d: {  	[sflag:s16] =	ssyncadd.s32 $0xFFFFD880  }
0x4e: {  	_ =	sfence.sel $0x180000  }
0x4f: {  	[bflag:$0x0] =	sbarrier.arrive $0xFFFF  }
0x50: {  	p0 =	sne.s32 s3, $0x0;
	_ =	strace $0x9000004D  }
0x51: {  	s0 =	sadd.s32 @!p0 $0x100000, s0;
	[bflag:$0x2] =	sbarrier.arrive $0xFFFF  }
0x52: {  	[sflag:s0] =	ssyncadd.tile.s32 @!p0 $0x1;
	_ =	shalt  }
.Lfunc_end2:
_tile_overlayer_lowered:
.L_overlay_start_2:
0x53: {  	(tag) =	ssettag $0x2  }
0x54: {  	s0 =	rddreg [dreg:$0x0];
	s2 =	stileid.u32  }
0x55: {  	s1 =	rddreg [dreg:$0x1];
	p0 =	sne.s32 s2, $0x0  }
0x56: {  	s3 =	rddreg [dreg:$0x2];
	[bflag:$0x3] =	sbarrier.arrive $0xFFFF;
	s2 =	simm.s32 @!p0 $0x1C02  }
0x57: {  	[timem:s3], [sflag:s2] =	dma.local @!p0 [hbm:s0], s1  }
0x58: {  	s0 =	simm.s32 @!p0 $0x2  }
0x59: {  	_ =	swait.ge @!p0 [sflag:s0], s1  }
0x5a: {  	s1 =	ssub.s32 @!p0 $0x0, s1;
	[sflag:s0] =	ssyncset.done @!p0 $0x0  }
0x5b: {  	[sflag:s0] =	ssyncadd.s32 @!p0 s1  }
0x5c: {  	[bflag:$0x3] =	sbarrier.arrive $0xFFFF  }
0x5d: {  	_ =	shalt  }

// kernel: kernel.22.cloned.1.call-start
scs
__scs_entry_jumppad:
0x0: {  	(pc) =	sbr.rel $0x88, $3  }
0x1: {  	(tag) =	ssettag $0x0;
	lr =	simm.s32 $0x1  }
0x2: {  	[smem:$0x3F94] =	sst lr;
	_ =	strace $0xD0000000  }
0x3: {  	_ = 	snop  }
0x4: {  	_ = 	snop  }
0x5: {  	_ = 	snop  }
0x6: {  	_ = 	snop  }
0x7: {  	_ = 	snop  }
__scs_overlays_trampoline_lowered:
0x8: {  	[smem:$0x3FA3] =	sst s0  }
0x9: {  	[smem:$0x3FA4] =	sst s1  }
0xa: {  	[smem:$0x3FA5] =	sst s2  }
0xb: {  	[smem:$0x3FA6] =	sst s3  }
0xc: {  	[smem:$0x3FA7] =	sst s4  }
0xd: {  	[smem:$0x3FA8] =	sst s5  }
0xe: {  	[smem:$0x3FA9] =	sst s6  }
0xf: {  	[smem:$0x3FAA] =	sst s7  }
0x10: {  	[smem:$0x3FAB] =	sst s8  }
0x11: {  	[smem:$0x3FAC] =	sst s9;
	s0 =	simm.s32 @!p0 $0x0  }
0x12: {  	s1 =	sld [smem:$0x3F92];
	s0 =	simm.s32 @p0 $0x1  }
0x13: {  	[smem:$0x3FAD] =	sst s0;
	s0 =	simm.s32 @!p1 $0x0  }
0x14: {  	s2 =	sld [smem:$0x3F91];
	s0 =	simm.s32 @p1 $0x1  }
0x15: {  	[smem:$0x3FAE] =	sst s0;
	s0 =	simm.s32 @!p2 $0x0  }
0x16: {  	s3 =	sld [smem:$0x3FDB];
	s0 =	simm.s32 @p2 $0x1  }
0x17: {  	s4 =	simm.s32 $0x1BF5;
	[smem:$0x3FB0] =	sst s0  }
0x18: {  	s0 =	sld [smem:$0x3F93];
	_ =	swait.ge [sflag:s4], $0x0  }
0x19: {  	s7 =	sld [smem:$0x3F94]  }
0x1a: {  	s8 =	sadd.s32 $0xFFFFE003, lr  }
0x1b: {  	s9 =	sadd.s32 $0xFFFFFEF7, lr;
	s5 =	simm.s32 $0xFFFFFFFF;
	p2 =	slt.u32 s8, $0xFFFFF086  }
0x1c: {  	p1 =	slt.u32 s9, $0xF7A;
	s5 =	simm.s32 @!p2 $0x0  }
0x1d: {  	s5 =	simm.s32 @p1 $0x1;
	p0 =	seq.s32 s7, s2  }
0x1e: {  	s7 =	smul.u32 @!p0 $0xF7A, s2;
	p2 =	seq.s32 @!p0 s5, $0x0  }
0x1f: {  	s9 =	smul.u32 $0xF7A, s1;
	s8 =	simm.s32 @!p0 $0x1BF5;
	p2 =	por !p2, p0  }
0x20: {  	[sflag:s8] =	ssyncset.s32 @!p0 $0xFFFFF086;
	s6 =	sadd.s32 @!p0 s3, s7;
	s7 =	simm.s32 @!p0 $0x108  }
0x21: {  	s3 =	sadd.s32 s3, s9;
	s6 =	sadd.s32 @!p0 $0x88, s6;
	s7 =	simm.s32 @p2 $0x1082  }
0x22: {  	[simem:s7], [sflag:s8] =	dma.local @!p0 [hbm:s6], $0xF7A  }
0x23: {  	s9 =	sor.u32 $0xD0000000, s2;
	s6 =	simm.s32 $0x108;
	_ =	swait.ge @!p0 [sflag:s8], $0x0  }
0x24: {  	s3 =	sadd.s32 $0x88, s3;
	s6 =	simm.s32 @!p1 $0x1082;
	[sflag:s4] =	ssyncset.s32 $0xFFFFF086  }
0x25: {  	[simem:s6], [sflag:s4] =	dma.local [hbm:s3], $0xF7A  }
0x26: {  	[smem:$0x3F94] =	sst s1;
	(tag) =	ssettag s2;
	_ =	strace s9  }
0x27: {  	s1 =	sld [smem:$0x3FA4]  }
0x28: {  	s2 =	sld [smem:$0x3FA5]  }
0x29: {  	s4 =	sld [smem:$0x3FA7]  }
0x2a: {  	p0 =	seq.s32 s5, $0x0;
	s5 =	sld [smem:$0x3FA8]  }
0x2b: {  	s6 =	sld [smem:$0x3FA9]  }
0x2c: {  	s7 =	sld [smem:$0x3FAA]  }
0x2d: {  	s3 =	simm.s32 $0x108;
	s8 =	sld [smem:$0x3FAB]  }
0x2e: {  	s3 =	simm.s32 @!p0 $0x1082;
	s9 =	sld [smem:$0x3FAC]  }
0x2f: {  	lr =	sadd.s32 s0, s3;
	s0 =	sld [smem:$0x3FA3]  }
0x30: {  	s3 =	sld [smem:$0x3FA6]  }
0x31: {  	[smem:$0x3FAF] =	sst s10  }
0x32: {  	s10 =	sld [smem:$0x3FAD];
	_ =	sdelay $0x3  }
0x33: {  	p0 =	seq.s32 s10, $0x1;
	s10 =	sld [smem:$0x3FAF];
	_ =	sdelay $0x3  }
0x34: {  	[smem:$0x3FAF] =	sst s10  }
0x35: {  	s10 =	sld [smem:$0x3FAE];
	_ =	sdelay $0x3  }
0x36: {  	p1 =	seq.s32 s10, $0x1;
	s10 =	sld [smem:$0x3FAF];
	_ =	sdelay $0x3  }
0x37: {  	[smem:$0x3FAF] =	sst s10  }
0x38: {  	s10 =	sld [smem:$0x3FB0]  }
0x39: {  	_ = 	snop;
	(pc) =	sbr.ind lr, $3  }
0x3a: {  	_ = 	snop  }
0x3b: {  	_ = 	snop  }
0x3c: {  	p2 =	seq.s32 s10, $0x1;
	s10 =	sld [smem:$0x3FAF]  }
0x3d: {  	_ =	shalt  }
0x3e: {  	_ =	shalt  }
0x3f: {  	_ =	shalt  }
0x40: {  	_ =	shalt  }
0x41: {  	_ =	shalt  }
0x42: {  	_ =	shalt  }
0x43: {  	_ =	shalt  }
0x44: {  	_ =	shalt  }
0x45: {  	_ =	shalt  }
0x46: {  	_ =	shalt  }
0x47: {  	_ =	shalt  }
0x48: {  	_ =	shalt  }
0x49: {  	_ =	shalt  }
0x4a: {  	_ =	shalt  }
0x4b: {  	_ =	shalt  }
0x4c: {  	_ =	shalt  }
0x4d: {  	_ =	shalt  }
0x4e: {  	_ =	shalt  }
0x4f: {  	_ =	shalt  }
0x50: {  	_ =	shalt  }
0x51: {  	_ =	shalt  }
0x52: {  	_ =	shalt  }
0x53: {  	_ =	shalt  }
0x54: {  	_ =	shalt  }
0x55: {  	_ =	shalt  }
0x56: {  	_ =	shalt  }
0x57: {  	_ =	shalt  }
0x58: {  	_ =	shalt  }
0x59: {  	_ =	shalt  }
0x5a: {  	_ =	shalt  }
0x5b: {  	_ =	shalt  }
0x5c: {  	_ =	shalt  }
0x5d: {  	_ =	shalt  }
0x5e: {  	_ =	shalt  }
0x5f: {  	_ =	shalt  }
0x60: {  	_ =	shalt  }
0x61: {  	_ =	shalt  }
0x62: {  	_ =	shalt  }
0x63: {  	_ =	shalt  }
0x64: {  	_ =	shalt  }
0x65: {  	_ =	shalt  }
0x66: {  	_ =	shalt  }
0x67: {  	_ =	shalt  }
0x68: {  	_ =	shalt  }
0x69: {  	_ =	shalt  }
0x6a: {  	_ =	shalt  }
0x6b: {  	_ =	shalt  }
0x6c: {  	_ =	shalt  }
0x6d: {  	_ =	shalt  }
0x6e: {  	_ =	shalt  }
0x6f: {  	_ =	shalt  }
0x70: {  	_ =	shalt  }
0x71: {  	_ =	shalt  }
0x72: {  	_ =	shalt  }
0x73: {  	_ =	shalt  }
0x74: {  	_ =	shalt  }
0x75: {  	_ =	shalt  }
0x76: {  	_ =	shalt  }
0x77: {  	_ =	shalt  }
0x78: {  	_ =	shalt  }
0x79: {  	_ =	shalt  }
0x7a: {  	_ =	shalt  }
0x7b: {  	_ =	shalt  }
0x7c: {  	_ =	shalt  }
0x7d: {  	_ =	shalt  }
0x7e: {  	_ =	shalt  }
0x7f: {  	_ =	shalt  }
0x80: {  	_ =	shalt  }
0x81: {  	_ =	shalt  }
0x82: {  	_ =	shalt  }
0x83: {  	_ =	shalt  }
0x84: {  	_ =	shalt  }
0x85: {  	_ =	shalt  }
0x86: {  	_ =	shalt  }
0x87: {  	_ =	shalt  }
.Lfunc_end0:
.L_simem_size_0:
called_computation.3_lowered:
.L_overlay_start_0:
0x88: {  	s2 =	sld [smem:$0x3FD9]  }
0x89: {  	s3 =	sld [smem:$0x3FFE];
	_ =	sdelay $0x1  }
0x8a: {  	s1 =	srdreg.scid  }
0x8b: {  	s0 =	sand.u32 $0x1, s1  }
0x8c: {  	s14 =	sshll.u32 s0, $0xA;
	s2 =	sadd.s32 s3, s2  }
0x8d: {  	s2 =	sadd.s32 s2, s14  }
0x8e: {  	[smem:$0x3FBB] =	sst s2  }
0x8f: {  	_ = 	snop  }
0x90: {  	s2 =	sld [smem:$0x3FD0];
	_ =	sdelay $0x2  }
0x91: {  	s15 =	simm.s32 $0xA;
	s4 =	simm.s32 $0x10  }
0x92: {  	[smem:s4], [sflag:s15] =	dma.local [hbm:s2], $0x1  }
0x93: {  	_ =	swait.eq [sflag:s15], $0x1  }
0x94: {  	[sflag:s15] =	ssyncset.done $0x0  }
0x95: {  	[sflag:s15] =	ssyncadd.s32 $0xFFFFFFFF  }
0x96: {  	s16 =	sld [smem:$0x11];
	(tm) =	ssettm $0x1  }
0x97: {  	s17 =	sld [smem:$0x3FFB];
	_ =	sdelay $0x3  }
0x98: {  	_ =	strace s17  }
0x99: {  	s3 =	sld [smem:$0x3FFC];
	_ =	sdelay $0x3  }
0x9a: {  	_ =	strace s3  }
0x9b: {  	s3 =	sld [smem:$0x3FFD];
	_ =	sdelay $0x3  }
0x9c: {  	_ =	strace s3  }
0x9d: {  	_ =	strace $0x8FFFFFFF  }
0x9e: {  	s18 =	sld [smem:$0x3FDB];
	_ =	sdelay $0x1  }
0x9f: {  	s19 =	simm.s32 $_scs_section_size  }
0xa0: {  	s5 =	simm.s32 $_size__tile_overlayer_lowered;
	s6 =	simm.s32 $_tile_overlayer_lowered  }
0xa1: {  	s22 =	simm.s32 $0x1BFF;
	s21 =	sshll.u32 s6, $0x1;
	s3 =	sadd.s32 s19, s18  }
0xa2: {  	s7 =	simm.s32 $0x0;
	s20 =	sshll.u32 s5, $0x1;
	s5 =	sadd.s32 s21, s3  }
0xa3: {  	[timem:s7], [sflag:s22] =	dma.local [hbm:s5], s20  }
0xa4: {  	_ =	swait.ge [sflag:s22], s20  }
0xa5: {  	s4 =	ssub.s32 $0x0, s20;
	[sflag:s22] =	ssyncset.done $0x0  }
0xa6: {  	[sflag:s22] =	ssyncadd.s32 s4;
	_ =	sdelay $0x1  }
0xa7: {  	s23 =	simm.s32 $0x1B8B  }
0xa8: {  	_ =	swait.ge [sflag:s23], $0x1  }
0xa9: {  	[sflag:s23] =	ssyncset.done $0x0  }
0xaa: {  	s25 =	simm.s32 $0x1B8E;
	s24 =	sld [smem:$0x3FFE];
	[sflag:s23] =	ssyncadd.s32 $0xFFFFFFFF  }
0xab: {  	s26 =	simm.s32 $execute0_lowered;
	[smem:$0x3FD2] =	sst s25  }
0xac: {  	s5 =	sshll.u32 s26, $0x1;
	_ =	strace $0x8000004F;
	[dreg:$0x1] =	wrdreg $0xFFFFFFFF  }
0xad: {  	s28 =	simm.s32 $_size_execute0_lowered;
	s3 =	sadd.s32 s3, s5;
	[dreg:$0x0] =	wrdreg $0x0  }
0xae: {  	s5 =	sshll.u32 s28, $0x1;
	[dreg:$0x2] =	wrdreg s3  }
0xaf: {  	[dreg:$0x3] =	wrdreg s5  }
0xb0: {  	[dreg:$0x4] =	wrdreg $0xC0  }
0xb1: {  	_ =	task [dreg:s7], $0x5FFFF  }
0xb2: {  	[dreg:$0x1] =	wrdreg $0xFFFFFFFF  }
0xb3: {  	[dreg:$0x0] =	wrdreg $0x60  }
0xb4: {  	[dreg:$0x2] =	wrdreg s16  }
0xb5: {  	[dreg:$0x3] =	wrdreg s24  }
0xb6: {  	[dreg:$0x4] =	wrdreg $0x41000  }
0xb7: {  	[dreg:$0x5] =	wrdreg $0x9  }
0xb8: {  	_ =	task.clear_ibuf [dreg:s7], $0x6FFFF;
	_ =	strace $0x9000004F  }
0xb9: {  	s29 =	simm.s32 $0x9;
	_ =	strace $0x80000051  }
0xba: {  	_ =	swait.ge [sflag:s29], $0x1  }
0xbb: {  	[sflag:s29] =	ssyncadd.s32 $0xFFFFFFFF  }
0xbc: {  	_ =	strace $0x90000051  }
0xbd: {  	_ =	sfence  }
0xbe: {  	s30 =	sld [smem:$0x0];
	_ =	sdelay $0x2  }
0xbf: {  	s31 =	sshll.u32 s1, $0xD;
	s1 =	sshrl.u32 s1, $0x2  }
0xc0: {  	s3 =	sand.u32 $0x4000, s31;
	s1 =	sadd.s32 s1, s30  }
0xc1: {  	s0 =	sor.u32 s3, s0;
	s1 =	sshll.u32 s1, $0x11  }
0xc2: {  	s0 =	sor.u32 s1, s0  }
0xc3: {  	s0 =	sadd.s32 $0x8F2B, s0  }
0xc4: {  	[sflag:s0] =	ssyncadd.remote.s32 $0x1  }
0xc5: {  	_ =	sfence.sel $0xFFFF  }
0xc6: {  	[dreg:$0x0] =	wrdreg $0xFFFFFFFF;
	(pc) =	sbr.abs _section_cstart, $3  }
0xc7: {  	[dreg:$0x1] =	wrdreg $0xFFFFFFFF  }
0xc8: {  	_ =	task.clear_ibuf [dreg:s7], $0x2FFFF;
	_ =	strace $0x9FFFFFFF  }
0xc9: {  	(tm) =	ssettm $0x7FFFFFFF  }
tec
execute0_lowered:
.L_overlay_start_1:
0x0: {  	(tag) =	ssettag $0x1  }
0x1: {  	s1 =	rddreg [dreg:$0x0]  }
0x2: {  	s6 =	rddreg [dreg:$0x1]  }
0x3: {  	s2 =	rddreg [dreg:$0x2];
	s3 =	srdreg.scid  }
0x4: {  	s0 =	rddreg [dreg:$0x3];
	s4 =	simm.s32 $0x0;
	s19 =	simm.s32 $0x1  }
0x5: {  	s20 =	simm.s32 $0x0;
	s12 =	sand.u32 $0x1, s3;
	s3 =	stileid.u32  }
0x6: {  	[smem:$0x7FF] =	sst s4;
	s13 =	sadd.s32 $0xEA00, s6;
	s7 =	smul.u32 $0x13C000, s12  }
0x7: {  	s14 =	sadd.s32 $0x4C00, s6;
	s5 =	sadd.s32 $0x18800, s6;
	s8 =	smul.u32 $0x13C00, s3  }
0x8: {  	_ =	strace $0x80000050;
	s25 =	ssub.s32 $0x2, s12;
	s9 =	smul.u32 $0x4F000, s3  }
0x9: {  	s28 =	sshll.u32 s3, $0x1;
	s30 =	sshll.u32 s3, $0x6;
	s17 =	smul.u32 $0x9C0, s3  }
0xa: {  	s18 =	smul.u32 $0x4E0, s12;
	p0 =	sgt.u32 s3, $0x1;
	s26 =	sshrl.u32 s25, $0x1  }
0xb: {  	s7 =	sadd.s32 s8, s7;
	s15 =	ssub.s32 s25, s26;
	s29 =	sshrl.u32 s9, $0x2  }
0xc: {  	s31 =	sadd.s32 s17, s13;
	s7 =	sshrl.u32 s7, $0x3;
	s16 =	sadd.s32 s29, s2  }
0xd: {  	s11 =	sadd.s32 s7, s6;
	s7 =	sor.u32 s12, s28;
	s12 =	smax.u32 s15, $0x1  }
0xe: {  	s15 =	sshrl.u32 s16, $0x3;
	s6 =	smul.u32 $0x4E, s7;
	s10 =	sshll.u32 s7, $0x4  }
0xf: {  	s16 =	simm.s32 $0x2;
	s7 =	sor.u32 $0x1C02, s30;
	s10 =	sor.u32 $0x9C00, s10  }
0x10: {  	s11 =	sadd.s32 $0x1B000, s11;
	s8 =	sadd.s32 $0x4E, s6;
	s9 =	sadd.s32 s13, s10  }
0x11: {  	s10 =	sadd.s32 s14, s10;
	s14 =	sadd.s32 s17, s14;
	s17 =	simm.s32 $0x80  }
0x12: {  	s13 =	sadd.s32 s18, s14;
	s14 =	sadd.s32 s18, s31;
	s18 =	simm.s32 $0x100  }
.LBB2_1:
0x13: {  	[spmem:s15], [sflag:s7] =	dma.local [hbm:s5], $0x2780  }
0x14: {  	_ =	swait.ge [sflag:s16], $0x2780  }
0x15: {  	[sflag:s16] =	ssyncset.done $0x0  }
0x16: {  	[sflag:s16] =	ssyncadd.s32 $0xFFFFD880  }
0x17: {  	[bflag:$0x0] =	sbarrier.arrive $0xFFFF  }
0x18: {  	[tilespmem:s4], [sflag:$0x2] =	stream.linear.gather [hbm4b:s14+s4], $0x80, $0x38;
	[tilespmem:$0x17D00] =	vst v63  }
0x19: {  	_ =	swait.ge [sflag:s16], $0x80  }
0x1a: {  	[sflag:s16] =	ssyncset.done $0x0  }
0x1b: {  	[sflag:s16] =	ssyncadd.s32 $0xFFFFFF80  }
0x1c: {  	[tilespmem:s17], [sflag:$0x2] =	stream.linear.gather [hbm4b:s13+s4], $0x80, $0x38;
	[tilespmem:$0x17D00] =	vst v63  }
0x1d: {  	_ =	swait.ge [sflag:s16], $0x80  }
0x1e: {  	[sflag:s16] =	ssyncset.done $0x0  }
0x1f: {  	s21 =	sadd.s32 $0x1, s6;
	[sflag:s16] =	ssyncadd.s32 $0xFFFFFF80  }
0x20: {  	[tilespmem:s18], [sflag:$0x1] =	stream.indirect.gather [hbm4b:s1+s17], $0x80, s4, s17, $0xb8;
	[tilespmem:$0x17D00] =	vst v63  }
0x21: {  	p1 =	slt.u32 s21, s8;
	_ =	swait.ge [sflag:s19], $0x4000  }
.Ltmp0:
0x22: {  	[sflag:s19] =	ssyncset.done $0x0;
	(pc) =	sbr.rel @!p1 .LBB2_3-.Ltmp0, $4  }
0x23: {  	[sflag:s19] =	ssyncadd.s32 $0xFFFFC000  }
0x24: {  	[spmem:s2] =	stream.indirect.scatter.add.f32 [tilespmem:s18], [sflag:$0x2], $0x80, s17, s17, $0xb8;
	[tilespmem:$0x17D00] =	vst v63  }
0x25: {  	_ =	swait.ge [sflag:s16], $0x4000  }
0x26: {  	s22 =	sadd.s32 $0x10, s14;
	s23 =	smov.u32 s13;
	[sflag:s16] =	ssyncset.done $0x0  }
.LBB2_2:
0x27: {  	s21 =	sadd.s32 $0x1, s21;
	[sflag:s16] =	ssyncadd.s32 $0xFFFFC000;
	s23 =	sadd.s32 $0x10, s23  }
0x28: {  	[tilespmem:s4], [sflag:$0x2] =	stream.linear.gather [hbm4b:s22+s4], $0x80, $0x38;
	[tilespmem:$0x17D00] =	vst v63  }
0x29: {  	p1 =	slt.u32 s21, s8;
	_ =	swait.ge [sflag:s16], $0x80  }
0x2a: {  	[sflag:s16] =	ssyncset.done $0x0  }
0x2b: {  	[sflag:s16] =	ssyncadd.s32 $0xFFFFFF80  }
0x2c: {  	[tilespmem:s17], [sflag:$0x2] =	stream.linear.gather [hbm4b:s23+s4], $0x80, $0x38;
	[tilespmem:$0x17D00] =	vst v63  }
0x2d: {  	_ =	swait.ge [sflag:s16], $0x80  }
0x2e: {  	[sflag:s16] =	ssyncset.done $0x0  }
0x2f: {  	[sflag:s16] =	ssyncadd.s32 $0xFFFFFF80  }
0x30: {  	[tilespmem:s18], [sflag:$0x1] =	stream.indirect.gather [hbm4b:s1+s17], $0x80, s4, s17, $0xb8;
	[tilespmem:$0x17D00] =	vst v63  }
0x31: {  	_ =	swait.ge [sflag:s19], $0x4000  }
.Ltmp1:
0x32: {  	[sflag:s19] =	ssyncset.done $0x0;
	(pc) =	sbr.rel @p1 .LBB2_2-.Ltmp1, $4  }
0x33: {  	[sflag:s19] =	ssyncadd.s32 $0xFFFFC000  }
0x34: {  	[spmem:s2] =	stream.indirect.scatter.add.f32 [tilespmem:s18], [sflag:$0x2], $0x80, s17, s17, $0xb8;
	[tilespmem:$0x17D00] =	vst v63  }
0x35: {  	_ =	swait.ge [sflag:s16], $0x4000  }
0x36: {  	s22 =	sadd.s32 $0x10, s22;
	[sflag:s16] =	ssyncset.done $0x0  }
.LBB2_3:
0x37: {  	[sflag:s16] =	ssyncadd.s32 $0xFFFFC000;
	s21 =	simm.s32 @!p0 $0x0;
	s22 =	simm.s32 @!p0 $0x2  }
0x38: {  	[tilespmem:s21], [sflag:$0x2] =	stream.linear.gather @!p0 [hbm4b:s9+s21], $0x80, $0x38;
	[tilespmem:$0x17D00] =	vst v63  }
0x39: {  	_ =	swait.ge @!p0 [sflag:s22], $0x80  }
0x3a: {  	[sflag:s22] =	ssyncset.done @!p0 $0x0  }
0x3b: {  	s23 =	simm.s32 @!p0 $0x80;
	[sflag:s22] =	ssyncadd.s32 @!p0 $0xFFFFFF80  }
0x3c: {  	[tilespmem:s23], [sflag:$0x2] =	stream.linear.gather @!p0 [hbm4b:s10+s21], $0x80, $0x38;
	[tilespmem:$0x17D00] =	vst v63  }
0x3d: {  	_ =	swait.ge @!p0 [sflag:s22], $0x80  }
0x3e: {  	[sflag:s22] =	ssyncset.done @!p0 $0x0  }
0x3f: {  	s24 =	simm.s32 @!p0 $0x100;
	[sflag:s22] =	ssyncadd.s32 @!p0 $0xFFFFFF80  }
0x40: {  	[tilespmem:s24], [sflag:$0x1] =	stream.indirect.gather @!p0 [hbm4b:s1+s23], $0x80, s21, s23, $0xb8;
	[tilespmem:$0x17D00] =	vst v63  }
0x41: {  	s21 =	simm.s32 @!p0 $0x1  }
0x42: {  	_ =	swait.ge @!p0 [sflag:s21], $0x4000  }
0x43: {  	[sflag:s21] =	ssyncset.done @!p0 $0x0  }
0x44: {  	[sflag:s21] =	ssyncadd.s32 @!p0 $0xFFFFC000  }
0x45: {  	[spmem:s2] =	stream.indirect.scatter.add.f32 @!p0 [tilespmem:s24], [sflag:$0x2], $0x80, s23, s23, $0xb8;
	[tilespmem:$0x17D00] =	vst v63  }
0x46: {  	_ =	swait.ge @!p0 [sflag:s22], $0x4000  }
0x47: {  	s20 =	sadd.s32 $0x1, s20;
	[sflag:s22] =	ssyncset.done @!p0 $0x0  }
0x48: {  	p1 =	sne.s32 s20, s12;
	[sflag:s22] =	ssyncadd.s32 @!p0 $0xFFFFC000  }
.Ltmp2:
0x49: {  	[bflag:$0x0] =	sbarrier.arrive $0xFFFF;
	(pc) =	sbr.rel @p1 .LBB2_1-.Ltmp2, $4  }
0x4a: {  	[hbm:s11], [sflag:s7] =	dma.local [spmem:s15], $0x2780  }
0x4b: {  	_ =	swait.ge [sflag:s16], $0x2780  }
0x4c: {  	[sflag:s16] =	ssyncset.done $0x0  }
0x4d: {  	[sflag:s16] =	ssyncadd.s32 $0xFFFFD880  }
0x4e: {  	_ =	sfence.sel $0x180000  }
0x4f: {  	[bflag:$0x0] =	sbarrier.arrive $0xFFFF  }
0x50: {  	p0 =	sne.s32 s3, $0x0;
	_ =	strace $0x90000050  }
0x51: {  	s0 =	sadd.s32 @!p0 $0x100000, s0;
	[bflag:$0x2] =	sbarrier.arrive $0xFFFF  }
0x52: {  	[sflag:s0] =	ssyncadd.tile.s32 @!p0 $0x1;
	_ =	shalt  }
.Lfunc_end2:
_tile_overlayer_lowered:
.L_overlay_start_2:
0x53: {  	(tag) =	ssettag $0x2  }
0x54: {  	s0 =	rddreg [dreg:$0x0];
	s2 =	stileid.u32  }
0x55: {  	s1 =	rddreg [dreg:$0x1];
	p0 =	sne.s32 s2, $0x0  }
0x56: {  	s3 =	rddreg [dreg:$0x2];
	[bflag:$0x3] =	sbarrier.arrive $0xFFFF;
	s2 =	simm.s32 @!p0 $0x1C02  }
0x57: {  	[timem:s3], [sflag:s2] =	dma.local @!p0 [hbm:s0], s1  }
0x58: {  	s0 =	simm.s32 @!p0 $0x2  }
0x59: {  	_ =	swait.ge @!p0 [sflag:s0], s1  }
0x5a: {  	s1 =	ssub.s32 @!p0 $0x0, s1;
	[sflag:s0] =	ssyncset.done @!p0 $0x0  }
0x5b: {  	[sflag:s0] =	ssyncadd.s32 @!p0 s1  }
0x5c: {  	[bflag:$0x3] =	sbarrier.arrive $0xFFFF  }
0x5d: {  	_ =	shalt  }

// kernel: kernel.25.cloned.1.call-start
scs
__scs_entry_jumppad:
0x0: {  	(pc) =	sbr.rel $0x88, $3  }
0x1: {  	(tag) =	ssettag $0x0;
	lr =	simm.s32 $0x1  }
0x2: {  	[smem:$0x3F94] =	sst lr;
	_ =	strace $0xD0000000  }
0x3: {  	_ = 	snop  }
0x4: {  	_ = 	snop  }
0x5: {  	_ = 	snop  }
0x6: {  	_ = 	snop  }
0x7: {  	_ = 	snop  }
__scs_overlays_trampoline_lowered:
0x8: {  	[smem:$0x3FA3] =	sst s0  }
0x9: {  	[smem:$0x3FA4] =	sst s1  }
0xa: {  	[smem:$0x3FA5] =	sst s2  }
0xb: {  	[smem:$0x3FA6] =	sst s3  }
0xc: {  	[smem:$0x3FA7] =	sst s4  }
0xd: {  	[smem:$0x3FA8] =	sst s5  }
0xe: {  	[smem:$0x3FA9] =	sst s6  }
0xf: {  	[smem:$0x3FAA] =	sst s7  }
0x10: {  	[smem:$0x3FAB] =	sst s8  }
0x11: {  	[smem:$0x3FAC] =	sst s9;
	s0 =	simm.s32 @!p0 $0x0  }
0x12: {  	s1 =	sld [smem:$0x3F92];
	s0 =	simm.s32 @p0 $0x1  }
0x13: {  	[smem:$0x3FAD] =	sst s0;
	s0 =	simm.s32 @!p1 $0x0  }
0x14: {  	s2 =	sld [smem:$0x3F91];
	s0 =	simm.s32 @p1 $0x1  }
0x15: {  	[smem:$0x3FAE] =	sst s0;
	s0 =	simm.s32 @!p2 $0x0  }
0x16: {  	s3 =	sld [smem:$0x3FDB];
	s0 =	simm.s32 @p2 $0x1  }
0x17: {  	s4 =	simm.s32 $0x1BF5;
	[smem:$0x3FB0] =	sst s0  }
0x18: {  	s0 =	sld [smem:$0x3F93];
	_ =	swait.ge [sflag:s4], $0x0  }
0x19: {  	s7 =	sld [smem:$0x3F94]  }
0x1a: {  	s8 =	sadd.s32 $0xFFFFE003, lr  }
0x1b: {  	s9 =	sadd.s32 $0xFFFFFEF7, lr;
	s5 =	simm.s32 $0xFFFFFFFF;
	p2 =	slt.u32 s8, $0xFFFFF086  }
0x1c: {  	p1 =	slt.u32 s9, $0xF7A;
	s5 =	simm.s32 @!p2 $0x0  }
0x1d: {  	s5 =	simm.s32 @p1 $0x1;
	p0 =	seq.s32 s7, s2  }
0x1e: {  	s7 =	smul.u32 @!p0 $0xF7A, s2;
	p2 =	seq.s32 @!p0 s5, $0x0  }
0x1f: {  	s9 =	smul.u32 $0xF7A, s1;
	s8 =	simm.s32 @!p0 $0x1BF5;
	p2 =	por !p2, p0  }
0x20: {  	[sflag:s8] =	ssyncset.s32 @!p0 $0xFFFFF086;
	s6 =	sadd.s32 @!p0 s3, s7;
	s7 =	simm.s32 @!p0 $0x108  }
0x21: {  	s3 =	sadd.s32 s3, s9;
	s6 =	sadd.s32 @!p0 $0x88, s6;
	s7 =	simm.s32 @p2 $0x1082  }
0x22: {  	[simem:s7], [sflag:s8] =	dma.local @!p0 [hbm:s6], $0xF7A  }
0x23: {  	s9 =	sor.u32 $0xD0000000, s2;
	s6 =	simm.s32 $0x108;
	_ =	swait.ge @!p0 [sflag:s8], $0x0  }
0x24: {  	s3 =	sadd.s32 $0x88, s3;
	s6 =	simm.s32 @!p1 $0x1082;
	[sflag:s4] =	ssyncset.s32 $0xFFFFF086  }
0x25: {  	[simem:s6], [sflag:s4] =	dma.local [hbm:s3], $0xF7A  }
0x26: {  	[smem:$0x3F94] =	sst s1;
	(tag) =	ssettag s2;
	_ =	strace s9  }
0x27: {  	s1 =	sld [smem:$0x3FA4]  }
0x28: {  	s2 =	sld [smem:$0x3FA5]  }
0x29: {  	s4 =	sld [smem:$0x3FA7]  }
0x2a: {  	p0 =	seq.s32 s5, $0x0;
	s5 =	sld [smem:$0x3FA8]  }
0x2b: {  	s6 =	sld [smem:$0x3FA9]  }
0x2c: {  	s7 =	sld [smem:$0x3FAA]  }
0x2d: {  	s3 =	simm.s32 $0x108;
	s8 =	sld [smem:$0x3FAB]  }
0x2e: {  	s3 =	simm.s32 @!p0 $0x1082;
	s9 =	sld [smem:$0x3FAC]  }
0x2f: {  	lr =	sadd.s32 s0, s3;
	s0 =	sld [smem:$0x3FA3]  }
0x30: {  	s3 =	sld [smem:$0x3FA6]  }
0x31: {  	[smem:$0x3FAF] =	sst s10  }
0x32: {  	s10 =	sld [smem:$0x3FAD];
	_ =	sdelay $0x3  }
0x33: {  	p0 =	seq.s32 s10, $0x1;
	s10 =	sld [smem:$0x3FAF];
	_ =	sdelay $0x3  }
0x34: {  	[smem:$0x3FAF] =	sst s10  }
0x35: {  	s10 =	sld [smem:$0x3FAE];
	_ =	sdelay $0x3  }
0x36: {  	p1 =	seq.s32 s10, $0x1;
	s10 =	sld [smem:$0x3FAF];
	_ =	sdelay $0x3  }
0x37: {  	[smem:$0x3FAF] =	sst s10  }
0x38: {  	s10 =	sld [smem:$0x3FB0]  }
0x39: {  	_ = 	snop;
	(pc) =	sbr.ind lr, $3  }
0x3a: {  	_ = 	snop  }
0x3b: {  	_ = 	snop  }
0x3c: {  	p2 =	seq.s32 s10, $0x1;
	s10 =	sld [smem:$0x3FAF]  }
0x3d: {  	_ =	shalt  }
0x3e: {  	_ =	shalt  }
0x3f: {  	_ =	shalt  }
0x40: {  	_ =	shalt  }
0x41: {  	_ =	shalt  }
0x42: {  	_ =	shalt  }
0x43: {  	_ =	shalt  }
0x44: {  	_ =	shalt  }
0x45: {  	_ =	shalt  }
0x46: {  	_ =	shalt  }
0x47: {  	_ =	shalt  }
0x48: {  	_ =	shalt  }
0x49: {  	_ =	shalt  }
0x4a: {  	_ =	shalt  }
0x4b: {  	_ =	shalt  }
0x4c: {  	_ =	shalt  }
0x4d: {  	_ =	shalt  }
0x4e: {  	_ =	shalt  }
0x4f: {  	_ =	shalt  }
0x50: {  	_ =	shalt  }
0x51: {  	_ =	shalt  }
0x52: {  	_ =	shalt  }
0x53: {  	_ =	shalt  }
0x54: {  	_ =	shalt  }
0x55: {  	_ =	shalt  }
0x56: {  	_ =	shalt  }
0x57: {  	_ =	shalt  }
0x58: {  	_ =	shalt  }
0x59: {  	_ =	shalt  }
0x5a: {  	_ =	shalt  }
0x5b: {  	_ =	shalt  }
0x5c: {  	_ =	shalt  }
0x5d: {  	_ =	shalt  }
0x5e: {  	_ =	shalt  }
0x5f: {  	_ =	shalt  }
0x60: {  	_ =	shalt  }
0x61: {  	_ =	shalt  }
0x62: {  	_ =	shalt  }
0x63: {  	_ =	shalt  }
0x64: {  	_ =	shalt  }
0x65: {  	_ =	shalt  }
0x66: {  	_ =	shalt  }
0x67: {  	_ =	shalt  }
0x68: {  	_ =	shalt  }
0x69: {  	_ =	shalt  }
0x6a: {  	_ =	shalt  }
0x6b: {  	_ =	shalt  }
0x6c: {  	_ =	shalt  }
0x6d: {  	_ =	shalt  }
0x6e: {  	_ =	shalt  }
0x6f: {  	_ =	shalt  }
0x70: {  	_ =	shalt  }
0x71: {  	_ =	shalt  }
0x72: {  	_ =	shalt  }
0x73: {  	_ =	shalt  }
0x74: {  	_ =	shalt  }
0x75: {  	_ =	shalt  }
0x76: {  	_ =	shalt  }
0x77: {  	_ =	shalt  }
0x78: {  	_ =	shalt  }
0x79: {  	_ =	shalt  }
0x7a: {  	_ =	shalt  }
0x7b: {  	_ =	shalt  }
0x7c: {  	_ =	shalt  }
0x7d: {  	_ =	shalt  }
0x7e: {  	_ =	shalt  }
0x7f: {  	_ =	shalt  }
0x80: {  	_ =	shalt  }
0x81: {  	_ =	shalt  }
0x82: {  	_ =	shalt  }
0x83: {  	_ =	shalt  }
0x84: {  	_ =	shalt  }
0x85: {  	_ =	shalt  }
0x86: {  	_ =	shalt  }
0x87: {  	_ =	shalt  }
.Lfunc_end0:
.L_simem_size_0:
called_computation.4_lowered:
.L_overlay_start_0:
0x88: {  	s2 =	sld [smem:$0x3FD9]  }
0x89: {  	s3 =	sld [smem:$0x3FFE];
	_ =	sdelay $0x1  }
0x8a: {  	s1 =	srdreg.scid  }
0x8b: {  	s0 =	sand.u32 $0x1, s1  }
0x8c: {  	s14 =	sshll.u32 s0, $0xA;
	s2 =	sadd.s32 s3, s2  }
0x8d: {  	s2 =	sadd.s32 s2, s14  }
0x8e: {  	[smem:$0x3FBB] =	sst s2  }
0x8f: {  	_ = 	snop  }
0x90: {  	s2 =	sld [smem:$0x3FD0];
	_ =	sdelay $0x2  }
0x91: {  	s15 =	simm.s32 $0xA;
	s4 =	simm.s32 $0x10  }
0x92: {  	[smem:s4], [sflag:s15] =	dma.local [hbm:s2], $0x1  }
0x93: {  	_ =	swait.eq [sflag:s15], $0x1  }
0x94: {  	[sflag:s15] =	ssyncset.done $0x0  }
0x95: {  	[sflag:s15] =	ssyncadd.s32 $0xFFFFFFFF  }
0x96: {  	s16 =	sld [smem:$0x11];
	(tm) =	ssettm $0x1  }
0x97: {  	s17 =	sld [smem:$0x3FFB];
	_ =	sdelay $0x3  }
0x98: {  	_ =	strace s17  }
0x99: {  	s3 =	sld [smem:$0x3FFC];
	_ =	sdelay $0x3  }
0x9a: {  	_ =	strace s3  }
0x9b: {  	s3 =	sld [smem:$0x3FFD];
	_ =	sdelay $0x3  }
0x9c: {  	_ =	strace s3  }
0x9d: {  	_ =	strace $0x8FFFFFFF  }
0x9e: {  	s18 =	sld [smem:$0x3FDB];
	_ =	sdelay $0x1  }
0x9f: {  	s19 =	simm.s32 $_scs_section_size  }
0xa0: {  	s5 =	simm.s32 $_size__tile_overlayer_lowered;
	s6 =	simm.s32 $_tile_overlayer_lowered  }
0xa1: {  	s22 =	simm.s32 $0x1BFF;
	s21 =	sshll.u32 s6, $0x1;
	s3 =	sadd.s32 s19, s18  }
0xa2: {  	s7 =	simm.s32 $0x0;
	s20 =	sshll.u32 s5, $0x1;
	s5 =	sadd.s32 s21, s3  }
0xa3: {  	[timem:s7], [sflag:s22] =	dma.local [hbm:s5], s20  }
0xa4: {  	_ =	swait.ge [sflag:s22], s20  }
0xa5: {  	s4 =	ssub.s32 $0x0, s20;
	[sflag:s22] =	ssyncset.done $0x0  }
0xa6: {  	[sflag:s22] =	ssyncadd.s32 s4;
	_ =	sdelay $0x1  }
0xa7: {  	s23 =	simm.s32 $0x1B8B  }
0xa8: {  	_ =	swait.ge [sflag:s23], $0x1  }
0xa9: {  	[sflag:s23] =	ssyncset.done $0x0  }
0xaa: {  	s25 =	simm.s32 $0x1B8E;
	s24 =	sld [smem:$0x3FFE];
	[sflag:s23] =	ssyncadd.s32 $0xFFFFFFFF  }
0xab: {  	s26 =	simm.s32 $execute0_lowered;
	[smem:$0x3FD2] =	sst s25  }
0xac: {  	s5 =	sshll.u32 s26, $0x1;
	_ =	strace $0x80000052;
	[dreg:$0x1] =	wrdreg $0xFFFFFFFF  }
0xad: {  	s28 =	simm.s32 $_size_execute0_lowered;
	s3 =	sadd.s32 s3, s5;
	[dreg:$0x0] =	wrdreg $0x0  }
0xae: {  	s5 =	sshll.u32 s28, $0x1;
	[dreg:$0x2] =	wrdreg s3  }
0xaf: {  	[dreg:$0x3] =	wrdreg s5  }
0xb0: {  	[dreg:$0x4] =	wrdreg $0xC0  }
0xb1: {  	_ =	task [dreg:s7], $0x5FFFF  }
0xb2: {  	[dreg:$0x1] =	wrdreg $0xFFFFFFFF  }
0xb3: {  	[dreg:$0x0] =	wrdreg $0x60  }
0xb4: {  	[dreg:$0x2] =	wrdreg s16  }
0xb5: {  	[dreg:$0x3] =	wrdreg s24  }
0xb6: {  	[dreg:$0x4] =	wrdreg $0x41000  }
0xb7: {  	[dreg:$0x5] =	wrdreg $0x9  }
0xb8: {  	_ =	task.clear_ibuf [dreg:s7], $0x6FFFF;
	_ =	strace $0x90000052  }
0xb9: {  	s29 =	simm.s32 $0x9;
	_ =	strace $0x80000054  }
0xba: {  	_ =	swait.ge [sflag:s29], $0x1  }
0xbb: {  	[sflag:s29] =	ssyncadd.s32 $0xFFFFFFFF  }
0xbc: {  	_ =	strace $0x90000054  }
0xbd: {  	_ =	sfence  }
0xbe: {  	s30 =	sld [smem:$0x0];
	_ =	sdelay $0x2  }
0xbf: {  	s31 =	sshll.u32 s1, $0xD;
	s1 =	sshrl.u32 s1, $0x2  }
0xc0: {  	s3 =	sand.u32 $0x4000, s31;
	s1 =	sadd.s32 s1, s30  }
0xc1: {  	s0 =	sor.u32 s3, s0;
	s1 =	sshll.u32 s1, $0x11  }
0xc2: {  	s0 =	sor.u32 s1, s0  }
0xc3: {  	s0 =	sadd.s32 $0x8F2B, s0  }
0xc4: {  	[sflag:s0] =	ssyncadd.remote.s32 $0x1  }
0xc5: {  	_ =	sfence.sel $0xFFFF  }
0xc6: {  	[dreg:$0x0] =	wrdreg $0xFFFFFFFF;
	(pc) =	sbr.abs _section_cstart, $3  }
0xc7: {  	[dreg:$0x1] =	wrdreg $0xFFFFFFFF  }
0xc8: {  	_ =	task.clear_ibuf [dreg:s7], $0x2FFFF;
	_ =	strace $0x9FFFFFFF  }
0xc9: {  	(tm) =	ssettm $0x7FFFFFFF  }
tec
execute0_lowered:
.L_overlay_start_1:
0x0: {  	(tag) =	ssettag $0x1  }
0x1: {  	s1 =	rddreg [dreg:$0x0]  }
0x2: {  	s6 =	rddreg [dreg:$0x1]  }
0x3: {  	s2 =	rddreg [dreg:$0x2];
	s3 =	srdreg.scid  }
0x4: {  	s0 =	rddreg [dreg:$0x3];
	s4 =	simm.s32 $0x0;
	s19 =	simm.s32 $0x1  }
0x5: {  	s20 =	simm.s32 $0x0;
	s12 =	sand.u32 $0x1, s3;
	s3 =	stileid.u32  }
0x6: {  	[smem:$0x7FF] =	sst s4;
	s13 =	sadd.s32 $0xEA00, s6;
	s7 =	smul.u32 $0x13C000, s12  }
0x7: {  	s14 =	sadd.s32 $0x4C00, s6;
	s5 =	sadd.s32 $0x18800, s6;
	s8 =	smul.u32 $0x13C00, s3  }
0x8: {  	_ =	strace $0x80000053;
	s25 =	ssub.s32 $0x2, s12;
	s9 =	smul.u32 $0x4F000, s3  }
0x9: {  	s28 =	sshll.u32 s3, $0x1;
	s30 =	sshll.u32 s3, $0x6;
	s17 =	smul.u32 $0x9C0, s3  }
0xa: {  	s18 =	smul.u32 $0x4E0, s12;
	p0 =	sgt.u32 s3, $0x1;
	s26 =	sshrl.u32 s25, $0x1  }
0xb: {  	s7 =	sadd.s32 s8, s7;
	s15 =	ssub.s32 s25, s26;
	s29 =	sshrl.u32 s9, $0x2  }
0xc: {  	s31 =	sadd.s32 s17, s13;
	s7 =	sshrl.u32 s7, $0x3;
	s16 =	sadd.s32 s29, s2  }
0xd: {  	s11 =	sadd.s32 s7, s6;
	s7 =	sor.u32 s12, s28;
	s12 =	smax.u32 s15, $0x1  }
0xe: {  	s15 =	sshrl.u32 s16, $0x3;
	s6 =	smul.u32 $0x4E, s7;
	s10 =	sshll.u32 s7, $0x4  }
0xf: {  	s16 =	simm.s32 $0x2;
	s7 =	sor.u32 $0x1C02, s30;
	s10 =	sor.u32 $0x9C00, s10  }
0x10: {  	s11 =	sadd.s32 $0x1B000, s11;
	s8 =	sadd.s32 $0x4E, s6;
	s9 =	sadd.s32 s13, s10  }
0x11: {  	s10 =	sadd.s32 s14, s10;
	s14 =	sadd.s32 s17, s14;
	s17 =	simm.s32 $0x80  }
0x12: {  	s13 =	sadd.s32 s18, s14;
	s14 =	sadd.s32 s18, s31;
	s18 =	simm.s32 $0x100  }
.LBB2_1:
0x13: {  	[spmem:s15], [sflag:s7] =	dma.local [hbm:s5], $0x2780  }
0x14: {  	_ =	swait.ge [sflag:s16], $0x2780  }
0x15: {  	[sflag:s16] =	ssyncset.done $0x0  }
0x16: {  	[sflag:s16] =	ssyncadd.s32 $0xFFFFD880  }
0x17: {  	[bflag:$0x0] =	sbarrier.arrive $0xFFFF  }
0x18: {  	[tilespmem:s4], [sflag:$0x2] =	stream.linear.gather [hbm4b:s14+s4], $0x80, $0x38;
	[tilespmem:$0x17D00] =	vst v63  }
0x19: {  	_ =	swait.ge [sflag:s16], $0x80  }
0x1a: {  	[sflag:s16] =	ssyncset.done $0x0  }
0x1b: {  	[sflag:s16] =	ssyncadd.s32 $0xFFFFFF80  }
0x1c: {  	[tilespmem:s17], [sflag:$0x2] =	stream.linear.gather [hbm4b:s13+s4], $0x80, $0x38;
	[tilespmem:$0x17D00] =	vst v63  }
0x1d: {  	_ =	swait.ge [sflag:s16], $0x80  }
0x1e: {  	[sflag:s16] =	ssyncset.done $0x0  }
0x1f: {  	s21 =	sadd.s32 $0x1, s6;
	[sflag:s16] =	ssyncadd.s32 $0xFFFFFF80  }
0x20: {  	[tilespmem:s18], [sflag:$0x1] =	stream.indirect.gather [hbm4b:s1+s17], $0x80, s4, s17, $0xb8;
	[tilespmem:$0x17D00] =	vst v63  }
0x21: {  	p1 =	slt.u32 s21, s8;
	_ =	swait.ge [sflag:s19], $0x4000  }
.Ltmp0:
0x22: {  	[sflag:s19] =	ssyncset.done $0x0;
	(pc) =	sbr.rel @!p1 .LBB2_3-.Ltmp0, $4  }
0x23: {  	[sflag:s19] =	ssyncadd.s32 $0xFFFFC000  }
0x24: {  	[spmem:s2] =	stream.indirect.scatter.add.f32 [tilespmem:s18], [sflag:$0x2], $0x80, s17, s17, $0xb8;
	[tilespmem:$0x17D00] =	vst v63  }
0x25: {  	_ =	swait.ge [sflag:s16], $0x4000  }
0x26: {  	s22 =	sadd.s32 $0x10, s14;
	s23 =	smov.u32 s13;
	[sflag:s16] =	ssyncset.done $0x0  }
.LBB2_2:
0x27: {  	s21 =	sadd.s32 $0x1, s21;
	[sflag:s16] =	ssyncadd.s32 $0xFFFFC000;
	s23 =	sadd.s32 $0x10, s23  }
0x28: {  	[tilespmem:s4], [sflag:$0x2] =	stream.linear.gather [hbm4b:s22+s4], $0x80, $0x38;
	[tilespmem:$0x17D00] =	vst v63  }
0x29: {  	p1 =	slt.u32 s21, s8;
	_ =	swait.ge [sflag:s16], $0x80  }
0x2a: {  	[sflag:s16] =	ssyncset.done $0x0  }
0x2b: {  	[sflag:s16] =	ssyncadd.s32 $0xFFFFFF80  }
0x2c: {  	[tilespmem:s17], [sflag:$0x2] =	stream.linear.gather [hbm4b:s23+s4], $0x80, $0x38;
	[tilespmem:$0x17D00] =	vst v63  }
0x2d: {  	_ =	swait.ge [sflag:s16], $0x80  }
0x2e: {  	[sflag:s16] =	ssyncset.done $0x0  }
0x2f: {  	[sflag:s16] =	ssyncadd.s32 $0xFFFFFF80  }
0x30: {  	[tilespmem:s18], [sflag:$0x1] =	stream.indirect.gather [hbm4b:s1+s17], $0x80, s4, s17, $0xb8;
	[tilespmem:$0x17D00] =	vst v63  }
0x31: {  	_ =	swait.ge [sflag:s19], $0x4000  }
.Ltmp1:
0x32: {  	[sflag:s19] =	ssyncset.done $0x0;
	(pc) =	sbr.rel @p1 .LBB2_2-.Ltmp1, $4  }
0x33: {  	[sflag:s19] =	ssyncadd.s32 $0xFFFFC000  }
0x34: {  	[spmem:s2] =	stream.indirect.scatter.add.f32 [tilespmem:s18], [sflag:$0x2], $0x80, s17, s17, $0xb8;
	[tilespmem:$0x17D00] =	vst v63  }
0x35: {  	_ =	swait.ge [sflag:s16], $0x4000  }
0x36: {  	s22 =	sadd.s32 $0x10, s22;
	[sflag:s16] =	ssyncset.done $0x0  }
.LBB2_3:
0x37: {  	[sflag:s16] =	ssyncadd.s32 $0xFFFFC000;
	s21 =	simm.s32 @!p0 $0x0;
	s22 =	simm.s32 @!p0 $0x2  }
0x38: {  	[tilespmem:s21], [sflag:$0x2] =	stream.linear.gather @!p0 [hbm4b:s9+s21], $0x80, $0x38;
	[tilespmem:$0x17D00] =	vst v63  }
0x39: {  	_ =	swait.ge @!p0 [sflag:s22], $0x80  }
0x3a: {  	[sflag:s22] =	ssyncset.done @!p0 $0x0  }
0x3b: {  	s23 =	simm.s32 @!p0 $0x80;
	[sflag:s22] =	ssyncadd.s32 @!p0 $0xFFFFFF80  }
0x3c: {  	[tilespmem:s23], [sflag:$0x2] =	stream.linear.gather @!p0 [hbm4b:s10+s21], $0x80, $0x38;
	[tilespmem:$0x17D00] =	vst v63  }
0x3d: {  	_ =	swait.ge @!p0 [sflag:s22], $0x80  }
0x3e: {  	[sflag:s22] =	ssyncset.done @!p0 $0x0  }
0x3f: {  	s24 =	simm.s32 @!p0 $0x100;
	[sflag:s22] =	ssyncadd.s32 @!p0 $0xFFFFFF80  }
0x40: {  	[tilespmem:s24], [sflag:$0x1] =	stream.indirect.gather @!p0 [hbm4b:s1+s23], $0x80, s21, s23, $0xb8;
	[tilespmem:$0x17D00] =	vst v63  }
0x41: {  	s21 =	simm.s32 @!p0 $0x1  }
0x42: {  	_ =	swait.ge @!p0 [sflag:s21], $0x4000  }
0x43: {  	[sflag:s21] =	ssyncset.done @!p0 $0x0  }
0x44: {  	[sflag:s21] =	ssyncadd.s32 @!p0 $0xFFFFC000  }
0x45: {  	[spmem:s2] =	stream.indirect.scatter.add.f32 @!p0 [tilespmem:s24], [sflag:$0x2], $0x80, s23, s23, $0xb8;
	[tilespmem:$0x17D00] =	vst v63  }
0x46: {  	_ =	swait.ge @!p0 [sflag:s22], $0x4000  }
0x47: {  	s20 =	sadd.s32 $0x1, s20;
	[sflag:s22] =	ssyncset.done @!p0 $0x0  }
0x48: {  	p1 =	sne.s32 s20, s12;
	[sflag:s22] =	ssyncadd.s32 @!p0 $0xFFFFC000  }
.Ltmp2:
0x49: {  	[bflag:$0x0] =	sbarrier.arrive $0xFFFF;
	(pc) =	sbr.rel @p1 .LBB2_1-.Ltmp2, $4  }
0x4a: {  	[hbm:s11], [sflag:s7] =	dma.local [spmem:s15], $0x2780  }
0x4b: {  	_ =	swait.ge [sflag:s16], $0x2780  }
0x4c: {  	[sflag:s16] =	ssyncset.done $0x0  }
0x4d: {  	[sflag:s16] =	ssyncadd.s32 $0xFFFFD880  }
0x4e: {  	_ =	sfence.sel $0x180000  }
0x4f: {  	[bflag:$0x0] =	sbarrier.arrive $0xFFFF  }
0x50: {  	p0 =	sne.s32 s3, $0x0;
	_ =	strace $0x90000053  }
0x51: {  	s0 =	sadd.s32 @!p0 $0x100000, s0;
	[bflag:$0x2] =	sbarrier.arrive $0xFFFF  }
0x52: {  	[sflag:s0] =	ssyncadd.tile.s32 @!p0 $0x1;
	_ =	shalt  }
.Lfunc_end2:
_tile_overlayer_lowered:
.L_overlay_start_2:
0x53: {  	(tag) =	ssettag $0x2  }
0x54: {  	s0 =	rddreg [dreg:$0x0];
	s2 =	stileid.u32  }
0x55: {  	s1 =	rddreg [dreg:$0x1];
	p0 =	sne.s32 s2, $0x0  }
0x56: {  	s3 =	rddreg [dreg:$0x2];
	[bflag:$0x3] =	sbarrier.arrive $0xFFFF;
	s2 =	simm.s32 @!p0 $0x1C02  }
0x57: {  	[timem:s3], [sflag:s2] =	dma.local @!p0 [hbm:s0], s1  }
0x58: {  	s0 =	simm.s32 @!p0 $0x2  }
0x59: {  	_ =	swait.ge @!p0 [sflag:s0], s1  }
0x5a: {  	s1 =	ssub.s32 @!p0 $0x0, s1;
	[sflag:s0] =	ssyncset.done @!p0 $0x0  }
0x5b: {  	[sflag:s0] =	ssyncadd.s32 @!p0 s1  }
0x5c: {  	[bflag:$0x3] =	sbarrier.arrive $0xFFFF  }
0x5d: {  	_ =	shalt  }

</sc_bundles>
